<compile_context>
chip_gen: v7x
topology: tpu7x:2x2x1
jax: 0.10.2.dev20260603
libtpu: 0.0.44.dev20260713+nightly
codegen_flags: <defaults>
</compile_context>

<pallas_src>
import jax
import jax.numpy as jnp
from jax import lax
from jax.experimental import pallas as pl
from jax.experimental.pallas import tpu as pltpu
from jax.experimental.pallas import tpu_sc as plsc

B, S, H = 1, 2048, 768
E = 8
F_INT = 1024
S_INT = 512

T = B * S
TILE_M = 128
P = T * 2 + E * TILE_M
NPAD = P - 2 * T
NT2 = P // TILE_M
TE_LEN = 48

NW1 = 16
TW1 = T // NW1
NW2 = 32
RW2 = P // NW2
GCHUNK = 80
TW3 = T // NW2
CCHUNK = 32

ROUTER_TILE = 512
N_RT = T // ROUTER_TILE


def _k1_router(x_ref, gate_w_ref, rout_ref, cnt_ref, cacc_ref):
    i = pl.program_id(0)
    x = x_ref[...]
    lt = lax.dot_general(gate_w_ref[...], x, (((0,), (1,)), ((), ())),
                         preferred_element_type=jnp.float32)
    m1 = jnp.max(lt, axis=0, keepdims=True)
    i1 = jnp.argmax(lt, axis=0, keepdims=True)
    eids = lax.broadcasted_iota(jnp.int32, lt.shape, 0)
    masked = jnp.where(eids == i1, -jnp.inf, lt)
    m2 = jnp.max(masked, axis=0, keepdims=True)
    i2 = jnp.argmax(masked, axis=0, keepdims=True)
    p1 = 1.0 / (1.0 + jnp.exp(m2 - m1))
    rout_ref[...] = jnp.concatenate(
        [i1.astype(jnp.float32), i2.astype(jnp.float32), p1, 1.0 - p1], axis=0)

    oh = (jnp.where(eids == i1, 1.0, 0.0)
          + jnp.where(eids == i2, 1.0, 0.0))
    ct = jnp.sum(oh, axis=1, keepdims=True)

    @pl.when(i == 0)
    def _():
        cacc_ref[...] = jnp.zeros_like(cacc_ref)

    cacc_ref[:, 0:1] += ct
    cnt_ref[...] = cacc_ref[:, 0:1]


def _k_shared(x_ref, sg_ref, su_ref, sd_ref, shared_ref):
    x = x_ref[...]
    sg = jnp.dot(x, sg_ref[...], preferred_element_type=jnp.float32)
    su = jnp.dot(x, su_ref[...], preferred_element_type=jnp.float32)
    hmid = (sg * lax.logistic(sg)) * su
    shared_ref[...] = jnp.dot(hmid, sd_ref[...],
                              preferred_element_type=jnp.float32)


def _scan_lanes(v, n):
    sh = 1
    while sh < n:
        z = jnp.zeros(v.shape[:-1] + (sh,), v.dtype)
        v = v + jnp.concatenate([z, v[..., :-sh]], axis=-1)
        sh *= 2
    return v


def _scan_sublanes(v, n):
    sh = 1
    while sh < n:
        z = jnp.zeros((sh,) + v.shape[1:], v.dtype)
        v = v + jnp.concatenate([z, v[:-sh]], axis=0)
        sh *= 2
    return v


def _k1b_dispatch(rout_ref, cnt_ref, pos_ref, te_ref, carry_ref):
    i = pl.program_id(0)
    c = cnt_ref[...]
    rounded = jnp.floor((c + (TILE_M - 1.0)) * (1.0 / TILE_M)) * TILE_M
    csum = _scan_sublanes(rounded, E)
    excl = csum - rounded

    i1 = rout_ref[0:1, :]
    i2 = rout_ref[1:2, :]
    eids = lax.broadcasted_iota(jnp.int32, (E, ROUTER_TILE), 0).astype(jnp.float32)
    oh0 = jnp.where(eids == i1, 1.0, 0.0)
    oh1 = jnp.where(eids == i2, 1.0, 0.0)

    @pl.when(i == 0)
    def _():
        carry_ref[...] = jnp.zeros_like(carry_ref)
        carry_ref[:, 0:1] += excl

    carry = carry_ref[:, 0:1]
    cs0 = _scan_lanes(oh0, ROUTER_TILE)
    cs1 = _scan_lanes(oh1, ROUTER_TILE)
    m = carry + (cs0 - oh0) + (cs1 - oh1)
    d0 = jnp.sum(oh0 * m, axis=0, keepdims=True)
    d1 = jnp.sum(oh1 * (m + oh0), axis=0, keepdims=True)
    pos_ref[...] = jnp.concatenate([d0, d1], axis=0).astype(jnp.int32)
    carry_ref[:, 0:1] += jnp.sum(oh0 + oh1, axis=1, keepdims=True)

    @pl.when(i == 0)
    def _():
        tcol = lax.broadcasted_iota(jnp.int32, (1, TE_LEN), 1).astype(jnp.float32) * TILE_M
        acc = jnp.zeros((1, TE_LEN))
        for e in range(E):
            acc = acc + jnp.where(tcol >= csum[e:e + 1, 0:1], 1.0, 0.0)
        te_ref[...] = jnp.minimum(acc, E - 1.0).astype(jnp.int32)


def _scb_rowscatter(x_hbm, rout_hbm, pos_hbm, xs_hbm, prob_hbm,
                    posb_v, xrows_v, pb_v, semA, semB, semC):
    w = lax.axis_index("s") * 2 + lax.axis_index("c")
    c0 = pltpu.async_copy(pos_hbm.at[0, pl.ds(w * TW3, TW3)], posb_v.at[0],
                          semA)
    c1 = pltpu.async_copy(pos_hbm.at[1, pl.ds(w * TW3, TW3)], posb_v.at[1],
                          semB)
    c2 = pltpu.async_copy(x_hbm.at[pl.ds(w * TW3, TW3)], xrows_v, semC)
    pltpu.sync_copy(rout_hbm.at[2, pl.ds(w * TW3, TW3)], pb_v.at[0])
    pltpu.sync_copy(rout_hbm.at[3, pl.ds(w * TW3, TW3)], pb_v.at[1])
    c0.wait()
    c1.wait()
    c2.wait()
    a1 = pltpu.async_copy(xrows_v, xs_hbm.at[posb_v.at[0]], semA)
    a2 = pltpu.async_copy(xrows_v, xs_hbm.at[posb_v.at[1]], semB)
    a3 = pltpu.async_copy(pb_v.at[0], prob_hbm.at[posb_v.at[0]], semC)
    a1.wait()
    a2.wait()
    a3.wait()
    a4 = pltpu.async_copy(pb_v.at[1], prob_hbm.at[posb_v.at[1]], semA)
    a4.wait()


def _scc_combine(outs_hbm, pos_hbm, shared_hbm, y_hbm,
                 pos0_v, pos1_v, r0_v, r1_v, sh_v, semA, semB, semC):
    w = lax.axis_index("s") * 2 + lax.axis_index("c")
    pltpu.sync_copy(pos_hbm.at[0, pl.ds(w * TW3, TW3)], pos0_v)
    pltpu.sync_copy(pos_hbm.at[1, pl.ds(w * TW3, TW3)], pos1_v)
    for c in range(TW3 // CCHUNK):
        a1 = pltpu.async_copy(outs_hbm.at[pos0_v.at[pl.ds(c * CCHUNK, CCHUNK)]],
                              r0_v, semA)
        a2 = pltpu.async_copy(outs_hbm.at[pos1_v.at[pl.ds(c * CCHUNK, CCHUNK)]],
                              r1_v, semB)
        a3 = pltpu.async_copy(
            shared_hbm.at[pl.ds(w * TW3 + c * CCHUNK, CCHUNK)], sh_v, semC)
        a1.wait()
        a2.wait()
        a3.wait()

        def row_body(r, _):
            for k in range(H // 16):
                sl = pl.ds(k * 16, 16)
                r0_v[r, sl] = r0_v[r, sl] + r1_v[r, sl] + sh_v[r, sl]
            return 0

        lax.fori_loop(0, CCHUNK, row_body, 0)
        pltpu.sync_copy(r0_v, y_hbm.at[pl.ds(w * TW3 + c * CCHUNK, CCHUNK)])


def _k2_grouped(te_ref, xs_ref, wg_ref, wu_ref, wd_ref, prob_ref, out_ref):
    xs = xs_ref[...]
    g = jnp.dot(xs, wg_ref[0], preferred_element_type=jnp.float32)
    u = jnp.dot(xs, wu_ref[0], preferred_element_type=jnp.float32)
    hmid = (g * lax.logistic(g)) * u
    eo = jnp.dot(hmid, wd_ref[0], preferred_element_type=jnp.float32)
    out_ref[...] = eo * prob_ref[...]


@jax.jit
def kernel(hidden_states, gate_w, w_gate, w_up, w_down, s_gate, s_up, s_down):
    b, s, h = hidden_states.shape
    x = hidden_states.reshape(-1, h)

    rout, cnts = pl.pallas_call(
        _k1_router,
        grid=(N_RT,),
        in_specs=[
            pl.BlockSpec((ROUTER_TILE, H), lambda t: (t, 0)),
            pl.BlockSpec((H, E), lambda t: (0, 0)),
        ],
        out_specs=[
            pl.BlockSpec((4, ROUTER_TILE), lambda t: (0, t)),
            pl.BlockSpec((E, 1), lambda t: (0, 0)),
        ],
        out_shape=[
            jax.ShapeDtypeStruct((4, T), jnp.float32),
            jax.ShapeDtypeStruct((E, 1), jnp.float32),
        ],
        scratch_shapes=[pltpu.VMEM((E, 128), jnp.float32)],
    )(x, gate_w)

    shared = pl.pallas_call(
        _k_shared,
        grid=(N_RT,),
        in_specs=[
            pl.BlockSpec((ROUTER_TILE, H), lambda t: (t, 0)),
            pl.BlockSpec((H, S_INT), lambda t: (0, 0)),
            pl.BlockSpec((H, S_INT), lambda t: (0, 0)),
            pl.BlockSpec((S_INT, H), lambda t: (0, 0)),
        ],
        out_specs=pl.BlockSpec((ROUTER_TILE, H), lambda t: (t, 0)),
        out_shape=jax.ShapeDtypeStruct((T, H), jnp.float32),
    )(x, s_gate, s_up, s_down)

    pos, te = pl.pallas_call(
        _k1b_dispatch,
        grid=(N_RT,),
        in_specs=[
            pl.BlockSpec((4, ROUTER_TILE), lambda t: (0, t)),
            pl.BlockSpec((E, 1), lambda t: (0, 0)),
        ],
        out_specs=[
            pl.BlockSpec((2, ROUTER_TILE), lambda t: (0, t)),
            pl.BlockSpec((1, TE_LEN), lambda t: (0, 0)),
        ],
        out_shape=[
            jax.ShapeDtypeStruct((2, T), jnp.int32),
            jax.ShapeDtypeStruct((1, TE_LEN), jnp.int32),
        ],
        scratch_shapes=[pltpu.VMEM((E, 128), jnp.float32)],
    )(rout, cnts)

    mesh2 = plsc.VectorSubcoreMesh(core_axis_name="c", subcore_axis_name="s")
    rowscatter = pl.kernel(
        _scb_rowscatter,
        out_type=(
            jax.ShapeDtypeStruct((P, H), jnp.float32),
            jax.ShapeDtypeStruct((P,), jnp.float32),
        ),
        mesh=mesh2,
        compiler_params=pltpu.CompilerParams(needs_layout_passes=False),
        scratch_types=[
            pltpu.VMEM((2, TW3), jnp.int32),
            pltpu.VMEM((TW3, H), jnp.float32),
            pltpu.VMEM((2, TW3), jnp.float32),
            pltpu.SemaphoreType.DMA,
            pltpu.SemaphoreType.DMA,
            pltpu.SemaphoreType.DMA,
        ],
    )
    xs, prob_sorted = rowscatter(x, rout, pos)

    outs = pl.pallas_call(
        _k2_grouped,
        grid_spec=pltpu.PrefetchScalarGridSpec(
            num_scalar_prefetch=1,
            grid=(NT2,),
            in_specs=[
                pl.BlockSpec((TILE_M, H), lambda i, te: (i, 0)),
                pl.BlockSpec((1, H, F_INT), lambda i, te: (te[i], 0, 0)),
                pl.BlockSpec((1, H, F_INT), lambda i, te: (te[i], 0, 0)),
                pl.BlockSpec((1, F_INT, H), lambda i, te: (te[i], 0, 0)),
                pl.BlockSpec((TILE_M, 1), lambda i, te: (i, 0)),
            ],
            out_specs=pl.BlockSpec((TILE_M, H), lambda i, te: (i, 0)),
        ),
        out_shape=jax.ShapeDtypeStruct((P, H), jnp.float32),
    )(te.reshape(TE_LEN), xs, w_gate, w_up, w_down, prob_sorted.reshape(P, 1))

    combine = pl.kernel(
        _scc_combine,
        out_type=jax.ShapeDtypeStruct((T, H), jnp.float32),
        mesh=mesh2,
        compiler_params=pltpu.CompilerParams(needs_layout_passes=False),
        scratch_types=[
            pltpu.VMEM((TW3,), jnp.int32),
            pltpu.VMEM((TW3,), jnp.int32),
            pltpu.VMEM((CCHUNK, H), jnp.float32),
            pltpu.VMEM((CCHUNK, H), jnp.float32),
            pltpu.VMEM((CCHUNK, H), jnp.float32),
            pltpu.SemaphoreType.DMA,
            pltpu.SemaphoreType.DMA,
            pltpu.SemaphoreType.DMA,
        ],
    )
    y = combine(outs, pos, shared)
    return y.reshape(b, s, h)

# --- scband reference (transcript-rebuilt; emitter-appended) ---
"""Pipeline reference for scband-mo-elayer-62775241998544 (READ-ONLY COPY).

The authoritative reference and input builder live on the scoring server;
editing this copy changes nothing except your own understanding.
"""

import jax, jax.numpy as jnp
import numpy as np

B, S, H = 1, 2048, 768
E = 8
K = 2
F_INT = 1024
S_INT = 512


def setup_inputs(seed: int = 0) -> dict:
    key = jax.random.key(seed)
    ks = jax.random.split(key, 8)
    hidden_states = jax.random.normal(ks[0], (B, S, H), dtype=jnp.float32)
    gate_w = jax.random.normal(ks[1], (H, E), dtype=jnp.float32) * 0.02
    w_gate = jax.random.normal(ks[2], (E, H, F_INT), dtype=jnp.float32) * 0.02
    w_up = jax.random.normal(ks[3], (E, H, F_INT), dtype=jnp.float32) * 0.02
    w_down = jax.random.normal(ks[4], (E, F_INT, H), dtype=jnp.float32) * 0.02
    s_gate = jax.random.normal(ks[5], (H, S_INT), dtype=jnp.float32) * 0.02
    s_up = jax.random.normal(ks[6], (H, S_INT), dtype=jnp.float32) * 0.02
    s_down = jax.random.normal(ks[7], (S_INT, H), dtype=jnp.float32) * 0.02
    return {"hidden_states": hidden_states, "gate_w": gate_w, "w_gate": w_gate,
            "w_up": w_up, "w_down": w_down, "s_gate": s_gate, "s_up": s_up,
            "s_down": s_down}


def reference(hidden_states, gate_w, w_gate, w_up, w_down, s_gate, s_up, s_down):
    b, s, h = hidden_states.shape
    x = hidden_states.reshape(-1, h)  # [T, H]
    T = x.shape[0]
    # Router
    gate_logits = x @ gate_w  # [T, E]
    top_k_logits, top_k_indices = jax.lax.top_k(gate_logits, K)  # [T, K]
    top_k_probs = jax.nn.softmax(top_k_logits, axis=-1)  # [T, K]
    # Dense combine weights: zero for non-selected experts (equivalent to the
    # masked per-expert loop in the torch reference)
    combine = jnp.zeros((T, E), dtype=x.dtype).at[
        jnp.arange(T)[:, None], top_k_indices].add(top_k_probs)  # [T, E]
    # Expert SwiGLU FFNs computed densely, then weighted-combined
    g = jnp.einsum('td,edf->tef', x, w_gate)  # [T, E, F]
    u = jnp.einsum('td,edf->tef', x, w_up)
    hmid = jax.nn.silu(g) * u
    eo = jnp.einsum('tef,efd->ted', hmid, w_down)  # [T, E, H]
    expert_outputs = jnp.einsum('te,ted->td', combine, eo)  # [T, H]
    # Shared expert (always active)
    sg = x @ s_gate
    su = x @ s_up
    shared_output = (jax.nn.silu(sg) * su) @ s_down  # [T, H]
    final_output = expert_outputs + shared_output
    return final_output.reshape(b, s, h)

if __name__ == "__main__":
    import jax
    _d = setup_inputs()
    print(jax.jit(kernel)(*tuple(_d.values())))

</pallas_src>

<mosaic_0001>
#map = affine_map<(d0, d1) -> (0, 0)>
module attributes {stable_mosaic.version = 14 : i64} {
  func.func @_scc_combine(%arg0: i32, %arg1: i32, %arg2: memref<5120x768xf32, #tpu.memory_space<hbm>>, %arg3: memref<2x2048xi32, #tpu.memory_space<hbm>>, %arg4: memref<2048x768xf32, #tpu.memory_space<hbm>>, %arg5: memref<2048x768xf32, #tpu.memory_space<hbm>>, %arg6: memref<64xi32, #tpu.memory_space<vmem>>, %arg7: memref<64xi32, #tpu.memory_space<vmem>>, %arg8: memref<32x768xf32, #tpu.memory_space<vmem>>, %arg9: memref<32x768xf32, #tpu.memory_space<vmem>>, %arg10: memref<32x768xf32, #tpu.memory_space<vmem>>, %arg11: memref<!tpu.dma_semaphore, #tpu.memory_space<semaphore_mem>>, %arg12: memref<!tpu.dma_semaphore, #tpu.memory_space<semaphore_mem>>, %arg13: memref<!tpu.dma_semaphore, #tpu.memory_space<semaphore_mem>>) attributes {dimension_semantics = [#tpu.dimension_semantics<core_parallel>, #tpu.dimension_semantics<subcore_parallel>], iteration_bounds = array<i64: 2, 16>, scalar_prefetch = 0 : i64, scratch_operands = 8 : i64, tpu.core_type = #tpu.core_type<sc_vector_subcore>, window_params = [{transform_indices = #map}, {transform_indices = #map}, {transform_indices = #map}, {transform_indices = #map}]} {
    %mul3A = arith.constant 2 : i32
    %mul3A_0 = arith.muli %arg1, %mul3A : i32
    %add3A = arith.addi %mul3A_0, %arg0 : i32
    %mul3A_1 = arith.constant 64 : i32
    %mul3A_2 = arith.muli %add3A, %mul3A_1 : i32
    %run_scoped3A = arith.constant 0 : i32
    "tpu.region"() ({
      %run_scoped3A_89 = tpu.sem_alloc : memref<!tpu.dma_semaphore, #tpu.memory_space<semaphore_mem>>
      %dma_start3A_90 = tpu.memref_slice %arg3[%run_scoped3A, %mul3A_2] : memref<2x2048xi32, #tpu.memory_space<hbm>> -> memref<1x64xi32, #tpu.memory_space<hbm>>
      %dma_start3A_91 = tpu.memref_squeeze %dma_start3A_90 : memref<1x64xi32, #tpu.memory_space<hbm>> -> memref<64xi32, #tpu.memory_space<hbm>>
      %dma_start3A_92 = tpu.memref_slice %arg3[%run_scoped3A, %mul3A_2] : memref<2x2048xi32, #tpu.memory_space<hbm>> -> memref<1x64xi32, #tpu.memory_space<hbm>>
      %dma_start3A_93 = tpu.memref_squeeze %dma_start3A_92 : memref<1x64xi32, #tpu.memory_space<hbm>> -> memref<64xi32, #tpu.memory_space<hbm>>
      tpu.enqueue_dma source(%dma_start3A_93 : memref<64xi32, #tpu.memory_space<hbm>>) target(%arg6 : memref<64xi32, #tpu.memory_space<vmem>>) target_semaphore(%run_scoped3A_89 : memref<!tpu.dma_semaphore, #tpu.memory_space<semaphore_mem>>)
      %dma_wait3A_94 = tpu.memref_slice %arg3[%run_scoped3A, %mul3A_2] : memref<2x2048xi32, #tpu.memory_space<hbm>> -> memref<1x64xi32, #tpu.memory_space<hbm>>
      %dma_wait3A_95 = tpu.memref_squeeze %dma_wait3A_94 : memref<1x64xi32, #tpu.memory_space<hbm>> -> memref<64xi32, #tpu.memory_space<hbm>>
      %dma_wait3A_96 = tpu.memref_slice %arg3[%run_scoped3A, %mul3A_2] : memref<2x2048xi32, #tpu.memory_space<hbm>> -> memref<1x64xi32, #tpu.memory_space<hbm>>
      %dma_wait3A_97 = tpu.memref_squeeze %dma_wait3A_96 : memref<1x64xi32, #tpu.memory_space<hbm>> -> memref<64xi32, #tpu.memory_space<hbm>>
      tpu.wait_dma2 semaphore(%run_scoped3A_89 : memref<!tpu.dma_semaphore, #tpu.memory_space<semaphore_mem>>) src(%dma_wait3A_97 : memref<64xi32, #tpu.memory_space<hbm>>) dst(%arg6 : memref<64xi32, #tpu.memory_space<vmem>>)
      tpu.yield
    }) : () -> ()
    %mul3A_3 = arith.constant 64 : i32
    %mul3A_4 = arith.muli %add3A, %mul3A_3 : i32
    %run_scoped3A_5 = arith.constant 1 : i32
    "tpu.region"() ({
      %run_scoped3A_89 = tpu.sem_alloc : memref<!tpu.dma_semaphore, #tpu.memory_space<semaphore_mem>>
      %dma_start3A_90 = tpu.memref_slice %arg3[%run_scoped3A_5, %mul3A_4] : memref<2x2048xi32, #tpu.memory_space<hbm>> -> memref<1x64xi32, #tpu.memory_space<hbm>>
      %dma_start3A_91 = tpu.memref_squeeze %dma_start3A_90 : memref<1x64xi32, #tpu.memory_space<hbm>> -> memref<64xi32, #tpu.memory_space<hbm>>
      %dma_start3A_92 = tpu.memref_slice %arg3[%run_scoped3A_5, %mul3A_4] : memref<2x2048xi32, #tpu.memory_space<hbm>> -> memref<1x64xi32, #tpu.memory_space<hbm>>
      %dma_start3A_93 = tpu.memref_squeeze %dma_start3A_92 : memref<1x64xi32, #tpu.memory_space<hbm>> -> memref<64xi32, #tpu.memory_space<hbm>>
      tpu.enqueue_dma source(%dma_start3A_93 : memref<64xi32, #tpu.memory_space<hbm>>) target(%arg7 : memref<64xi32, #tpu.memory_space<vmem>>) target_semaphore(%run_scoped3A_89 : memref<!tpu.dma_semaphore, #tpu.memory_space<semaphore_mem>>)
      %dma_wait3A_94 = tpu.memref_slice %arg3[%run_scoped3A_5, %mul3A_4] : memref<2x2048xi32, #tpu.memory_space<hbm>> -> memref<1x64xi32, #tpu.memory_space<hbm>>
      %dma_wait3A_95 = tpu.memref_squeeze %dma_wait3A_94 : memref<1x64xi32, #tpu.memory_space<hbm>> -> memref<64xi32, #tpu.memory_space<hbm>>
      %dma_wait3A_96 = tpu.memref_slice %arg3[%run_scoped3A_5, %mul3A_4] : memref<2x2048xi32, #tpu.memory_space<hbm>> -> memref<1x64xi32, #tpu.memory_space<hbm>>
      %dma_wait3A_97 = tpu.memref_squeeze %dma_wait3A_96 : memref<1x64xi32, #tpu.memory_space<hbm>> -> memref<64xi32, #tpu.memory_space<hbm>>
      tpu.wait_dma2 semaphore(%run_scoped3A_89 : memref<!tpu.dma_semaphore, #tpu.memory_space<semaphore_mem>>) src(%dma_wait3A_97 : memref<64xi32, #tpu.memory_space<hbm>>) dst(%arg7 : memref<64xi32, #tpu.memory_space<vmem>>)
      tpu.yield
    }) : () -> ()
    %dma_start3A = arith.constant 0 : i32
    %dma_start3A_6 = tpu.memref_slice %arg6[%dma_start3A] : memref<64xi32, #tpu.memory_space<vmem>> -> memref<32xi32, #tpu.memory_space<vmem>>
    %dma_start3A_7 = arith.constant 0 : i32
    %dma_start3A_8 = arith.constant 0 : i32
    %dma_start3A_9 = tpu.memref_slice %arg2[%dma_start3A_7, %dma_start3A_8] : memref<5120x768xf32, #tpu.memory_space<hbm>> -> memref<5120x768xf32, #tpu.memory_space<hbm>>
    tpu.enqueue_indirect_dma source(%dma_start3A_9 : memref<5120x768xf32, #tpu.memory_space<hbm>>) target(%arg8 : memref<32x768xf32, #tpu.memory_space<vmem>>) offsets(%dma_start3A_6 : memref<32xi32, #tpu.memory_space<vmem>>) semaphore(%arg11 : memref<!tpu.dma_semaphore, #tpu.memory_space<semaphore_mem>>)
    %dma_start3A_10 = arith.constant 0 : i32
    %dma_start3A_11 = tpu.memref_slice %arg7[%dma_start3A_10] : memref<64xi32, #tpu.memory_space<vmem>> -> memref<32xi32, #tpu.memory_space<vmem>>
    %dma_start3A_12 = arith.constant 0 : i32
    %dma_start3A_13 = arith.constant 0 : i32
    %dma_start3A_14 = tpu.memref_slice %arg2[%dma_start3A_12, %dma_start3A_13] : memref<5120x768xf32, #tpu.memory_space<hbm>> -> memref<5120x768xf32, #tpu.memory_space<hbm>>
    tpu.enqueue_indirect_dma source(%dma_start3A_14 : memref<5120x768xf32, #tpu.memory_space<hbm>>) target(%arg9 : memref<32x768xf32, #tpu.memory_space<vmem>>) offsets(%dma_start3A_11 : memref<32xi32, #tpu.memory_space<vmem>>) semaphore(%arg12 : memref<!tpu.dma_semaphore, #tpu.memory_space<semaphore_mem>>)
    %mul3A_15 = arith.constant 64 : i32
    %mul3A_16 = arith.muli %add3A, %mul3A_15 : i32
    %add3A_17 = arith.constant 0 : i32
    %add3A_18 = arith.addi %mul3A_16, %add3A_17 : i32
    %dma_start3A_19 = arith.constant 0 : i32
    %dma_start3A_20 = tpu.memref_slice %arg4[%add3A_18, %dma_start3A_19] : memref<2048x768xf32, #tpu.memory_space<hbm>> -> memref<32x768xf32, #tpu.memory_space<hbm>>
    %dma_start3A_21 = arith.constant 0 : i32
    %dma_start3A_22 = tpu.memref_slice %arg4[%add3A_18, %dma_start3A_21] : memref<2048x768xf32, #tpu.memory_space<hbm>> -> memref<32x768xf32, #tpu.memory_space<hbm>>
    tpu.enqueue_dma source(%dma_start3A_22 : memref<32x768xf32, #tpu.memory_space<hbm>>) target(%arg10 : memref<32x768xf32, #tpu.memory_space<vmem>>) target_semaphore(%arg13 : memref<!tpu.dma_semaphore, #tpu.memory_space<semaphore_mem>>)
    %dma_wait3A = arith.constant 0 : i32
    %dma_wait3A_23 = tpu.memref_slice %arg6[%dma_wait3A] : memref<64xi32, #tpu.memory_space<vmem>> -> memref<32xi32, #tpu.memory_space<vmem>>
    %dma_wait3A_24 = arith.constant 0 : i32
    %dma_wait3A_25 = arith.constant 0 : i32
    %dma_wait3A_26 = tpu.memref_slice %arg2[%dma_wait3A_24, %dma_wait3A_25] : memref<5120x768xf32, #tpu.memory_space<hbm>> -> memref<5120x768xf32, #tpu.memory_space<hbm>>
    tpu.wait_indirect_dma semaphore(%arg11 : memref<!tpu.dma_semaphore, #tpu.memory_space<semaphore_mem>>) src(%dma_wait3A_26 : memref<5120x768xf32, #tpu.memory_space<hbm>>) dst(%arg8 : memref<32x768xf32, #tpu.memory_space<vmem>>)
    %dma_wait3A_27 = arith.constant 0 : i32
    %dma_wait3A_28 = tpu.memref_slice %arg7[%dma_wait3A_27] : memref<64xi32, #tpu.memory_space<vmem>> -> memref<32xi32, #tpu.memory_space<vmem>>
    %dma_wait3A_29 = arith.constant 0 : i32
    %dma_wait3A_30 = arith.constant 0 : i32
    %dma_wait3A_31 = tpu.memref_slice %arg2[%dma_wait3A_29, %dma_wait3A_30] : memref<5120x768xf32, #tpu.memory_space<hbm>> -> memref<5120x768xf32, #tpu.memory_space<hbm>>
    tpu.wait_indirect_dma semaphore(%arg12 : memref<!tpu.dma_semaphore, #tpu.memory_space<semaphore_mem>>) src(%dma_wait3A_31 : memref<5120x768xf32, #tpu.memory_space<hbm>>) dst(%arg9 : memref<32x768xf32, #tpu.memory_space<vmem>>)
    %dma_wait3A_32 = arith.constant 0 : i32
    %dma_wait3A_33 = tpu.memref_slice %arg4[%add3A_18, %dma_wait3A_32] : memref<2048x768xf32, #tpu.memory_space<hbm>> -> memref<32x768xf32, #tpu.memory_space<hbm>>
    %dma_wait3A_34 = arith.constant 0 : i32
    %dma_wait3A_35 = tpu.memref_slice %arg4[%add3A_18, %dma_wait3A_34] : memref<2048x768xf32, #tpu.memory_space<hbm>> -> memref<32x768xf32, #tpu.memory_space<hbm>>
    tpu.wait_dma2 semaphore(%arg13 : memref<!tpu.dma_semaphore, #tpu.memory_space<semaphore_mem>>) src(%dma_wait3A_35 : memref<32x768xf32, #tpu.memory_space<hbm>>) dst(%arg10 : memref<32x768xf32, #tpu.memory_space<vmem>>)
    %scan3A = arith.constant 0 : i32
    %scan3A_36 = arith.constant 0 : i32
    %scan3A_37 = arith.constant 32 : i32
    %scan3A_38 = arith.addi %scan3A_36, %scan3A_37 : i32
    %scan3A_39 = arith.constant 1 : i32
    %scan3A_40 = scf.for %scan3A_89 = %scan3A_36 to %scan3A_38 step %scan3A_39 iter_args(%scan3A_90 = %scan3A) -> (i32)  : i32 {
      %get3A = arith.index_cast %scan3A_89 : i32 to index
      %get3A_91 = arith.constant 0 : index
      %get3A_92 = tpu.vector_load %arg8[%get3A, %get3A_91] {strides = array<i32>} : memref<32x768xf32, #tpu.memory_space<vmem>>, vector<16xf32>,
      %get3A_93 = arith.index_cast %scan3A_89 : i32 to index
      %get3A_94 = arith.constant 0 : index
      %get3A_95 = tpu.vector_load %arg9[%get3A_93, %get3A_94] {strides = array<i32>} : memref<32x768xf32, #tpu.memory_space<vmem>>, vector<16xf32>,
      %add3A_96 = arith.addf %get3A_92, %get3A_95 : vector<16xf32>
      %get3A_97 = arith.index_cast %scan3A_89 : i32 to index
      %get3A_98 = arith.constant 0 : index
      %get3A_99 = tpu.vector_load %arg10[%get3A_97, %get3A_98] {strides = array<i32>} : memref<32x768xf32, #tpu.memory_space<vmem>>, vector<16xf32>,
      %add3A_100 = arith.addf %add3A_96, %get3A_99 : vector<16xf32>
      %swap3A = arith.index_cast %scan3A_89 : i32 to index
      %swap3A_101 = arith.constant 0 : index
      %swap3A_102 = tpu.vector_load %arg8[%swap3A, %swap3A_101] {strides = array<i32>} : memref<32x768xf32, #tpu.memory_space<vmem>>, vector<16xf32>,
      tpu.vector_store %arg8[%swap3A, %swap3A_101], %add3A_100 {strides = array<i32>} : memref<32x768xf32, #tpu.memory_space<vmem>>, vector<16xf32>,
      %get3A_103 = arith.index_cast %scan3A_89 : i32 to index
      %get3A_104 = arith.constant 16 : index
      %get3A_105 = tpu.vector_load %arg8[%get3A_103, %get3A_104] {strides = array<i32>} : memref<32x768xf32, #tpu.memory_space<vmem>>, vector<16xf32>,
      %get3A_106 = arith.index_cast %scan3A_89 : i32 to index
      %get3A_107 = arith.constant 16 : index
      %get3A_108 = tpu.vector_load %arg9[%get3A_106, %get3A_107] {strides = array<i32>} : memref<32x768xf32, #tpu.memory_space<vmem>>, vector<16xf32>,
      %add3A_109 = arith.addf %get3A_105, %get3A_108 : vector<16xf32>
      %get3A_110 = arith.index_cast %scan3A_89 : i32 to index
      %get3A_111 = arith.constant 16 : index
      %get3A_112 = tpu.vector_load %arg10[%get3A_110, %get3A_111] {strides = array<i32>} : memref<32x768xf32, #tpu.memory_space<vmem>>, vector<16xf32>,
      %add3A_113 = arith.addf %add3A_109, %get3A_112 : vector<16xf32>
      %swap3A_114 = arith.index_cast %scan3A_89 : i32 to index
      %swap3A_115 = arith.constant 16 : index
      %swap3A_116 = tpu.vector_load %arg8[%swap3A_114, %swap3A_115] {strides = array<i32>} : memref<32x768xf32, #tpu.memory_space<vmem>>, vector<16xf32>,
      tpu.vector_store %arg8[%swap3A_114, %swap3A_115], %add3A_113 {strides = array<i32>} : memref<32x768xf32, #tpu.memory_space<vmem>>, vector<16xf32>,
      %get3A_117 = arith.index_cast %scan3A_89 : i32 to index
      %get3A_118 = arith.constant 32 : index
      %get3A_119 = tpu.vector_load %arg8[%get3A_117, %get3A_118] {strides = array<i32>} : memref<32x768xf32, #tpu.memory_space<vmem>>, vector<16xf32>,
      %get3A_120 = arith.index_cast %scan3A_89 : i32 to index
      %get3A_121 = arith.constant 32 : index
      %get3A_122 = tpu.vector_load %arg9[%get3A_120, %get3A_121] {strides = array<i32>} : memref<32x768xf32, #tpu.memory_space<vmem>>, vector<16xf32>,
      %add3A_123 = arith.addf %get3A_119, %get3A_122 : vector<16xf32>
      %get3A_124 = arith.index_cast %scan3A_89 : i32 to index
      %get3A_125 = arith.constant 32 : index
      %get3A_126 = tpu.vector_load %arg10[%get3A_124, %get3A_125] {strides = array<i32>} : memref<32x768xf32, #tpu.memory_space<vmem>>, vector<16xf32>,
      %add3A_127 = arith.addf %add3A_123, %get3A_126 : vector<16xf32>
      %swap3A_128 = arith.index_cast %scan3A_89 : i32 to index
      %swap3A_129 = arith.constant 32 : index
      %swap3A_130 = tpu.vector_load %arg8[%swap3A_128, %swap3A_129] {strides = array<i32>} : memref<32x768xf32, #tpu.memory_space<vmem>>, vector<16xf32>,
      tpu.vector_store %arg8[%swap3A_128, %swap3A_129], %add3A_127 {strides = array<i32>} : memref<32x768xf32, #tpu.memory_space<vmem>>, vector<16xf32>,
      %get3A_131 = arith.index_cast %scan3A_89 : i32 to index
      %get3A_132 = arith.constant 48 : index
      %get3A_133 = tpu.vector_load %arg8[%get3A_131, %get3A_132] {strides = array<i32>} : memref<32x768xf32, #tpu.memory_space<vmem>>, vector<16xf32>,
      %get3A_134 = arith.index_cast %scan3A_89 : i32 to index
      %get3A_135 = arith.constant 48 : index
      %get3A_136 = tpu.vector_load %arg9[%get3A_134, %get3A_135] {strides = array<i32>} : memref<32x768xf32, #tpu.memory_space<vmem>>, vector<16xf32>,
      %add3A_137 = arith.addf %get3A_133, %get3A_136 : vector<16xf32>
      %get3A_138 = arith.index_cast %scan3A_89 : i32 to index
      %get3A_139 = arith.constant 48 : index
      %get3A_140 = tpu.vector_load %arg10[%get3A_138, %get3A_139] {strides = array<i32>} : memref<32x768xf32, #tpu.memory_space<vmem>>, vector<16xf32>,
      %add3A_141 = arith.addf %add3A_137, %get3A_140 : vector<16xf32>
      %swap3A_142 = arith.index_cast %scan3A_89 : i32 to index
      %swap3A_143 = arith.constant 48 : index
      %swap3A_144 = tpu.vector_load %arg8[%swap3A_142, %swap3A_143] {strides = array<i32>} : memref<32x768xf32, #tpu.memory_space<vmem>>, vector<16xf32>,
      tpu.vector_store %arg8[%swap3A_142, %swap3A_143], %add3A_141 {strides = array<i32>} : memref<32x768xf32, #tpu.memory_space<vmem>>, vector<16xf32>,
      %get3A_145 = arith.index_cast %scan3A_89 : i32 to index
      %get3A_146 = arith.constant 64 : index
      %get3A_147 = tpu.vector_load %arg8[%get3A_145, %get3A_146] {strides = array<i32>} : memref<32x768xf32, #tpu.memory_space<vmem>>, vector<16xf32>,
      %get3A_148 = arith.index_cast %scan3A_89 : i32 to index
      %get3A_149 = arith.constant 64 : index
      %get3A_150 = tpu.vector_load %arg9[%get3A_148, %get3A_149] {strides = array<i32>} : memref<32x768xf32, #tpu.memory_space<vmem>>, vector<16xf32>,
      %add3A_151 = arith.addf %get3A_147, %get3A_150 : vector<16xf32>
      %get3A_152 = arith.index_cast %scan3A_89 : i32 to index
      %get3A_153 = arith.constant 64 : index
      %get3A_154 = tpu.vector_load %arg10[%get3A_152, %get3A_153] {strides = array<i32>} : memref<32x768xf32, #tpu.memory_space<vmem>>, vector<16xf32>,
      %add3A_155 = arith.addf %add3A_151, %get3A_154 : vector<16xf32>
      %swap3A_156 = arith.index_cast %scan3A_89 : i32 to index
      %swap3A_157 = arith.constant 64 : index
      %swap3A_158 = tpu.vector_load %arg8[%swap3A_156, %swap3A_157] {strides = array<i32>} : memref<32x768xf32, #tpu.memory_space<vmem>>, vector<16xf32>,
      tpu.vector_store %arg8[%swap3A_156, %swap3A_157], %add3A_155 {strides = array<i32>} : memref<32x768xf32, #tpu.memory_space<vmem>>, vector<16xf32>,
      %get3A_159 = arith.index_cast %scan3A_89 : i32 to index
      %get3A_160 = arith.constant 80 : index
      %get3A_161 = tpu.vector_load %arg8[%get3A_159, %get3A_160] {strides = array<i32>} : memref<32x768xf32, #tpu.memory_space<vmem>>, vector<16xf32>,
      %get3A_162 = arith.index_cast %scan3A_89 : i32 to index
      %get3A_163 = arith.constant 80 : index
      %get3A_164 = tpu.vector_load %arg9[%get3A_162, %get3A_163] {strides = array<i32>} : memref<32x768xf32, #tpu.memory_space<vmem>>, vector<16xf32>,
      %add3A_165 = arith.addf %get3A_161, %get3A_164 : vector<16xf32>
      %get3A_166 = arith.index_cast %scan3A_89 : i32 to index
      %get3A_167 = arith.constant 80 : index
      %get3A_168 = tpu.vector_load %arg10[%get3A_166, %get3A_167] {strides = array<i32>} : memref<32x768xf32, #tpu.memory_space<vmem>>, vector<16xf32>,
      %add3A_169 = arith.addf %add3A_165, %get3A_168 : vector<16xf32>
      %swap3A_170 = arith.index_cast %scan3A_89 : i32 to index
      %swap3A_171 = arith.constant 80 : index
      %swap3A_172 = tpu.vector_load %arg8[%swap3A_170, %swap3A_171] {strides = array<i32>} : memref<32x768xf32, #tpu.memory_space<vmem>>, vector<16xf32>,
      tpu.vector_store %arg8[%swap3A_170, %swap3A_171], %add3A_169 {strides = array<i32>} : memref<32x768xf32, #tpu.memory_space<vmem>>, vector<16xf32>,
      %get3A_173 = arith.index_cast %scan3A_89 : i32 to index
      %get3A_174 = arith.constant 96 : index
      %get3A_175 = tpu.vector_load %arg8[%get3A_173, %get3A_174] {strides = array<i32>} : memref<32x768xf32, #tpu.memory_space<vmem>>, vector<16xf32>,
      %get3A_176 = arith.index_cast %scan3A_89 : i32 to index
      %get3A_177 = arith.constant 96 : index
      %get3A_178 = tpu.vector_load %arg9[%get3A_176, %get3A_177] {strides = array<i32>} : memref<32x768xf32, #tpu.memory_space<vmem>>, vector<16xf32>,
      %add3A_179 = arith.addf %get3A_175, %get3A_178 : vector<16xf32>
      %get3A_180 = arith.index_cast %scan3A_89 : i32 to index
      %get3A_181 = arith.constant 96 : index
      %get3A_182 = tpu.vector_load %arg10[%get3A_180, %get3A_181] {strides = array<i32>} : memref<32x768xf32, #tpu.memory_space<vmem>>, vector<16xf32>,
      %add3A_183 = arith.addf %add3A_179, %get3A_182 : vector<16xf32>
      %swap3A_184 = arith.index_cast %scan3A_89 : i32 to index
      %swap3A_185 = arith.constant 96 : index
      %swap3A_186 = tpu.vector_load %arg8[%swap3A_184, %swap3A_185] {strides = array<i32>} : memref<32x768xf32, #tpu.memory_space<vmem>>, vector<16xf32>,
      tpu.vector_store %arg8[%swap3A_184, %swap3A_185], %add3A_183 {strides = array<i32>} : memref<32x768xf32, #tpu.memory_space<vmem>>, vector<16xf32>,
      %get3A_187 = arith.index_cast %scan3A_89 : i32 to index
      %get3A_188 = arith.constant 112 : index
      %get3A_189 = tpu.vector_load %arg8[%get3A_187, %get3A_188] {strides = array<i32>} : memref<32x768xf32, #tpu.memory_space<vmem>>, vector<16xf32>,
      %get3A_190 = arith.index_cast %scan3A_89 : i32 to index
      %get3A_191 = arith.constant 112 : index
      %get3A_192 = tpu.vector_load %arg9[%get3A_190, %get3A_191] {strides = array<i32>} : memref<32x768xf32, #tpu.memory_space<vmem>>, vector<16xf32>,
      %add3A_193 = arith.addf %get3A_189, %get3A_192 : vector<16xf32>
      %get3A_194 = arith.index_cast %scan3A_89 : i32 to index
      %get3A_195 = arith.constant 112 : index
      %get3A_196 = tpu.vector_load %arg10[%get3A_194, %get3A_195] {strides = array<i32>} : memref<32x768xf32, #tpu.memory_space<vmem>>, vector<16xf32>,
      %add3A_197 = arith.addf %add3A_193, %get3A_196 : vector<16xf32>
      %swap3A_198 = arith.index_cast %scan3A_89 : i32 to index
      %swap3A_199 = arith.constant 112 : index
      %swap3A_200 = tpu.vector_load %arg8[%swap3A_198, %swap3A_199] {strides = array<i32>} : memref<32x768xf32, #tpu.memory_space<vmem>>, vector<16xf32>,
      tpu.vector_store %arg8[%swap3A_198, %swap3A_199], %add3A_197 {strides = array<i32>} : memref<32x768xf32, #tpu.memory_space<vmem>>, vector<16xf32>,
      %get3A_201 = arith.index_cast %scan3A_89 : i32 to index
      %get3A_202 = arith.constant 128 : index
      %get3A_203 = tpu.vector_load %arg8[%get3A_201, %get3A_202] {strides = array<i32>} : memref<32x768xf32, #tpu.memory_space<vmem>>, vector<16xf32>,
      %get3A_204 = arith.index_cast %scan3A_89 : i32 to index
      %get3A_205 = arith.constant 128 : index
      %get3A_206 = tpu.vector_load %arg9[%get3A_204, %get3A_205] {strides = array<i32>} : memref<32x768xf32, #tpu.memory_space<vmem>>, vector<16xf32>,
      %add3A_207 = arith.addf %get3A_203, %get3A_206 : vector<16xf32>
      %get3A_208 = arith.index_cast %scan3A_89 : i32 to index
      %get3A_209 = arith.constant 128 : index
      %get3A_210 = tpu.vector_load %arg10[%get3A_208, %get3A_209] {strides = array<i32>} : memref<32x768xf32, #tpu.memory_space<vmem>>, vector<16xf32>,
      %add3A_211 = arith.addf %add3A_207, %get3A_210 : vector<16xf32>
      %swap3A_212 = arith.index_cast %scan3A_89 : i32 to index
      %swap3A_213 = arith.constant 128 : index
      %swap3A_214 = tpu.vector_load %arg8[%swap3A_212, %swap3A_213] {strides = array<i32>} : memref<32x768xf32, #tpu.memory_space<vmem>>, vector<16xf32>,
      tpu.vector_store %arg8[%swap3A_212, %swap3A_213], %add3A_211 {strides = array<i32>} : memref<32x768xf32, #tpu.memory_space<vmem>>, vector<16xf32>,
      %get3A_215 = arith.index_cast %scan3A_89 : i32 to index
      %get3A_216 = arith.constant 144 : index
      %get3A_217 = tpu.vector_load %arg8[%get3A_215, %get3A_216] {strides = array<i32>} : memref<32x768xf32, #tpu.memory_space<vmem>>, vector<16xf32>,
      %get3A_218 = arith.index_cast %scan3A_89 : i32 to index
      %get3A_219 = arith.constant 144 : index
      %get3A_220 = tpu.vector_load %arg9[%get3A_218, %get3A_219] {strides = array<i32>} : memref<32x768xf32, #tpu.memory_space<vmem>>, vector<16xf32>,
      %add3A_221 = arith.addf %get3A_217, %get3A_220 : vector<16xf32>
      %get3A_222 = arith.index_cast %scan3A_89 : i32 to index
      %get3A_223 = arith.constant 144 : index
      %get3A_224 = tpu.vector_load %arg10[%get3A_222, %get3A_223] {strides = array<i32>} : memref<32x768xf32, #tpu.memory_space<vmem>>, vector<16xf32>,
      %add3A_225 = arith.addf %add3A_221, %get3A_224 : vector<16xf32>
      %swap3A_226 = arith.index_cast %scan3A_89 : i32 to index
      %swap3A_227 = arith.constant 144 : index
      %swap3A_228 = tpu.vector_load %arg8[%swap3A_226, %swap3A_227] {strides = array<i32>} : memref<32x768xf32, #tpu.memory_space<vmem>>, vector<16xf32>,
      tpu.vector_store %arg8[%swap3A_226, %swap3A_227], %add3A_225 {strides = array<i32>} : memref<32x768xf32, #tpu.memory_space<vmem>>, vector<16xf32>,
      %get3A_229 = arith.index_cast %scan3A_89 : i32 to index
      %get3A_230 = arith.constant 160 : index
      %get3A_231 = tpu.vector_load %arg8[%get3A_229, %get3A_230] {strides = array<i32>} : memref<32x768xf32, #tpu.memory_space<vmem>>, vector<16xf32>,
      %get3A_232 = arith.index_cast %scan3A_89 : i32 to index
      %get3A_233 = arith.constant 160 : index
      %get3A_234 = tpu.vector_load %arg9[%get3A_232, %get3A_233] {strides = array<i32>} : memref<32x768xf32, #tpu.memory_space<vmem>>, vector<16xf32>,
      %add3A_235 = arith.addf %get3A_231, %get3A_234 : vector<16xf32>
      %get3A_236 = arith.index_cast %scan3A_89 : i32 to index
      %get3A_237 = arith.constant 160 : index
      %get3A_238 = tpu.vector_load %arg10[%get3A_236, %get3A_237] {strides = array<i32>} : memref<32x768xf32, #tpu.memory_space<vmem>>, vector<16xf32>,
      %add3A_239 = arith.addf %add3A_235, %get3A_238 : vector<16xf32>
      %swap3A_240 = arith.index_cast %scan3A_89 : i32 to index
      %swap3A_241 = arith.constant 160 : index
      %swap3A_242 = tpu.vector_load %arg8[%swap3A_240, %swap3A_241] {strides = array<i32>} : memref<32x768xf32, #tpu.memory_space<vmem>>, vector<16xf32>,
      tpu.vector_store %arg8[%swap3A_240, %swap3A_241], %add3A_239 {strides = array<i32>} : memref<32x768xf32, #tpu.memory_space<vmem>>, vector<16xf32>,
      %get3A_243 = arith.index_cast %scan3A_89 : i32 to index
      %get3A_244 = arith.constant 176 : index
      %get3A_245 = tpu.vector_load %arg8[%get3A_243, %get3A_244] {strides = array<i32>} : memref<32x768xf32, #tpu.memory_space<vmem>>, vector<16xf32>,
      %get3A_246 = arith.index_cast %scan3A_89 : i32 to index
      %get3A_247 = arith.constant 176 : index
      %get3A_248 = tpu.vector_load %arg9[%get3A_246, %get3A_247] {strides = array<i32>} : memref<32x768xf32, #tpu.memory_space<vmem>>, vector<16xf32>,
      %add3A_249 = arith.addf %get3A_245, %get3A_248 : vector<16xf32>
      %get3A_250 = arith.index_cast %scan3A_89 : i32 to index
      %get3A_251 = arith.constant 176 : index
      %get3A_252 = tpu.vector_load %arg10[%get3A_250, %get3A_251] {strides = array<i32>} : memref<32x768xf32, #tpu.memory_space<vmem>>, vector<16xf32>,
      %add3A_253 = arith.addf %add3A_249, %get3A_252 : vector<16xf32>
      %swap3A_254 = arith.index_cast %scan3A_89 : i32 to index
      %swap3A_255 = arith.constant 176 : index
      %swap3A_256 = tpu.vector_load %arg8[%swap3A_254, %swap3A_255] {strides = array<i32>} : memref<32x768xf32, #tpu.memory_space<vmem>>, vector<16xf32>,
      tpu.vector_store %arg8[%swap3A_254, %swap3A_255], %add3A_253 {strides = array<i32>} : memref<32x768xf32, #tpu.memory_space<vmem>>, vector<16xf32>,
      %get3A_257 = arith.index_cast %scan3A_89 : i32 to index
      %get3A_258 = arith.constant 192 : index
      %get3A_259 = tpu.vector_load %arg8[%get3A_257, %get3A_258] {strides = array<i32>} : memref<32x768xf32, #tpu.memory_space<vmem>>, vector<16xf32>,
      %get3A_260 = arith.index_cast %scan3A_89 : i32 to index
      %get3A_261 = arith.constant 192 : index
      %get3A_262 = tpu.vector_load %arg9[%get3A_260, %get3A_261] {strides = array<i32>} : memref<32x768xf32, #tpu.memory_space<vmem>>, vector<16xf32>,
      %add3A_263 = arith.addf %get3A_259, %get3A_262 : vector<16xf32>
      %get3A_264 = arith.index_cast %scan3A_89 : i32 to index
      %get3A_265 = arith.constant 192 : index
      %get3A_266 = tpu.vector_load %arg10[%get3A_264, %get3A_265] {strides = array<i32>} : memref<32x768xf32, #tpu.memory_space<vmem>>, vector<16xf32>,
      %add3A_267 = arith.addf %add3A_263, %get3A_266 : vector<16xf32>
      %swap3A_268 = arith.index_cast %scan3A_89 : i32 to index
      %swap3A_269 = arith.constant 192 : index
      %swap3A_270 = tpu.vector_load %arg8[%swap3A_268, %swap3A_269] {strides = array<i32>} : memref<32x768xf32, #tpu.memory_space<vmem>>, vector<16xf32>,
      tpu.vector_store %arg8[%swap3A_268, %swap3A_269], %add3A_267 {strides = array<i32>} : memref<32x768xf32, #tpu.memory_space<vmem>>, vector<16xf32>,
      %get3A_271 = arith.index_cast %scan3A_89 : i32 to index
      %get3A_272 = arith.constant 208 : index
      %get3A_273 = tpu.vector_load %arg8[%get3A_271, %get3A_272] {strides = array<i32>} : memref<32x768xf32, #tpu.memory_space<vmem>>, vector<16xf32>,
      %get3A_274 = arith.index_cast %scan3A_89 : i32 to index
      %get3A_275 = arith.constant 208 : index
      %get3A_276 = tpu.vector_load %arg9[%get3A_274, %get3A_275] {strides = array<i32>} : memref<32x768xf32, #tpu.memory_space<vmem>>, vector<16xf32>,
      %add3A_277 = arith.addf %get3A_273, %get3A_276 : vector<16xf32>
      %get3A_278 = arith.index_cast %scan3A_89 : i32 to index
      %get3A_279 = arith.constant 208 : index
      %get3A_280 = tpu.vector_load %arg10[%get3A_278, %get3A_279] {strides = array<i32>} : memref<32x768xf32, #tpu.memory_space<vmem>>, vector<16xf32>,
      %add3A_281 = arith.addf %add3A_277, %get3A_280 : vector<16xf32>
      %swap3A_282 = arith.index_cast %scan3A_89 : i32 to index
      %swap3A_283 = arith.constant 208 : index
      %swap3A_284 = tpu.vector_load %arg8[%swap3A_282, %swap3A_283] {strides = array<i32>} : memref<32x768xf32, #tpu.memory_space<vmem>>, vector<16xf32>,
      tpu.vector_store %arg8[%swap3A_282, %swap3A_283], %add3A_281 {strides = array<i32>} : memref<32x768xf32, #tpu.memory_space<vmem>>, vector<16xf32>,
      %get3A_285 = arith.index_cast %scan3A_89 : i32 to index
      %get3A_286 = arith.constant 224 : index
      %get3A_287 = tpu.vector_load %arg8[%get3A_285, %get3A_286] {strides = array<i32>} : memref<32x768xf32, #tpu.memory_space<vmem>>, vector<16xf32>,
      %get3A_288 = arith.index_cast %scan3A_89 : i32 to index
      %get3A_289 = arith.constant 224 : index
      %get3A_290 = tpu.vector_load %arg9[%get3A_288, %get3A_289] {strides = array<i32>} : memref<32x768xf32, #tpu.memory_space<vmem>>, vector<16xf32>,
      %add3A_291 = arith.addf %get3A_287, %get3A_290 : vector<16xf32>
      %get3A_292 = arith.index_cast %scan3A_89 : i32 to index
      %get3A_293 = arith.constant 224 : index
      %get3A_294 = tpu.vector_load %arg10[%get3A_292, %get3A_293] {strides = array<i32>} : memref<32x768xf32, #tpu.memory_space<vmem>>, vector<16xf32>,
      %add3A_295 = arith.addf %add3A_291, %get3A_294 : vector<16xf32>
      %swap3A_296 = arith.index_cast %scan3A_89 : i32 to index
      %swap3A_297 = arith.constant 224 : index
      %swap3A_298 = tpu.vector_load %arg8[%swap3A_296, %swap3A_297] {strides = array<i32>} : memref<32x768xf32, #tpu.memory_space<vmem>>, vector<16xf32>,
      tpu.vector_store %arg8[%swap3A_296, %swap3A_297], %add3A_295 {strides = array<i32>} : memref<32x768xf32, #tpu.memory_space<vmem>>, vector<16xf32>,
      %get3A_299 = arith.index_cast %scan3A_89 : i32 to index
      %get3A_300 = arith.constant 240 : index
      %get3A_301 = tpu.vector_load %arg8[%get3A_299, %get3A_300] {strides = array<i32>} : memref<32x768xf32, #tpu.memory_space<vmem>>, vector<16xf32>,
      %get3A_302 = arith.index_cast %scan3A_89 : i32 to index
      %get3A_303 = arith.constant 240 : index
      %get3A_304 = tpu.vector_load %arg9[%get3A_302, %get3A_303] {strides = array<i32>} : memref<32x768xf32, #tpu.memory_space<vmem>>, vector<16xf32>,
      %add3A_305 = arith.addf %get3A_301, %get3A_304 : vector<16xf32>
      %get3A_306 = arith.index_cast %scan3A_89 : i32 to index
      %get3A_307 = arith.constant 240 : index
      %get3A_308 = tpu.vector_load %arg10[%get3A_306, %get3A_307] {strides = array<i32>} : memref<32x768xf32, #tpu.memory_space<vmem>>, vector<16xf32>,
      %add3A_309 = arith.addf %add3A_305, %get3A_308 : vector<16xf32>
      %swap3A_310 = arith.index_cast %scan3A_89 : i32 to index
      %swap3A_311 = arith.constant 240 : index
      %swap3A_312 = tpu.vector_load %arg8[%swap3A_310, %swap3A_311] {strides = array<i32>} : memref<32x768xf32, #tpu.memory_space<vmem>>, vector<16xf32>,
      tpu.vector_store %arg8[%swap3A_310, %swap3A_311], %add3A_309 {strides = array<i32>} : memref<32x768xf32, #tpu.memory_space<vmem>>, vector<16xf32>,
      %get3A_313 = arith.index_cast %scan3A_89 : i32 to index
      %get3A_314 = arith.constant 256 : index
      %get3A_315 = tpu.vector_load %arg8[%get3A_313, %get3A_314] {strides = array<i32>} : memref<32x768xf32, #tpu.memory_space<vmem>>, vector<16xf32>,
      %get3A_316 = arith.index_cast %scan3A_89 : i32 to index
      %get3A_317 = arith.constant 256 : index
      %get3A_318 = tpu.vector_load %arg9[%get3A_316, %get3A_317] {strides = array<i32>} : memref<32x768xf32, #tpu.memory_space<vmem>>, vector<16xf32>,
      %add3A_319 = arith.addf %get3A_315, %get3A_318 : vector<16xf32>
      %get3A_320 = arith.index_cast %scan3A_89 : i32 to index
      %get3A_321 = arith.constant 256 : index
      %get3A_322 = tpu.vector_load %arg10[%get3A_320, %get3A_321] {strides = array<i32>} : memref<32x768xf32, #tpu.memory_space<vmem>>, vector<16xf32>,
      %add3A_323 = arith.addf %add3A_319, %get3A_322 : vector<16xf32>
      %swap3A_324 = arith.index_cast %scan3A_89 : i32 to index
      %swap3A_325 = arith.constant 256 : index
      %swap3A_326 = tpu.vector_load %arg8[%swap3A_324, %swap3A_325] {strides = array<i32>} : memref<32x768xf32, #tpu.memory_space<vmem>>, vector<16xf32>,
      tpu.vector_store %arg8[%swap3A_324, %swap3A_325], %add3A_323 {strides = array<i32>} : memref<32x768xf32, #tpu.memory_space<vmem>>, vector<16xf32>,
      %get3A_327 = arith.index_cast %scan3A_89 : i32 to index
      %get3A_328 = arith.constant 272 : index
      %get3A_329 = tpu.vector_load %arg8[%get3A_327, %get3A_328] {strides = array<i32>} : memref<32x768xf32, #tpu.memory_space<vmem>>, vector<16xf32>,
      %get3A_330 = arith.index_cast %scan3A_89 : i32 to index
      %get3A_331 = arith.constant 272 : index
      %get3A_332 = tpu.vector_load %arg9[%get3A_330, %get3A_331] {strides = array<i32>} : memref<32x768xf32, #tpu.memory_space<vmem>>, vector<16xf32>,
      %add3A_333 = arith.addf %get3A_329, %get3A_332 : vector<16xf32>
      %get3A_334 = arith.index_cast %scan3A_89 : i32 to index
      %get3A_335 = arith.constant 272 : index
      %get3A_336 = tpu.vector_load %arg10[%get3A_334, %get3A_335] {strides = array<i32>} : memref<32x768xf32, #tpu.memory_space<vmem>>, vector<16xf32>,
      %add3A_337 = arith.addf %add3A_333, %get3A_336 : vector<16xf32>
      %swap3A_338 = arith.index_cast %scan3A_89 : i32 to index
      %swap3A_339 = arith.constant 272 : index
      %swap3A_340 = tpu.vector_load %arg8[%swap3A_338, %swap3A_339] {strides = array<i32>} : memref<32x768xf32, #tpu.memory_space<vmem>>, vector<16xf32>,
      tpu.vector_store %arg8[%swap3A_338, %swap3A_339], %add3A_337 {strides = array<i32>} : memref<32x768xf32, #tpu.memory_space<vmem>>, vector<16xf32>,
      %get3A_341 = arith.index_cast %scan3A_89 : i32 to index
      %get3A_342 = arith.constant 288 : index
      %get3A_343 = tpu.vector_load %arg8[%get3A_341, %get3A_342] {strides = array<i32>} : memref<32x768xf32, #tpu.memory_space<vmem>>, vector<16xf32>,
      %get3A_344 = arith.index_cast %scan3A_89 : i32 to index
      %get3A_345 = arith.constant 288 : index
      %get3A_346 = tpu.vector_load %arg9[%get3A_344, %get3A_345] {strides = array<i32>} : memref<32x768xf32, #tpu.memory_space<vmem>>, vector<16xf32>,
      %add3A_347 = arith.addf %get3A_343, %get3A_346 : vector<16xf32>
      %get3A_348 = arith.index_cast %scan3A_89 : i32 to index
      %get3A_349 = arith.constant 288 : index
      %get3A_350 = tpu.vector_load %arg10[%get3A_348, %get3A_349] {strides = array<i32>} : memref<32x768xf32, #tpu.memory_space<vmem>>, vector<16xf32>,
      %add3A_351 = arith.addf %add3A_347, %get3A_350 : vector<16xf32>
      %swap3A_352 = arith.index_cast %scan3A_89 : i32 to index
      %swap3A_353 = arith.constant 288 : index
      %swap3A_354 = tpu.vector_load %arg8[%swap3A_352, %swap3A_353] {strides = array<i32>} : memref<32x768xf32, #tpu.memory_space<vmem>>, vector<16xf32>,
      tpu.vector_store %arg8[%swap3A_352, %swap3A_353], %add3A_351 {strides = array<i32>} : memref<32x768xf32, #tpu.memory_space<vmem>>, vector<16xf32>,
      %get3A_355 = arith.index_cast %scan3A_89 : i32 to index
      %get3A_356 = arith.constant 304 : index
      %get3A_357 = tpu.vector_load %arg8[%get3A_355, %get3A_356] {strides = array<i32>} : memref<32x768xf32, #tpu.memory_space<vmem>>, vector<16xf32>,
      %get3A_358 = arith.index_cast %scan3A_89 : i32 to index
      %get3A_359 = arith.constant 304 : index
      %get3A_360 = tpu.vector_load %arg9[%get3A_358, %get3A_359] {strides = array<i32>} : memref<32x768xf32, #tpu.memory_space<vmem>>, vector<16xf32>,
      %add3A_361 = arith.addf %get3A_357, %get3A_360 : vector<16xf32>
      %get3A_362 = arith.index_cast %scan3A_89 : i32 to index
      %get3A_363 = arith.constant 304 : index
      %get3A_364 = tpu.vector_load %arg10[%get3A_362, %get3A_363] {strides = array<i32>} : memref<32x768xf32, #tpu.memory_space<vmem>>, vector<16xf32>,
      %add3A_365 = arith.addf %add3A_361, %get3A_364 : vector<16xf32>
      %swap3A_366 = arith.index_cast %scan3A_89 : i32 to index
      %swap3A_367 = arith.constant 304 : index
      %swap3A_368 = tpu.vector_load %arg8[%swap3A_366, %swap3A_367] {strides = array<i32>} : memref<32x768xf32, #tpu.memory_space<vmem>>, vector<16xf32>,
      tpu.vector_store %arg8[%swap3A_366, %swap3A_367], %add3A_365 {strides = array<i32>} : memref<32x768xf32, #tpu.memory_space<vmem>>, vector<16xf32>,
      %get3A_369 = arith.index_cast %scan3A_89 : i32 to index
      %get3A_370 = arith.constant 320 : index
      %get3A_371 = tpu.vector_load %arg8[%get3A_369, %get3A_370] {strides = array<i32>} : memref<32x768xf32, #tpu.memory_space<vmem>>, vector<16xf32>,
      %get3A_372 = arith.index_cast %scan3A_89 : i32 to index
      %get3A_373 = arith.constant 320 : index
      %get3A_374 = tpu.vector_load %arg9[%get3A_372, %get3A_373] {strides = array<i32>} : memref<32x768xf32, #tpu.memory_space<vmem>>, vector<16xf32>,
      %add3A_375 = arith.addf %get3A_371, %get3A_374 : vector<16xf32>
      %get3A_376 = arith.index_cast %scan3A_89 : i32 to index
      %get3A_377 = arith.constant 320 : index
      %get3A_378 = tpu.vector_load %arg10[%get3A_376, %get3A_377] {strides = array<i32>} : memref<32x768xf32, #tpu.memory_space<vmem>>, vector<16xf32>,
      %add3A_379 = arith.addf %add3A_375, %get3A_378 : vector<16xf32>
      %swap3A_380 = arith.index_cast %scan3A_89 : i32 to index
      %swap3A_381 = arith.constant 320 : index
      %swap3A_382 = tpu.vector_load %arg8[%swap3A_380, %swap3A_381] {strides = array<i32>} : memref<32x768xf32, #tpu.memory_space<vmem>>, vector<16xf32>,
      tpu.vector_store %arg8[%swap3A_380, %swap3A_381], %add3A_379 {strides = array<i32>} : memref<32x768xf32, #tpu.memory_space<vmem>>, vector<16xf32>,
      %get3A_383 = arith.index_cast %scan3A_89 : i32 to index
      %get3A_384 = arith.constant 336 : index
      %get3A_385 = tpu.vector_load %arg8[%get3A_383, %get3A_384] {strides = array<i32>} : memref<32x768xf32, #tpu.memory_space<vmem>>, vector<16xf32>,
      %get3A_386 = arith.index_cast %scan3A_89 : i32 to index
      %get3A_387 = arith.constant 336 : index
      %get3A_388 = tpu.vector_load %arg9[%get3A_386, %get3A_387] {strides = array<i32>} : memref<32x768xf32, #tpu.memory_space<vmem>>, vector<16xf32>,
      %add3A_389 = arith.addf %get3A_385, %get3A_388 : vector<16xf32>
      %get3A_390 = arith.index_cast %scan3A_89 : i32 to index
      %get3A_391 = arith.constant 336 : index
      %get3A_392 = tpu.vector_load %arg10[%get3A_390, %get3A_391] {strides = array<i32>} : memref<32x768xf32, #tpu.memory_space<vmem>>, vector<16xf32>,
      %add3A_393 = arith.addf %add3A_389, %get3A_392 : vector<16xf32>
      %swap3A_394 = arith.index_cast %scan3A_89 : i32 to index
      %swap3A_395 = arith.constant 336 : index
      %swap3A_396 = tpu.vector_load %arg8[%swap3A_394, %swap3A_395] {strides = array<i32>} : memref<32x768xf32, #tpu.memory_space<vmem>>, vector<16xf32>,
      tpu.vector_store %arg8[%swap3A_394, %swap3A_395], %add3A_393 {strides = array<i32>} : memref<32x768xf32, #tpu.memory_space<vmem>>, vector<16xf32>,
      %get3A_397 = arith.index_cast %scan3A_89 : i32 to index
      %get3A_398 = arith.constant 352 : index
      %get3A_399 = tpu.vector_load %arg8[%get3A_397, %get3A_398] {strides = array<i32>} : memref<32x768xf32, #tpu.memory_space<vmem>>, vector<16xf32>,
      %get3A_400 = arith.index_cast %scan3A_89 : i32 to index
      %get3A_401 = arith.constant 352 : index
      %get3A_402 = tpu.vector_load %arg9[%get3A_400, %get3A_401] {strides = array<i32>} : memref<32x768xf32, #tpu.memory_space<vmem>>, vector<16xf32>,
      %add3A_403 = arith.addf %get3A_399, %get3A_402 : vector<16xf32>
      %get3A_404 = arith.index_cast %scan3A_89 : i32 to index
      %get3A_405 = arith.constant 352 : index
      %get3A_406 = tpu.vector_load %arg10[%get3A_404, %get3A_405] {strides = array<i32>} : memref<32x768xf32, #tpu.memory_space<vmem>>, vector<16xf32>,
      %add3A_407 = arith.addf %add3A_403, %get3A_406 : vector<16xf32>
      %swap3A_408 = arith.index_cast %scan3A_89 : i32 to index
      %swap3A_409 = arith.constant 352 : index
      %swap3A_410 = tpu.vector_load %arg8[%swap3A_408, %swap3A_409] {strides = array<i32>} : memref<32x768xf32, #tpu.memory_space<vmem>>, vector<16xf32>,
      tpu.vector_store %arg8[%swap3A_408, %swap3A_409], %add3A_407 {strides = array<i32>} : memref<32x768xf32, #tpu.memory_space<vmem>>, vector<16xf32>,
      %get3A_411 = arith.index_cast %scan3A_89 : i32 to index
      %get3A_412 = arith.constant 368 : index
      %get3A_413 = tpu.vector_load %arg8[%get3A_411, %get3A_412] {strides = array<i32>} : memref<32x768xf32, #tpu.memory_space<vmem>>, vector<16xf32>,
      %get3A_414 = arith.index_cast %scan3A_89 : i32 to index
      %get3A_415 = arith.constant 368 : index
      %get3A_416 = tpu.vector_load %arg9[%get3A_414, %get3A_415] {strides = array<i32>} : memref<32x768xf32, #tpu.memory_space<vmem>>, vector<16xf32>,
      %add3A_417 = arith.addf %get3A_413, %get3A_416 : vector<16xf32>
      %get3A_418 = arith.index_cast %scan3A_89 : i32 to index
      %get3A_419 = arith.constant 368 : index
      %get3A_420 = tpu.vector_load %arg10[%get3A_418, %get3A_419] {strides = array<i32>} : memref<32x768xf32, #tpu.memory_space<vmem>>, vector<16xf32>,
      %add3A_421 = arith.addf %add3A_417, %get3A_420 : vector<16xf32>
      %swap3A_422 = arith.index_cast %scan3A_89 : i32 to index
      %swap3A_423 = arith.constant 368 : index
      %swap3A_424 = tpu.vector_load %arg8[%swap3A_422, %swap3A_423] {strides = array<i32>} : memref<32x768xf32, #tpu.memory_space<vmem>>, vector<16xf32>,
      tpu.vector_store %arg8[%swap3A_422, %swap3A_423], %add3A_421 {strides = array<i32>} : memref<32x768xf32, #tpu.memory_space<vmem>>, vector<16xf32>,
      %get3A_425 = arith.index_cast %scan3A_89 : i32 to index
      %get3A_426 = arith.constant 384 : index
      %get3A_427 = tpu.vector_load %arg8[%get3A_425, %get3A_426] {strides = array<i32>} : memref<32x768xf32, #tpu.memory_space<vmem>>, vector<16xf32>,
      %get3A_428 = arith.index_cast %scan3A_89 : i32 to index
      %get3A_429 = arith.constant 384 : index
      %get3A_430 = tpu.vector_load %arg9[%get3A_428, %get3A_429] {strides = array<i32>} : memref<32x768xf32, #tpu.memory_space<vmem>>, vector<16xf32>,
      %add3A_431 = arith.addf %get3A_427, %get3A_430 : vector<16xf32>
      %get3A_432 = arith.index_cast %scan3A_89 : i32 to index
      %get3A_433 = arith.constant 384 : index
      %get3A_434 = tpu.vector_load %arg10[%get3A_432, %get3A_433] {strides = array<i32>} : memref<32x768xf32, #tpu.memory_space<vmem>>, vector<16xf32>,
      %add3A_435 = arith.addf %add3A_431, %get3A_434 : vector<16xf32>
      %swap3A_436 = arith.index_cast %scan3A_89 : i32 to index
      %swap3A_437 = arith.constant 384 : index
      %swap3A_438 = tpu.vector_load %arg8[%swap3A_436, %swap3A_437] {strides = array<i32>} : memref<32x768xf32, #tpu.memory_space<vmem>>, vector<16xf32>,
      tpu.vector_store %arg8[%swap3A_436, %swap3A_437], %add3A_435 {strides = array<i32>} : memref<32x768xf32, #tpu.memory_space<vmem>>, vector<16xf32>,
      %get3A_439 = arith.index_cast %scan3A_89 : i32 to index
      %get3A_440 = arith.constant 400 : index
      %get3A_441 = tpu.vector_load %arg8[%get3A_439, %get3A_440] {strides = array<i32>} : memref<32x768xf32, #tpu.memory_space<vmem>>, vector<16xf32>,
      %get3A_442 = arith.index_cast %scan3A_89 : i32 to index
      %get3A_443 = arith.constant 400 : index
      %get3A_444 = tpu.vector_load %arg9[%get3A_442, %get3A_443] {strides = array<i32>} : memref<32x768xf32, #tpu.memory_space<vmem>>, vector<16xf32>,
      %add3A_445 = arith.addf %get3A_441, %get3A_444 : vector<16xf32>
      %get3A_446 = arith.index_cast %scan3A_89 : i32 to index
      %get3A_447 = arith.constant 400 : index
      %get3A_448 = tpu.vector_load %arg10[%get3A_446, %get3A_447] {strides = array<i32>} : memref<32x768xf32, #tpu.memory_space<vmem>>, vector<16xf32>,
      %add3A_449 = arith.addf %add3A_445, %get3A_448 : vector<16xf32>
      %swap3A_450 = arith.index_cast %scan3A_89 : i32 to index
      %swap3A_451 = arith.constant 400 : index
      %swap3A_452 = tpu.vector_load %arg8[%swap3A_450, %swap3A_451] {strides = array<i32>} : memref<32x768xf32, #tpu.memory_space<vmem>>, vector<16xf32>,
      tpu.vector_store %arg8[%swap3A_450, %swap3A_451], %add3A_449 {strides = array<i32>} : memref<32x768xf32, #tpu.memory_space<vmem>>, vector<16xf32>,
      %get3A_453 = arith.index_cast %scan3A_89 : i32 to index
      %get3A_454 = arith.constant 416 : index
      %get3A_455 = tpu.vector_load %arg8[%get3A_453, %get3A_454] {strides = array<i32>} : memref<32x768xf32, #tpu.memory_space<vmem>>, vector<16xf32>,
      %get3A_456 = arith.index_cast %scan3A_89 : i32 to index
      %get3A_457 = arith.constant 416 : index
      %get3A_458 = tpu.vector_load %arg9[%get3A_456, %get3A_457] {strides = array<i32>} : memref<32x768xf32, #tpu.memory_space<vmem>>, vector<16xf32>,
      %add3A_459 = arith.addf %get3A_455, %get3A_458 : vector<16xf32>
      %get3A_460 = arith.index_cast %scan3A_89 : i32 to index
      %get3A_461 = arith.constant 416 : index
      %get3A_462 = tpu.vector_load %arg10[%get3A_460, %get3A_461] {strides = array<i32>} : memref<32x768xf32, #tpu.memory_space<vmem>>, vector<16xf32>,
      %add3A_463 = arith.addf %add3A_459, %get3A_462 : vector<16xf32>
      %swap3A_464 = arith.index_cast %scan3A_89 : i32 to index
      %swap3A_465 = arith.constant 416 : index
      %swap3A_466 = tpu.vector_load %arg8[%swap3A_464, %swap3A_465] {strides = array<i32>} : memref<32x768xf32, #tpu.memory_space<vmem>>, vector<16xf32>,
      tpu.vector_store %arg8[%swap3A_464, %swap3A_465], %add3A_463 {strides = array<i32>} : memref<32x768xf32, #tpu.memory_space<vmem>>, vector<16xf32>,
      %get3A_467 = arith.index_cast %scan3A_89 : i32 to index
      %get3A_468 = arith.constant 432 : index
      %get3A_469 = tpu.vector_load %arg8[%get3A_467, %get3A_468] {strides = array<i32>} : memref<32x768xf32, #tpu.memory_space<vmem>>, vector<16xf32>,
      %get3A_470 = arith.index_cast %scan3A_89 : i32 to index
      %get3A_471 = arith.constant 432 : index
      %get3A_472 = tpu.vector_load %arg9[%get3A_470, %get3A_471] {strides = array<i32>} : memref<32x768xf32, #tpu.memory_space<vmem>>, vector<16xf32>,
      %add3A_473 = arith.addf %get3A_469, %get3A_472 : vector<16xf32>
      %get3A_474 = arith.index_cast %scan3A_89 : i32 to index
      %get3A_475 = arith.constant 432 : index
      %get3A_476 = tpu.vector_load %arg10[%get3A_474, %get3A_475] {strides = array<i32>} : memref<32x768xf32, #tpu.memory_space<vmem>>, vector<16xf32>,
      %add3A_477 = arith.addf %add3A_473, %get3A_476 : vector<16xf32>
      %swap3A_478 = arith.index_cast %scan3A_89 : i32 to index
      %swap3A_479 = arith.constant 432 : index
      %swap3A_480 = tpu.vector_load %arg8[%swap3A_478, %swap3A_479] {strides = array<i32>} : memref<32x768xf32, #tpu.memory_space<vmem>>, vector<16xf32>,
      tpu.vector_store %arg8[%swap3A_478, %swap3A_479], %add3A_477 {strides = array<i32>} : memref<32x768xf32, #tpu.memory_space<vmem>>, vector<16xf32>,
      %get3A_481 = arith.index_cast %scan3A_89 : i32 to index
      %get3A_482 = arith.constant 448 : index
      %get3A_483 = tpu.vector_load %arg8[%get3A_481, %get3A_482] {strides = array<i32>} : memref<32x768xf32, #tpu.memory_space<vmem>>, vector<16xf32>,
      %get3A_484 = arith.index_cast %scan3A_89 : i32 to index
      %get3A_485 = arith.constant 448 : index
      %get3A_486 = tpu.vector_load %arg9[%get3A_484, %get3A_485] {strides = array<i32>} : memref<32x768xf32, #tpu.memory_space<vmem>>, vector<16xf32>,
      %add3A_487 = arith.addf %get3A_483, %get3A_486 : vector<16xf32>
      %get3A_488 = arith.index_cast %scan3A_89 : i32 to index
      %get3A_489 = arith.constant 448 : index
      %get3A_490 = tpu.vector_load %arg10[%get3A_488, %get3A_489] {strides = array<i32>} : memref<32x768xf32, #tpu.memory_space<vmem>>, vector<16xf32>,
      %add3A_491 = arith.addf %add3A_487, %get3A_490 : vector<16xf32>
      %swap3A_492 = arith.index_cast %scan3A_89 : i32 to index
      %swap3A_493 = arith.constant 448 : index
      %swap3A_494 = tpu.vector_load %arg8[%swap3A_492, %swap3A_493] {strides = array<i32>} : memref<32x768xf32, #tpu.memory_space<vmem>>, vector<16xf32>,
      tpu.vector_store %arg8[%swap3A_492, %swap3A_493], %add3A_491 {strides = array<i32>} : memref<32x768xf32, #tpu.memory_space<vmem>>, vector<16xf32>,
      %get3A_495 = arith.index_cast %scan3A_89 : i32 to index
      %get3A_496 = arith.constant 464 : index
      %get3A_497 = tpu.vector_load %arg8[%get3A_495, %get3A_496] {strides = array<i32>} : memref<32x768xf32, #tpu.memory_space<vmem>>, vector<16xf32>,
      %get3A_498 = arith.index_cast %scan3A_89 : i32 to index
      %get3A_499 = arith.constant 464 : index
      %get3A_500 = tpu.vector_load %arg9[%get3A_498, %get3A_499] {strides = array<i32>} : memref<32x768xf32, #tpu.memory_space<vmem>>, vector<16xf32>,
      %add3A_501 = arith.addf %get3A_497, %get3A_500 : vector<16xf32>
      %get3A_502 = arith.index_cast %scan3A_89 : i32 to index
      %get3A_503 = arith.constant 464 : index
      %get3A_504 = tpu.vector_load %arg10[%get3A_502, %get3A_503] {strides = array<i32>} : memref<32x768xf32, #tpu.memory_space<vmem>>, vector<16xf32>,
      %add3A_505 = arith.addf %add3A_501, %get3A_504 : vector<16xf32>
      %swap3A_506 = arith.index_cast %scan3A_89 : i32 to index
      %swap3A_507 = arith.constant 464 : index
      %swap3A_508 = tpu.vector_load %arg8[%swap3A_506, %swap3A_507] {strides = array<i32>} : memref<32x768xf32, #tpu.memory_space<vmem>>, vector<16xf32>,
      tpu.vector_store %arg8[%swap3A_506, %swap3A_507], %add3A_505 {strides = array<i32>} : memref<32x768xf32, #tpu.memory_space<vmem>>, vector<16xf32>,
      %get3A_509 = arith.index_cast %scan3A_89 : i32 to index
      %get3A_510 = arith.constant 480 : index
      %get3A_511 = tpu.vector_load %arg8[%get3A_509, %get3A_510] {strides = array<i32>} : memref<32x768xf32, #tpu.memory_space<vmem>>, vector<16xf32>,
      %get3A_512 = arith.index_cast %scan3A_89 : i32 to index
      %get3A_513 = arith.constant 480 : index
      %get3A_514 = tpu.vector_load %arg9[%get3A_512, %get3A_513] {strides = array<i32>} : memref<32x768xf32, #tpu.memory_space<vmem>>, vector<16xf32>,
      %add3A_515 = arith.addf %get3A_511, %get3A_514 : vector<16xf32>
      %get3A_516 = arith.index_cast %scan3A_89 : i32 to index
      %get3A_517 = arith.constant 480 : index
      %get3A_518 = tpu.vector_load %arg10[%get3A_516, %get3A_517] {strides = array<i32>} : memref<32x768xf32, #tpu.memory_space<vmem>>, vector<16xf32>,
      %add3A_519 = arith.addf %add3A_515, %get3A_518 : vector<16xf32>
      %swap3A_520 = arith.index_cast %scan3A_89 : i32 to index
      %swap3A_521 = arith.constant 480 : index
      %swap3A_522 = tpu.vector_load %arg8[%swap3A_520, %swap3A_521] {strides = array<i32>} : memref<32x768xf32, #tpu.memory_space<vmem>>, vector<16xf32>,
      tpu.vector_store %arg8[%swap3A_520, %swap3A_521], %add3A_519 {strides = array<i32>} : memref<32x768xf32, #tpu.memory_space<vmem>>, vector<16xf32>,
      %get3A_523 = arith.index_cast %scan3A_89 : i32 to index
      %get3A_524 = arith.constant 496 : index
      %get3A_525 = tpu.vector_load %arg8[%get3A_523, %get3A_524] {strides = array<i32>} : memref<32x768xf32, #tpu.memory_space<vmem>>, vector<16xf32>,
      %get3A_526 = arith.index_cast %scan3A_89 : i32 to index
      %get3A_527 = arith.constant 496 : index
      %get3A_528 = tpu.vector_load %arg9[%get3A_526, %get3A_527] {strides = array<i32>} : memref<32x768xf32, #tpu.memory_space<vmem>>, vector<16xf32>,
      %add3A_529 = arith.addf %get3A_525, %get3A_528 : vector<16xf32>
      %get3A_530 = arith.index_cast %scan3A_89 : i32 to index
      %get3A_531 = arith.constant 496 : index
      %get3A_532 = tpu.vector_load %arg10[%get3A_530, %get3A_531] {strides = array<i32>} : memref<32x768xf32, #tpu.memory_space<vmem>>, vector<16xf32>,
      %add3A_533 = arith.addf %add3A_529, %get3A_532 : vector<16xf32>
      %swap3A_534 = arith.index_cast %scan3A_89 : i32 to index
      %swap3A_535 = arith.constant 496 : index
      %swap3A_536 = tpu.vector_load %arg8[%swap3A_534, %swap3A_535] {strides = array<i32>} : memref<32x768xf32, #tpu.memory_space<vmem>>, vector<16xf32>,
      tpu.vector_store %arg8[%swap3A_534, %swap3A_535], %add3A_533 {strides = array<i32>} : memref<32x768xf32, #tpu.memory_space<vmem>>, vector<16xf32>,
      %get3A_537 = arith.index_cast %scan3A_89 : i32 to index
      %get3A_538 = arith.constant 512 : index
      %get3A_539 = tpu.vector_load %arg8[%get3A_537, %get3A_538] {strides = array<i32>} : memref<32x768xf32, #tpu.memory_space<vmem>>, vector<16xf32>,
      %get3A_540 = arith.index_cast %scan3A_89 : i32 to index
      %get3A_541 = arith.constant 512 : index
      %get3A_542 = tpu.vector_load %arg9[%get3A_540, %get3A_541] {strides = array<i32>} : memref<32x768xf32, #tpu.memory_space<vmem>>, vector<16xf32>,
      %add3A_543 = arith.addf %get3A_539, %get3A_542 : vector<16xf32>
      %get3A_544 = arith.index_cast %scan3A_89 : i32 to index
      %get3A_545 = arith.constant 512 : index
      %get3A_546 = tpu.vector_load %arg10[%get3A_544, %get3A_545] {strides = array<i32>} : memref<32x768xf32, #tpu.memory_space<vmem>>, vector<16xf32>,
      %add3A_547 = arith.addf %add3A_543, %get3A_546 : vector<16xf32>
      %swap3A_548 = arith.index_cast %scan3A_89 : i32 to index
      %swap3A_549 = arith.constant 512 : index
      %swap3A_550 = tpu.vector_load %arg8[%swap3A_548, %swap3A_549] {strides = array<i32>} : memref<32x768xf32, #tpu.memory_space<vmem>>, vector<16xf32>,
      tpu.vector_store %arg8[%swap3A_548, %swap3A_549], %add3A_547 {strides = array<i32>} : memref<32x768xf32, #tpu.memory_space<vmem>>, vector<16xf32>,
      %get3A_551 = arith.index_cast %scan3A_89 : i32 to index
      %get3A_552 = arith.constant 528 : index
      %get3A_553 = tpu.vector_load %arg8[%get3A_551, %get3A_552] {strides = array<i32>} : memref<32x768xf32, #tpu.memory_space<vmem>>, vector<16xf32>,
      %get3A_554 = arith.index_cast %scan3A_89 : i32 to index
      %get3A_555 = arith.constant 528 : index
      %get3A_556 = tpu.vector_load %arg9[%get3A_554, %get3A_555] {strides = array<i32>} : memref<32x768xf32, #tpu.memory_space<vmem>>, vector<16xf32>,
      %add3A_557 = arith.addf %get3A_553, %get3A_556 : vector<16xf32>
      %get3A_558 = arith.index_cast %scan3A_89 : i32 to index
      %get3A_559 = arith.constant 528 : index
      %get3A_560 = tpu.vector_load %arg10[%get3A_558, %get3A_559] {strides = array<i32>} : memref<32x768xf32, #tpu.memory_space<vmem>>, vector<16xf32>,
      %add3A_561 = arith.addf %add3A_557, %get3A_560 : vector<16xf32>
      %swap3A_562 = arith.index_cast %scan3A_89 : i32 to index
      %swap3A_563 = arith.constant 528 : index
      %swap3A_564 = tpu.vector_load %arg8[%swap3A_562, %swap3A_563] {strides = array<i32>} : memref<32x768xf32, #tpu.memory_space<vmem>>, vector<16xf32>,
      tpu.vector_store %arg8[%swap3A_562, %swap3A_563], %add3A_561 {strides = array<i32>} : memref<32x768xf32, #tpu.memory_space<vmem>>, vector<16xf32>,
      %get3A_565 = arith.index_cast %scan3A_89 : i32 to index
      %get3A_566 = arith.constant 544 : index
      %get3A_567 = tpu.vector_load %arg8[%get3A_565, %get3A_566] {strides = array<i32>} : memref<32x768xf32, #tpu.memory_space<vmem>>, vector<16xf32>,
      %get3A_568 = arith.index_cast %scan3A_89 : i32 to index
      %get3A_569 = arith.constant 544 : index
      %get3A_570 = tpu.vector_load %arg9[%get3A_568, %get3A_569] {strides = array<i32>} : memref<32x768xf32, #tpu.memory_space<vmem>>, vector<16xf32>,
      %add3A_571 = arith.addf %get3A_567, %get3A_570 : vector<16xf32>
      %get3A_572 = arith.index_cast %scan3A_89 : i32 to index
      %get3A_573 = arith.constant 544 : index
      %get3A_574 = tpu.vector_load %arg10[%get3A_572, %get3A_573] {strides = array<i32>} : memref<32x768xf32, #tpu.memory_space<vmem>>, vector<16xf32>,
      %add3A_575 = arith.addf %add3A_571, %get3A_574 : vector<16xf32>
      %swap3A_576 = arith.index_cast %scan3A_89 : i32 to index
      %swap3A_577 = arith.constant 544 : index
      %swap3A_578 = tpu.vector_load %arg8[%swap3A_576, %swap3A_577] {strides = array<i32>} : memref<32x768xf32, #tpu.memory_space<vmem>>, vector<16xf32>,
      tpu.vector_store %arg8[%swap3A_576, %swap3A_577], %add3A_575 {strides = array<i32>} : memref<32x768xf32, #tpu.memory_space<vmem>>, vector<16xf32>,
      %get3A_579 = arith.index_cast %scan3A_89 : i32 to index
      %get3A_580 = arith.constant 560 : index
      %get3A_581 = tpu.vector_load %arg8[%get3A_579, %get3A_580] {strides = array<i32>} : memref<32x768xf32, #tpu.memory_space<vmem>>, vector<16xf32>,
      %get3A_582 = arith.index_cast %scan3A_89 : i32 to index
      %get3A_583 = arith.constant 560 : index
      %get3A_584 = tpu.vector_load %arg9[%get3A_582, %get3A_583] {strides = array<i32>} : memref<32x768xf32, #tpu.memory_space<vmem>>, vector<16xf32>,
      %add3A_585 = arith.addf %get3A_581, %get3A_584 : vector<16xf32>
      %get3A_586 = arith.index_cast %scan3A_89 : i32 to index
      %get3A_587 = arith.constant 560 : index
      %get3A_588 = tpu.vector_load %arg10[%get3A_586, %get3A_587] {strides = array<i32>} : memref<32x768xf32, #tpu.memory_space<vmem>>, vector<16xf32>,
      %add3A_589 = arith.addf %add3A_585, %get3A_588 : vector<16xf32>
      %swap3A_590 = arith.index_cast %scan3A_89 : i32 to index
      %swap3A_591 = arith.constant 560 : index
      %swap3A_592 = tpu.vector_load %arg8[%swap3A_590, %swap3A_591] {strides = array<i32>} : memref<32x768xf32, #tpu.memory_space<vmem>>, vector<16xf32>,
      tpu.vector_store %arg8[%swap3A_590, %swap3A_591], %add3A_589 {strides = array<i32>} : memref<32x768xf32, #tpu.memory_space<vmem>>, vector<16xf32>,
      %get3A_593 = arith.index_cast %scan3A_89 : i32 to index
      %get3A_594 = arith.constant 576 : index
      %get3A_595 = tpu.vector_load %arg8[%get3A_593, %get3A_594] {strides = array<i32>} : memref<32x768xf32, #tpu.memory_space<vmem>>, vector<16xf32>,
      %get3A_596 = arith.index_cast %scan3A_89 : i32 to index
      %get3A_597 = arith.constant 576 : index
      %get3A_598 = tpu.vector_load %arg9[%get3A_596, %get3A_597] {strides = array<i32>} : memref<32x768xf32, #tpu.memory_space<vmem>>, vector<16xf32>,
      %add3A_599 = arith.addf %get3A_595, %get3A_598 : vector<16xf32>
      %get3A_600 = arith.index_cast %scan3A_89 : i32 to index
      %get3A_601 = arith.constant 576 : index
      %get3A_602 = tpu.vector_load %arg10[%get3A_600, %get3A_601] {strides = array<i32>} : memref<32x768xf32, #tpu.memory_space<vmem>>, vector<16xf32>,
      %add3A_603 = arith.addf %add3A_599, %get3A_602 : vector<16xf32>
      %swap3A_604 = arith.index_cast %scan3A_89 : i32 to index
      %swap3A_605 = arith.constant 576 : index
      %swap3A_606 = tpu.vector_load %arg8[%swap3A_604, %swap3A_605] {strides = array<i32>} : memref<32x768xf32, #tpu.memory_space<vmem>>, vector<16xf32>,
      tpu.vector_store %arg8[%swap3A_604, %swap3A_605], %add3A_603 {strides = array<i32>} : memref<32x768xf32, #tpu.memory_space<vmem>>, vector<16xf32>,
      %get3A_607 = arith.index_cast %scan3A_89 : i32 to index
      %get3A_608 = arith.constant 592 : index
      %get3A_609 = tpu.vector_load %arg8[%get3A_607, %get3A_608] {strides = array<i32>} : memref<32x768xf32, #tpu.memory_space<vmem>>, vector<16xf32>,
      %get3A_610 = arith.index_cast %scan3A_89 : i32 to index
      %get3A_611 = arith.constant 592 : index
      %get3A_612 = tpu.vector_load %arg9[%get3A_610, %get3A_611] {strides = array<i32>} : memref<32x768xf32, #tpu.memory_space<vmem>>, vector<16xf32>,
      %add3A_613 = arith.addf %get3A_609, %get3A_612 : vector<16xf32>
      %get3A_614 = arith.index_cast %scan3A_89 : i32 to index
      %get3A_615 = arith.constant 592 : index
      %get3A_616 = tpu.vector_load %arg10[%get3A_614, %get3A_615] {strides = array<i32>} : memref<32x768xf32, #tpu.memory_space<vmem>>, vector<16xf32>,
      %add3A_617 = arith.addf %add3A_613, %get3A_616 : vector<16xf32>
      %swap3A_618 = arith.index_cast %scan3A_89 : i32 to index
      %swap3A_619 = arith.constant 592 : index
      %swap3A_620 = tpu.vector_load %arg8[%swap3A_618, %swap3A_619] {strides = array<i32>} : memref<32x768xf32, #tpu.memory_space<vmem>>, vector<16xf32>,
      tpu.vector_store %arg8[%swap3A_618, %swap3A_619], %add3A_617 {strides = array<i32>} : memref<32x768xf32, #tpu.memory_space<vmem>>, vector<16xf32>,
      %get3A_621 = arith.index_cast %scan3A_89 : i32 to index
      %get3A_622 = arith.constant 608 : index
      %get3A_623 = tpu.vector_load %arg8[%get3A_621, %get3A_622] {strides = array<i32>} : memref<32x768xf32, #tpu.memory_space<vmem>>, vector<16xf32>,
      %get3A_624 = arith.index_cast %scan3A_89 : i32 to index
      %get3A_625 = arith.constant 608 : index
      %get3A_626 = tpu.vector_load %arg9[%get3A_624, %get3A_625] {strides = array<i32>} : memref<32x768xf32, #tpu.memory_space<vmem>>, vector<16xf32>,
      %add3A_627 = arith.addf %get3A_623, %get3A_626 : vector<16xf32>
      %get3A_628 = arith.index_cast %scan3A_89 : i32 to index
      %get3A_629 = arith.constant 608 : index
      %get3A_630 = tpu.vector_load %arg10[%get3A_628, %get3A_629] {strides = array<i32>} : memref<32x768xf32, #tpu.memory_space<vmem>>, vector<16xf32>,
      %add3A_631 = arith.addf %add3A_627, %get3A_630 : vector<16xf32>
      %swap3A_632 = arith.index_cast %scan3A_89 : i32 to index
      %swap3A_633 = arith.constant 608 : index
      %swap3A_634 = tpu.vector_load %arg8[%swap3A_632, %swap3A_633] {strides = array<i32>} : memref<32x768xf32, #tpu.memory_space<vmem>>, vector<16xf32>,
      tpu.vector_store %arg8[%swap3A_632, %swap3A_633], %add3A_631 {strides = array<i32>} : memref<32x768xf32, #tpu.memory_space<vmem>>, vector<16xf32>,
      %get3A_635 = arith.index_cast %scan3A_89 : i32 to index
      %get3A_636 = arith.constant 624 : index
      %get3A_637 = tpu.vector_load %arg8[%get3A_635, %get3A_636] {strides = array<i32>} : memref<32x768xf32, #tpu.memory_space<vmem>>, vector<16xf32>,
      %get3A_638 = arith.index_cast %scan3A_89 : i32 to index
      %get3A_639 = arith.constant 624 : index
      %get3A_640 = tpu.vector_load %arg9[%get3A_638, %get3A_639] {strides = array<i32>} : memref<32x768xf32, #tpu.memory_space<vmem>>, vector<16xf32>,
      %add3A_641 = arith.addf %get3A_637, %get3A_640 : vector<16xf32>
      %get3A_642 = arith.index_cast %scan3A_89 : i32 to index
      %get3A_643 = arith.constant 624 : index
      %get3A_644 = tpu.vector_load %arg10[%get3A_642, %get3A_643] {strides = array<i32>} : memref<32x768xf32, #tpu.memory_space<vmem>>, vector<16xf32>,
      %add3A_645 = arith.addf %add3A_641, %get3A_644 : vector<16xf32>
      %swap3A_646 = arith.index_cast %scan3A_89 : i32 to index
      %swap3A_647 = arith.constant 624 : index
      %swap3A_648 = tpu.vector_load %arg8[%swap3A_646, %swap3A_647] {strides = array<i32>} : memref<32x768xf32, #tpu.memory_space<vmem>>, vector<16xf32>,
      tpu.vector_store %arg8[%swap3A_646, %swap3A_647], %add3A_645 {strides = array<i32>} : memref<32x768xf32, #tpu.memory_space<vmem>>, vector<16xf32>,
      %get3A_649 = arith.index_cast %scan3A_89 : i32 to index
      %get3A_650 = arith.constant 640 : index
      %get3A_651 = tpu.vector_load %arg8[%get3A_649, %get3A_650] {strides = array<i32>} : memref<32x768xf32, #tpu.memory_space<vmem>>, vector<16xf32>,
      %get3A_652 = arith.index_cast %scan3A_89 : i32 to index
      %get3A_653 = arith.constant 640 : index
      %get3A_654 = tpu.vector_load %arg9[%get3A_652, %get3A_653] {strides = array<i32>} : memref<32x768xf32, #tpu.memory_space<vmem>>, vector<16xf32>,
      %add3A_655 = arith.addf %get3A_651, %get3A_654 : vector<16xf32>
      %get3A_656 = arith.index_cast %scan3A_89 : i32 to index
      %get3A_657 = arith.constant 640 : index
      %get3A_658 = tpu.vector_load %arg10[%get3A_656, %get3A_657] {strides = array<i32>} : memref<32x768xf32, #tpu.memory_space<vmem>>, vector<16xf32>,
      %add3A_659 = arith.addf %add3A_655, %get3A_658 : vector<16xf32>
      %swap3A_660 = arith.index_cast %scan3A_89 : i32 to index
      %swap3A_661 = arith.constant 640 : index
      %swap3A_662 = tpu.vector_load %arg8[%swap3A_660, %swap3A_661] {strides = array<i32>} : memref<32x768xf32, #tpu.memory_space<vmem>>, vector<16xf32>,
      tpu.vector_store %arg8[%swap3A_660, %swap3A_661], %add3A_659 {strides = array<i32>} : memref<32x768xf32, #tpu.memory_space<vmem>>, vector<16xf32>,
      %get3A_663 = arith.index_cast %scan3A_89 : i32 to index
      %get3A_664 = arith.constant 656 : index
      %get3A_665 = tpu.vector_load %arg8[%get3A_663, %get3A_664] {strides = array<i32>} : memref<32x768xf32, #tpu.memory_space<vmem>>, vector<16xf32>,
      %get3A_666 = arith.index_cast %scan3A_89 : i32 to index
      %get3A_667 = arith.constant 656 : index
      %get3A_668 = tpu.vector_load %arg9[%get3A_666, %get3A_667] {strides = array<i32>} : memref<32x768xf32, #tpu.memory_space<vmem>>, vector<16xf32>,
      %add3A_669 = arith.addf %get3A_665, %get3A_668 : vector<16xf32>
      %get3A_670 = arith.index_cast %scan3A_89 : i32 to index
      %get3A_671 = arith.constant 656 : index
      %get3A_672 = tpu.vector_load %arg10[%get3A_670, %get3A_671] {strides = array<i32>} : memref<32x768xf32, #tpu.memory_space<vmem>>, vector<16xf32>,
      %add3A_673 = arith.addf %add3A_669, %get3A_672 : vector<16xf32>
      %swap3A_674 = arith.index_cast %scan3A_89 : i32 to index
      %swap3A_675 = arith.constant 656 : index
      %swap3A_676 = tpu.vector_load %arg8[%swap3A_674, %swap3A_675] {strides = array<i32>} : memref<32x768xf32, #tpu.memory_space<vmem>>, vector<16xf32>,
      tpu.vector_store %arg8[%swap3A_674, %swap3A_675], %add3A_673 {strides = array<i32>} : memref<32x768xf32, #tpu.memory_space<vmem>>, vector<16xf32>,
      %get3A_677 = arith.index_cast %scan3A_89 : i32 to index
      %get3A_678 = arith.constant 672 : index
      %get3A_679 = tpu.vector_load %arg8[%get3A_677, %get3A_678] {strides = array<i32>} : memref<32x768xf32, #tpu.memory_space<vmem>>, vector<16xf32>,
      %get3A_680 = arith.index_cast %scan3A_89 : i32 to index
      %get3A_681 = arith.constant 672 : index
      %get3A_682 = tpu.vector_load %arg9[%get3A_680, %get3A_681] {strides = array<i32>} : memref<32x768xf32, #tpu.memory_space<vmem>>, vector<16xf32>,
      %add3A_683 = arith.addf %get3A_679, %get3A_682 : vector<16xf32>
      %get3A_684 = arith.index_cast %scan3A_89 : i32 to index
      %get3A_685 = arith.constant 672 : index
      %get3A_686 = tpu.vector_load %arg10[%get3A_684, %get3A_685] {strides = array<i32>} : memref<32x768xf32, #tpu.memory_space<vmem>>, vector<16xf32>,
      %add3A_687 = arith.addf %add3A_683, %get3A_686 : vector<16xf32>
      %swap3A_688 = arith.index_cast %scan3A_89 : i32 to index
      %swap3A_689 = arith.constant 672 : index
      %swap3A_690 = tpu.vector_load %arg8[%swap3A_688, %swap3A_689] {strides = array<i32>} : memref<32x768xf32, #tpu.memory_space<vmem>>, vector<16xf32>,
      tpu.vector_store %arg8[%swap3A_688, %swap3A_689], %add3A_687 {strides = array<i32>} : memref<32x768xf32, #tpu.memory_space<vmem>>, vector<16xf32>,
      %get3A_691 = arith.index_cast %scan3A_89 : i32 to index
      %get3A_692 = arith.constant 688 : index
      %get3A_693 = tpu.vector_load %arg8[%get3A_691, %get3A_692] {strides = array<i32>} : memref<32x768xf32, #tpu.memory_space<vmem>>, vector<16xf32>,
      %get3A_694 = arith.index_cast %scan3A_89 : i32 to index
      %get3A_695 = arith.constant 688 : index
      %get3A_696 = tpu.vector_load %arg9[%get3A_694, %get3A_695] {strides = array<i32>} : memref<32x768xf32, #tpu.memory_space<vmem>>, vector<16xf32>,
      %add3A_697 = arith.addf %get3A_693, %get3A_696 : vector<16xf32>
      %get3A_698 = arith.index_cast %scan3A_89 : i32 to index
      %get3A_699 = arith.constant 688 : index
      %get3A_700 = tpu.vector_load %arg10[%get3A_698, %get3A_699] {strides = array<i32>} : memref<32x768xf32, #tpu.memory_space<vmem>>, vector<16xf32>,
      %add3A_701 = arith.addf %add3A_697, %get3A_700 : vector<16xf32>
      %swap3A_702 = arith.index_cast %scan3A_89 : i32 to index
      %swap3A_703 = arith.constant 688 : index
      %swap3A_704 = tpu.vector_load %arg8[%swap3A_702, %swap3A_703] {strides = array<i32>} : memref<32x768xf32, #tpu.memory_space<vmem>>, vector<16xf32>,
      tpu.vector_store %arg8[%swap3A_702, %swap3A_703], %add3A_701 {strides = array<i32>} : memref<32x768xf32, #tpu.memory_space<vmem>>, vector<16xf32>,
      %get3A_705 = arith.index_cast %scan3A_89 : i32 to index
      %get3A_706 = arith.constant 704 : index
      %get3A_707 = tpu.vector_load %arg8[%get3A_705, %get3A_706] {strides = array<i32>} : memref<32x768xf32, #tpu.memory_space<vmem>>, vector<16xf32>,
      %get3A_708 = arith.index_cast %scan3A_89 : i32 to index
      %get3A_709 = arith.constant 704 : index
      %get3A_710 = tpu.vector_load %arg9[%get3A_708, %get3A_709] {strides = array<i32>} : memref<32x768xf32, #tpu.memory_space<vmem>>, vector<16xf32>,
      %add3A_711 = arith.addf %get3A_707, %get3A_710 : vector<16xf32>
      %get3A_712 = arith.index_cast %scan3A_89 : i32 to index
      %get3A_713 = arith.constant 704 : index
      %get3A_714 = tpu.vector_load %arg10[%get3A_712, %get3A_713] {strides = array<i32>} : memref<32x768xf32, #tpu.memory_space<vmem>>, vector<16xf32>,
      %add3A_715 = arith.addf %add3A_711, %get3A_714 : vector<16xf32>
      %swap3A_716 = arith.index_cast %scan3A_89 : i32 to index
      %swap3A_717 = arith.constant 704 : index
      %swap3A_718 = tpu.vector_load %arg8[%swap3A_716, %swap3A_717] {strides = array<i32>} : memref<32x768xf32, #tpu.memory_space<vmem>>, vector<16xf32>,
      tpu.vector_store %arg8[%swap3A_716, %swap3A_717], %add3A_715 {strides = array<i32>} : memref<32x768xf32, #tpu.memory_space<vmem>>, vector<16xf32>,
      %get3A_719 = arith.index_cast %scan3A_89 : i32 to index
      %get3A_720 = arith.constant 720 : index
      %get3A_721 = tpu.vector_load %arg8[%get3A_719, %get3A_720] {strides = array<i32>} : memref<32x768xf32, #tpu.memory_space<vmem>>, vector<16xf32>,
      %get3A_722 = arith.index_cast %scan3A_89 : i32 to index
      %get3A_723 = arith.constant 720 : index
      %get3A_724 = tpu.vector_load %arg9[%get3A_722, %get3A_723] {strides = array<i32>} : memref<32x768xf32, #tpu.memory_space<vmem>>, vector<16xf32>,
      %add3A_725 = arith.addf %get3A_721, %get3A_724 : vector<16xf32>
      %get3A_726 = arith.index_cast %scan3A_89 : i32 to index
      %get3A_727 = arith.constant 720 : index
      %get3A_728 = tpu.vector_load %arg10[%get3A_726, %get3A_727] {strides = array<i32>} : memref<32x768xf32, #tpu.memory_space<vmem>>, vector<16xf32>,
      %add3A_729 = arith.addf %add3A_725, %get3A_728 : vector<16xf32>
      %swap3A_730 = arith.index_cast %scan3A_89 : i32 to index
      %swap3A_731 = arith.constant 720 : index
      %swap3A_732 = tpu.vector_load %arg8[%swap3A_730, %swap3A_731] {strides = array<i32>} : memref<32x768xf32, #tpu.memory_space<vmem>>, vector<16xf32>,
      tpu.vector_store %arg8[%swap3A_730, %swap3A_731], %add3A_729 {strides = array<i32>} : memref<32x768xf32, #tpu.memory_space<vmem>>, vector<16xf32>,
      %get3A_733 = arith.index_cast %scan3A_89 : i32 to index
      %get3A_734 = arith.constant 736 : index
      %get3A_735 = tpu.vector_load %arg8[%get3A_733, %get3A_734] {strides = array<i32>} : memref<32x768xf32, #tpu.memory_space<vmem>>, vector<16xf32>,
      %get3A_736 = arith.index_cast %scan3A_89 : i32 to index
      %get3A_737 = arith.constant 736 : index
      %get3A_738 = tpu.vector_load %arg9[%get3A_736, %get3A_737] {strides = array<i32>} : memref<32x768xf32, #tpu.memory_space<vmem>>, vector<16xf32>,
      %add3A_739 = arith.addf %get3A_735, %get3A_738 : vector<16xf32>
      %get3A_740 = arith.index_cast %scan3A_89 : i32 to index
      %get3A_741 = arith.constant 736 : index
      %get3A_742 = tpu.vector_load %arg10[%get3A_740, %get3A_741] {strides = array<i32>} : memref<32x768xf32, #tpu.memory_space<vmem>>, vector<16xf32>,
      %add3A_743 = arith.addf %add3A_739, %get3A_742 : vector<16xf32>
      %swap3A_744 = arith.index_cast %scan3A_89 : i32 to index
      %swap3A_745 = arith.constant 736 : index
      %swap3A_746 = tpu.vector_load %arg8[%swap3A_744, %swap3A_745] {strides = array<i32>} : memref<32x768xf32, #tpu.memory_space<vmem>>, vector<16xf32>,
      tpu.vector_store %arg8[%swap3A_744, %swap3A_745], %add3A_743 {strides = array<i32>} : memref<32x768xf32, #tpu.memory_space<vmem>>, vector<16xf32>,
      %get3A_747 = arith.index_cast %scan3A_89 : i32 to index
      %get3A_748 = arith.constant 752 : index
      %get3A_749 = tpu.vector_load %arg8[%get3A_747, %get3A_748] {strides = array<i32>} : memref<32x768xf32, #tpu.memory_space<vmem>>, vector<16xf32>,
      %get3A_750 = arith.index_cast %scan3A_89 : i32 to index
      %get3A_751 = arith.constant 752 : index
      %get3A_752 = tpu.vector_load %arg9[%get3A_750, %get3A_751] {strides = array<i32>} : memref<32x768xf32, #tpu.memory_space<vmem>>, vector<16xf32>,
      %add3A_753 = arith.addf %get3A_749, %get3A_752 : vector<16xf32>
      %get3A_754 = arith.index_cast %scan3A_89 : i32 to index
      %get3A_755 = arith.constant 752 : index
      %get3A_756 = tpu.vector_load %arg10[%get3A_754, %get3A_755] {strides = array<i32>} : memref<32x768xf32, #tpu.memory_space<vmem>>, vector<16xf32>,
      %add3A_757 = arith.addf %add3A_753, %get3A_756 : vector<16xf32>
      %swap3A_758 = arith.index_cast %scan3A_89 : i32 to index
      %swap3A_759 = arith.constant 752 : index
      %swap3A_760 = tpu.vector_load %arg8[%swap3A_758, %swap3A_759] {strides = array<i32>} : memref<32x768xf32, #tpu.memory_space<vmem>>, vector<16xf32>,
      tpu.vector_store %arg8[%swap3A_758, %swap3A_759], %add3A_757 {strides = array<i32>} : memref<32x768xf32, #tpu.memory_space<vmem>>, vector<16xf32>,
      %scan3A_761 = arith.constant 0 : i32
      scf.yield %scan3A_761 : i32
    }
    %scan3A_41 = arith.constant 32 : i32
    %mul3A_42 = arith.constant 64 : i32
    %mul3A_43 = arith.muli %add3A, %mul3A_42 : i32
    %add3A_44 = arith.constant 0 : i32
    %add3A_45 = arith.addi %mul3A_43, %add3A_44 : i32
    "tpu.region"() ({
      %run_scoped3A_89 = tpu.sem_alloc : memref<!tpu.dma_semaphore, #tpu.memory_space<semaphore_mem>>
      %dma_start3A_90 = arith.constant 0 : i32
      %dma_start3A_91 = tpu.memref_slice %arg5[%add3A_45, %dma_start3A_90] : memref<2048x768xf32, #tpu.memory_space<hbm>> -> memref<32x768xf32, #tpu.memory_space<hbm>>
      %dma_start3A_92 = arith.constant 0 : i32
      %dma_start3A_93 = tpu.memref_slice %arg5[%add3A_45, %dma_start3A_92] : memref<2048x768xf32, #tpu.memory_space<hbm>> -> memref<32x768xf32, #tpu.memory_space<hbm>>
      tpu.enqueue_dma source(%arg8 : memref<32x768xf32, #tpu.memory_space<vmem>>) target(%dma_start3A_93 : memref<32x768xf32, #tpu.memory_space<hbm>>) target_semaphore(%run_scoped3A_89 : memref<!tpu.dma_semaphore, #tpu.memory_space<semaphore_mem>>)
      %dma_wait3A_94 = arith.constant 0 : i32
      %dma_wait3A_95 = tpu.memref_slice %arg5[%add3A_45, %dma_wait3A_94] : memref<2048x768xf32, #tpu.memory_space<hbm>> -> memref<32x768xf32, #tpu.memory_space<hbm>>
      %dma_wait3A_96 = arith.constant 0 : i32
      %dma_wait3A_97 = tpu.memref_slice %arg5[%add3A_45, %dma_wait3A_96] : memref<2048x768xf32, #tpu.memory_space<hbm>> -> memref<32x768xf32, #tpu.memory_space<hbm>>
      tpu.wait_dma2 semaphore(%run_scoped3A_89 : memref<!tpu.dma_semaphore, #tpu.memory_space<semaphore_mem>>) src(%arg8 : memref<32x768xf32, #tpu.memory_space<vmem>>) dst(%dma_wait3A_97 : memref<32x768xf32, #tpu.memory_space<hbm>>)
      tpu.yield
    }) : () -> ()
    %dma_start3A_46 = arith.constant 32 : i32
    %dma_start3A_47 = tpu.memref_slice %arg6[%dma_start3A_46] : memref<64xi32, #tpu.memory_space<vmem>> -> memref<32xi32, #tpu.memory_space<vmem>>
    %dma_start3A_48 = arith.constant 0 : i32
    %dma_start3A_49 = arith.constant 0 : i32
    %dma_start3A_50 = tpu.memref_slice %arg2[%dma_start3A_48, %dma_start3A_49] : memref<5120x768xf32, #tpu.memory_space<hbm>> -> memref<5120x768xf32, #tpu.memory_space<hbm>>
    tpu.enqueue_indirect_dma source(%dma_start3A_50 : memref<5120x768xf32, #tpu.memory_space<hbm>>) target(%arg8 : memref<32x768xf32, #tpu.memory_space<vmem>>) offsets(%dma_start3A_47 : memref<32xi32, #tpu.memory_space<vmem>>) semaphore(%arg11 : memref<!tpu.dma_semaphore, #tpu.memory_space<semaphore_mem>>)
    %dma_start3A_51 = arith.constant 32 : i32
    %dma_start3A_52 = tpu.memref_slice %arg7[%dma_start3A_51] : memref<64xi32, #tpu.memory_space<vmem>> -> memref<32xi32, #tpu.memory_space<vmem>>
    %dma_start3A_53 = arith.constant 0 : i32
    %dma_start3A_54 = arith.constant 0 : i32
    %dma_start3A_55 = tpu.memref_slice %arg2[%dma_start3A_53, %dma_start3A_54] : memref<5120x768xf32, #tpu.memory_space<hbm>> -> memref<5120x768xf32, #tpu.memory_space<hbm>>
    tpu.enqueue_indirect_dma source(%dma_start3A_55 : memref<5120x768xf32, #tpu.memory_space<hbm>>) target(%arg9 : memref<32x768xf32, #tpu.memory_space<vmem>>) offsets(%dma_start3A_52 : memref<32xi32, #tpu.memory_space<vmem>>) semaphore(%arg12 : memref<!tpu.dma_semaphore, #tpu.memory_space<semaphore_mem>>)
    %mul3A_56 = arith.constant 64 : i32
    %mul3A_57 = arith.muli %add3A, %mul3A_56 : i32
    %add3A_58 = arith.constant 32 : i32
    %add3A_59 = arith.addi %mul3A_57, %add3A_58 : i32
    %dma_start3A_60 = arith.constant 0 : i32
    %dma_start3A_61 = tpu.memref_slice %arg4[%add3A_59, %dma_start3A_60] : memref<2048x768xf32, #tpu.memory_space<hbm>> -> memref<32x768xf32, #tpu.memory_space<hbm>>
    %dma_start3A_62 = arith.constant 0 : i32
    %dma_start3A_63 = tpu.memref_slice %arg4[%add3A_59, %dma_start3A_62] : memref<2048x768xf32, #tpu.memory_space<hbm>> -> memref<32x768xf32, #tpu.memory_space<hbm>>
    tpu.enqueue_dma source(%dma_start3A_63 : memref<32x768xf32, #tpu.memory_space<hbm>>) target(%arg10 : memref<32x768xf32, #tpu.memory_space<vmem>>) target_semaphore(%arg13 : memref<!tpu.dma_semaphore, #tpu.memory_space<semaphore_mem>>)
    %dma_wait3A_64 = arith.constant 32 : i32
    %dma_wait3A_65 = tpu.memref_slice %arg6[%dma_wait3A_64] : memref<64xi32, #tpu.memory_space<vmem>> -> memref<32xi32, #tpu.memory_space<vmem>>
    %dma_wait3A_66 = arith.constant 0 : i32
    %dma_wait3A_67 = arith.constant 0 : i32
    %dma_wait3A_68 = tpu.memref_slice %arg2[%dma_wait3A_66, %dma_wait3A_67] : memref<5120x768xf32, #tpu.memory_space<hbm>> -> memref<5120x768xf32, #tpu.memory_space<hbm>>
    tpu.wait_indirect_dma semaphore(%arg11 : memref<!tpu.dma_semaphore, #tpu.memory_space<semaphore_mem>>) src(%dma_wait3A_68 : memref<5120x768xf32, #tpu.memory_space<hbm>>) dst(%arg8 : memref<32x768xf32, #tpu.memory_space<vmem>>)
    %dma_wait3A_69 = arith.constant 32 : i32
    %dma_wait3A_70 = tpu.memref_slice %arg7[%dma_wait3A_69] : memref<64xi32, #tpu.memory_space<vmem>> -> memref<32xi32, #tpu.memory_space<vmem>>
    %dma_wait3A_71 = arith.constant 0 : i32
    %dma_wait3A_72 = arith.constant 0 : i32
    %dma_wait3A_73 = tpu.memref_slice %arg2[%dma_wait3A_71, %dma_wait3A_72] : memref<5120x768xf32, #tpu.memory_space<hbm>> -> memref<5120x768xf32, #tpu.memory_space<hbm>>
    tpu.wait_indirect_dma semaphore(%arg12 : memref<!tpu.dma_semaphore, #tpu.memory_space<semaphore_mem>>) src(%dma_wait3A_73 : memref<5120x768xf32, #tpu.memory_space<hbm>>) dst(%arg9 : memref<32x768xf32, #tpu.memory_space<vmem>>)
    %dma_wait3A_74 = arith.constant 0 : i32
    %dma_wait3A_75 = tpu.memref_slice %arg4[%add3A_59, %dma_wait3A_74] : memref<2048x768xf32, #tpu.memory_space<hbm>> -> memref<32x768xf32, #tpu.memory_space<hbm>>
    %dma_wait3A_76 = arith.constant 0 : i32
    %dma_wait3A_77 = tpu.memref_slice %arg4[%add3A_59, %dma_wait3A_76] : memref<2048x768xf32, #tpu.memory_space<hbm>> -> memref<32x768xf32, #tpu.memory_space<hbm>>
    tpu.wait_dma2 semaphore(%arg13 : memref<!tpu.dma_semaphore, #tpu.memory_space<semaphore_mem>>) src(%dma_wait3A_77 : memref<32x768xf32, #tpu.memory_space<hbm>>) dst(%arg10 : memref<32x768xf32, #tpu.memory_space<vmem>>)
    %scan3A_78 = arith.constant 0 : i32
    %scan3A_79 = arith.constant 0 : i32
    %scan3A_80 = arith.constant 32 : i32
    %scan3A_81 = arith.addi %scan3A_79, %scan3A_80 : i32
    %scan3A_82 = arith.constant 1 : i32
    %scan3A_83 = scf.for %scan3A_89 = %scan3A_79 to %scan3A_81 step %scan3A_82 iter_args(%scan3A_90 = %scan3A_78) -> (i32)  : i32 {
      %get3A = arith.index_cast %scan3A_89 : i32 to index
      %get3A_91 = arith.constant 0 : index
      %get3A_92 = tpu.vector_load %arg8[%get3A, %get3A_91] {strides = array<i32>} : memref<32x768xf32, #tpu.memory_space<vmem>>, vector<16xf32>,
      %get3A_93 = arith.index_cast %scan3A_89 : i32 to index
      %get3A_94 = arith.constant 0 : index
      %get3A_95 = tpu.vector_load %arg9[%get3A_93, %get3A_94] {strides = array<i32>} : memref<32x768xf32, #tpu.memory_space<vmem>>, vector<16xf32>,
      %add3A_96 = arith.addf %get3A_92, %get3A_95 : vector<16xf32>
      %get3A_97 = arith.index_cast %scan3A_89 : i32 to index
      %get3A_98 = arith.constant 0 : index
      %get3A_99 = tpu.vector_load %arg10[%get3A_97, %get3A_98] {strides = array<i32>} : memref<32x768xf32, #tpu.memory_space<vmem>>, vector<16xf32>,
      %add3A_100 = arith.addf %add3A_96, %get3A_99 : vector<16xf32>
      %swap3A = arith.index_cast %scan3A_89 : i32 to index
      %swap3A_101 = arith.constant 0 : index
      %swap3A_102 = tpu.vector_load %arg8[%swap3A, %swap3A_101] {strides = array<i32>} : memref<32x768xf32, #tpu.memory_space<vmem>>, vector<16xf32>,
      tpu.vector_store %arg8[%swap3A, %swap3A_101], %add3A_100 {strides = array<i32>} : memref<32x768xf32, #tpu.memory_space<vmem>>, vector<16xf32>,
      %get3A_103 = arith.index_cast %scan3A_89 : i32 to index
      %get3A_104 = arith.constant 16 : index
      %get3A_105 = tpu.vector_load %arg8[%get3A_103, %get3A_104] {strides = array<i32>} : memref<32x768xf32, #tpu.memory_space<vmem>>, vector<16xf32>,
      %get3A_106 = arith.index_cast %scan3A_89 : i32 to index
      %get3A_107 = arith.constant 16 : index
      %get3A_108 = tpu.vector_load %arg9[%get3A_106, %get3A_107] {strides = array<i32>} : memref<32x768xf32, #tpu.memory_space<vmem>>, vector<16xf32>,
      %add3A_109 = arith.addf %get3A_105, %get3A_108 : vector<16xf32>
      %get3A_110 = arith.index_cast %scan3A_89 : i32 to index
      %get3A_111 = arith.constant 16 : index
      %get3A_112 = tpu.vector_load %arg10[%get3A_110, %get3A_111] {strides = array<i32>} : memref<32x768xf32, #tpu.memory_space<vmem>>, vector<16xf32>,
      %add3A_113 = arith.addf %add3A_109, %get3A_112 : vector<16xf32>
      %swap3A_114 = arith.index_cast %scan3A_89 : i32 to index
      %swap3A_115 = arith.constant 16 : index
      %swap3A_116 = tpu.vector_load %arg8[%swap3A_114, %swap3A_115] {strides = array<i32>} : memref<32x768xf32, #tpu.memory_space<vmem>>, vector<16xf32>,
      tpu.vector_store %arg8[%swap3A_114, %swap3A_115], %add3A_113 {strides = array<i32>} : memref<32x768xf32, #tpu.memory_space<vmem>>, vector<16xf32>,
      %get3A_117 = arith.index_cast %scan3A_89 : i32 to index
      %get3A_118 = arith.constant 32 : index
      %get3A_119 = tpu.vector_load %arg8[%get3A_117, %get3A_118] {strides = array<i32>} : memref<32x768xf32, #tpu.memory_space<vmem>>, vector<16xf32>,
      %get3A_120 = arith.index_cast %scan3A_89 : i32 to index
      %get3A_121 = arith.constant 32 : index
      %get3A_122 = tpu.vector_load %arg9[%get3A_120, %get3A_121] {strides = array<i32>} : memref<32x768xf32, #tpu.memory_space<vmem>>, vector<16xf32>,
      %add3A_123 = arith.addf %get3A_119, %get3A_122 : vector<16xf32>
      %get3A_124 = arith.index_cast %scan3A_89 : i32 to index
      %get3A_125 = arith.constant 32 : index
      %get3A_126 = tpu.vector_load %arg10[%get3A_124, %get3A_125] {strides = array<i32>} : memref<32x768xf32, #tpu.memory_space<vmem>>, vector<16xf32>,
      %add3A_127 = arith.addf %add3A_123, %get3A_126 : vector<16xf32>
      %swap3A_128 = arith.index_cast %scan3A_89 : i32 to index
      %swap3A_129 = arith.constant 32 : index
      %swap3A_130 = tpu.vector_load %arg8[%swap3A_128, %swap3A_129] {strides = array<i32>} : memref<32x768xf32, #tpu.memory_space<vmem>>, vector<16xf32>,
      tpu.vector_store %arg8[%swap3A_128, %swap3A_129], %add3A_127 {strides = array<i32>} : memref<32x768xf32, #tpu.memory_space<vmem>>, vector<16xf32>,
      %get3A_131 = arith.index_cast %scan3A_89 : i32 to index
      %get3A_132 = arith.constant 48 : index
      %get3A_133 = tpu.vector_load %arg8[%get3A_131, %get3A_132] {strides = array<i32>} : memref<32x768xf32, #tpu.memory_space<vmem>>, vector<16xf32>,
      %get3A_134 = arith.index_cast %scan3A_89 : i32 to index
      %get3A_135 = arith.constant 48 : index
      %get3A_136 = tpu.vector_load %arg9[%get3A_134, %get3A_135] {strides = array<i32>} : memref<32x768xf32, #tpu.memory_space<vmem>>, vector<16xf32>,
      %add3A_137 = arith.addf %get3A_133, %get3A_136 : vector<16xf32>
      %get3A_138 = arith.index_cast %scan3A_89 : i32 to index
      %get3A_139 = arith.constant 48 : index
      %get3A_140 = tpu.vector_load %arg10[%get3A_138, %get3A_139] {strides = array<i32>} : memref<32x768xf32, #tpu.memory_space<vmem>>, vector<16xf32>,
      %add3A_141 = arith.addf %add3A_137, %get3A_140 : vector<16xf32>
      %swap3A_142 = arith.index_cast %scan3A_89 : i32 to index
      %swap3A_143 = arith.constant 48 : index
      %swap3A_144 = tpu.vector_load %arg8[%swap3A_142, %swap3A_143] {strides = array<i32>} : memref<32x768xf32, #tpu.memory_space<vmem>>, vector<16xf32>,
      tpu.vector_store %arg8[%swap3A_142, %swap3A_143], %add3A_141 {strides = array<i32>} : memref<32x768xf32, #tpu.memory_space<vmem>>, vector<16xf32>,
      %get3A_145 = arith.index_cast %scan3A_89 : i32 to index
      %get3A_146 = arith.constant 64 : index
      %get3A_147 = tpu.vector_load %arg8[%get3A_145, %get3A_146] {strides = array<i32>} : memref<32x768xf32, #tpu.memory_space<vmem>>, vector<16xf32>,
      %get3A_148 = arith.index_cast %scan3A_89 : i32 to index
      %get3A_149 = arith.constant 64 : index
      %get3A_150 = tpu.vector_load %arg9[%get3A_148, %get3A_149] {strides = array<i32>} : memref<32x768xf32, #tpu.memory_space<vmem>>, vector<16xf32>,
      %add3A_151 = arith.addf %get3A_147, %get3A_150 : vector<16xf32>
      %get3A_152 = arith.index_cast %scan3A_89 : i32 to index
      %get3A_153 = arith.constant 64 : index
      %get3A_154 = tpu.vector_load %arg10[%get3A_152, %get3A_153] {strides = array<i32>} : memref<32x768xf32, #tpu.memory_space<vmem>>, vector<16xf32>,
      %add3A_155 = arith.addf %add3A_151, %get3A_154 : vector<16xf32>
      %swap3A_156 = arith.index_cast %scan3A_89 : i32 to index
      %swap3A_157 = arith.constant 64 : index
      %swap3A_158 = tpu.vector_load %arg8[%swap3A_156, %swap3A_157] {strides = array<i32>} : memref<32x768xf32, #tpu.memory_space<vmem>>, vector<16xf32>,
      tpu.vector_store %arg8[%swap3A_156, %swap3A_157], %add3A_155 {strides = array<i32>} : memref<32x768xf32, #tpu.memory_space<vmem>>, vector<16xf32>,
      %get3A_159 = arith.index_cast %scan3A_89 : i32 to index
      %get3A_160 = arith.constant 80 : index
      %get3A_161 = tpu.vector_load %arg8[%get3A_159, %get3A_160] {strides = array<i32>} : memref<32x768xf32, #tpu.memory_space<vmem>>, vector<16xf32>,
      %get3A_162 = arith.index_cast %scan3A_89 : i32 to index
      %get3A_163 = arith.constant 80 : index
      %get3A_164 = tpu.vector_load %arg9[%get3A_162, %get3A_163] {strides = array<i32>} : memref<32x768xf32, #tpu.memory_space<vmem>>, vector<16xf32>,
      %add3A_165 = arith.addf %get3A_161, %get3A_164 : vector<16xf32>
      %get3A_166 = arith.index_cast %scan3A_89 : i32 to index
      %get3A_167 = arith.constant 80 : index
      %get3A_168 = tpu.vector_load %arg10[%get3A_166, %get3A_167] {strides = array<i32>} : memref<32x768xf32, #tpu.memory_space<vmem>>, vector<16xf32>,
      %add3A_169 = arith.addf %add3A_165, %get3A_168 : vector<16xf32>
      %swap3A_170 = arith.index_cast %scan3A_89 : i32 to index
      %swap3A_171 = arith.constant 80 : index
      %swap3A_172 = tpu.vector_load %arg8[%swap3A_170, %swap3A_171] {strides = array<i32>} : memref<32x768xf32, #tpu.memory_space<vmem>>, vector<16xf32>,
      tpu.vector_store %arg8[%swap3A_170, %swap3A_171], %add3A_169 {strides = array<i32>} : memref<32x768xf32, #tpu.memory_space<vmem>>, vector<16xf32>,
      %get3A_173 = arith.index_cast %scan3A_89 : i32 to index
      %get3A_174 = arith.constant 96 : index
      %get3A_175 = tpu.vector_load %arg8[%get3A_173, %get3A_174] {strides = array<i32>} : memref<32x768xf32, #tpu.memory_space<vmem>>, vector<16xf32>,
      %get3A_176 = arith.index_cast %scan3A_89 : i32 to index
      %get3A_177 = arith.constant 96 : index
      %get3A_178 = tpu.vector_load %arg9[%get3A_176, %get3A_177] {strides = array<i32>} : memref<32x768xf32, #tpu.memory_space<vmem>>, vector<16xf32>,
      %add3A_179 = arith.addf %get3A_175, %get3A_178 : vector<16xf32>
      %get3A_180 = arith.index_cast %scan3A_89 : i32 to index
      %get3A_181 = arith.constant 96 : index
      %get3A_182 = tpu.vector_load %arg10[%get3A_180, %get3A_181] {strides = array<i32>} : memref<32x768xf32, #tpu.memory_space<vmem>>, vector<16xf32>,
      %add3A_183 = arith.addf %add3A_179, %get3A_182 : vector<16xf32>
      %swap3A_184 = arith.index_cast %scan3A_89 : i32 to index
      %swap3A_185 = arith.constant 96 : index
      %swap3A_186 = tpu.vector_load %arg8[%swap3A_184, %swap3A_185] {strides = array<i32>} : memref<32x768xf32, #tpu.memory_space<vmem>>, vector<16xf32>,
      tpu.vector_store %arg8[%swap3A_184, %swap3A_185], %add3A_183 {strides = array<i32>} : memref<32x768xf32, #tpu.memory_space<vmem>>, vector<16xf32>,
      %get3A_187 = arith.index_cast %scan3A_89 : i32 to index
      %get3A_188 = arith.constant 112 : index
      %get3A_189 = tpu.vector_load %arg8[%get3A_187, %get3A_188] {strides = array<i32>} : memref<32x768xf32, #tpu.memory_space<vmem>>, vector<16xf32>,
      %get3A_190 = arith.index_cast %scan3A_89 : i32 to index
      %get3A_191 = arith.constant 112 : index
      %get3A_192 = tpu.vector_load %arg9[%get3A_190, %get3A_191] {strides = array<i32>} : memref<32x768xf32, #tpu.memory_space<vmem>>, vector<16xf32>,
      %add3A_193 = arith.addf %get3A_189, %get3A_192 : vector<16xf32>
      %get3A_194 = arith.index_cast %scan3A_89 : i32 to index
      %get3A_195 = arith.constant 112 : index
      %get3A_196 = tpu.vector_load %arg10[%get3A_194, %get3A_195] {strides = array<i32>} : memref<32x768xf32, #tpu.memory_space<vmem>>, vector<16xf32>,
      %add3A_197 = arith.addf %add3A_193, %get3A_196 : vector<16xf32>
      %swap3A_198 = arith.index_cast %scan3A_89 : i32 to index
      %swap3A_199 = arith.constant 112 : index
      %swap3A_200 = tpu.vector_load %arg8[%swap3A_198, %swap3A_199] {strides = array<i32>} : memref<32x768xf32, #tpu.memory_space<vmem>>, vector<16xf32>,
      tpu.vector_store %arg8[%swap3A_198, %swap3A_199], %add3A_197 {strides = array<i32>} : memref<32x768xf32, #tpu.memory_space<vmem>>, vector<16xf32>,
      %get3A_201 = arith.index_cast %scan3A_89 : i32 to index
      %get3A_202 = arith.constant 128 : index
      %get3A_203 = tpu.vector_load %arg8[%get3A_201, %get3A_202] {strides = array<i32>} : memref<32x768xf32, #tpu.memory_space<vmem>>, vector<16xf32>,
      %get3A_204 = arith.index_cast %scan3A_89 : i32 to index
      %get3A_205 = arith.constant 128 : index
      %get3A_206 = tpu.vector_load %arg9[%get3A_204, %get3A_205] {strides = array<i32>} : memref<32x768xf32, #tpu.memory_space<vmem>>, vector<16xf32>,
      %add3A_207 = arith.addf %get3A_203, %get3A_206 : vector<16xf32>
      %get3A_208 = arith.index_cast %scan3A_89 : i32 to index
      %get3A_209 = arith.constant 128 : index
      %get3A_210 = tpu.vector_load %arg10[%get3A_208, %get3A_209] {strides = array<i32>} : memref<32x768xf32, #tpu.memory_space<vmem>>, vector<16xf32>,
      %add3A_211 = arith.addf %add3A_207, %get3A_210 : vector<16xf32>
      %swap3A_212 = arith.index_cast %scan3A_89 : i32 to index
      %swap3A_213 = arith.constant 128 : index
      %swap3A_214 = tpu.vector_load %arg8[%swap3A_212, %swap3A_213] {strides = array<i32>} : memref<32x768xf32, #tpu.memory_space<vmem>>, vector<16xf32>,
      tpu.vector_store %arg8[%swap3A_212, %swap3A_213], %add3A_211 {strides = array<i32>} : memref<32x768xf32, #tpu.memory_space<vmem>>, vector<16xf32>,
      %get3A_215 = arith.index_cast %scan3A_89 : i32 to index
      %get3A_216 = arith.constant 144 : index
      %get3A_217 = tpu.vector_load %arg8[%get3A_215, %get3A_216] {strides = array<i32>} : memref<32x768xf32, #tpu.memory_space<vmem>>, vector<16xf32>,
      %get3A_218 = arith.index_cast %scan3A_89 : i32 to index
      %get3A_219 = arith.constant 144 : index
      %get3A_220 = tpu.vector_load %arg9[%get3A_218, %get3A_219] {strides = array<i32>} : memref<32x768xf32, #tpu.memory_space<vmem>>, vector<16xf32>,
      %add3A_221 = arith.addf %get3A_217, %get3A_220 : vector<16xf32>
      %get3A_222 = arith.index_cast %scan3A_89 : i32 to index
      %get3A_223 = arith.constant 144 : index
      %get3A_224 = tpu.vector_load %arg10[%get3A_222, %get3A_223] {strides = array<i32>} : memref<32x768xf32, #tpu.memory_space<vmem>>, vector<16xf32>,
      %add3A_225 = arith.addf %add3A_221, %get3A_224 : vector<16xf32>
      %swap3A_226 = arith.index_cast %scan3A_89 : i32 to index
      %swap3A_227 = arith.constant 144 : index
      %swap3A_228 = tpu.vector_load %arg8[%swap3A_226, %swap3A_227] {strides = array<i32>} : memref<32x768xf32, #tpu.memory_space<vmem>>, vector<16xf32>,
      tpu.vector_store %arg8[%swap3A_226, %swap3A_227], %add3A_225 {strides = array<i32>} : memref<32x768xf32, #tpu.memory_space<vmem>>, vector<16xf32>,
      %get3A_229 = arith.index_cast %scan3A_89 : i32 to index
      %get3A_230 = arith.constant 160 : index
      %get3A_231 = tpu.vector_load %arg8[%get3A_229, %get3A_230] {strides = array<i32>} : memref<32x768xf32, #tpu.memory_space<vmem>>, vector<16xf32>,
      %get3A_232 = arith.index_cast %scan3A_89 : i32 to index
      %get3A_233 = arith.constant 160 : index
      %get3A_234 = tpu.vector_load %arg9[%get3A_232, %get3A_233] {strides = array<i32>} : memref<32x768xf32, #tpu.memory_space<vmem>>, vector<16xf32>,
      %add3A_235 = arith.addf %get3A_231, %get3A_234 : vector<16xf32>
      %get3A_236 = arith.index_cast %scan3A_89 : i32 to index
      %get3A_237 = arith.constant 160 : index
      %get3A_238 = tpu.vector_load %arg10[%get3A_236, %get3A_237] {strides = array<i32>} : memref<32x768xf32, #tpu.memory_space<vmem>>, vector<16xf32>,
      %add3A_239 = arith.addf %add3A_235, %get3A_238 : vector<16xf32>
      %swap3A_240 = arith.index_cast %scan3A_89 : i32 to index
      %swap3A_241 = arith.constant 160 : index
      %swap3A_242 = tpu.vector_load %arg8[%swap3A_240, %swap3A_241] {strides = array<i32>} : memref<32x768xf32, #tpu.memory_space<vmem>>, vector<16xf32>,
      tpu.vector_store %arg8[%swap3A_240, %swap3A_241], %add3A_239 {strides = array<i32>} : memref<32x768xf32, #tpu.memory_space<vmem>>, vector<16xf32>,
      %get3A_243 = arith.index_cast %scan3A_89 : i32 to index
      %get3A_244 = arith.constant 176 : index
      %get3A_245 = tpu.vector_load %arg8[%get3A_243, %get3A_244] {strides = array<i32>} : memref<32x768xf32, #tpu.memory_space<vmem>>, vector<16xf32>,
      %get3A_246 = arith.index_cast %scan3A_89 : i32 to index
      %get3A_247 = arith.constant 176 : index
      %get3A_248 = tpu.vector_load %arg9[%get3A_246, %get3A_247] {strides = array<i32>} : memref<32x768xf32, #tpu.memory_space<vmem>>, vector<16xf32>,
      %add3A_249 = arith.addf %get3A_245, %get3A_248 : vector<16xf32>
      %get3A_250 = arith.index_cast %scan3A_89 : i32 to index
      %get3A_251 = arith.constant 176 : index
      %get3A_252 = tpu.vector_load %arg10[%get3A_250, %get3A_251] {strides = array<i32>} : memref<32x768xf32, #tpu.memory_space<vmem>>, vector<16xf32>,
      %add3A_253 = arith.addf %add3A_249, %get3A_252 : vector<16xf32>
      %swap3A_254 = arith.index_cast %scan3A_89 : i32 to index
      %swap3A_255 = arith.constant 176 : index
      %swap3A_256 = tpu.vector_load %arg8[%swap3A_254, %swap3A_255] {strides = array<i32>} : memref<32x768xf32, #tpu.memory_space<vmem>>, vector<16xf32>,
      tpu.vector_store %arg8[%swap3A_254, %swap3A_255], %add3A_253 {strides = array<i32>} : memref<32x768xf32, #tpu.memory_space<vmem>>, vector<16xf32>,
      %get3A_257 = arith.index_cast %scan3A_89 : i32 to index
      %get3A_258 = arith.constant 192 : index
      %get3A_259 = tpu.vector_load %arg8[%get3A_257, %get3A_258] {strides = array<i32>} : memref<32x768xf32, #tpu.memory_space<vmem>>, vector<16xf32>,
      %get3A_260 = arith.index_cast %scan3A_89 : i32 to index
      %get3A_261 = arith.constant 192 : index
      %get3A_262 = tpu.vector_load %arg9[%get3A_260, %get3A_261] {strides = array<i32>} : memref<32x768xf32, #tpu.memory_space<vmem>>, vector<16xf32>,
      %add3A_263 = arith.addf %get3A_259, %get3A_262 : vector<16xf32>
      %get3A_264 = arith.index_cast %scan3A_89 : i32 to index
      %get3A_265 = arith.constant 192 : index
      %get3A_266 = tpu.vector_load %arg10[%get3A_264, %get3A_265] {strides = array<i32>} : memref<32x768xf32, #tpu.memory_space<vmem>>, vector<16xf32>,
      %add3A_267 = arith.addf %add3A_263, %get3A_266 : vector<16xf32>
      %swap3A_268 = arith.index_cast %scan3A_89 : i32 to index
      %swap3A_269 = arith.constant 192 : index
      %swap3A_270 = tpu.vector_load %arg8[%swap3A_268, %swap3A_269] {strides = array<i32>} : memref<32x768xf32, #tpu.memory_space<vmem>>, vector<16xf32>,
      tpu.vector_store %arg8[%swap3A_268, %swap3A_269], %add3A_267 {strides = array<i32>} : memref<32x768xf32, #tpu.memory_space<vmem>>, vector<16xf32>,
      %get3A_271 = arith.index_cast %scan3A_89 : i32 to index
      %get3A_272 = arith.constant 208 : index
      %get3A_273 = tpu.vector_load %arg8[%get3A_271, %get3A_272] {strides = array<i32>} : memref<32x768xf32, #tpu.memory_space<vmem>>, vector<16xf32>,
      %get3A_274 = arith.index_cast %scan3A_89 : i32 to index
      %get3A_275 = arith.constant 208 : index
      %get3A_276 = tpu.vector_load %arg9[%get3A_274, %get3A_275] {strides = array<i32>} : memref<32x768xf32, #tpu.memory_space<vmem>>, vector<16xf32>,
      %add3A_277 = arith.addf %get3A_273, %get3A_276 : vector<16xf32>
      %get3A_278 = arith.index_cast %scan3A_89 : i32 to index
      %get3A_279 = arith.constant 208 : index
      %get3A_280 = tpu.vector_load %arg10[%get3A_278, %get3A_279] {strides = array<i32>} : memref<32x768xf32, #tpu.memory_space<vmem>>, vector<16xf32>,
      %add3A_281 = arith.addf %add3A_277, %get3A_280 : vector<16xf32>
      %swap3A_282 = arith.index_cast %scan3A_89 : i32 to index
      %swap3A_283 = arith.constant 208 : index
      %swap3A_284 = tpu.vector_load %arg8[%swap3A_282, %swap3A_283] {strides = array<i32>} : memref<32x768xf32, #tpu.memory_space<vmem>>, vector<16xf32>,
      tpu.vector_store %arg8[%swap3A_282, %swap3A_283], %add3A_281 {strides = array<i32>} : memref<32x768xf32, #tpu.memory_space<vmem>>, vector<16xf32>,
      %get3A_285 = arith.index_cast %scan3A_89 : i32 to index
      %get3A_286 = arith.constant 224 : index
      %get3A_287 = tpu.vector_load %arg8[%get3A_285, %get3A_286] {strides = array<i32>} : memref<32x768xf32, #tpu.memory_space<vmem>>, vector<16xf32>,
      %get3A_288 = arith.index_cast %scan3A_89 : i32 to index
      %get3A_289 = arith.constant 224 : index
      %get3A_290 = tpu.vector_load %arg9[%get3A_288, %get3A_289] {strides = array<i32>} : memref<32x768xf32, #tpu.memory_space<vmem>>, vector<16xf32>,
      %add3A_291 = arith.addf %get3A_287, %get3A_290 : vector<16xf32>
      %get3A_292 = arith.index_cast %scan3A_89 : i32 to index
      %get3A_293 = arith.constant 224 : index
      %get3A_294 = tpu.vector_load %arg10[%get3A_292, %get3A_293] {strides = array<i32>} : memref<32x768xf32, #tpu.memory_space<vmem>>, vector<16xf32>,
      %add3A_295 = arith.addf %add3A_291, %get3A_294 : vector<16xf32>
      %swap3A_296 = arith.index_cast %scan3A_89 : i32 to index
      %swap3A_297 = arith.constant 224 : index
      %swap3A_298 = tpu.vector_load %arg8[%swap3A_296, %swap3A_297] {strides = array<i32>} : memref<32x768xf32, #tpu.memory_space<vmem>>, vector<16xf32>,
      tpu.vector_store %arg8[%swap3A_296, %swap3A_297], %add3A_295 {strides = array<i32>} : memref<32x768xf32, #tpu.memory_space<vmem>>, vector<16xf32>,
      %get3A_299 = arith.index_cast %scan3A_89 : i32 to index
      %get3A_300 = arith.constant 240 : index
      %get3A_301 = tpu.vector_load %arg8[%get3A_299, %get3A_300] {strides = array<i32>} : memref<32x768xf32, #tpu.memory_space<vmem>>, vector<16xf32>,
      %get3A_302 = arith.index_cast %scan3A_89 : i32 to index
      %get3A_303 = arith.constant 240 : index
      %get3A_304 = tpu.vector_load %arg9[%get3A_302, %get3A_303] {strides = array<i32>} : memref<32x768xf32, #tpu.memory_space<vmem>>, vector<16xf32>,
      %add3A_305 = arith.addf %get3A_301, %get3A_304 : vector<16xf32>
      %get3A_306 = arith.index_cast %scan3A_89 : i32 to index
      %get3A_307 = arith.constant 240 : index
      %get3A_308 = tpu.vector_load %arg10[%get3A_306, %get3A_307] {strides = array<i32>} : memref<32x768xf32, #tpu.memory_space<vmem>>, vector<16xf32>,
      %add3A_309 = arith.addf %add3A_305, %get3A_308 : vector<16xf32>
      %swap3A_310 = arith.index_cast %scan3A_89 : i32 to index
      %swap3A_311 = arith.constant 240 : index
      %swap3A_312 = tpu.vector_load %arg8[%swap3A_310, %swap3A_311] {strides = array<i32>} : memref<32x768xf32, #tpu.memory_space<vmem>>, vector<16xf32>,
      tpu.vector_store %arg8[%swap3A_310, %swap3A_311], %add3A_309 {strides = array<i32>} : memref<32x768xf32, #tpu.memory_space<vmem>>, vector<16xf32>,
      %get3A_313 = arith.index_cast %scan3A_89 : i32 to index
      %get3A_314 = arith.constant 256 : index
      %get3A_315 = tpu.vector_load %arg8[%get3A_313, %get3A_314] {strides = array<i32>} : memref<32x768xf32, #tpu.memory_space<vmem>>, vector<16xf32>,
      %get3A_316 = arith.index_cast %scan3A_89 : i32 to index
      %get3A_317 = arith.constant 256 : index
      %get3A_318 = tpu.vector_load %arg9[%get3A_316, %get3A_317] {strides = array<i32>} : memref<32x768xf32, #tpu.memory_space<vmem>>, vector<16xf32>,
      %add3A_319 = arith.addf %get3A_315, %get3A_318 : vector<16xf32>
      %get3A_320 = arith.index_cast %scan3A_89 : i32 to index
      %get3A_321 = arith.constant 256 : index
      %get3A_322 = tpu.vector_load %arg10[%get3A_320, %get3A_321] {strides = array<i32>} : memref<32x768xf32, #tpu.memory_space<vmem>>, vector<16xf32>,
      %add3A_323 = arith.addf %add3A_319, %get3A_322 : vector<16xf32>
      %swap3A_324 = arith.index_cast %scan3A_89 : i32 to index
      %swap3A_325 = arith.constant 256 : index
      %swap3A_326 = tpu.vector_load %arg8[%swap3A_324, %swap3A_325] {strides = array<i32>} : memref<32x768xf32, #tpu.memory_space<vmem>>, vector<16xf32>,
      tpu.vector_store %arg8[%swap3A_324, %swap3A_325], %add3A_323 {strides = array<i32>} : memref<32x768xf32, #tpu.memory_space<vmem>>, vector<16xf32>,
      %get3A_327 = arith.index_cast %scan3A_89 : i32 to index
      %get3A_328 = arith.constant 272 : index
      %get3A_329 = tpu.vector_load %arg8[%get3A_327, %get3A_328] {strides = array<i32>} : memref<32x768xf32, #tpu.memory_space<vmem>>, vector<16xf32>,
      %get3A_330 = arith.index_cast %scan3A_89 : i32 to index
      %get3A_331 = arith.constant 272 : index
      %get3A_332 = tpu.vector_load %arg9[%get3A_330, %get3A_331] {strides = array<i32>} : memref<32x768xf32, #tpu.memory_space<vmem>>, vector<16xf32>,
      %add3A_333 = arith.addf %get3A_329, %get3A_332 : vector<16xf32>
      %get3A_334 = arith.index_cast %scan3A_89 : i32 to index
      %get3A_335 = arith.constant 272 : index
      %get3A_336 = tpu.vector_load %arg10[%get3A_334, %get3A_335] {strides = array<i32>} : memref<32x768xf32, #tpu.memory_space<vmem>>, vector<16xf32>,
      %add3A_337 = arith.addf %add3A_333, %get3A_336 : vector<16xf32>
      %swap3A_338 = arith.index_cast %scan3A_89 : i32 to index
      %swap3A_339 = arith.constant 272 : index
      %swap3A_340 = tpu.vector_load %arg8[%swap3A_338, %swap3A_339] {strides = array<i32>} : memref<32x768xf32, #tpu.memory_space<vmem>>, vector<16xf32>,
      tpu.vector_store %arg8[%swap3A_338, %swap3A_339], %add3A_337 {strides = array<i32>} : memref<32x768xf32, #tpu.memory_space<vmem>>, vector<16xf32>,
      %get3A_341 = arith.index_cast %scan3A_89 : i32 to index
      %get3A_342 = arith.constant 288 : index
      %get3A_343 = tpu.vector_load %arg8[%get3A_341, %get3A_342] {strides = array<i32>} : memref<32x768xf32, #tpu.memory_space<vmem>>, vector<16xf32>,
      %get3A_344 = arith.index_cast %scan3A_89 : i32 to index
      %get3A_345 = arith.constant 288 : index
      %get3A_346 = tpu.vector_load %arg9[%get3A_344, %get3A_345] {strides = array<i32>} : memref<32x768xf32, #tpu.memory_space<vmem>>, vector<16xf32>,
      %add3A_347 = arith.addf %get3A_343, %get3A_346 : vector<16xf32>
      %get3A_348 = arith.index_cast %scan3A_89 : i32 to index
      %get3A_349 = arith.constant 288 : index
      %get3A_350 = tpu.vector_load %arg10[%get3A_348, %get3A_349] {strides = array<i32>} : memref<32x768xf32, #tpu.memory_space<vmem>>, vector<16xf32>,
      %add3A_351 = arith.addf %add3A_347, %get3A_350 : vector<16xf32>
      %swap3A_352 = arith.index_cast %scan3A_89 : i32 to index
      %swap3A_353 = arith.constant 288 : index
      %swap3A_354 = tpu.vector_load %arg8[%swap3A_352, %swap3A_353] {strides = array<i32>} : memref<32x768xf32, #tpu.memory_space<vmem>>, vector<16xf32>,
      tpu.vector_store %arg8[%swap3A_352, %swap3A_353], %add3A_351 {strides = array<i32>} : memref<32x768xf32, #tpu.memory_space<vmem>>, vector<16xf32>,
      %get3A_355 = arith.index_cast %scan3A_89 : i32 to index
      %get3A_356 = arith.constant 304 : index
      %get3A_357 = tpu.vector_load %arg8[%get3A_355, %get3A_356] {strides = array<i32>} : memref<32x768xf32, #tpu.memory_space<vmem>>, vector<16xf32>,
      %get3A_358 = arith.index_cast %scan3A_89 : i32 to index
      %get3A_359 = arith.constant 304 : index
      %get3A_360 = tpu.vector_load %arg9[%get3A_358, %get3A_359] {strides = array<i32>} : memref<32x768xf32, #tpu.memory_space<vmem>>, vector<16xf32>,
      %add3A_361 = arith.addf %get3A_357, %get3A_360 : vector<16xf32>
      %get3A_362 = arith.index_cast %scan3A_89 : i32 to index
      %get3A_363 = arith.constant 304 : index
      %get3A_364 = tpu.vector_load %arg10[%get3A_362, %get3A_363] {strides = array<i32>} : memref<32x768xf32, #tpu.memory_space<vmem>>, vector<16xf32>,
      %add3A_365 = arith.addf %add3A_361, %get3A_364 : vector<16xf32>
      %swap3A_366 = arith.index_cast %scan3A_89 : i32 to index
      %swap3A_367 = arith.constant 304 : index
      %swap3A_368 = tpu.vector_load %arg8[%swap3A_366, %swap3A_367] {strides = array<i32>} : memref<32x768xf32, #tpu.memory_space<vmem>>, vector<16xf32>,
      tpu.vector_store %arg8[%swap3A_366, %swap3A_367], %add3A_365 {strides = array<i32>} : memref<32x768xf32, #tpu.memory_space<vmem>>, vector<16xf32>,
      %get3A_369 = arith.index_cast %scan3A_89 : i32 to index
      %get3A_370 = arith.constant 320 : index
      %get3A_371 = tpu.vector_load %arg8[%get3A_369, %get3A_370] {strides = array<i32>} : memref<32x768xf32, #tpu.memory_space<vmem>>, vector<16xf32>,
      %get3A_372 = arith.index_cast %scan3A_89 : i32 to index
      %get3A_373 = arith.constant 320 : index
      %get3A_374 = tpu.vector_load %arg9[%get3A_372, %get3A_373] {strides = array<i32>} : memref<32x768xf32, #tpu.memory_space<vmem>>, vector<16xf32>,
      %add3A_375 = arith.addf %get3A_371, %get3A_374 : vector<16xf32>
      %get3A_376 = arith.index_cast %scan3A_89 : i32 to index
      %get3A_377 = arith.constant 320 : index
      %get3A_378 = tpu.vector_load %arg10[%get3A_376, %get3A_377] {strides = array<i32>} : memref<32x768xf32, #tpu.memory_space<vmem>>, vector<16xf32>,
      %add3A_379 = arith.addf %add3A_375, %get3A_378 : vector<16xf32>
      %swap3A_380 = arith.index_cast %scan3A_89 : i32 to index
      %swap3A_381 = arith.constant 320 : index
      %swap3A_382 = tpu.vector_load %arg8[%swap3A_380, %swap3A_381] {strides = array<i32>} : memref<32x768xf32, #tpu.memory_space<vmem>>, vector<16xf32>,
      tpu.vector_store %arg8[%swap3A_380, %swap3A_381], %add3A_379 {strides = array<i32>} : memref<32x768xf32, #tpu.memory_space<vmem>>, vector<16xf32>,
      %get3A_383 = arith.index_cast %scan3A_89 : i32 to index
      %get3A_384 = arith.constant 336 : index
      %get3A_385 = tpu.vector_load %arg8[%get3A_383, %get3A_384] {strides = array<i32>} : memref<32x768xf32, #tpu.memory_space<vmem>>, vector<16xf32>,
      %get3A_386 = arith.index_cast %scan3A_89 : i32 to index
      %get3A_387 = arith.constant 336 : index
      %get3A_388 = tpu.vector_load %arg9[%get3A_386, %get3A_387] {strides = array<i32>} : memref<32x768xf32, #tpu.memory_space<vmem>>, vector<16xf32>,
      %add3A_389 = arith.addf %get3A_385, %get3A_388 : vector<16xf32>
      %get3A_390 = arith.index_cast %scan3A_89 : i32 to index
      %get3A_391 = arith.constant 336 : index
      %get3A_392 = tpu.vector_load %arg10[%get3A_390, %get3A_391] {strides = array<i32>} : memref<32x768xf32, #tpu.memory_space<vmem>>, vector<16xf32>,
      %add3A_393 = arith.addf %add3A_389, %get3A_392 : vector<16xf32>
      %swap3A_394 = arith.index_cast %scan3A_89 : i32 to index
      %swap3A_395 = arith.constant 336 : index
      %swap3A_396 = tpu.vector_load %arg8[%swap3A_394, %swap3A_395] {strides = array<i32>} : memref<32x768xf32, #tpu.memory_space<vmem>>, vector<16xf32>,
      tpu.vector_store %arg8[%swap3A_394, %swap3A_395], %add3A_393 {strides = array<i32>} : memref<32x768xf32, #tpu.memory_space<vmem>>, vector<16xf32>,
      %get3A_397 = arith.index_cast %scan3A_89 : i32 to index
      %get3A_398 = arith.constant 352 : index
      %get3A_399 = tpu.vector_load %arg8[%get3A_397, %get3A_398] {strides = array<i32>} : memref<32x768xf32, #tpu.memory_space<vmem>>, vector<16xf32>,
      %get3A_400 = arith.index_cast %scan3A_89 : i32 to index
      %get3A_401 = arith.constant 352 : index
      %get3A_402 = tpu.vector_load %arg9[%get3A_400, %get3A_401] {strides = array<i32>} : memref<32x768xf32, #tpu.memory_space<vmem>>, vector<16xf32>,
      %add3A_403 = arith.addf %get3A_399, %get3A_402 : vector<16xf32>
      %get3A_404 = arith.index_cast %scan3A_89 : i32 to index
      %get3A_405 = arith.constant 352 : index
      %get3A_406 = tpu.vector_load %arg10[%get3A_404, %get3A_405] {strides = array<i32>} : memref<32x768xf32, #tpu.memory_space<vmem>>, vector<16xf32>,
      %add3A_407 = arith.addf %add3A_403, %get3A_406 : vector<16xf32>
      %swap3A_408 = arith.index_cast %scan3A_89 : i32 to index
      %swap3A_409 = arith.constant 352 : index
      %swap3A_410 = tpu.vector_load %arg8[%swap3A_408, %swap3A_409] {strides = array<i32>} : memref<32x768xf32, #tpu.memory_space<vmem>>, vector<16xf32>,
      tpu.vector_store %arg8[%swap3A_408, %swap3A_409], %add3A_407 {strides = array<i32>} : memref<32x768xf32, #tpu.memory_space<vmem>>, vector<16xf32>,
      %get3A_411 = arith.index_cast %scan3A_89 : i32 to index
      %get3A_412 = arith.constant 368 : index
      %get3A_413 = tpu.vector_load %arg8[%get3A_411, %get3A_412] {strides = array<i32>} : memref<32x768xf32, #tpu.memory_space<vmem>>, vector<16xf32>,
      %get3A_414 = arith.index_cast %scan3A_89 : i32 to index
      %get3A_415 = arith.constant 368 : index
      %get3A_416 = tpu.vector_load %arg9[%get3A_414, %get3A_415] {strides = array<i32>} : memref<32x768xf32, #tpu.memory_space<vmem>>, vector<16xf32>,
      %add3A_417 = arith.addf %get3A_413, %get3A_416 : vector<16xf32>
      %get3A_418 = arith.index_cast %scan3A_89 : i32 to index
      %get3A_419 = arith.constant 368 : index
      %get3A_420 = tpu.vector_load %arg10[%get3A_418, %get3A_419] {strides = array<i32>} : memref<32x768xf32, #tpu.memory_space<vmem>>, vector<16xf32>,
      %add3A_421 = arith.addf %add3A_417, %get3A_420 : vector<16xf32>
      %swap3A_422 = arith.index_cast %scan3A_89 : i32 to index
      %swap3A_423 = arith.constant 368 : index
      %swap3A_424 = tpu.vector_load %arg8[%swap3A_422, %swap3A_423] {strides = array<i32>} : memref<32x768xf32, #tpu.memory_space<vmem>>, vector<16xf32>,
      tpu.vector_store %arg8[%swap3A_422, %swap3A_423], %add3A_421 {strides = array<i32>} : memref<32x768xf32, #tpu.memory_space<vmem>>, vector<16xf32>,
      %get3A_425 = arith.index_cast %scan3A_89 : i32 to index
      %get3A_426 = arith.constant 384 : index
      %get3A_427 = tpu.vector_load %arg8[%get3A_425, %get3A_426] {strides = array<i32>} : memref<32x768xf32, #tpu.memory_space<vmem>>, vector<16xf32>,
      %get3A_428 = arith.index_cast %scan3A_89 : i32 to index
      %get3A_429 = arith.constant 384 : index
      %get3A_430 = tpu.vector_load %arg9[%get3A_428, %get3A_429] {strides = array<i32>} : memref<32x768xf32, #tpu.memory_space<vmem>>, vector<16xf32>,
      %add3A_431 = arith.addf %get3A_427, %get3A_430 : vector<16xf32>
      %get3A_432 = arith.index_cast %scan3A_89 : i32 to index
      %get3A_433 = arith.constant 384 : index
      %get3A_434 = tpu.vector_load %arg10[%get3A_432, %get3A_433] {strides = array<i32>} : memref<32x768xf32, #tpu.memory_space<vmem>>, vector<16xf32>,
      %add3A_435 = arith.addf %add3A_431, %get3A_434 : vector<16xf32>
      %swap3A_436 = arith.index_cast %scan3A_89 : i32 to index
      %swap3A_437 = arith.constant 384 : index
      %swap3A_438 = tpu.vector_load %arg8[%swap3A_436, %swap3A_437] {strides = array<i32>} : memref<32x768xf32, #tpu.memory_space<vmem>>, vector<16xf32>,
      tpu.vector_store %arg8[%swap3A_436, %swap3A_437], %add3A_435 {strides = array<i32>} : memref<32x768xf32, #tpu.memory_space<vmem>>, vector<16xf32>,
      %get3A_439 = arith.index_cast %scan3A_89 : i32 to index
      %get3A_440 = arith.constant 400 : index
      %get3A_441 = tpu.vector_load %arg8[%get3A_439, %get3A_440] {strides = array<i32>} : memref<32x768xf32, #tpu.memory_space<vmem>>, vector<16xf32>,
      %get3A_442 = arith.index_cast %scan3A_89 : i32 to index
      %get3A_443 = arith.constant 400 : index
      %get3A_444 = tpu.vector_load %arg9[%get3A_442, %get3A_443] {strides = array<i32>} : memref<32x768xf32, #tpu.memory_space<vmem>>, vector<16xf32>,
      %add3A_445 = arith.addf %get3A_441, %get3A_444 : vector<16xf32>
      %get3A_446 = arith.index_cast %scan3A_89 : i32 to index
      %get3A_447 = arith.constant 400 : index
      %get3A_448 = tpu.vector_load %arg10[%get3A_446, %get3A_447] {strides = array<i32>} : memref<32x768xf32, #tpu.memory_space<vmem>>, vector<16xf32>,
      %add3A_449 = arith.addf %add3A_445, %get3A_448 : vector<16xf32>
      %swap3A_450 = arith.index_cast %scan3A_89 : i32 to index
      %swap3A_451 = arith.constant 400 : index
      %swap3A_452 = tpu.vector_load %arg8[%swap3A_450, %swap3A_451] {strides = array<i32>} : memref<32x768xf32, #tpu.memory_space<vmem>>, vector<16xf32>,
      tpu.vector_store %arg8[%swap3A_450, %swap3A_451], %add3A_449 {strides = array<i32>} : memref<32x768xf32, #tpu.memory_space<vmem>>, vector<16xf32>,
      %get3A_453 = arith.index_cast %scan3A_89 : i32 to index
      %get3A_454 = arith.constant 416 : index
      %get3A_455 = tpu.vector_load %arg8[%get3A_453, %get3A_454] {strides = array<i32>} : memref<32x768xf32, #tpu.memory_space<vmem>>, vector<16xf32>,
      %get3A_456 = arith.index_cast %scan3A_89 : i32 to index
      %get3A_457 = arith.constant 416 : index
      %get3A_458 = tpu.vector_load %arg9[%get3A_456, %get3A_457] {strides = array<i32>} : memref<32x768xf32, #tpu.memory_space<vmem>>, vector<16xf32>,
      %add3A_459 = arith.addf %get3A_455, %get3A_458 : vector<16xf32>
      %get3A_460 = arith.index_cast %scan3A_89 : i32 to index
      %get3A_461 = arith.constant 416 : index
      %get3A_462 = tpu.vector_load %arg10[%get3A_460, %get3A_461] {strides = array<i32>} : memref<32x768xf32, #tpu.memory_space<vmem>>, vector<16xf32>,
      %add3A_463 = arith.addf %add3A_459, %get3A_462 : vector<16xf32>
      %swap3A_464 = arith.index_cast %scan3A_89 : i32 to index
      %swap3A_465 = arith.constant 416 : index
      %swap3A_466 = tpu.vector_load %arg8[%swap3A_464, %swap3A_465] {strides = array<i32>} : memref<32x768xf32, #tpu.memory_space<vmem>>, vector<16xf32>,
      tpu.vector_store %arg8[%swap3A_464, %swap3A_465], %add3A_463 {strides = array<i32>} : memref<32x768xf32, #tpu.memory_space<vmem>>, vector<16xf32>,
      %get3A_467 = arith.index_cast %scan3A_89 : i32 to index
      %get3A_468 = arith.constant 432 : index
      %get3A_469 = tpu.vector_load %arg8[%get3A_467, %get3A_468] {strides = array<i32>} : memref<32x768xf32, #tpu.memory_space<vmem>>, vector<16xf32>,
      %get3A_470 = arith.index_cast %scan3A_89 : i32 to index
      %get3A_471 = arith.constant 432 : index
      %get3A_472 = tpu.vector_load %arg9[%get3A_470, %get3A_471] {strides = array<i32>} : memref<32x768xf32, #tpu.memory_space<vmem>>, vector<16xf32>,
      %add3A_473 = arith.addf %get3A_469, %get3A_472 : vector<16xf32>
      %get3A_474 = arith.index_cast %scan3A_89 : i32 to index
      %get3A_475 = arith.constant 432 : index
      %get3A_476 = tpu.vector_load %arg10[%get3A_474, %get3A_475] {strides = array<i32>} : memref<32x768xf32, #tpu.memory_space<vmem>>, vector<16xf32>,
      %add3A_477 = arith.addf %add3A_473, %get3A_476 : vector<16xf32>
      %swap3A_478 = arith.index_cast %scan3A_89 : i32 to index
      %swap3A_479 = arith.constant 432 : index
      %swap3A_480 = tpu.vector_load %arg8[%swap3A_478, %swap3A_479] {strides = array<i32>} : memref<32x768xf32, #tpu.memory_space<vmem>>, vector<16xf32>,
      tpu.vector_store %arg8[%swap3A_478, %swap3A_479], %add3A_477 {strides = array<i32>} : memref<32x768xf32, #tpu.memory_space<vmem>>, vector<16xf32>,
      %get3A_481 = arith.index_cast %scan3A_89 : i32 to index
      %get3A_482 = arith.constant 448 : index
      %get3A_483 = tpu.vector_load %arg8[%get3A_481, %get3A_482] {strides = array<i32>} : memref<32x768xf32, #tpu.memory_space<vmem>>, vector<16xf32>,
      %get3A_484 = arith.index_cast %scan3A_89 : i32 to index
      %get3A_485 = arith.constant 448 : index
      %get3A_486 = tpu.vector_load %arg9[%get3A_484, %get3A_485] {strides = array<i32>} : memref<32x768xf32, #tpu.memory_space<vmem>>, vector<16xf32>,
      %add3A_487 = arith.addf %get3A_483, %get3A_486 : vector<16xf32>
      %get3A_488 = arith.index_cast %scan3A_89 : i32 to index
      %get3A_489 = arith.constant 448 : index
      %get3A_490 = tpu.vector_load %arg10[%get3A_488, %get3A_489] {strides = array<i32>} : memref<32x768xf32, #tpu.memory_space<vmem>>, vector<16xf32>,
      %add3A_491 = arith.addf %add3A_487, %get3A_490 : vector<16xf32>
      %swap3A_492 = arith.index_cast %scan3A_89 : i32 to index
      %swap3A_493 = arith.constant 448 : index
      %swap3A_494 = tpu.vector_load %arg8[%swap3A_492, %swap3A_493] {strides = array<i32>} : memref<32x768xf32, #tpu.memory_space<vmem>>, vector<16xf32>,
      tpu.vector_store %arg8[%swap3A_492, %swap3A_493], %add3A_491 {strides = array<i32>} : memref<32x768xf32, #tpu.memory_space<vmem>>, vector<16xf32>,
      %get3A_495 = arith.index_cast %scan3A_89 : i32 to index
      %get3A_496 = arith.constant 464 : index
      %get3A_497 = tpu.vector_load %arg8[%get3A_495, %get3A_496] {strides = array<i32>} : memref<32x768xf32, #tpu.memory_space<vmem>>, vector<16xf32>,
      %get3A_498 = arith.index_cast %scan3A_89 : i32 to index
      %get3A_499 = arith.constant 464 : index
      %get3A_500 = tpu.vector_load %arg9[%get3A_498, %get3A_499] {strides = array<i32>} : memref<32x768xf32, #tpu.memory_space<vmem>>, vector<16xf32>,
      %add3A_501 = arith.addf %get3A_497, %get3A_500 : vector<16xf32>
      %get3A_502 = arith.index_cast %scan3A_89 : i32 to index
      %get3A_503 = arith.constant 464 : index
      %get3A_504 = tpu.vector_load %arg10[%get3A_502, %get3A_503] {strides = array<i32>} : memref<32x768xf32, #tpu.memory_space<vmem>>, vector<16xf32>,
      %add3A_505 = arith.addf %add3A_501, %get3A_504 : vector<16xf32>
      %swap3A_506 = arith.index_cast %scan3A_89 : i32 to index
      %swap3A_507 = arith.constant 464 : index
      %swap3A_508 = tpu.vector_load %arg8[%swap3A_506, %swap3A_507] {strides = array<i32>} : memref<32x768xf32, #tpu.memory_space<vmem>>, vector<16xf32>,
      tpu.vector_store %arg8[%swap3A_506, %swap3A_507], %add3A_505 {strides = array<i32>} : memref<32x768xf32, #tpu.memory_space<vmem>>, vector<16xf32>,
      %get3A_509 = arith.index_cast %scan3A_89 : i32 to index
      %get3A_510 = arith.constant 480 : index
      %get3A_511 = tpu.vector_load %arg8[%get3A_509, %get3A_510] {strides = array<i32>} : memref<32x768xf32, #tpu.memory_space<vmem>>, vector<16xf32>,
      %get3A_512 = arith.index_cast %scan3A_89 : i32 to index
      %get3A_513 = arith.constant 480 : index
      %get3A_514 = tpu.vector_load %arg9[%get3A_512, %get3A_513] {strides = array<i32>} : memref<32x768xf32, #tpu.memory_space<vmem>>, vector<16xf32>,
      %add3A_515 = arith.addf %get3A_511, %get3A_514 : vector<16xf32>
      %get3A_516 = arith.index_cast %scan3A_89 : i32 to index
      %get3A_517 = arith.constant 480 : index
      %get3A_518 = tpu.vector_load %arg10[%get3A_516, %get3A_517] {strides = array<i32>} : memref<32x768xf32, #tpu.memory_space<vmem>>, vector<16xf32>,
      %add3A_519 = arith.addf %add3A_515, %get3A_518 : vector<16xf32>
      %swap3A_520 = arith.index_cast %scan3A_89 : i32 to index
      %swap3A_521 = arith.constant 480 : index
      %swap3A_522 = tpu.vector_load %arg8[%swap3A_520, %swap3A_521] {strides = array<i32>} : memref<32x768xf32, #tpu.memory_space<vmem>>, vector<16xf32>,
      tpu.vector_store %arg8[%swap3A_520, %swap3A_521], %add3A_519 {strides = array<i32>} : memref<32x768xf32, #tpu.memory_space<vmem>>, vector<16xf32>,
      %get3A_523 = arith.index_cast %scan3A_89 : i32 to index
      %get3A_524 = arith.constant 496 : index
      %get3A_525 = tpu.vector_load %arg8[%get3A_523, %get3A_524] {strides = array<i32>} : memref<32x768xf32, #tpu.memory_space<vmem>>, vector<16xf32>,
      %get3A_526 = arith.index_cast %scan3A_89 : i32 to index
      %get3A_527 = arith.constant 496 : index
      %get3A_528 = tpu.vector_load %arg9[%get3A_526, %get3A_527] {strides = array<i32>} : memref<32x768xf32, #tpu.memory_space<vmem>>, vector<16xf32>,
      %add3A_529 = arith.addf %get3A_525, %get3A_528 : vector<16xf32>
      %get3A_530 = arith.index_cast %scan3A_89 : i32 to index
      %get3A_531 = arith.constant 496 : index
      %get3A_532 = tpu.vector_load %arg10[%get3A_530, %get3A_531] {strides = array<i32>} : memref<32x768xf32, #tpu.memory_space<vmem>>, vector<16xf32>,
      %add3A_533 = arith.addf %add3A_529, %get3A_532 : vector<16xf32>
      %swap3A_534 = arith.index_cast %scan3A_89 : i32 to index
      %swap3A_535 = arith.constant 496 : index
      %swap3A_536 = tpu.vector_load %arg8[%swap3A_534, %swap3A_535] {strides = array<i32>} : memref<32x768xf32, #tpu.memory_space<vmem>>, vector<16xf32>,
      tpu.vector_store %arg8[%swap3A_534, %swap3A_535], %add3A_533 {strides = array<i32>} : memref<32x768xf32, #tpu.memory_space<vmem>>, vector<16xf32>,
      %get3A_537 = arith.index_cast %scan3A_89 : i32 to index
      %get3A_538 = arith.constant 512 : index
      %get3A_539 = tpu.vector_load %arg8[%get3A_537, %get3A_538] {strides = array<i32>} : memref<32x768xf32, #tpu.memory_space<vmem>>, vector<16xf32>,
      %get3A_540 = arith.index_cast %scan3A_89 : i32 to index
      %get3A_541 = arith.constant 512 : index
      %get3A_542 = tpu.vector_load %arg9[%get3A_540, %get3A_541] {strides = array<i32>} : memref<32x768xf32, #tpu.memory_space<vmem>>, vector<16xf32>,
      %add3A_543 = arith.addf %get3A_539, %get3A_542 : vector<16xf32>
      %get3A_544 = arith.index_cast %scan3A_89 : i32 to index
      %get3A_545 = arith.constant 512 : index
      %get3A_546 = tpu.vector_load %arg10[%get3A_544, %get3A_545] {strides = array<i32>} : memref<32x768xf32, #tpu.memory_space<vmem>>, vector<16xf32>,
      %add3A_547 = arith.addf %add3A_543, %get3A_546 : vector<16xf32>
      %swap3A_548 = arith.index_cast %scan3A_89 : i32 to index
      %swap3A_549 = arith.constant 512 : index
      %swap3A_550 = tpu.vector_load %arg8[%swap3A_548, %swap3A_549] {strides = array<i32>} : memref<32x768xf32, #tpu.memory_space<vmem>>, vector<16xf32>,
      tpu.vector_store %arg8[%swap3A_548, %swap3A_549], %add3A_547 {strides = array<i32>} : memref<32x768xf32, #tpu.memory_space<vmem>>, vector<16xf32>,
      %get3A_551 = arith.index_cast %scan3A_89 : i32 to index
      %get3A_552 = arith.constant 528 : index
      %get3A_553 = tpu.vector_load %arg8[%get3A_551, %get3A_552] {strides = array<i32>} : memref<32x768xf32, #tpu.memory_space<vmem>>, vector<16xf32>,
      %get3A_554 = arith.index_cast %scan3A_89 : i32 to index
      %get3A_555 = arith.constant 528 : index
      %get3A_556 = tpu.vector_load %arg9[%get3A_554, %get3A_555] {strides = array<i32>} : memref<32x768xf32, #tpu.memory_space<vmem>>, vector<16xf32>,
      %add3A_557 = arith.addf %get3A_553, %get3A_556 : vector<16xf32>
      %get3A_558 = arith.index_cast %scan3A_89 : i32 to index
      %get3A_559 = arith.constant 528 : index
      %get3A_560 = tpu.vector_load %arg10[%get3A_558, %get3A_559] {strides = array<i32>} : memref<32x768xf32, #tpu.memory_space<vmem>>, vector<16xf32>,
      %add3A_561 = arith.addf %add3A_557, %get3A_560 : vector<16xf32>
      %swap3A_562 = arith.index_cast %scan3A_89 : i32 to index
      %swap3A_563 = arith.constant 528 : index
      %swap3A_564 = tpu.vector_load %arg8[%swap3A_562, %swap3A_563] {strides = array<i32>} : memref<32x768xf32, #tpu.memory_space<vmem>>, vector<16xf32>,
      tpu.vector_store %arg8[%swap3A_562, %swap3A_563], %add3A_561 {strides = array<i32>} : memref<32x768xf32, #tpu.memory_space<vmem>>, vector<16xf32>,
      %get3A_565 = arith.index_cast %scan3A_89 : i32 to index
      %get3A_566 = arith.constant 544 : index
      %get3A_567 = tpu.vector_load %arg8[%get3A_565, %get3A_566] {strides = array<i32>} : memref<32x768xf32, #tpu.memory_space<vmem>>, vector<16xf32>,
      %get3A_568 = arith.index_cast %scan3A_89 : i32 to index
      %get3A_569 = arith.constant 544 : index
      %get3A_570 = tpu.vector_load %arg9[%get3A_568, %get3A_569] {strides = array<i32>} : memref<32x768xf32, #tpu.memory_space<vmem>>, vector<16xf32>,
      %add3A_571 = arith.addf %get3A_567, %get3A_570 : vector<16xf32>
      %get3A_572 = arith.index_cast %scan3A_89 : i32 to index
      %get3A_573 = arith.constant 544 : index
      %get3A_574 = tpu.vector_load %arg10[%get3A_572, %get3A_573] {strides = array<i32>} : memref<32x768xf32, #tpu.memory_space<vmem>>, vector<16xf32>,
      %add3A_575 = arith.addf %add3A_571, %get3A_574 : vector<16xf32>
      %swap3A_576 = arith.index_cast %scan3A_89 : i32 to index
      %swap3A_577 = arith.constant 544 : index
      %swap3A_578 = tpu.vector_load %arg8[%swap3A_576, %swap3A_577] {strides = array<i32>} : memref<32x768xf32, #tpu.memory_space<vmem>>, vector<16xf32>,
      tpu.vector_store %arg8[%swap3A_576, %swap3A_577], %add3A_575 {strides = array<i32>} : memref<32x768xf32, #tpu.memory_space<vmem>>, vector<16xf32>,
      %get3A_579 = arith.index_cast %scan3A_89 : i32 to index
      %get3A_580 = arith.constant 560 : index
      %get3A_581 = tpu.vector_load %arg8[%get3A_579, %get3A_580] {strides = array<i32>} : memref<32x768xf32, #tpu.memory_space<vmem>>, vector<16xf32>,
      %get3A_582 = arith.index_cast %scan3A_89 : i32 to index
      %get3A_583 = arith.constant 560 : index
      %get3A_584 = tpu.vector_load %arg9[%get3A_582, %get3A_583] {strides = array<i32>} : memref<32x768xf32, #tpu.memory_space<vmem>>, vector<16xf32>,
      %add3A_585 = arith.addf %get3A_581, %get3A_584 : vector<16xf32>
      %get3A_586 = arith.index_cast %scan3A_89 : i32 to index
      %get3A_587 = arith.constant 560 : index
      %get3A_588 = tpu.vector_load %arg10[%get3A_586, %get3A_587] {strides = array<i32>} : memref<32x768xf32, #tpu.memory_space<vmem>>, vector<16xf32>,
      %add3A_589 = arith.addf %add3A_585, %get3A_588 : vector<16xf32>
      %swap3A_590 = arith.index_cast %scan3A_89 : i32 to index
      %swap3A_591 = arith.constant 560 : index
      %swap3A_592 = tpu.vector_load %arg8[%swap3A_590, %swap3A_591] {strides = array<i32>} : memref<32x768xf32, #tpu.memory_space<vmem>>, vector<16xf32>,
      tpu.vector_store %arg8[%swap3A_590, %swap3A_591], %add3A_589 {strides = array<i32>} : memref<32x768xf32, #tpu.memory_space<vmem>>, vector<16xf32>,
      %get3A_593 = arith.index_cast %scan3A_89 : i32 to index
      %get3A_594 = arith.constant 576 : index
      %get3A_595 = tpu.vector_load %arg8[%get3A_593, %get3A_594] {strides = array<i32>} : memref<32x768xf32, #tpu.memory_space<vmem>>, vector<16xf32>,
      %get3A_596 = arith.index_cast %scan3A_89 : i32 to index
      %get3A_597 = arith.constant 576 : index
      %get3A_598 = tpu.vector_load %arg9[%get3A_596, %get3A_597] {strides = array<i32>} : memref<32x768xf32, #tpu.memory_space<vmem>>, vector<16xf32>,
      %add3A_599 = arith.addf %get3A_595, %get3A_598 : vector<16xf32>
      %get3A_600 = arith.index_cast %scan3A_89 : i32 to index
      %get3A_601 = arith.constant 576 : index
      %get3A_602 = tpu.vector_load %arg10[%get3A_600, %get3A_601] {strides = array<i32>} : memref<32x768xf32, #tpu.memory_space<vmem>>, vector<16xf32>,
      %add3A_603 = arith.addf %add3A_599, %get3A_602 : vector<16xf32>
      %swap3A_604 = arith.index_cast %scan3A_89 : i32 to index
      %swap3A_605 = arith.constant 576 : index
      %swap3A_606 = tpu.vector_load %arg8[%swap3A_604, %swap3A_605] {strides = array<i32>} : memref<32x768xf32, #tpu.memory_space<vmem>>, vector<16xf32>,
      tpu.vector_store %arg8[%swap3A_604, %swap3A_605], %add3A_603 {strides = array<i32>} : memref<32x768xf32, #tpu.memory_space<vmem>>, vector<16xf32>,
      %get3A_607 = arith.index_cast %scan3A_89 : i32 to index
      %get3A_608 = arith.constant 592 : index
      %get3A_609 = tpu.vector_load %arg8[%get3A_607, %get3A_608] {strides = array<i32>} : memref<32x768xf32, #tpu.memory_space<vmem>>, vector<16xf32>,
      %get3A_610 = arith.index_cast %scan3A_89 : i32 to index
      %get3A_611 = arith.constant 592 : index
      %get3A_612 = tpu.vector_load %arg9[%get3A_610, %get3A_611] {strides = array<i32>} : memref<32x768xf32, #tpu.memory_space<vmem>>, vector<16xf32>,
      %add3A_613 = arith.addf %get3A_609, %get3A_612 : vector<16xf32>
      %get3A_614 = arith.index_cast %scan3A_89 : i32 to index
      %get3A_615 = arith.constant 592 : index
      %get3A_616 = tpu.vector_load %arg10[%get3A_614, %get3A_615] {strides = array<i32>} : memref<32x768xf32, #tpu.memory_space<vmem>>, vector<16xf32>,
      %add3A_617 = arith.addf %add3A_613, %get3A_616 : vector<16xf32>
      %swap3A_618 = arith.index_cast %scan3A_89 : i32 to index
      %swap3A_619 = arith.constant 592 : index
      %swap3A_620 = tpu.vector_load %arg8[%swap3A_618, %swap3A_619] {strides = array<i32>} : memref<32x768xf32, #tpu.memory_space<vmem>>, vector<16xf32>,
      tpu.vector_store %arg8[%swap3A_618, %swap3A_619], %add3A_617 {strides = array<i32>} : memref<32x768xf32, #tpu.memory_space<vmem>>, vector<16xf32>,
      %get3A_621 = arith.index_cast %scan3A_89 : i32 to index
      %get3A_622 = arith.constant 608 : index
      %get3A_623 = tpu.vector_load %arg8[%get3A_621, %get3A_622] {strides = array<i32>} : memref<32x768xf32, #tpu.memory_space<vmem>>, vector<16xf32>,
      %get3A_624 = arith.index_cast %scan3A_89 : i32 to index
      %get3A_625 = arith.constant 608 : index
      %get3A_626 = tpu.vector_load %arg9[%get3A_624, %get3A_625] {strides = array<i32>} : memref<32x768xf32, #tpu.memory_space<vmem>>, vector<16xf32>,
      %add3A_627 = arith.addf %get3A_623, %get3A_626 : vector<16xf32>
      %get3A_628 = arith.index_cast %scan3A_89 : i32 to index
      %get3A_629 = arith.constant 608 : index
      %get3A_630 = tpu.vector_load %arg10[%get3A_628, %get3A_629] {strides = array<i32>} : memref<32x768xf32, #tpu.memory_space<vmem>>, vector<16xf32>,
      %add3A_631 = arith.addf %add3A_627, %get3A_630 : vector<16xf32>
      %swap3A_632 = arith.index_cast %scan3A_89 : i32 to index
      %swap3A_633 = arith.constant 608 : index
      %swap3A_634 = tpu.vector_load %arg8[%swap3A_632, %swap3A_633] {strides = array<i32>} : memref<32x768xf32, #tpu.memory_space<vmem>>, vector<16xf32>,
      tpu.vector_store %arg8[%swap3A_632, %swap3A_633], %add3A_631 {strides = array<i32>} : memref<32x768xf32, #tpu.memory_space<vmem>>, vector<16xf32>,
      %get3A_635 = arith.index_cast %scan3A_89 : i32 to index
      %get3A_636 = arith.constant 624 : index
      %get3A_637 = tpu.vector_load %arg8[%get3A_635, %get3A_636] {strides = array<i32>} : memref<32x768xf32, #tpu.memory_space<vmem>>, vector<16xf32>,
      %get3A_638 = arith.index_cast %scan3A_89 : i32 to index
      %get3A_639 = arith.constant 624 : index
      %get3A_640 = tpu.vector_load %arg9[%get3A_638, %get3A_639] {strides = array<i32>} : memref<32x768xf32, #tpu.memory_space<vmem>>, vector<16xf32>,
      %add3A_641 = arith.addf %get3A_637, %get3A_640 : vector<16xf32>
      %get3A_642 = arith.index_cast %scan3A_89 : i32 to index
      %get3A_643 = arith.constant 624 : index
      %get3A_644 = tpu.vector_load %arg10[%get3A_642, %get3A_643] {strides = array<i32>} : memref<32x768xf32, #tpu.memory_space<vmem>>, vector<16xf32>,
      %add3A_645 = arith.addf %add3A_641, %get3A_644 : vector<16xf32>
      %swap3A_646 = arith.index_cast %scan3A_89 : i32 to index
      %swap3A_647 = arith.constant 624 : index
      %swap3A_648 = tpu.vector_load %arg8[%swap3A_646, %swap3A_647] {strides = array<i32>} : memref<32x768xf32, #tpu.memory_space<vmem>>, vector<16xf32>,
      tpu.vector_store %arg8[%swap3A_646, %swap3A_647], %add3A_645 {strides = array<i32>} : memref<32x768xf32, #tpu.memory_space<vmem>>, vector<16xf32>,
      %get3A_649 = arith.index_cast %scan3A_89 : i32 to index
      %get3A_650 = arith.constant 640 : index
      %get3A_651 = tpu.vector_load %arg8[%get3A_649, %get3A_650] {strides = array<i32>} : memref<32x768xf32, #tpu.memory_space<vmem>>, vector<16xf32>,
      %get3A_652 = arith.index_cast %scan3A_89 : i32 to index
      %get3A_653 = arith.constant 640 : index
      %get3A_654 = tpu.vector_load %arg9[%get3A_652, %get3A_653] {strides = array<i32>} : memref<32x768xf32, #tpu.memory_space<vmem>>, vector<16xf32>,
      %add3A_655 = arith.addf %get3A_651, %get3A_654 : vector<16xf32>
      %get3A_656 = arith.index_cast %scan3A_89 : i32 to index
      %get3A_657 = arith.constant 640 : index
      %get3A_658 = tpu.vector_load %arg10[%get3A_656, %get3A_657] {strides = array<i32>} : memref<32x768xf32, #tpu.memory_space<vmem>>, vector<16xf32>,
      %add3A_659 = arith.addf %add3A_655, %get3A_658 : vector<16xf32>
      %swap3A_660 = arith.index_cast %scan3A_89 : i32 to index
      %swap3A_661 = arith.constant 640 : index
      %swap3A_662 = tpu.vector_load %arg8[%swap3A_660, %swap3A_661] {strides = array<i32>} : memref<32x768xf32, #tpu.memory_space<vmem>>, vector<16xf32>,
      tpu.vector_store %arg8[%swap3A_660, %swap3A_661], %add3A_659 {strides = array<i32>} : memref<32x768xf32, #tpu.memory_space<vmem>>, vector<16xf32>,
      %get3A_663 = arith.index_cast %scan3A_89 : i32 to index
      %get3A_664 = arith.constant 656 : index
      %get3A_665 = tpu.vector_load %arg8[%get3A_663, %get3A_664] {strides = array<i32>} : memref<32x768xf32, #tpu.memory_space<vmem>>, vector<16xf32>,
      %get3A_666 = arith.index_cast %scan3A_89 : i32 to index
      %get3A_667 = arith.constant 656 : index
      %get3A_668 = tpu.vector_load %arg9[%get3A_666, %get3A_667] {strides = array<i32>} : memref<32x768xf32, #tpu.memory_space<vmem>>, vector<16xf32>,
      %add3A_669 = arith.addf %get3A_665, %get3A_668 : vector<16xf32>
      %get3A_670 = arith.index_cast %scan3A_89 : i32 to index
      %get3A_671 = arith.constant 656 : index
      %get3A_672 = tpu.vector_load %arg10[%get3A_670, %get3A_671] {strides = array<i32>} : memref<32x768xf32, #tpu.memory_space<vmem>>, vector<16xf32>,
      %add3A_673 = arith.addf %add3A_669, %get3A_672 : vector<16xf32>
      %swap3A_674 = arith.index_cast %scan3A_89 : i32 to index
      %swap3A_675 = arith.constant 656 : index
      %swap3A_676 = tpu.vector_load %arg8[%swap3A_674, %swap3A_675] {strides = array<i32>} : memref<32x768xf32, #tpu.memory_space<vmem>>, vector<16xf32>,
      tpu.vector_store %arg8[%swap3A_674, %swap3A_675], %add3A_673 {strides = array<i32>} : memref<32x768xf32, #tpu.memory_space<vmem>>, vector<16xf32>,
      %get3A_677 = arith.index_cast %scan3A_89 : i32 to index
      %get3A_678 = arith.constant 672 : index
      %get3A_679 = tpu.vector_load %arg8[%get3A_677, %get3A_678] {strides = array<i32>} : memref<32x768xf32, #tpu.memory_space<vmem>>, vector<16xf32>,
      %get3A_680 = arith.index_cast %scan3A_89 : i32 to index
      %get3A_681 = arith.constant 672 : index
      %get3A_682 = tpu.vector_load %arg9[%get3A_680, %get3A_681] {strides = array<i32>} : memref<32x768xf32, #tpu.memory_space<vmem>>, vector<16xf32>,
      %add3A_683 = arith.addf %get3A_679, %get3A_682 : vector<16xf32>
      %get3A_684 = arith.index_cast %scan3A_89 : i32 to index
      %get3A_685 = arith.constant 672 : index
      %get3A_686 = tpu.vector_load %arg10[%get3A_684, %get3A_685] {strides = array<i32>} : memref<32x768xf32, #tpu.memory_space<vmem>>, vector<16xf32>,
      %add3A_687 = arith.addf %add3A_683, %get3A_686 : vector<16xf32>
      %swap3A_688 = arith.index_cast %scan3A_89 : i32 to index
      %swap3A_689 = arith.constant 672 : index
      %swap3A_690 = tpu.vector_load %arg8[%swap3A_688, %swap3A_689] {strides = array<i32>} : memref<32x768xf32, #tpu.memory_space<vmem>>, vector<16xf32>,
      tpu.vector_store %arg8[%swap3A_688, %swap3A_689], %add3A_687 {strides = array<i32>} : memref<32x768xf32, #tpu.memory_space<vmem>>, vector<16xf32>,
      %get3A_691 = arith.index_cast %scan3A_89 : i32 to index
      %get3A_692 = arith.constant 688 : index
      %get3A_693 = tpu.vector_load %arg8[%get3A_691, %get3A_692] {strides = array<i32>} : memref<32x768xf32, #tpu.memory_space<vmem>>, vector<16xf32>,
      %get3A_694 = arith.index_cast %scan3A_89 : i32 to index
      %get3A_695 = arith.constant 688 : index
      %get3A_696 = tpu.vector_load %arg9[%get3A_694, %get3A_695] {strides = array<i32>} : memref<32x768xf32, #tpu.memory_space<vmem>>, vector<16xf32>,
      %add3A_697 = arith.addf %get3A_693, %get3A_696 : vector<16xf32>
      %get3A_698 = arith.index_cast %scan3A_89 : i32 to index
      %get3A_699 = arith.constant 688 : index
      %get3A_700 = tpu.vector_load %arg10[%get3A_698, %get3A_699] {strides = array<i32>} : memref<32x768xf32, #tpu.memory_space<vmem>>, vector<16xf32>,
      %add3A_701 = arith.addf %add3A_697, %get3A_700 : vector<16xf32>
      %swap3A_702 = arith.index_cast %scan3A_89 : i32 to index
      %swap3A_703 = arith.constant 688 : index
      %swap3A_704 = tpu.vector_load %arg8[%swap3A_702, %swap3A_703] {strides = array<i32>} : memref<32x768xf32, #tpu.memory_space<vmem>>, vector<16xf32>,
      tpu.vector_store %arg8[%swap3A_702, %swap3A_703], %add3A_701 {strides = array<i32>} : memref<32x768xf32, #tpu.memory_space<vmem>>, vector<16xf32>,
      %get3A_705 = arith.index_cast %scan3A_89 : i32 to index
      %get3A_706 = arith.constant 704 : index
      %get3A_707 = tpu.vector_load %arg8[%get3A_705, %get3A_706] {strides = array<i32>} : memref<32x768xf32, #tpu.memory_space<vmem>>, vector<16xf32>,
      %get3A_708 = arith.index_cast %scan3A_89 : i32 to index
      %get3A_709 = arith.constant 704 : index
      %get3A_710 = tpu.vector_load %arg9[%get3A_708, %get3A_709] {strides = array<i32>} : memref<32x768xf32, #tpu.memory_space<vmem>>, vector<16xf32>,
      %add3A_711 = arith.addf %get3A_707, %get3A_710 : vector<16xf32>
      %get3A_712 = arith.index_cast %scan3A_89 : i32 to index
      %get3A_713 = arith.constant 704 : index
      %get3A_714 = tpu.vector_load %arg10[%get3A_712, %get3A_713] {strides = array<i32>} : memref<32x768xf32, #tpu.memory_space<vmem>>, vector<16xf32>,
      %add3A_715 = arith.addf %add3A_711, %get3A_714 : vector<16xf32>
      %swap3A_716 = arith.index_cast %scan3A_89 : i32 to index
      %swap3A_717 = arith.constant 704 : index
      %swap3A_718 = tpu.vector_load %arg8[%swap3A_716, %swap3A_717] {strides = array<i32>} : memref<32x768xf32, #tpu.memory_space<vmem>>, vector<16xf32>,
      tpu.vector_store %arg8[%swap3A_716, %swap3A_717], %add3A_715 {strides = array<i32>} : memref<32x768xf32, #tpu.memory_space<vmem>>, vector<16xf32>,
      %get3A_719 = arith.index_cast %scan3A_89 : i32 to index
      %get3A_720 = arith.constant 720 : index
      %get3A_721 = tpu.vector_load %arg8[%get3A_719, %get3A_720] {strides = array<i32>} : memref<32x768xf32, #tpu.memory_space<vmem>>, vector<16xf32>,
      %get3A_722 = arith.index_cast %scan3A_89 : i32 to index
      %get3A_723 = arith.constant 720 : index
      %get3A_724 = tpu.vector_load %arg9[%get3A_722, %get3A_723] {strides = array<i32>} : memref<32x768xf32, #tpu.memory_space<vmem>>, vector<16xf32>,
      %add3A_725 = arith.addf %get3A_721, %get3A_724 : vector<16xf32>
      %get3A_726 = arith.index_cast %scan3A_89 : i32 to index
      %get3A_727 = arith.constant 720 : index
      %get3A_728 = tpu.vector_load %arg10[%get3A_726, %get3A_727] {strides = array<i32>} : memref<32x768xf32, #tpu.memory_space<vmem>>, vector<16xf32>,
      %add3A_729 = arith.addf %add3A_725, %get3A_728 : vector<16xf32>
      %swap3A_730 = arith.index_cast %scan3A_89 : i32 to index
      %swap3A_731 = arith.constant 720 : index
      %swap3A_732 = tpu.vector_load %arg8[%swap3A_730, %swap3A_731] {strides = array<i32>} : memref<32x768xf32, #tpu.memory_space<vmem>>, vector<16xf32>,
      tpu.vector_store %arg8[%swap3A_730, %swap3A_731], %add3A_729 {strides = array<i32>} : memref<32x768xf32, #tpu.memory_space<vmem>>, vector<16xf32>,
      %get3A_733 = arith.index_cast %scan3A_89 : i32 to index
      %get3A_734 = arith.constant 736 : index
      %get3A_735 = tpu.vector_load %arg8[%get3A_733, %get3A_734] {strides = array<i32>} : memref<32x768xf32, #tpu.memory_space<vmem>>, vector<16xf32>,
      %get3A_736 = arith.index_cast %scan3A_89 : i32 to index
      %get3A_737 = arith.constant 736 : index
      %get3A_738 = tpu.vector_load %arg9[%get3A_736, %get3A_737] {strides = array<i32>} : memref<32x768xf32, #tpu.memory_space<vmem>>, vector<16xf32>,
      %add3A_739 = arith.addf %get3A_735, %get3A_738 : vector<16xf32>
      %get3A_740 = arith.index_cast %scan3A_89 : i32 to index
      %get3A_741 = arith.constant 736 : index
      %get3A_742 = tpu.vector_load %arg10[%get3A_740, %get3A_741] {strides = array<i32>} : memref<32x768xf32, #tpu.memory_space<vmem>>, vector<16xf32>,
      %add3A_743 = arith.addf %add3A_739, %get3A_742 : vector<16xf32>
      %swap3A_744 = arith.index_cast %scan3A_89 : i32 to index
      %swap3A_745 = arith.constant 736 : index
      %swap3A_746 = tpu.vector_load %arg8[%swap3A_744, %swap3A_745] {strides = array<i32>} : memref<32x768xf32, #tpu.memory_space<vmem>>, vector<16xf32>,
      tpu.vector_store %arg8[%swap3A_744, %swap3A_745], %add3A_743 {strides = array<i32>} : memref<32x768xf32, #tpu.memory_space<vmem>>, vector<16xf32>,
      %get3A_747 = arith.index_cast %scan3A_89 : i32 to index
      %get3A_748 = arith.constant 752 : index
      %get3A_749 = tpu.vector_load %arg8[%get3A_747, %get3A_748] {strides = array<i32>} : memref<32x768xf32, #tpu.memory_space<vmem>>, vector<16xf32>,
      %get3A_750 = arith.index_cast %scan3A_89 : i32 to index
      %get3A_751 = arith.constant 752 : index
      %get3A_752 = tpu.vector_load %arg9[%get3A_750, %get3A_751] {strides = array<i32>} : memref<32x768xf32, #tpu.memory_space<vmem>>, vector<16xf32>,
      %add3A_753 = arith.addf %get3A_749, %get3A_752 : vector<16xf32>
      %get3A_754 = arith.index_cast %scan3A_89 : i32 to index
      %get3A_755 = arith.constant 752 : index
      %get3A_756 = tpu.vector_load %arg10[%get3A_754, %get3A_755] {strides = array<i32>} : memref<32x768xf32, #tpu.memory_space<vmem>>, vector<16xf32>,
      %add3A_757 = arith.addf %add3A_753, %get3A_756 : vector<16xf32>
      %swap3A_758 = arith.index_cast %scan3A_89 : i32 to index
      %swap3A_759 = arith.constant 752 : index
      %swap3A_760 = tpu.vector_load %arg8[%swap3A_758, %swap3A_759] {strides = array<i32>} : memref<32x768xf32, #tpu.memory_space<vmem>>, vector<16xf32>,
      tpu.vector_store %arg8[%swap3A_758, %swap3A_759], %add3A_757 {strides = array<i32>} : memref<32x768xf32, #tpu.memory_space<vmem>>, vector<16xf32>,
      %scan3A_761 = arith.constant 0 : i32
      scf.yield %scan3A_761 : i32
    }
    %scan3A_84 = arith.constant 32 : i32
    %mul3A_85 = arith.constant 64 : i32
    %mul3A_86 = arith.muli %add3A, %mul3A_85 : i32
    %add3A_87 = arith.constant 32 : i32
    %add3A_88 = arith.addi %mul3A_86, %add3A_87 : i32
    "tpu.region"() ({
      %run_scoped3A_89 = tpu.sem_alloc : memref<!tpu.dma_semaphore, #tpu.memory_space<semaphore_mem>>
      %dma_start3A_90 = arith.constant 0 : i32
      %dma_start3A_91 = tpu.memref_slice %arg5[%add3A_88, %dma_start3A_90] : memref<2048x768xf32, #tpu.memory_space<hbm>> -> memref<32x768xf32, #tpu.memory_space<hbm>>
      %dma_start3A_92 = arith.constant 0 : i32
      %dma_start3A_93 = tpu.memref_slice %arg5[%add3A_88, %dma_start3A_92] : memref<2048x768xf32, #tpu.memory_space<hbm>> -> memref<32x768xf32, #tpu.memory_space<hbm>>
      tpu.enqueue_dma source(%arg8 : memref<32x768xf32, #tpu.memory_space<vmem>>) target(%dma_start3A_93 : memref<32x768xf32, #tpu.memory_space<hbm>>) target_semaphore(%run_scoped3A_89 : memref<!tpu.dma_semaphore, #tpu.memory_space<semaphore_mem>>)
      %dma_wait3A_94 = arith.constant 0 : i32
      %dma_wait3A_95 = tpu.memref_slice %arg5[%add3A_88, %dma_wait3A_94] : memref<2048x768xf32, #tpu.memory_space<hbm>> -> memref<32x768xf32, #tpu.memory_space<hbm>>
      %dma_wait3A_96 = arith.constant 0 : i32
      %dma_wait3A_97 = tpu.memref_slice %arg5[%add3A_88, %dma_wait3A_96] : memref<2048x768xf32, #tpu.memory_space<hbm>> -> memref<32x768xf32, #tpu.memory_space<hbm>>
      tpu.wait_dma2 semaphore(%run_scoped3A_89 : memref<!tpu.dma_semaphore, #tpu.memory_space<semaphore_mem>>) src(%arg8 : memref<32x768xf32, #tpu.memory_space<vmem>>) dst(%dma_wait3A_97 : memref<32x768xf32, #tpu.memory_space<hbm>>)
      tpu.yield
    }) : () -> ()
    return
  }
}

#map = affine_map<(d0, d1) -> (0, 0)>
#map1 = affine_map<(d0, d1) -> (0)>
module attributes {stable_mosaic.version = 14 : i64} {
  func.func @_scb_rowscatter(%arg0: i32, %arg1: i32, %arg2: memref<2048x768xf32, #tpu.memory_space<hbm>>, %arg3: memref<4x2048xf32, #tpu.memory_space<hbm>>, %arg4: memref<2x2048xi32, #tpu.memory_space<hbm>>, %arg5: memref<5120x768xf32, #tpu.memory_space<hbm>>, %arg6: memref<5120xf32, #tpu.memory_space<hbm>>, %arg7: memref<2x64xi32, #tpu.memory_space<vmem>>, %arg8: memref<64x768xf32, #tpu.memory_space<vmem>>, %arg9: memref<2x64xf32, #tpu.memory_space<vmem>>, %arg10: memref<!tpu.dma_semaphore, #tpu.memory_space<semaphore_mem>>, %arg11: memref<!tpu.dma_semaphore, #tpu.memory_space<semaphore_mem>>, %arg12: memref<!tpu.dma_semaphore, #tpu.memory_space<semaphore_mem>>) attributes {dimension_semantics = [#tpu.dimension_semantics<core_parallel>, #tpu.dimension_semantics<subcore_parallel>], iteration_bounds = array<i64: 2, 16>, scalar_prefetch = 0 : i64, scratch_operands = 6 : i64, tpu.core_type = #tpu.core_type<sc_vector_subcore>, window_params = [{transform_indices = #map}, {transform_indices = #map}, {transform_indices = #map}, {transform_indices = #map}, {transform_indices = #map1}]} {
    %mul3A = arith.constant 2 : i32
    %mul3A_0 = arith.muli %arg1, %mul3A : i32
    %add3A = arith.addi %mul3A_0, %arg0 : i32
    %mul3A_1 = arith.constant 64 : i32
    %mul3A_2 = arith.muli %add3A, %mul3A_1 : i32
    %dma_start3A = arith.constant 0 : i32
    %dma_start3A_3 = arith.constant 0 : i32
    %dma_start3A_4 = arith.constant 0 : i32
    %dma_start3A_5 = tpu.memref_slice %arg7[%dma_start3A_3, %dma_start3A_4] : memref<2x64xi32, #tpu.memory_space<vmem>> -> memref<1x64xi32, #tpu.memory_space<vmem>>
    %dma_start3A_6 = tpu.memref_squeeze %dma_start3A_5 : memref<1x64xi32, #tpu.memory_space<vmem>> -> memref<64xi32, #tpu.memory_space<vmem>>
    %dma_start3A_7 = tpu.memref_slice %arg4[%dma_start3A, %mul3A_2] : memref<2x2048xi32, #tpu.memory_space<hbm>> -> memref<1x64xi32, #tpu.memory_space<hbm>>
    %dma_start3A_8 = tpu.memref_squeeze %dma_start3A_7 : memref<1x64xi32, #tpu.memory_space<hbm>> -> memref<64xi32, #tpu.memory_space<hbm>>
    %dma_start3A_9 = arith.constant 0 : i32
    %dma_start3A_10 = tpu.memref_slice %arg7[%dma_start3A_3, %dma_start3A_9] : memref<2x64xi32, #tpu.memory_space<vmem>> -> memref<1x64xi32, #tpu.memory_space<vmem>>
    %dma_start3A_11 = tpu.memref_squeeze %dma_start3A_10 : memref<1x64xi32, #tpu.memory_space<vmem>> -> memref<64xi32, #tpu.memory_space<vmem>>
    %dma_start3A_12 = tpu.memref_slice %arg4[%dma_start3A, %mul3A_2] : memref<2x2048xi32, #tpu.memory_space<hbm>> -> memref<1x64xi32, #tpu.memory_space<hbm>>
    %dma_start3A_13 = tpu.memref_squeeze %dma_start3A_12 : memref<1x64xi32, #tpu.memory_space<hbm>> -> memref<64xi32, #tpu.memory_space<hbm>>
    tpu.enqueue_dma source(%dma_start3A_13 : memref<64xi32, #tpu.memory_space<hbm>>) target(%dma_start3A_11 : memref<64xi32, #tpu.memory_space<vmem>>) target_semaphore(%arg10 : memref<!tpu.dma_semaphore, #tpu.memory_space<semaphore_mem>>)
    %mul3A_14 = arith.constant 64 : i32
    %mul3A_15 = arith.muli %add3A, %mul3A_14 : i32
    %dma_start3A_16 = arith.constant 1 : i32
    %dma_start3A_17 = arith.constant 1 : i32
    %dma_start3A_18 = arith.constant 0 : i32
    %dma_start3A_19 = tpu.memref_slice %arg7[%dma_start3A_17, %dma_start3A_18] : memref<2x64xi32, #tpu.memory_space<vmem>> -> memref<1x64xi32, #tpu.memory_space<vmem>>
    %dma_start3A_20 = tpu.memref_squeeze %dma_start3A_19 : memref<1x64xi32, #tpu.memory_space<vmem>> -> memref<64xi32, #tpu.memory_space<vmem>>
    %dma_start3A_21 = tpu.memref_slice %arg4[%dma_start3A_16, %mul3A_15] : memref<2x2048xi32, #tpu.memory_space<hbm>> -> memref<1x64xi32, #tpu.memory_space<hbm>>
    %dma_start3A_22 = tpu.memref_squeeze %dma_start3A_21 : memref<1x64xi32, #tpu.memory_space<hbm>> -> memref<64xi32, #tpu.memory_space<hbm>>
    %dma_start3A_23 = arith.constant 0 : i32
    %dma_start3A_24 = tpu.memref_slice %arg7[%dma_start3A_17, %dma_start3A_23] : memref<2x64xi32, #tpu.memory_space<vmem>> -> memref<1x64xi32, #tpu.memory_space<vmem>>
    %dma_start3A_25 = tpu.memref_squeeze %dma_start3A_24 : memref<1x64xi32, #tpu.memory_space<vmem>> -> memref<64xi32, #tpu.memory_space<vmem>>
    %dma_start3A_26 = tpu.memref_slice %arg4[%dma_start3A_16, %mul3A_15] : memref<2x2048xi32, #tpu.memory_space<hbm>> -> memref<1x64xi32, #tpu.memory_space<hbm>>
    %dma_start3A_27 = tpu.memref_squeeze %dma_start3A_26 : memref<1x64xi32, #tpu.memory_space<hbm>> -> memref<64xi32, #tpu.memory_space<hbm>>
    tpu.enqueue_dma source(%dma_start3A_27 : memref<64xi32, #tpu.memory_space<hbm>>) target(%dma_start3A_25 : memref<64xi32, #tpu.memory_space<vmem>>) target_semaphore(%arg11 : memref<!tpu.dma_semaphore, #tpu.memory_space<semaphore_mem>>)
    %mul3A_28 = arith.constant 64 : i32
    %mul3A_29 = arith.muli %add3A, %mul3A_28 : i32
    %dma_start3A_30 = arith.constant 0 : i32
    %dma_start3A_31 = tpu.memref_slice %arg2[%mul3A_29, %dma_start3A_30] : memref<2048x768xf32, #tpu.memory_space<hbm>> -> memref<64x768xf32, #tpu.memory_space<hbm>>
    %dma_start3A_32 = arith.constant 0 : i32
    %dma_start3A_33 = tpu.memref_slice %arg2[%mul3A_29, %dma_start3A_32] : memref<2048x768xf32, #tpu.memory_space<hbm>> -> memref<64x768xf32, #tpu.memory_space<hbm>>
    tpu.enqueue_dma source(%dma_start3A_33 : memref<64x768xf32, #tpu.memory_space<hbm>>) target(%arg8 : memref<64x768xf32, #tpu.memory_space<vmem>>) target_semaphore(%arg12 : memref<!tpu.dma_semaphore, #tpu.memory_space<semaphore_mem>>)
    %mul3A_34 = arith.constant 64 : i32
    %mul3A_35 = arith.muli %add3A, %mul3A_34 : i32
    %run_scoped3A = arith.constant 2 : i32
    %run_scoped3A_36 = arith.constant 0 : i32
    "tpu.region"() ({
      %run_scoped3A_136 = tpu.sem_alloc : memref<!tpu.dma_semaphore, #tpu.memory_space<semaphore_mem>>
      %dma_start3A_137 = arith.constant 0 : i32
      %dma_start3A_138 = tpu.memref_slice %arg9[%run_scoped3A_36, %dma_start3A_137] : memref<2x64xf32, #tpu.memory_space<vmem>> -> memref<1x64xf32, #tpu.memory_space<vmem>>
      %dma_start3A_139 = tpu.memref_squeeze %dma_start3A_138 : memref<1x64xf32, #tpu.memory_space<vmem>> -> memref<64xf32, #tpu.memory_space<vmem>>
      %dma_start3A_140 = tpu.memref_slice %arg3[%run_scoped3A, %mul3A_35] : memref<4x2048xf32, #tpu.memory_space<hbm>> -> memref<1x64xf32, #tpu.memory_space<hbm>>
      %dma_start3A_141 = tpu.memref_squeeze %dma_start3A_140 : memref<1x64xf32, #tpu.memory_space<hbm>> -> memref<64xf32, #tpu.memory_space<hbm>>
      %dma_start3A_142 = arith.constant 0 : i32
      %dma_start3A_143 = tpu.memref_slice %arg9[%run_scoped3A_36, %dma_start3A_142] : memref<2x64xf32, #tpu.memory_space<vmem>> -> memref<1x64xf32, #tpu.memory_space<vmem>>
      %dma_start3A_144 = tpu.memref_squeeze %dma_start3A_143 : memref<1x64xf32, #tpu.memory_space<vmem>> -> memref<64xf32, #tpu.memory_space<vmem>>
      %dma_start3A_145 = tpu.memref_slice %arg3[%run_scoped3A, %mul3A_35] : memref<4x2048xf32, #tpu.memory_space<hbm>> -> memref<1x64xf32, #tpu.memory_space<hbm>>
      %dma_start3A_146 = tpu.memref_squeeze %dma_start3A_145 : memref<1x64xf32, #tpu.memory_space<hbm>> -> memref<64xf32, #tpu.memory_space<hbm>>
      tpu.enqueue_dma source(%dma_start3A_146 : memref<64xf32, #tpu.memory_space<hbm>>) target(%dma_start3A_144 : memref<64xf32, #tpu.memory_space<vmem>>) target_semaphore(%run_scoped3A_136 : memref<!tpu.dma_semaphore, #tpu.memory_space<semaphore_mem>>)
      %dma_wait3A_147 = arith.constant 0 : i32
      %dma_wait3A_148 = tpu.memref_slice %arg9[%run_scoped3A_36, %dma_wait3A_147] : memref<2x64xf32, #tpu.memory_space<vmem>> -> memref<1x64xf32, #tpu.memory_space<vmem>>
      %dma_wait3A_149 = tpu.memref_squeeze %dma_wait3A_148 : memref<1x64xf32, #tpu.memory_space<vmem>> -> memref<64xf32, #tpu.memory_space<vmem>>
      %dma_wait3A_150 = tpu.memref_slice %arg3[%run_scoped3A, %mul3A_35] : memref<4x2048xf32, #tpu.memory_space<hbm>> -> memref<1x64xf32, #tpu.memory_space<hbm>>
      %dma_wait3A_151 = tpu.memref_squeeze %dma_wait3A_150 : memref<1x64xf32, #tpu.memory_space<hbm>> -> memref<64xf32, #tpu.memory_space<hbm>>
      %dma_wait3A_152 = arith.constant 0 : i32
      %dma_wait3A_153 = tpu.memref_slice %arg9[%run_scoped3A_36, %dma_wait3A_152] : memref<2x64xf32, #tpu.memory_space<vmem>> -> memref<1x64xf32, #tpu.memory_space<vmem>>
      %dma_wait3A_154 = tpu.memref_squeeze %dma_wait3A_153 : memref<1x64xf32, #tpu.memory_space<vmem>> -> memref<64xf32, #tpu.memory_space<vmem>>
      %dma_wait3A_155 = tpu.memref_slice %arg3[%run_scoped3A, %mul3A_35] : memref<4x2048xf32, #tpu.memory_space<hbm>> -> memref<1x64xf32, #tpu.memory_space<hbm>>
      %dma_wait3A_156 = tpu.memref_squeeze %dma_wait3A_155 : memref<1x64xf32, #tpu.memory_space<hbm>> -> memref<64xf32, #tpu.memory_space<hbm>>
      tpu.wait_dma2 semaphore(%run_scoped3A_136 : memref<!tpu.dma_semaphore, #tpu.memory_space<semaphore_mem>>) src(%dma_wait3A_156 : memref<64xf32, #tpu.memory_space<hbm>>) dst(%dma_wait3A_154 : memref<64xf32, #tpu.memory_space<vmem>>)
      tpu.yield
    }) : () -> ()
    %mul3A_37 = arith.constant 64 : i32
    %mul3A_38 = arith.muli %add3A, %mul3A_37 : i32
    %run_scoped3A_39 = arith.constant 3 : i32
    %run_scoped3A_40 = arith.constant 1 : i32
    "tpu.region"() ({
      %run_scoped3A_136 = tpu.sem_alloc : memref<!tpu.dma_semaphore, #tpu.memory_space<semaphore_mem>>
      %dma_start3A_137 = arith.constant 0 : i32
      %dma_start3A_138 = tpu.memref_slice %arg9[%run_scoped3A_40, %dma_start3A_137] : memref<2x64xf32, #tpu.memory_space<vmem>> -> memref<1x64xf32, #tpu.memory_space<vmem>>
      %dma_start3A_139 = tpu.memref_squeeze %dma_start3A_138 : memref<1x64xf32, #tpu.memory_space<vmem>> -> memref<64xf32, #tpu.memory_space<vmem>>
      %dma_start3A_140 = tpu.memref_slice %arg3[%run_scoped3A_39, %mul3A_38] : memref<4x2048xf32, #tpu.memory_space<hbm>> -> memref<1x64xf32, #tpu.memory_space<hbm>>
      %dma_start3A_141 = tpu.memref_squeeze %dma_start3A_140 : memref<1x64xf32, #tpu.memory_space<hbm>> -> memref<64xf32, #tpu.memory_space<hbm>>
      %dma_start3A_142 = arith.constant 0 : i32
      %dma_start3A_143 = tpu.memref_slice %arg9[%run_scoped3A_40, %dma_start3A_142] : memref<2x64xf32, #tpu.memory_space<vmem>> -> memref<1x64xf32, #tpu.memory_space<vmem>>
      %dma_start3A_144 = tpu.memref_squeeze %dma_start3A_143 : memref<1x64xf32, #tpu.memory_space<vmem>> -> memref<64xf32, #tpu.memory_space<vmem>>
      %dma_start3A_145 = tpu.memref_slice %arg3[%run_scoped3A_39, %mul3A_38] : memref<4x2048xf32, #tpu.memory_space<hbm>> -> memref<1x64xf32, #tpu.memory_space<hbm>>
      %dma_start3A_146 = tpu.memref_squeeze %dma_start3A_145 : memref<1x64xf32, #tpu.memory_space<hbm>> -> memref<64xf32, #tpu.memory_space<hbm>>
      tpu.enqueue_dma source(%dma_start3A_146 : memref<64xf32, #tpu.memory_space<hbm>>) target(%dma_start3A_144 : memref<64xf32, #tpu.memory_space<vmem>>) target_semaphore(%run_scoped3A_136 : memref<!tpu.dma_semaphore, #tpu.memory_space<semaphore_mem>>)
      %dma_wait3A_147 = arith.constant 0 : i32
      %dma_wait3A_148 = tpu.memref_slice %arg9[%run_scoped3A_40, %dma_wait3A_147] : memref<2x64xf32, #tpu.memory_space<vmem>> -> memref<1x64xf32, #tpu.memory_space<vmem>>
      %dma_wait3A_149 = tpu.memref_squeeze %dma_wait3A_148 : memref<1x64xf32, #tpu.memory_space<vmem>> -> memref<64xf32, #tpu.memory_space<vmem>>
      %dma_wait3A_150 = tpu.memref_slice %arg3[%run_scoped3A_39, %mul3A_38] : memref<4x2048xf32, #tpu.memory_space<hbm>> -> memref<1x64xf32, #tpu.memory_space<hbm>>
      %dma_wait3A_151 = tpu.memref_squeeze %dma_wait3A_150 : memref<1x64xf32, #tpu.memory_space<hbm>> -> memref<64xf32, #tpu.memory_space<hbm>>
      %dma_wait3A_152 = arith.constant 0 : i32
      %dma_wait3A_153 = tpu.memref_slice %arg9[%run_scoped3A_40, %dma_wait3A_152] : memref<2x64xf32, #tpu.memory_space<vmem>> -> memref<1x64xf32, #tpu.memory_space<vmem>>
      %dma_wait3A_154 = tpu.memref_squeeze %dma_wait3A_153 : memref<1x64xf32, #tpu.memory_space<vmem>> -> memref<64xf32, #tpu.memory_space<vmem>>
      %dma_wait3A_155 = tpu.memref_slice %arg3[%run_scoped3A_39, %mul3A_38] : memref<4x2048xf32, #tpu.memory_space<hbm>> -> memref<1x64xf32, #tpu.memory_space<hbm>>
      %dma_wait3A_156 = tpu.memref_squeeze %dma_wait3A_155 : memref<1x64xf32, #tpu.memory_space<hbm>> -> memref<64xf32, #tpu.memory_space<hbm>>
      tpu.wait_dma2 semaphore(%run_scoped3A_136 : memref<!tpu.dma_semaphore, #tpu.memory_space<semaphore_mem>>) src(%dma_wait3A_156 : memref<64xf32, #tpu.memory_space<hbm>>) dst(%dma_wait3A_154 : memref<64xf32, #tpu.memory_space<vmem>>)
      tpu.yield
    }) : () -> ()
    %dma_wait3A = arith.constant 0 : i32
    %dma_wait3A_41 = arith.constant 0 : i32
    %dma_wait3A_42 = arith.constant 0 : i32
    %dma_wait3A_43 = tpu.memref_slice %arg7[%dma_wait3A_41, %dma_wait3A_42] : memref<2x64xi32, #tpu.memory_space<vmem>> -> memref<1x64xi32, #tpu.memory_space<vmem>>
    %dma_wait3A_44 = tpu.memref_squeeze %dma_wait3A_43 : memref<1x64xi32, #tpu.memory_space<vmem>> -> memref<64xi32, #tpu.memory_space<vmem>>
    %dma_wait3A_45 = tpu.memref_slice %arg4[%dma_wait3A, %mul3A_2] : memref<2x2048xi32, #tpu.memory_space<hbm>> -> memref<1x64xi32, #tpu.memory_space<hbm>>
    %dma_wait3A_46 = tpu.memref_squeeze %dma_wait3A_45 : memref<1x64xi32, #tpu.memory_space<hbm>> -> memref<64xi32, #tpu.memory_space<hbm>>
    %dma_wait3A_47 = arith.constant 0 : i32
    %dma_wait3A_48 = tpu.memref_slice %arg7[%dma_wait3A_41, %dma_wait3A_47] : memref<2x64xi32, #tpu.memory_space<vmem>> -> memref<1x64xi32, #tpu.memory_space<vmem>>
    %dma_wait3A_49 = tpu.memref_squeeze %dma_wait3A_48 : memref<1x64xi32, #tpu.memory_space<vmem>> -> memref<64xi32, #tpu.memory_space<vmem>>
    %dma_wait3A_50 = tpu.memref_slice %arg4[%dma_wait3A, %mul3A_2] : memref<2x2048xi32, #tpu.memory_space<hbm>> -> memref<1x64xi32, #tpu.memory_space<hbm>>
    %dma_wait3A_51 = tpu.memref_squeeze %dma_wait3A_50 : memref<1x64xi32, #tpu.memory_space<hbm>> -> memref<64xi32, #tpu.memory_space<hbm>>
    tpu.wait_dma2 semaphore(%arg10 : memref<!tpu.dma_semaphore, #tpu.memory_space<semaphore_mem>>) src(%dma_wait3A_51 : memref<64xi32, #tpu.memory_space<hbm>>) dst(%dma_wait3A_49 : memref<64xi32, #tpu.memory_space<vmem>>)
    %dma_wait3A_52 = arith.constant 1 : i32
    %dma_wait3A_53 = arith.constant 1 : i32
    %dma_wait3A_54 = arith.constant 0 : i32
    %dma_wait3A_55 = tpu.memref_slice %arg7[%dma_wait3A_53, %dma_wait3A_54] : memref<2x64xi32, #tpu.memory_space<vmem>> -> memref<1x64xi32, #tpu.memory_space<vmem>>
    %dma_wait3A_56 = tpu.memref_squeeze %dma_wait3A_55 : memref<1x64xi32, #tpu.memory_space<vmem>> -> memref<64xi32, #tpu.memory_space<vmem>>
    %dma_wait3A_57 = tpu.memref_slice %arg4[%dma_wait3A_52, %mul3A_15] : memref<2x2048xi32, #tpu.memory_space<hbm>> -> memref<1x64xi32, #tpu.memory_space<hbm>>
    %dma_wait3A_58 = tpu.memref_squeeze %dma_wait3A_57 : memref<1x64xi32, #tpu.memory_space<hbm>> -> memref<64xi32, #tpu.memory_space<hbm>>
    %dma_wait3A_59 = arith.constant 0 : i32
    %dma_wait3A_60 = tpu.memref_slice %arg7[%dma_wait3A_53, %dma_wait3A_59] : memref<2x64xi32, #tpu.memory_space<vmem>> -> memref<1x64xi32, #tpu.memory_space<vmem>>
    %dma_wait3A_61 = tpu.memref_squeeze %dma_wait3A_60 : memref<1x64xi32, #tpu.memory_space<vmem>> -> memref<64xi32, #tpu.memory_space<vmem>>
    %dma_wait3A_62 = tpu.memref_slice %arg4[%dma_wait3A_52, %mul3A_15] : memref<2x2048xi32, #tpu.memory_space<hbm>> -> memref<1x64xi32, #tpu.memory_space<hbm>>
    %dma_wait3A_63 = tpu.memref_squeeze %dma_wait3A_62 : memref<1x64xi32, #tpu.memory_space<hbm>> -> memref<64xi32, #tpu.memory_space<hbm>>
    tpu.wait_dma2 semaphore(%arg11 : memref<!tpu.dma_semaphore, #tpu.memory_space<semaphore_mem>>) src(%dma_wait3A_63 : memref<64xi32, #tpu.memory_space<hbm>>) dst(%dma_wait3A_61 : memref<64xi32, #tpu.memory_space<vmem>>)
    %dma_wait3A_64 = arith.constant 0 : i32
    %dma_wait3A_65 = tpu.memref_slice %arg2[%mul3A_29, %dma_wait3A_64] : memref<2048x768xf32, #tpu.memory_space<hbm>> -> memref<64x768xf32, #tpu.memory_space<hbm>>
    %dma_wait3A_66 = arith.constant 0 : i32
    %dma_wait3A_67 = tpu.memref_slice %arg2[%mul3A_29, %dma_wait3A_66] : memref<2048x768xf32, #tpu.memory_space<hbm>> -> memref<64x768xf32, #tpu.memory_space<hbm>>
    tpu.wait_dma2 semaphore(%arg12 : memref<!tpu.dma_semaphore, #tpu.memory_space<semaphore_mem>>) src(%dma_wait3A_67 : memref<64x768xf32, #tpu.memory_space<hbm>>) dst(%arg8 : memref<64x768xf32, #tpu.memory_space<vmem>>)
    %dma_start3A_68 = arith.constant 0 : i32
    %dma_start3A_69 = arith.constant 0 : i32
    %dma_start3A_70 = tpu.memref_slice %arg7[%dma_start3A_68, %dma_start3A_69] : memref<2x64xi32, #tpu.memory_space<vmem>> -> memref<1x64xi32, #tpu.memory_space<vmem>>
    %dma_start3A_71 = tpu.memref_squeeze %dma_start3A_70 : memref<1x64xi32, #tpu.memory_space<vmem>> -> memref<64xi32, #tpu.memory_space<vmem>>
    %dma_start3A_72 = arith.constant 0 : i32
    %dma_start3A_73 = arith.constant 0 : i32
    %dma_start3A_74 = tpu.memref_slice %arg5[%dma_start3A_72, %dma_start3A_73] : memref<5120x768xf32, #tpu.memory_space<hbm>> -> memref<5120x768xf32, #tpu.memory_space<hbm>>
    tpu.enqueue_indirect_dma source(%arg8 : memref<64x768xf32, #tpu.memory_space<vmem>>) target(%dma_start3A_74 : memref<5120x768xf32, #tpu.memory_space<hbm>>) offsets(%dma_start3A_71 : memref<64xi32, #tpu.memory_space<vmem>>) semaphore(%arg10 : memref<!tpu.dma_semaphore, #tpu.memory_space<semaphore_mem>>)
    %dma_start3A_75 = arith.constant 1 : i32
    %dma_start3A_76 = arith.constant 0 : i32
    %dma_start3A_77 = tpu.memref_slice %arg7[%dma_start3A_75, %dma_start3A_76] : memref<2x64xi32, #tpu.memory_space<vmem>> -> memref<1x64xi32, #tpu.memory_space<vmem>>
    %dma_start3A_78 = tpu.memref_squeeze %dma_start3A_77 : memref<1x64xi32, #tpu.memory_space<vmem>> -> memref<64xi32, #tpu.memory_space<vmem>>
    %dma_start3A_79 = arith.constant 0 : i32
    %dma_start3A_80 = arith.constant 0 : i32
    %dma_start3A_81 = tpu.memref_slice %arg5[%dma_start3A_79, %dma_start3A_80] : memref<5120x768xf32, #tpu.memory_space<hbm>> -> memref<5120x768xf32, #tpu.memory_space<hbm>>
    tpu.enqueue_indirect_dma source(%arg8 : memref<64x768xf32, #tpu.memory_space<vmem>>) target(%dma_start3A_81 : memref<5120x768xf32, #tpu.memory_space<hbm>>) offsets(%dma_start3A_78 : memref<64xi32, #tpu.memory_space<vmem>>) semaphore(%arg11 : memref<!tpu.dma_semaphore, #tpu.memory_space<semaphore_mem>>)
    %dma_start3A_82 = arith.constant 0 : i32
    %dma_start3A_83 = arith.constant 0 : i32
    %dma_start3A_84 = arith.constant 0 : i32
    %dma_start3A_85 = tpu.memref_slice %arg9[%dma_start3A_82, %dma_start3A_84] : memref<2x64xf32, #tpu.memory_space<vmem>> -> memref<1x64xf32, #tpu.memory_space<vmem>>
    %dma_start3A_86 = tpu.memref_squeeze %dma_start3A_85 : memref<1x64xf32, #tpu.memory_space<vmem>> -> memref<64xf32, #tpu.memory_space<vmem>>
    %dma_start3A_87 = arith.constant 0 : i32
    %dma_start3A_88 = tpu.memref_slice %arg7[%dma_start3A_83, %dma_start3A_87] : memref<2x64xi32, #tpu.memory_space<vmem>> -> memref<1x64xi32, #tpu.memory_space<vmem>>
    %dma_start3A_89 = tpu.memref_squeeze %dma_start3A_88 : memref<1x64xi32, #tpu.memory_space<vmem>> -> memref<64xi32, #tpu.memory_space<vmem>>
    %dma_start3A_90 = arith.constant 0 : i32
    %dma_start3A_91 = tpu.memref_slice %arg6[%dma_start3A_90] : memref<5120xf32, #tpu.memory_space<hbm>> -> memref<5120xf32, #tpu.memory_space<hbm>>
    tpu.enqueue_indirect_dma source(%dma_start3A_86 : memref<64xf32, #tpu.memory_space<vmem>>) target(%dma_start3A_91 : memref<5120xf32, #tpu.memory_space<hbm>>) offsets(%dma_start3A_89 : memref<64xi32, #tpu.memory_space<vmem>>) semaphore(%arg12 : memref<!tpu.dma_semaphore, #tpu.memory_space<semaphore_mem>>)
    %dma_wait3A_92 = arith.constant 0 : i32
    %dma_wait3A_93 = arith.constant 0 : i32
    %dma_wait3A_94 = tpu.memref_slice %arg7[%dma_wait3A_92, %dma_wait3A_93] : memref<2x64xi32, #tpu.memory_space<vmem>> -> memref<1x64xi32, #tpu.memory_space<vmem>>
    %dma_wait3A_95 = tpu.memref_squeeze %dma_wait3A_94 : memref<1x64xi32, #tpu.memory_space<vmem>> -> memref<64xi32, #tpu.memory_space<vmem>>
    %dma_wait3A_96 = arith.constant 0 : i32
    %dma_wait3A_97 = arith.constant 0 : i32
    %dma_wait3A_98 = tpu.memref_slice %arg5[%dma_wait3A_96, %dma_wait3A_97] : memref<5120x768xf32, #tpu.memory_space<hbm>> -> memref<5120x768xf32, #tpu.memory_space<hbm>>
    tpu.wait_indirect_dma semaphore(%arg10 : memref<!tpu.dma_semaphore, #tpu.memory_space<semaphore_mem>>) src(%arg8 : memref<64x768xf32, #tpu.memory_space<vmem>>) dst(%dma_wait3A_98 : memref<5120x768xf32, #tpu.memory_space<hbm>>)
    %dma_wait3A_99 = arith.constant 1 : i32
    %dma_wait3A_100 = arith.constant 0 : i32
    %dma_wait3A_101 = tpu.memref_slice %arg7[%dma_wait3A_99, %dma_wait3A_100] : memref<2x64xi32, #tpu.memory_space<vmem>> -> memref<1x64xi32, #tpu.memory_space<vmem>>
    %dma_wait3A_102 = tpu.memref_squeeze %dma_wait3A_101 : memref<1x64xi32, #tpu.memory_space<vmem>> -> memref<64xi32, #tpu.memory_space<vmem>>
    %dma_wait3A_103 = arith.constant 0 : i32
    %dma_wait3A_104 = arith.constant 0 : i32
    %dma_wait3A_105 = tpu.memref_slice %arg5[%dma_wait3A_103, %dma_wait3A_104] : memref<5120x768xf32, #tpu.memory_space<hbm>> -> memref<5120x768xf32, #tpu.memory_space<hbm>>
    tpu.wait_indirect_dma semaphore(%arg11 : memref<!tpu.dma_semaphore, #tpu.memory_space<semaphore_mem>>) src(%arg8 : memref<64x768xf32, #tpu.memory_space<vmem>>) dst(%dma_wait3A_105 : memref<5120x768xf32, #tpu.memory_space<hbm>>)
    %dma_wait3A_106 = arith.constant 0 : i32
    %dma_wait3A_107 = arith.constant 0 : i32
    %dma_wait3A_108 = arith.constant 0 : i32
    %dma_wait3A_109 = tpu.memref_slice %arg9[%dma_wait3A_106, %dma_wait3A_108] : memref<2x64xf32, #tpu.memory_space<vmem>> -> memref<1x64xf32, #tpu.memory_space<vmem>>
    %dma_wait3A_110 = tpu.memref_squeeze %dma_wait3A_109 : memref<1x64xf32, #tpu.memory_space<vmem>> -> memref<64xf32, #tpu.memory_space<vmem>>
    %dma_wait3A_111 = arith.constant 0 : i32
    %dma_wait3A_112 = tpu.memref_slice %arg7[%dma_wait3A_107, %dma_wait3A_111] : memref<2x64xi32, #tpu.memory_space<vmem>> -> memref<1x64xi32, #tpu.memory_space<vmem>>
    %dma_wait3A_113 = tpu.memref_squeeze %dma_wait3A_112 : memref<1x64xi32, #tpu.memory_space<vmem>> -> memref<64xi32, #tpu.memory_space<vmem>>
    %dma_wait3A_114 = arith.constant 0 : i32
    %dma_wait3A_115 = tpu.memref_slice %arg6[%dma_wait3A_114] : memref<5120xf32, #tpu.memory_space<hbm>> -> memref<5120xf32, #tpu.memory_space<hbm>>
    tpu.wait_indirect_dma semaphore(%arg12 : memref<!tpu.dma_semaphore, #tpu.memory_space<semaphore_mem>>) src(%dma_wait3A_110 : memref<64xf32, #tpu.memory_space<vmem>>) dst(%dma_wait3A_115 : memref<5120xf32, #tpu.memory_space<hbm>>)
    %dma_start3A_116 = arith.constant 1 : i32
    %dma_start3A_117 = arith.constant 1 : i32
    %dma_start3A_118 = arith.constant 0 : i32
    %dma_start3A_119 = tpu.memref_slice %arg9[%dma_start3A_116, %dma_start3A_118] : memref<2x64xf32, #tpu.memory_space<vmem>> -> memref<1x64xf32, #tpu.memory_space<vmem>>
    %dma_start3A_120 = tpu.memref_squeeze %dma_start3A_119 : memref<1x64xf32, #tpu.memory_space<vmem>> -> memref<64xf32, #tpu.memory_space<vmem>>
    %dma_start3A_121 = arith.constant 0 : i32
    %dma_start3A_122 = tpu.memref_slice %arg7[%dma_start3A_117, %dma_start3A_121] : memref<2x64xi32, #tpu.memory_space<vmem>> -> memref<1x64xi32, #tpu.memory_space<vmem>>
    %dma_start3A_123 = tpu.memref_squeeze %dma_start3A_122 : memref<1x64xi32, #tpu.memory_space<vmem>> -> memref<64xi32, #tpu.memory_space<vmem>>
    %dma_start3A_124 = arith.constant 0 : i32
    %dma_start3A_125 = tpu.memref_slice %arg6[%dma_start3A_124] : memref<5120xf32, #tpu.memory_space<hbm>> -> memref<5120xf32, #tpu.memory_space<hbm>>
    tpu.enqueue_indirect_dma source(%dma_start3A_120 : memref<64xf32, #tpu.memory_space<vmem>>) target(%dma_start3A_125 : memref<5120xf32, #tpu.memory_space<hbm>>) offsets(%dma_start3A_123 : memref<64xi32, #tpu.memory_space<vmem>>) semaphore(%arg10 : memref<!tpu.dma_semaphore, #tpu.memory_space<semaphore_mem>>)
    %dma_wait3A_126 = arith.constant 1 : i32
    %dma_wait3A_127 = arith.constant 1 : i32
    %dma_wait3A_128 = arith.constant 0 : i32
    %dma_wait3A_129 = tpu.memref_slice %arg9[%dma_wait3A_126, %dma_wait3A_128] : memref<2x64xf32, #tpu.memory_space<vmem>> -> memref<1x64xf32, #tpu.memory_space<vmem>>
    %dma_wait3A_130 = tpu.memref_squeeze %dma_wait3A_129 : memref<1x64xf32, #tpu.memory_space<vmem>> -> memref<64xf32, #tpu.memory_space<vmem>>
    %dma_wait3A_131 = arith.constant 0 : i32
    %dma_wait3A_132 = tpu.memref_slice %arg7[%dma_wait3A_127, %dma_wait3A_131] : memref<2x64xi32, #tpu.memory_space<vmem>> -> memref<1x64xi32, #tpu.memory_space<vmem>>
    %dma_wait3A_133 = tpu.memref_squeeze %dma_wait3A_132 : memref<1x64xi32, #tpu.memory_space<vmem>> -> memref<64xi32, #tpu.memory_space<vmem>>
    %dma_wait3A_134 = arith.constant 0 : i32
    %dma_wait3A_135 = tpu.memref_slice %arg6[%dma_wait3A_134] : memref<5120xf32, #tpu.memory_space<hbm>> -> memref<5120xf32, #tpu.memory_space<hbm>>
    tpu.wait_indirect_dma semaphore(%arg10 : memref<!tpu.dma_semaphore, #tpu.memory_space<semaphore_mem>>) src(%dma_wait3A_130 : memref<64xf32, #tpu.memory_space<vmem>>) dst(%dma_wait3A_135 : memref<5120xf32, #tpu.memory_space<hbm>>)
    return
  }
}

module attributes {stable_mosaic.version = 14 : i64} {
  func.func @_k1_router(%arg0: i32, %arg1: memref<512x768xf32, #tpu.memory_space<vmem>>, %arg2: memref<768x8xf32, #tpu.memory_space<vmem>>, %arg3: memref<4x512xf32, #tpu.memory_space<vmem>>, %arg4: memref<8x1xf32, #tpu.memory_space<vmem>>, %arg5: memref<8x128xf32, #tpu.memory_space<vmem>>) attributes {dimension_semantics = [#tpu.dimension_semantics<arbitrary>], iteration_bounds = array<i64: 4>, scalar_prefetch = 0 : i64, scratch_operands = 1 : i64, tpu.core_type = #tpu.core_type<tc>, window_params = [{transform_indices = @transform_0, window_bounds = array<i64: 512, 768>}, {pipeline_mode = #tpu.pipeline_mode<synchronous>, transform_indices = @transform_1, window_bounds = array<i64: 768, 8>}, {transform_indices = @transform_2, window_bounds = array<i64: 4, 512>}, {pipeline_mode = #tpu.pipeline_mode<synchronous>, transform_indices = @transform_3, window_bounds = array<i64: 8, 1>}]} {
    %get3A = arith.constant 0 : index
    %get3A_0 = arith.constant 0 : index
    %get3A_1 = vector.load %arg1[%get3A, %get3A_0] : memref<512x768xf32, #tpu.memory_space<vmem>>, vector<512x768xf32>
    %get3A_2 = arith.constant 0 : index
    %get3A_3 = arith.constant 0 : index
    %get3A_4 = vector.load %arg2[%get3A_2, %get3A_3] : memref<768x8xf32, #tpu.memory_space<vmem>>, vector<768x8xf32>
    %dot_general3A = arith.constant dense<0.000000e+00> : vector<8x512xf32>
    %dot_general3A_5 = tpu.matmul %get3A_4, %get3A_1, %dot_general3A {dimension_numbers = #tpu.dot_dimension_numbers<[0], [1], [1], [0], [0, 1, 1, 0], [], []>, transpose_lhs_hint = false} : vector<768x8xf32>, vector<512x768xf32>, vector<8x512xf32> -> vector<8x512xf32>
    %reduce_max3A = arith.constant dense<0xFF800000> : vector<512xf32>
    %reduce_max3A_6 = vector.multi_reduction <maximumf>, %dot_general3A_5, %reduce_max3A [0] : vector<8x512xf32> to vector<512xf32>
    %broadcast_in_dim3A = vector.shape_cast %reduce_max3A_6 : vector<512xf32> to vector<1x512xf32>
    %argmax3A = tpu.reduce_index %dot_general3A_5 {axis = 0 : i32, kind = #tpu.reduction_kind<arg_max>} : vector<8x512xf32> -> vector<512xi32>
    %broadcast_in_dim3A_7 = vector.shape_cast %argmax3A : vector<512xi32> to vector<1x512xi32>
    %iota3A = tpu.iota {dimensions = array<i32: 0>} : vector<8x512xi32>
    %eq3A = vector.broadcast %broadcast_in_dim3A_7 : vector<1x512xi32> to vector<8x512xi32>
    %eq3A_8 = arith.cmpi eq, %iota3A, %eq3A : vector<8x512xi32>
    %jit3A = arith.constant 0xFF800000 : f32
    %broadcast_in_dim3A_9 = vector.broadcast %jit3A : f32 to vector<8x512xf32>
    %select_n3A = arith.select %eq3A_8, %broadcast_in_dim3A_9, %dot_general3A_5 : vector<8x512xi1>, vector<8x512xf32>
    %reduce_max3A_10 = arith.constant dense<0xFF800000> : vector<512xf32>
    %reduce_max3A_11 = vector.multi_reduction <maximumf>, %select_n3A, %reduce_max3A_10 [0] : vector<8x512xf32> to vector<512xf32>
    %broadcast_in_dim3A_12 = vector.shape_cast %reduce_max3A_11 : vector<512xf32> to vector<1x512xf32>
    %argmax3A_13 = tpu.reduce_index %select_n3A {axis = 0 : i32, kind = #tpu.reduction_kind<arg_max>} : vector<8x512xf32> -> vector<512xi32>
    %broadcast_in_dim3A_14 = vector.shape_cast %argmax3A_13 : vector<512xi32> to vector<1x512xi32>
    %sub3A = arith.subf %broadcast_in_dim3A_12, %broadcast_in_dim3A : vector<1x512xf32>
    %exp3A = math.exp %sub3A : vector<1x512xf32>
    %add3A = arith.constant 1.000000e+00 : f32
    %add3A_15 = vector.broadcast %add3A : f32 to vector<1x512xf32>
    %add3A_16 = arith.addf %add3A_15, %exp3A : vector<1x512xf32>
    %div3A = arith.constant 1.000000e+00 : f32
    %div3A_17 = vector.broadcast %div3A : f32 to vector<1x512xf32>
    %div3A_18 = arith.divf %div3A_17, %add3A_16 : vector<1x512xf32>
    %convert_element_type3A = arith.sitofp %broadcast_in_dim3A_7 : vector<1x512xi32> to vector<1x512xf32>
    %convert_element_type3A_19 = arith.sitofp %broadcast_in_dim3A_14 : vector<1x512xi32> to vector<1x512xf32>
    %sub3A_20 = arith.constant 1.000000e+00 : f32
    %sub3A_21 = vector.broadcast %sub3A_20 : f32 to vector<1x512xf32>
    %sub3A_22 = arith.subf %sub3A_21, %div3A_18 : vector<1x512xf32>
    %concatenate3A = tpu.concatenate %convert_element_type3A, %convert_element_type3A_19, %div3A_18, %sub3A_22 in 0 : vector<1x512xf32>, vector<1x512xf32>, vector<1x512xf32>, vector<1x512xf32> -> vector<4x512xf32>
    %swap3A = arith.constant 0 : index
    %swap3A_23 = arith.constant 0 : index
    %swap3A_24 = vector.load %arg3[%swap3A, %swap3A_23] : memref<4x512xf32, #tpu.memory_space<vmem>>, vector<4x512xf32>
    tpu.vector_store %arg3[%swap3A, %swap3A_23], %concatenate3A {strides = array<i32>} : memref<4x512xf32, #tpu.memory_space<vmem>>, vector<4x512xf32>,
    %eq3A_25 = vector.broadcast %broadcast_in_dim3A_7 : vector<1x512xi32> to vector<8x512xi32>
    %eq3A_26 = arith.cmpi eq, %iota3A, %eq3A_25 : vector<8x512xi32>
    %jit3A_27 = arith.constant 1.000000e+00 : f32
    %jit3A_28 = arith.constant 0.000000e+00 : f32
    %broadcast_in_dim3A_29 = vector.broadcast %jit3A_27 : f32 to vector<8x512xf32>
    %broadcast_in_dim3A_30 = vector.broadcast %jit3A_28 : f32 to vector<8x512xf32>
    %select_n3A_31 = arith.select %eq3A_26, %broadcast_in_dim3A_29, %broadcast_in_dim3A_30 : vector<8x512xi1>, vector<8x512xf32>
    %eq3A_32 = vector.broadcast %broadcast_in_dim3A_14 : vector<1x512xi32> to vector<8x512xi32>
    %eq3A_33 = arith.cmpi eq, %iota3A, %eq3A_32 : vector<8x512xi32>
    %jit3A_34 = arith.constant 1.000000e+00 : f32
    %jit3A_35 = arith.constant 0.000000e+00 : f32
    %broadcast_in_dim3A_36 = vector.broadcast %jit3A_34 : f32 to vector<8x512xf32>
    %broadcast_in_dim3A_37 = vector.broadcast %jit3A_35 : f32 to vector<8x512xf32>
    %select_n3A_38 = arith.select %eq3A_33, %broadcast_in_dim3A_36, %broadcast_in_dim3A_37 : vector<8x512xi1>, vector<8x512xf32>
    %add3A_39 = arith.addf %select_n3A_31, %select_n3A_38 : vector<8x512xf32>
    %reduce_sum3A = arith.constant dense<0.000000e+00> : vector<8xf32>
    %reduce_sum3A_40 = vector.multi_reduction <add>, %add3A_39, %reduce_sum3A [1] : vector<8x512xf32> to vector<8xf32>
    %broadcast_in_dim3A_41 = vector.shape_cast %reduce_sum3A_40 : vector<8xf32> to vector<8x1xf32>
    %eq3A_42 = arith.constant 0 : i32
    %eq3A_43 = arith.cmpi eq, %arg0, %eq3A_42 : i32
    %convert_element_type3A_44 = arith.extui %eq3A_43 : i1 to i32
    %cond3A = arith.constant 0 : i32
    %cond3A_45 = arith.cmpi ne, %convert_element_type3A_44, %cond3A : i32
    scf.if %cond3A_45 {
      %broadcast_in_dim3A_59 = arith.constant 0.000000e+00 : f32
      %broadcast_in_dim3A_60 = vector.broadcast %broadcast_in_dim3A_59 : f32 to vector<8x128xf32>
      %swap3A_61 = arith.constant 0 : index
      %swap3A_62 = arith.constant 0 : index
      %swap3A_63 = vector.load %arg5[%swap3A_61, %swap3A_62] : memref<8x128xf32, #tpu.memory_space<vmem>>, vector<8x128xf32>
      tpu.vector_store %arg5[%swap3A_61, %swap3A_62], %broadcast_in_dim3A_60 {strides = array<i32>} : memref<8x128xf32, #tpu.memory_space<vmem>>, vector<8x128xf32>,
    } else {
    }
    %get3A_46 = arith.constant 0 : index
    %get3A_47 = arith.constant 0 : index
    %get3A_48 = vector.load %arg5[%get3A_46, %get3A_47] : memref<8x128xf32, #tpu.memory_space<vmem>>, vector<8x1xf32>
    %add3A_49 = arith.addf %get3A_48, %broadcast_in_dim3A_41 : vector<8x1xf32>
    %swap3A_50 = arith.constant 0 : index
    %swap3A_51 = arith.constant 0 : index
    %swap3A_52 = vector.load %arg5[%swap3A_50, %swap3A_51] : memref<8x128xf32, #tpu.memory_space<vmem>>, vector<8x1xf32>
    tpu.vector_store %arg5[%swap3A_50, %swap3A_51], %add3A_49 {strides = array<i32>} : memref<8x128xf32, #tpu.memory_space<vmem>>, vector<8x1xf32>,
    %get3A_53 = arith.constant 0 : index
    %get3A_54 = arith.constant 0 : index
    %get3A_55 = vector.load %arg5[%get3A_53, %get3A_54] : memref<8x128xf32, #tpu.memory_space<vmem>>, vector<8x1xf32>
    %swap3A_56 = arith.constant 0 : index
    %swap3A_57 = arith.constant 0 : index
    %swap3A_58 = vector.load %arg4[%swap3A_56, %swap3A_57] : memref<8x1xf32, #tpu.memory_space<vmem>>, vector<8x1xf32>
    tpu.vector_store %arg4[%swap3A_56, %swap3A_57], %get3A_55 {strides = array<i32>} : memref<8x1xf32, #tpu.memory_space<vmem>>, vector<8x1xf32>,
    return
  }
  func.func @transform_0(%arg0: i32) -> (i32, i32) {
    %c0_i32 = arith.constant 0 : i32
    %c0_i32_0 = arith.constant 0 : i32
    return %arg0, %c0_i32 : i32, i32
  }
  func.func @transform_1(%arg0: i32) -> (i32, i32) {
    %c0_i32 = arith.constant 0 : i32
    %c0_i32_0 = arith.constant 0 : i32
    %c0_i32_1 = arith.constant 0 : i32
    return %c0_i32, %c0_i32_0 : i32, i32
  }
  func.func @transform_2(%arg0: i32) -> (i32, i32) {
    %c0_i32 = arith.constant 0 : i32
    %c0_i32_0 = arith.constant 0 : i32
    return %c0_i32, %arg0 : i32, i32
  }
  func.func @transform_3(%arg0: i32) -> (i32, i32) {
    %c0_i32 = arith.constant 0 : i32
    %c0_i32_0 = arith.constant 0 : i32
    %c0_i32_1 = arith.constant 0 : i32
    return %c0_i32, %c0_i32_0 : i32, i32
  }
}

module attributes {stable_mosaic.version = 14 : i64} {
  func.func @_k_shared(%arg0: i32, %arg1: memref<512x768xf32, #tpu.memory_space<vmem>>, %arg2: memref<768x512xf32, #tpu.memory_space<vmem>>, %arg3: memref<768x512xf32, #tpu.memory_space<vmem>>, %arg4: memref<512x768xf32, #tpu.memory_space<vmem>>, %arg5: memref<512x768xf32, #tpu.memory_space<vmem>>) attributes {dimension_semantics = [#tpu.dimension_semantics<arbitrary>], iteration_bounds = array<i64: 4>, scalar_prefetch = 0 : i64, scratch_operands = 0 : i64, tpu.core_type = #tpu.core_type<tc>, window_params = [{transform_indices = @transform_0, window_bounds = array<i64: 512, 768>}, {pipeline_mode = #tpu.pipeline_mode<synchronous>, transform_indices = @transform_1, window_bounds = array<i64: 768, 512>}, {pipeline_mode = #tpu.pipeline_mode<synchronous>, transform_indices = @transform_2, window_bounds = array<i64: 768, 512>}, {pipeline_mode = #tpu.pipeline_mode<synchronous>, transform_indices = @transform_3, window_bounds = array<i64: 512, 768>}, {transform_indices = @transform_4, window_bounds = array<i64: 512, 768>}]} {
    %get3A = arith.constant 0 : index
    %get3A_0 = arith.constant 0 : index
    %get3A_1 = vector.load %arg1[%get3A, %get3A_0] : memref<512x768xf32, #tpu.memory_space<vmem>>, vector<512x768xf32>
    %get3A_2 = arith.constant 0 : index
    %get3A_3 = arith.constant 0 : index
    %get3A_4 = vector.load %arg2[%get3A_2, %get3A_3] : memref<768x512xf32, #tpu.memory_space<vmem>>, vector<768x512xf32>
    %dot_general3A = arith.constant dense<0.000000e+00> : vector<512x512xf32>
    %dot_general3A_5 = tpu.matmul %get3A_1, %get3A_4, %dot_general3A {dimension_numbers = #tpu.dot_dimension_numbers<[1], [0], [0], [1], [0, 0, 1, 1], [], []>, transpose_lhs_hint = false} : vector<512x768xf32>, vector<768x512xf32>, vector<512x512xf32> -> vector<512x512xf32>
    %get3A_6 = arith.constant 0 : index
    %get3A_7 = arith.constant 0 : index
    %get3A_8 = vector.load %arg3[%get3A_6, %get3A_7] : memref<768x512xf32, #tpu.memory_space<vmem>>, vector<768x512xf32>
    %dot_general3A_9 = arith.constant dense<0.000000e+00> : vector<512x512xf32>
    %dot_general3A_10 = tpu.matmul %get3A_1, %get3A_8, %dot_general3A_9 {dimension_numbers = #tpu.dot_dimension_numbers<[1], [0], [0], [1], [0, 0, 1, 1], [], []>, transpose_lhs_hint = false} : vector<512x768xf32>, vector<768x512xf32>, vector<512x512xf32> -> vector<512x512xf32>
    %logistic3A = arith.negf %dot_general3A_5 : vector<512x512xf32>
    %logistic3A_11 = math.exp %logistic3A : vector<512x512xf32>
    %logistic3A_12 = arith.constant 1.000000e+00 : f32
    %logistic3A_13 = vector.broadcast %logistic3A_12 : f32 to vector<512x512xf32>
    %logistic3A_14 = arith.addf %logistic3A_13, %logistic3A_11 : vector<512x512xf32>
    %logistic3A_15 = arith.divf %logistic3A_13, %logistic3A_14 : vector<512x512xf32>
    %mul3A = arith.mulf %dot_general3A_5, %logistic3A_15 : vector<512x512xf32>
    %mul3A_16 = arith.mulf %mul3A, %dot_general3A_10 : vector<512x512xf32>
    %get3A_17 = arith.constant 0 : index
    %get3A_18 = arith.constant 0 : index
    %get3A_19 = vector.load %arg4[%get3A_17, %get3A_18] : memref<512x768xf32, #tpu.memory_space<vmem>>, vector<512x768xf32>
    %dot_general3A_20 = arith.constant dense<0.000000e+00> : vector<512x768xf32>
    %dot_general3A_21 = tpu.matmul %mul3A_16, %get3A_19, %dot_general3A_20 {dimension_numbers = #tpu.dot_dimension_numbers<[1], [0], [0], [1], [0, 0, 1, 1], [], []>, transpose_lhs_hint = false} : vector<512x512xf32>, vector<512x768xf32>, vector<512x768xf32> -> vector<512x768xf32>
    %swap3A = arith.constant 0 : index
    %swap3A_22 = arith.constant 0 : index
    %swap3A_23 = vector.load %arg5[%swap3A, %swap3A_22] : memref<512x768xf32, #tpu.memory_space<vmem>>, vector<512x768xf32>
    tpu.vector_store %arg5[%swap3A, %swap3A_22], %dot_general3A_21 {strides = array<i32>} : memref<512x768xf32, #tpu.memory_space<vmem>>, vector<512x768xf32>,
    return
  }
  func.func @transform_0(%arg0: i32) -> (i32, i32) {
    %c0_i32 = arith.constant 0 : i32
    %c0_i32_0 = arith.constant 0 : i32
    return %arg0, %c0_i32 : i32, i32
  }
  func.func @transform_1(%arg0: i32) -> (i32, i32) {
    %c0_i32 = arith.constant 0 : i32
    %c0_i32_0 = arith.constant 0 : i32
    %c0_i32_1 = arith.constant 0 : i32
    return %c0_i32, %c0_i32_0 : i32, i32
  }
  func.func @transform_2(%arg0: i32) -> (i32, i32) {
    %c0_i32 = arith.constant 0 : i32
    %c0_i32_0 = arith.constant 0 : i32
    %c0_i32_1 = arith.constant 0 : i32
    return %c0_i32, %c0_i32_0 : i32, i32
  }
  func.func @transform_3(%arg0: i32) -> (i32, i32) {
    %c0_i32 = arith.constant 0 : i32
    %c0_i32_0 = arith.constant 0 : i32
    %c0_i32_1 = arith.constant 0 : i32
    return %c0_i32, %c0_i32_0 : i32, i32
  }
  func.func @transform_4(%arg0: i32) -> (i32, i32) {
    %c0_i32 = arith.constant 0 : i32
    %c0_i32_0 = arith.constant 0 : i32
    return %arg0, %c0_i32 : i32, i32
  }
}

module attributes {stable_mosaic.version = 14 : i64} {
  func.func @_k1b_dispatch(%arg0: i32, %arg1: memref<4x512xf32, #tpu.memory_space<vmem>>, %arg2: memref<8x1xf32, #tpu.memory_space<vmem>>, %arg3: memref<2x512xi32, #tpu.memory_space<vmem>>, %arg4: memref<1x48xi32, #tpu.memory_space<vmem>>, %arg5: memref<8x128xf32, #tpu.memory_space<vmem>>) attributes {dimension_semantics = [#tpu.dimension_semantics<arbitrary>], iteration_bounds = array<i64: 4>, scalar_prefetch = 0 : i64, scratch_operands = 1 : i64, tpu.core_type = #tpu.core_type<tc>, window_params = [{transform_indices = @transform_0, window_bounds = array<i64: 4, 512>}, {pipeline_mode = #tpu.pipeline_mode<synchronous>, transform_indices = @transform_1, window_bounds = array<i64: 8, 1>}, {transform_indices = @transform_2, window_bounds = array<i64: 2, 512>}, {pipeline_mode = #tpu.pipeline_mode<synchronous>, transform_indices = @transform_3, window_bounds = array<i64: 1, 48>}]} {
    %get3A = arith.constant 0 : index
    %get3A_0 = arith.constant 0 : index
    %get3A_1 = vector.load %arg2[%get3A, %get3A_0] : memref<8x1xf32, #tpu.memory_space<vmem>>, vector<8x1xf32>
    %add3A = arith.constant 1.270000e+02 : f32
    %add3A_2 = vector.broadcast %add3A : f32 to vector<8x1xf32>
    %add3A_3 = arith.addf %get3A_1, %add3A_2 : vector<8x1xf32>
    %mul3A = arith.constant 7.812500e-03 : f32
    %mul3A_4 = vector.broadcast %mul3A : f32 to vector<8x1xf32>
    %mul3A_5 = arith.mulf %add3A_3, %mul3A_4 : vector<8x1xf32>
    %floor3A = math.floor %mul3A_5 : vector<8x1xf32>
    %mul3A_6 = arith.constant 1.280000e+02 : f32
    %mul3A_7 = vector.broadcast %mul3A_6 : f32 to vector<8x1xf32>
    %mul3A_8 = arith.mulf %floor3A, %mul3A_7 : vector<8x1xf32>
    %broadcast_in_dim3A = arith.constant 0.000000e+00 : f32
    %broadcast_in_dim3A_9 = vector.broadcast %broadcast_in_dim3A : f32 to vector<1x1xf32>
    %slice3A = vector.extract_strided_slice %mul3A_8 {offsets = [0, 0], sizes = [7, 1], strides = [1, 1]} : vector<8x1xf32> to vector<7x1xf32>
    %concatenate3A = tpu.concatenate %broadcast_in_dim3A_9, %slice3A in 0 : vector<1x1xf32>, vector<7x1xf32> -> vector<8x1xf32>
    %add3A_10 = arith.addf %mul3A_8, %concatenate3A : vector<8x1xf32>
    %broadcast_in_dim3A_11 = arith.constant 0.000000e+00 : f32
    %broadcast_in_dim3A_12 = vector.broadcast %broadcast_in_dim3A_11 : f32 to vector<2x1xf32>
    %slice3A_13 = vector.extract_strided_slice %add3A_10 {offsets = [0, 0], sizes = [6, 1], strides = [1, 1]} : vector<8x1xf32> to vector<6x1xf32>
    %concatenate3A_14 = tpu.concatenate %broadcast_in_dim3A_12, %slice3A_13 in 0 : vector<2x1xf32>, vector<6x1xf32> -> vector<8x1xf32>
    %add3A_15 = arith.addf %add3A_10, %concatenate3A_14 : vector<8x1xf32>
    %broadcast_in_dim3A_16 = arith.constant 0.000000e+00 : f32
    %broadcast_in_dim3A_17 = vector.broadcast %broadcast_in_dim3A_16 : f32 to vector<4x1xf32>
    %slice3A_18 = vector.extract_strided_slice %add3A_15 {offsets = [0, 0], sizes = [4, 1], strides = [1, 1]} : vector<8x1xf32> to vector<4x1xf32>
    %concatenate3A_19 = tpu.concatenate %broadcast_in_dim3A_17, %slice3A_18 in 0 : vector<4x1xf32>, vector<4x1xf32> -> vector<8x1xf32>
    %add3A_20 = arith.addf %add3A_15, %concatenate3A_19 : vector<8x1xf32>
    %sub3A = arith.subf %add3A_20, %mul3A_8 : vector<8x1xf32>
    %get3A_21 = arith.constant 0 : index
    %get3A_22 = arith.constant 0 : index
    %get3A_23 = vector.load %arg1[%get3A_21, %get3A_22] : memref<4x512xf32, #tpu.memory_space<vmem>>, vector<1x512xf32>
    %get3A_24 = arith.constant 1 : index
    %get3A_25 = arith.constant 0 : index
    %get3A_26 = vector.load %arg1[%get3A_24, %get3A_25] : memref<4x512xf32, #tpu.memory_space<vmem>>, vector<1x512xf32>
    %iota3A = tpu.iota {dimensions = array<i32: 0>} : vector<8x512xi32>
    %convert_element_type3A = arith.sitofp %iota3A : vector<8x512xi32> to vector<8x512xf32>
    %eq3A = vector.broadcast %get3A_23 : vector<1x512xf32> to vector<8x512xf32>
    %eq3A_27 = arith.cmpf oeq, %convert_element_type3A, %eq3A : vector<8x512xf32>
    %jit3A = arith.constant 1.000000e+00 : f32
    %jit3A_28 = arith.constant 0.000000e+00 : f32
    %broadcast_in_dim3A_29 = vector.broadcast %jit3A : f32 to vector<8x512xf32>
    %broadcast_in_dim3A_30 = vector.broadcast %jit3A_28 : f32 to vector<8x512xf32>
    %select_n3A = arith.select %eq3A_27, %broadcast_in_dim3A_29, %broadcast_in_dim3A_30 : vector<8x512xi1>, vector<8x512xf32>
    %eq3A_31 = vector.broadcast %get3A_26 : vector<1x512xf32> to vector<8x512xf32>
    %eq3A_32 = arith.cmpf oeq, %convert_element_type3A, %eq3A_31 : vector<8x512xf32>
    %jit3A_33 = arith.constant 1.000000e+00 : f32
    %jit3A_34 = arith.constant 0.000000e+00 : f32
    %broadcast_in_dim3A_35 = vector.broadcast %jit3A_33 : f32 to vector<8x512xf32>
    %broadcast_in_dim3A_36 = vector.broadcast %jit3A_34 : f32 to vector<8x512xf32>
    %select_n3A_37 = arith.select %eq3A_32, %broadcast_in_dim3A_35, %broadcast_in_dim3A_36 : vector<8x512xi1>, vector<8x512xf32>
    %eq3A_38 = arith.constant 0 : i32
    %eq3A_39 = arith.cmpi eq, %arg0, %eq3A_38 : i32
    %convert_element_type3A_40 = arith.extui %eq3A_39 : i1 to i32
    %cond3A = arith.constant 0 : i32
    %cond3A_41 = arith.cmpi ne, %convert_element_type3A_40, %cond3A : i32
    scf.if %cond3A_41 {
      %broadcast_in_dim3A_168 = arith.constant 0.000000e+00 : f32
      %broadcast_in_dim3A_169 = vector.broadcast %broadcast_in_dim3A_168 : f32 to vector<8x128xf32>
      %swap3A_170 = arith.constant 0 : index
      %swap3A_171 = arith.constant 0 : index
      %swap3A_172 = vector.load %arg5[%swap3A_170, %swap3A_171] : memref<8x128xf32, #tpu.memory_space<vmem>>, vector<8x128xf32>
      tpu.vector_store %arg5[%swap3A_170, %swap3A_171], %broadcast_in_dim3A_169 {strides = array<i32>} : memref<8x128xf32, #tpu.memory_space<vmem>>, vector<8x128xf32>,
      %get3A_173 = arith.constant 0 : index
      %get3A_174 = arith.constant 0 : index
      %get3A_175 = vector.load %arg5[%get3A_173, %get3A_174] : memref<8x128xf32, #tpu.memory_space<vmem>>, vector<8x1xf32>
      %add3A_176 = arith.addf %get3A_175, %sub3A : vector<8x1xf32>
      %swap3A_177 = arith.constant 0 : index
      %swap3A_178 = arith.constant 0 : index
      %swap3A_179 = vector.load %arg5[%swap3A_177, %swap3A_178] : memref<8x128xf32, #tpu.memory_space<vmem>>, vector<8x1xf32>
      tpu.vector_store %arg5[%swap3A_177, %swap3A_178], %add3A_176 {strides = array<i32>} : memref<8x128xf32, #tpu.memory_space<vmem>>, vector<8x1xf32>,
    } else {
    }
    %get3A_42 = arith.constant 0 : index
    %get3A_43 = arith.constant 0 : index
    %get3A_44 = vector.load %arg5[%get3A_42, %get3A_43] : memref<8x128xf32, #tpu.memory_space<vmem>>, vector<8x1xf32>
    %broadcast_in_dim3A_45 = arith.constant 0.000000e+00 : f32
    %broadcast_in_dim3A_46 = vector.broadcast %broadcast_in_dim3A_45 : f32 to vector<8x1xf32>
    %slice3A_47 = vector.extract_strided_slice %select_n3A {offsets = [0, 0], sizes = [8, 511], strides = [1, 1]} : vector<8x512xf32> to vector<8x511xf32>
    %concatenate3A_48 = tpu.concatenate %broadcast_in_dim3A_46, %slice3A_47 in 1 : vector<8x1xf32>, vector<8x511xf32> -> vector<8x512xf32>
    %add3A_49 = arith.addf %select_n3A, %concatenate3A_48 : vector<8x512xf32>
    %broadcast_in_dim3A_50 = arith.constant 0.000000e+00 : f32
    %broadcast_in_dim3A_51 = vector.broadcast %broadcast_in_dim3A_50 : f32 to vector<8x2xf32>
    %slice3A_52 = vector.extract_strided_slice %add3A_49 {offsets = [0, 0], sizes = [8, 510], strides = [1, 1]} : vector<8x512xf32> to vector<8x510xf32>
    %concatenate3A_53 = tpu.concatenate %broadcast_in_dim3A_51, %slice3A_52 in 1 : vector<8x2xf32>, vector<8x510xf32> -> vector<8x512xf32>
    %add3A_54 = arith.addf %add3A_49, %concatenate3A_53 : vector<8x512xf32>
    %broadcast_in_dim3A_55 = arith.constant 0.000000e+00 : f32
    %broadcast_in_dim3A_56 = vector.broadcast %broadcast_in_dim3A_55 : f32 to vector<8x4xf32>
    %slice3A_57 = vector.extract_strided_slice %add3A_54 {offsets = [0, 0], sizes = [8, 508], strides = [1, 1]} : vector<8x512xf32> to vector<8x508xf32>
    %concatenate3A_58 = tpu.concatenate %broadcast_in_dim3A_56, %slice3A_57 in 1 : vector<8x4xf32>, vector<8x508xf32> -> vector<8x512xf32>
    %add3A_59 = arith.addf %add3A_54, %concatenate3A_58 : vector<8x512xf32>
    %broadcast_in_dim3A_60 = arith.constant 0.000000e+00 : f32
    %broadcast_in_dim3A_61 = vector.broadcast %broadcast_in_dim3A_60 : f32 to vector<8x8xf32>
    %slice3A_62 = vector.extract_strided_slice %add3A_59 {offsets = [0, 0], sizes = [8, 504], strides = [1, 1]} : vector<8x512xf32> to vector<8x504xf32>
    %concatenate3A_63 = tpu.concatenate %broadcast_in_dim3A_61, %slice3A_62 in 1 : vector<8x8xf32>, vector<8x504xf32> -> vector<8x512xf32>
    %add3A_64 = arith.addf %add3A_59, %concatenate3A_63 : vector<8x512xf32>
    %broadcast_in_dim3A_65 = arith.constant 0.000000e+00 : f32
    %broadcast_in_dim3A_66 = vector.broadcast %broadcast_in_dim3A_65 : f32 to vector<8x16xf32>
    %slice3A_67 = vector.extract_strided_slice %add3A_64 {offsets = [0, 0], sizes = [8, 496], strides = [1, 1]} : vector<8x512xf32> to vector<8x496xf32>
    %concatenate3A_68 = tpu.concatenate %broadcast_in_dim3A_66, %slice3A_67 in 1 : vector<8x16xf32>, vector<8x496xf32> -> vector<8x512xf32>
    %add3A_69 = arith.addf %add3A_64, %concatenate3A_68 : vector<8x512xf32>
    %broadcast_in_dim3A_70 = arith.constant 0.000000e+00 : f32
    %broadcast_in_dim3A_71 = vector.broadcast %broadcast_in_dim3A_70 : f32 to vector<8x32xf32>
    %slice3A_72 = vector.extract_strided_slice %add3A_69 {offsets = [0, 0], sizes = [8, 480], strides = [1, 1]} : vector<8x512xf32> to vector<8x480xf32>
    %concatenate3A_73 = tpu.concatenate %broadcast_in_dim3A_71, %slice3A_72 in 1 : vector<8x32xf32>, vector<8x480xf32> -> vector<8x512xf32>
    %add3A_74 = arith.addf %add3A_69, %concatenate3A_73 : vector<8x512xf32>
    %broadcast_in_dim3A_75 = arith.constant 0.000000e+00 : f32
    %broadcast_in_dim3A_76 = vector.broadcast %broadcast_in_dim3A_75 : f32 to vector<8x64xf32>
    %slice3A_77 = vector.extract_strided_slice %add3A_74 {offsets = [0, 0], sizes = [8, 448], strides = [1, 1]} : vector<8x512xf32> to vector<8x448xf32>
    %concatenate3A_78 = tpu.concatenate %broadcast_in_dim3A_76, %slice3A_77 in 1 : vector<8x64xf32>, vector<8x448xf32> -> vector<8x512xf32>
    %add3A_79 = arith.addf %add3A_74, %concatenate3A_78 : vector<8x512xf32>
    %broadcast_in_dim3A_80 = arith.constant 0.000000e+00 : f32
    %broadcast_in_dim3A_81 = vector.broadcast %broadcast_in_dim3A_80 : f32 to vector<8x128xf32>
    %slice3A_82 = vector.extract_strided_slice %add3A_79 {offsets = [0, 0], sizes = [8, 384], strides = [1, 1]} : vector<8x512xf32> to vector<8x384xf32>
    %concatenate3A_83 = tpu.concatenate %broadcast_in_dim3A_81, %slice3A_82 in 1 : vector<8x128xf32>, vector<8x384xf32> -> vector<8x512xf32>
    %add3A_84 = arith.addf %add3A_79, %concatenate3A_83 : vector<8x512xf32>
    %broadcast_in_dim3A_85 = arith.constant 0.000000e+00 : f32
    %broadcast_in_dim3A_86 = vector.broadcast %broadcast_in_dim3A_85 : f32 to vector<8x256xf32>
    %slice3A_87 = vector.extract_strided_slice %add3A_84 {offsets = [0, 0], sizes = [8, 256], strides = [1, 1]} : vector<8x512xf32> to vector<8x256xf32>
    %concatenate3A_88 = tpu.concatenate %broadcast_in_dim3A_86, %slice3A_87 in 1 : vector<8x256xf32>, vector<8x256xf32> -> vector<8x512xf32>
    %add3A_89 = arith.addf %add3A_84, %concatenate3A_88 : vector<8x512xf32>
    %broadcast_in_dim3A_90 = arith.constant 0.000000e+00 : f32
    %broadcast_in_dim3A_91 = vector.broadcast %broadcast_in_dim3A_90 : f32 to vector<8x1xf32>
    %slice3A_92 = vector.extract_strided_slice %select_n3A_37 {offsets = [0, 0], sizes = [8, 511], strides = [1, 1]} : vector<8x512xf32> to vector<8x511xf32>
    %concatenate3A_93 = tpu.concatenate %broadcast_in_dim3A_91, %slice3A_92 in 1 : vector<8x1xf32>, vector<8x511xf32> -> vector<8x512xf32>
    %add3A_94 = arith.addf %select_n3A_37, %concatenate3A_93 : vector<8x512xf32>
    %broadcast_in_dim3A_95 = arith.constant 0.000000e+00 : f32
    %broadcast_in_dim3A_96 = vector.broadcast %broadcast_in_dim3A_95 : f32 to vector<8x2xf32>
    %slice3A_97 = vector.extract_strided_slice %add3A_94 {offsets = [0, 0], sizes = [8, 510], strides = [1, 1]} : vector<8x512xf32> to vector<8x510xf32>
    %concatenate3A_98 = tpu.concatenate %broadcast_in_dim3A_96, %slice3A_97 in 1 : vector<8x2xf32>, vector<8x510xf32> -> vector<8x512xf32>
    %add3A_99 = arith.addf %add3A_94, %concatenate3A_98 : vector<8x512xf32>
    %broadcast_in_dim3A_100 = arith.constant 0.000000e+00 : f32
    %broadcast_in_dim3A_101 = vector.broadcast %broadcast_in_dim3A_100 : f32 to vector<8x4xf32>
    %slice3A_102 = vector.extract_strided_slice %add3A_99 {offsets = [0, 0], sizes = [8, 508], strides = [1, 1]} : vector<8x512xf32> to vector<8x508xf32>
    %concatenate3A_103 = tpu.concatenate %broadcast_in_dim3A_101, %slice3A_102 in 1 : vector<8x4xf32>, vector<8x508xf32> -> vector<8x512xf32>
    %add3A_104 = arith.addf %add3A_99, %concatenate3A_103 : vector<8x512xf32>
    %broadcast_in_dim3A_105 = arith.constant 0.000000e+00 : f32
    %broadcast_in_dim3A_106 = vector.broadcast %broadcast_in_dim3A_105 : f32 to vector<8x8xf32>
    %slice3A_107 = vector.extract_strided_slice %add3A_104 {offsets = [0, 0], sizes = [8, 504], strides = [1, 1]} : vector<8x512xf32> to vector<8x504xf32>
    %concatenate3A_108 = tpu.concatenate %broadcast_in_dim3A_106, %slice3A_107 in 1 : vector<8x8xf32>, vector<8x504xf32> -> vector<8x512xf32>
    %add3A_109 = arith.addf %add3A_104, %concatenate3A_108 : vector<8x512xf32>
    %broadcast_in_dim3A_110 = arith.constant 0.000000e+00 : f32
    %broadcast_in_dim3A_111 = vector.broadcast %broadcast_in_dim3A_110 : f32 to vector<8x16xf32>
    %slice3A_112 = vector.extract_strided_slice %add3A_109 {offsets = [0, 0], sizes = [8, 496], strides = [1, 1]} : vector<8x512xf32> to vector<8x496xf32>
    %concatenate3A_113 = tpu.concatenate %broadcast_in_dim3A_111, %slice3A_112 in 1 : vector<8x16xf32>, vector<8x496xf32> -> vector<8x512xf32>
    %add3A_114 = arith.addf %add3A_109, %concatenate3A_113 : vector<8x512xf32>
    %broadcast_in_dim3A_115 = arith.constant 0.000000e+00 : f32
    %broadcast_in_dim3A_116 = vector.broadcast %broadcast_in_dim3A_115 : f32 to vector<8x32xf32>
    %slice3A_117 = vector.extract_strided_slice %add3A_114 {offsets = [0, 0], sizes = [8, 480], strides = [1, 1]} : vector<8x512xf32> to vector<8x480xf32>
    %concatenate3A_118 = tpu.concatenate %broadcast_in_dim3A_116, %slice3A_117 in 1 : vector<8x32xf32>, vector<8x480xf32> -> vector<8x512xf32>
    %add3A_119 = arith.addf %add3A_114, %concatenate3A_118 : vector<8x512xf32>
    %broadcast_in_dim3A_120 = arith.constant 0.000000e+00 : f32
    %broadcast_in_dim3A_121 = vector.broadcast %broadcast_in_dim3A_120 : f32 to vector<8x64xf32>
    %slice3A_122 = vector.extract_strided_slice %add3A_119 {offsets = [0, 0], sizes = [8, 448], strides = [1, 1]} : vector<8x512xf32> to vector<8x448xf32>
    %concatenate3A_123 = tpu.concatenate %broadcast_in_dim3A_121, %slice3A_122 in 1 : vector<8x64xf32>, vector<8x448xf32> -> vector<8x512xf32>
    %add3A_124 = arith.addf %add3A_119, %concatenate3A_123 : vector<8x512xf32>
    %broadcast_in_dim3A_125 = arith.constant 0.000000e+00 : f32
    %broadcast_in_dim3A_126 = vector.broadcast %broadcast_in_dim3A_125 : f32 to vector<8x128xf32>
    %slice3A_127 = vector.extract_strided_slice %add3A_124 {offsets = [0, 0], sizes = [8, 384], strides = [1, 1]} : vector<8x512xf32> to vector<8x384xf32>
    %concatenate3A_128 = tpu.concatenate %broadcast_in_dim3A_126, %slice3A_127 in 1 : vector<8x128xf32>, vector<8x384xf32> -> vector<8x512xf32>
    %add3A_129 = arith.addf %add3A_124, %concatenate3A_128 : vector<8x512xf32>
    %broadcast_in_dim3A_130 = arith.constant 0.000000e+00 : f32
    %broadcast_in_dim3A_131 = vector.broadcast %broadcast_in_dim3A_130 : f32 to vector<8x256xf32>
    %slice3A_132 = vector.extract_strided_slice %add3A_129 {offsets = [0, 0], sizes = [8, 256], strides = [1, 1]} : vector<8x512xf32> to vector<8x256xf32>
    %concatenate3A_133 = tpu.concatenate %broadcast_in_dim3A_131, %slice3A_132 in 1 : vector<8x256xf32>, vector<8x256xf32> -> vector<8x512xf32>
    %add3A_134 = arith.addf %add3A_129, %concatenate3A_133 : vector<8x512xf32>
    %sub3A_135 = arith.subf %add3A_89, %select_n3A : vector<8x512xf32>
    %add3A_136 = vector.broadcast %get3A_44 : vector<8x1xf32> to vector<8x512xf32>
    %add3A_137 = arith.addf %add3A_136, %sub3A_135 : vector<8x512xf32>
    %sub3A_138 = arith.subf %add3A_134, %select_n3A_37 : vector<8x512xf32>
    %add3A_139 = arith.addf %add3A_137, %sub3A_138 : vector<8x512xf32>
    %mul3A_140 = arith.mulf %select_n3A, %add3A_139 : vector<8x512xf32>
    %reduce_sum3A = arith.constant dense<0.000000e+00> : vector<512xf32>
    %reduce_sum3A_141 = vector.multi_reduction <add>, %mul3A_140, %reduce_sum3A [0] : vector<8x512xf32> to vector<512xf32>
    %broadcast_in_dim3A_142 = vector.shape_cast %reduce_sum3A_141 : vector<512xf32> to vector<1x512xf32>
    %add3A_143 = arith.addf %add3A_139, %select_n3A : vector<8x512xf32>
    %mul3A_144 = arith.mulf %select_n3A_37, %add3A_143 : vector<8x512xf32>
    %reduce_sum3A_145 = arith.constant dense<0.000000e+00> : vector<512xf32>
    %reduce_sum3A_146 = vector.multi_reduction <add>, %mul3A_144, %reduce_sum3A_145 [0] : vector<8x512xf32> to vector<512xf32>
    %broadcast_in_dim3A_147 = vector.shape_cast %reduce_sum3A_146 : vector<512xf32> to vector<1x512xf32>
    %concatenate3A_148 = tpu.concatenate %broadcast_in_dim3A_142, %broadcast_in_dim3A_147 in 0 : vector<1x512xf32>, vector<1x512xf32> -> vector<2x512xf32>
    %convert_element_type3A_149 = arith.fptosi %concatenate3A_148 : vector<2x512xf32> to vector<2x512xi32>
    %swap3A = arith.constant 0 : index
    %swap3A_150 = arith.constant 0 : index
    %swap3A_151 = vector.load %arg3[%swap3A, %swap3A_150] : memref<2x512xi32, #tpu.memory_space<vmem>>, vector<2x512xi32>
    tpu.vector_store %arg3[%swap3A, %swap3A_150], %convert_element_type3A_149 {strides = array<i32>} : memref<2x512xi32, #tpu.memory_space<vmem>>, vector<2x512xi32>,
    %get3A_152 = arith.constant 0 : index
    %get3A_153 = arith.constant 0 : index
    %get3A_154 = vector.load %arg5[%get3A_152, %get3A_153] : memref<8x128xf32, #tpu.memory_space<vmem>>, vector<8x1xf32>
    %add3A_155 = arith.addf %select_n3A, %select_n3A_37 : vector<8x512xf32>
    %reduce_sum3A_156 = arith.constant dense<0.000000e+00> : vector<8xf32>
    %reduce_sum3A_157 = vector.multi_reduction <add>, %add3A_155, %reduce_sum3A_156 [1] : vector<8x512xf32> to vector<8xf32>
    %broadcast_in_dim3A_158 = vector.shape_cast %reduce_sum3A_157 : vector<8xf32> to vector<8x1xf32>
    %add3A_159 = arith.addf %get3A_154, %broadcast_in_dim3A_158 : vector<8x1xf32>
    %swap3A_160 = arith.constant 0 : index
    %swap3A_161 = arith.constant 0 : index
    %swap3A_162 = vector.load %arg5[%swap3A_160, %swap3A_161] : memref<8x128xf32, #tpu.memory_space<vmem>>, vector<8x1xf32>
    tpu.vector_store %arg5[%swap3A_160, %swap3A_161], %add3A_159 {strides = array<i32>} : memref<8x128xf32, #tpu.memory_space<vmem>>, vector<8x1xf32>,
    %eq3A_163 = arith.constant 0 : i32
    %eq3A_164 = arith.cmpi eq, %arg0, %eq3A_163 : i32
    %convert_element_type3A_165 = arith.extui %eq3A_164 : i1 to i32
    %cond3A_166 = arith.constant 0 : i32
    %cond3A_167 = arith.cmpi ne, %convert_element_type3A_165, %cond3A_166 : i32
    scf.if %cond3A_167 {
      %iota3A_168 = tpu.iota {dimensions = array<i32: 1>} : vector<1x48xi32>
      %convert_element_type3A_169 = arith.sitofp %iota3A_168 : vector<1x48xi32> to vector<1x48xf32>
      %mul3A_170 = arith.constant 1.280000e+02 : f32
      %mul3A_171 = vector.broadcast %mul3A_170 : f32 to vector<1x48xf32>
      %mul3A_172 = arith.mulf %convert_element_type3A_169, %mul3A_171 : vector<1x48xf32>
      %broadcast_in_dim3A_173 = arith.constant 0.000000e+00 : f32
      %broadcast_in_dim3A_174 = vector.broadcast %broadcast_in_dim3A_173 : f32 to vector<1x48xf32>
      %slice3A_175 = vector.extract_strided_slice %add3A_20 {offsets = [0, 0], sizes = [1, 1], strides = [1, 1]} : vector<8x1xf32> to vector<1x1xf32>
      %ge3A = vector.broadcast %slice3A_175 : vector<1x1xf32> to vector<1x48xf32>
      %ge3A_176 = arith.cmpf oge, %mul3A_172, %ge3A : vector<1x48xf32>
      %jit3A_177 = arith.constant 1.000000e+00 : f32
      %jit3A_178 = arith.constant 0.000000e+00 : f32
      %broadcast_in_dim3A_179 = vector.broadcast %jit3A_177 : f32 to vector<1x48xf32>
      %broadcast_in_dim3A_180 = vector.broadcast %jit3A_178 : f32 to vector<1x48xf32>
      %select_n3A_181 = arith.select %ge3A_176, %broadcast_in_dim3A_179, %broadcast_in_dim3A_180 : vector<1x48xi1>, vector<1x48xf32>
      %add3A_182 = arith.addf %broadcast_in_dim3A_174, %select_n3A_181 : vector<1x48xf32>
      %slice3A_183 = vector.extract_strided_slice %add3A_20 {offsets = [1, 0], sizes = [1, 1], strides = [1, 1]} : vector<8x1xf32> to vector<1x1xf32>
      %ge3A_184 = vector.broadcast %slice3A_183 : vector<1x1xf32> to vector<1x48xf32>
      %ge3A_185 = arith.cmpf oge, %mul3A_172, %ge3A_184 : vector<1x48xf32>
      %jit3A_186 = arith.constant 1.000000e+00 : f32
      %jit3A_187 = arith.constant 0.000000e+00 : f32
      %broadcast_in_dim3A_188 = vector.broadcast %jit3A_186 : f32 to vector<1x48xf32>
      %broadcast_in_dim3A_189 = vector.broadcast %jit3A_187 : f32 to vector<1x48xf32>
      %select_n3A_190 = arith.select %ge3A_185, %broadcast_in_dim3A_188, %broadcast_in_dim3A_189 : vector<1x48xi1>, vector<1x48xf32>
      %add3A_191 = arith.addf %add3A_182, %select_n3A_190 : vector<1x48xf32>
      %slice3A_192 = vector.extract_strided_slice %add3A_20 {offsets = [2, 0], sizes = [1, 1], strides = [1, 1]} : vector<8x1xf32> to vector<1x1xf32>
      %ge3A_193 = vector.broadcast %slice3A_192 : vector<1x1xf32> to vector<1x48xf32>
      %ge3A_194 = arith.cmpf oge, %mul3A_172, %ge3A_193 : vector<1x48xf32>
      %jit3A_195 = arith.constant 1.000000e+00 : f32
      %jit3A_196 = arith.constant 0.000000e+00 : f32
      %broadcast_in_dim3A_197 = vector.broadcast %jit3A_195 : f32 to vector<1x48xf32>
      %broadcast_in_dim3A_198 = vector.broadcast %jit3A_196 : f32 to vector<1x48xf32>
      %select_n3A_199 = arith.select %ge3A_194, %broadcast_in_dim3A_197, %broadcast_in_dim3A_198 : vector<1x48xi1>, vector<1x48xf32>
      %add3A_200 = arith.addf %add3A_191, %select_n3A_199 : vector<1x48xf32>
      %slice3A_201 = vector.extract_strided_slice %add3A_20 {offsets = [3, 0], sizes = [1, 1], strides = [1, 1]} : vector<8x1xf32> to vector<1x1xf32>
      %ge3A_202 = vector.broadcast %slice3A_201 : vector<1x1xf32> to vector<1x48xf32>
      %ge3A_203 = arith.cmpf oge, %mul3A_172, %ge3A_202 : vector<1x48xf32>
      %jit3A_204 = arith.constant 1.000000e+00 : f32
      %jit3A_205 = arith.constant 0.000000e+00 : f32
      %broadcast_in_dim3A_206 = vector.broadcast %jit3A_204 : f32 to vector<1x48xf32>
      %broadcast_in_dim3A_207 = vector.broadcast %jit3A_205 : f32 to vector<1x48xf32>
      %select_n3A_208 = arith.select %ge3A_203, %broadcast_in_dim3A_206, %broadcast_in_dim3A_207 : vector<1x48xi1>, vector<1x48xf32>
      %add3A_209 = arith.addf %add3A_200, %select_n3A_208 : vector<1x48xf32>
      %slice3A_210 = vector.extract_strided_slice %add3A_20 {offsets = [4, 0], sizes = [1, 1], strides = [1, 1]} : vector<8x1xf32> to vector<1x1xf32>
      %ge3A_211 = vector.broadcast %slice3A_210 : vector<1x1xf32> to vector<1x48xf32>
      %ge3A_212 = arith.cmpf oge, %mul3A_172, %ge3A_211 : vector<1x48xf32>
      %jit3A_213 = arith.constant 1.000000e+00 : f32
      %jit3A_214 = arith.constant 0.000000e+00 : f32
      %broadcast_in_dim3A_215 = vector.broadcast %jit3A_213 : f32 to vector<1x48xf32>
      %broadcast_in_dim3A_216 = vector.broadcast %jit3A_214 : f32 to vector<1x48xf32>
      %select_n3A_217 = arith.select %ge3A_212, %broadcast_in_dim3A_215, %broadcast_in_dim3A_216 : vector<1x48xi1>, vector<1x48xf32>
      %add3A_218 = arith.addf %add3A_209, %select_n3A_217 : vector<1x48xf32>
      %slice3A_219 = vector.extract_strided_slice %add3A_20 {offsets = [5, 0], sizes = [1, 1], strides = [1, 1]} : vector<8x1xf32> to vector<1x1xf32>
      %ge3A_220 = vector.broadcast %slice3A_219 : vector<1x1xf32> to vector<1x48xf32>
      %ge3A_221 = arith.cmpf oge, %mul3A_172, %ge3A_220 : vector<1x48xf32>
      %jit3A_222 = arith.constant 1.000000e+00 : f32
      %jit3A_223 = arith.constant 0.000000e+00 : f32
      %broadcast_in_dim3A_224 = vector.broadcast %jit3A_222 : f32 to vector<1x48xf32>
      %broadcast_in_dim3A_225 = vector.broadcast %jit3A_223 : f32 to vector<1x48xf32>
      %select_n3A_226 = arith.select %ge3A_221, %broadcast_in_dim3A_224, %broadcast_in_dim3A_225 : vector<1x48xi1>, vector<1x48xf32>
      %add3A_227 = arith.addf %add3A_218, %select_n3A_226 : vector<1x48xf32>
      %slice3A_228 = vector.extract_strided_slice %add3A_20 {offsets = [6, 0], sizes = [1, 1], strides = [1, 1]} : vector<8x1xf32> to vector<1x1xf32>
      %ge3A_229 = vector.broadcast %slice3A_228 : vector<1x1xf32> to vector<1x48xf32>
      %ge3A_230 = arith.cmpf oge, %mul3A_172, %ge3A_229 : vector<1x48xf32>
      %jit3A_231 = arith.constant 1.000000e+00 : f32
      %jit3A_232 = arith.constant 0.000000e+00 : f32
      %broadcast_in_dim3A_233 = vector.broadcast %jit3A_231 : f32 to vector<1x48xf32>
      %broadcast_in_dim3A_234 = vector.broadcast %jit3A_232 : f32 to vector<1x48xf32>
      %select_n3A_235 = arith.select %ge3A_230, %broadcast_in_dim3A_233, %broadcast_in_dim3A_234 : vector<1x48xi1>, vector<1x48xf32>
      %add3A_236 = arith.addf %add3A_227, %select_n3A_235 : vector<1x48xf32>
      %slice3A_237 = vector.extract_strided_slice %add3A_20 {offsets = [7, 0], sizes = [1, 1], strides = [1, 1]} : vector<8x1xf32> to vector<1x1xf32>
      %ge3A_238 = vector.broadcast %slice3A_237 : vector<1x1xf32> to vector<1x48xf32>
      %ge3A_239 = arith.cmpf oge, %mul3A_172, %ge3A_238 : vector<1x48xf32>
      %jit3A_240 = arith.constant 1.000000e+00 : f32
      %jit3A_241 = arith.constant 0.000000e+00 : f32
      %broadcast_in_dim3A_242 = vector.broadcast %jit3A_240 : f32 to vector<1x48xf32>
      %broadcast_in_dim3A_243 = vector.broadcast %jit3A_241 : f32 to vector<1x48xf32>
      %select_n3A_244 = arith.select %ge3A_239, %broadcast_in_dim3A_242, %broadcast_in_dim3A_243 : vector<1x48xi1>, vector<1x48xf32>
      %add3A_245 = arith.addf %add3A_236, %select_n3A_244 : vector<1x48xf32>
      %min3A = arith.constant 7.000000e+00 : f32
      %min3A_246 = vector.broadcast %min3A : f32 to vector<1x48xf32>
      %min3A_247 = arith.minimumf %add3A_245, %min3A_246 : vector<1x48xf32>
      %convert_element_type3A_248 = arith.fptosi %min3A_247 : vector<1x48xf32> to vector<1x48xi32>
      %swap3A_249 = arith.constant 0 : index
      %swap3A_250 = arith.constant 0 : index
      %swap3A_251 = vector.load %arg4[%swap3A_249, %swap3A_250] : memref<1x48xi32, #tpu.memory_space<vmem>>, vector<1x48xi32>
      tpu.vector_store %arg4[%swap3A_249, %swap3A_250], %convert_element_type3A_248 {strides = array<i32>} : memref<1x48xi32, #tpu.memory_space<vmem>>, vector<1x48xi32>,
    } else {
    }
    return
  }
  func.func @transform_0(%arg0: i32) -> (i32, i32) {
    %c0_i32 = arith.constant 0 : i32
    %c0_i32_0 = arith.constant 0 : i32
    return %c0_i32, %arg0 : i32, i32
  }
  func.func @transform_1(%arg0: i32) -> (i32, i32) {
    %c0_i32 = arith.constant 0 : i32
    %c0_i32_0 = arith.constant 0 : i32
    %c0_i32_1 = arith.constant 0 : i32
    return %c0_i32, %c0_i32_0 : i32, i32
  }
  func.func @transform_2(%arg0: i32) -> (i32, i32) {
    %c0_i32 = arith.constant 0 : i32
    %c0_i32_0 = arith.constant 0 : i32
    return %c0_i32, %arg0 : i32, i32
  }
  func.func @transform_3(%arg0: i32) -> (i32, i32) {
    %c0_i32 = arith.constant 0 : i32
    %c0_i32_0 = arith.constant 0 : i32
    %c0_i32_1 = arith.constant 0 : i32
    return %c0_i32, %c0_i32_0 : i32, i32
  }
}

module attributes {stable_mosaic.version = 14 : i64} {
  func.func @_k2_grouped(%arg0: i32, %arg1: memref<48xi32, #tpu.memory_space<smem>>, %arg2: memref<128x768xf32, #tpu.memory_space<vmem>>, %arg3: memref<1x768x1024xf32, #tpu.memory_space<vmem>>, %arg4: memref<1x768x1024xf32, #tpu.memory_space<vmem>>, %arg5: memref<1x1024x768xf32, #tpu.memory_space<vmem>>, %arg6: memref<128x1xf32, #tpu.memory_space<vmem>>, %arg7: memref<128x768xf32, #tpu.memory_space<vmem>>) attributes {dimension_semantics = [#tpu.dimension_semantics<arbitrary>], iteration_bounds = array<i64: 40>, scalar_prefetch = 1 : i64, scratch_operands = 0 : i64, tpu.core_type = #tpu.core_type<tc>, window_params = [{transform_indices = @transform_0, window_bounds = array<i64: 128, 768>}, {transform_indices = @transform_1, window_bounds = array<i64: 1, 768, 1024>}, {transform_indices = @transform_2, window_bounds = array<i64: 1, 768, 1024>}, {transform_indices = @transform_3, window_bounds = array<i64: 1, 1024, 768>}, {transform_indices = @transform_4, window_bounds = array<i64: 128, 1>}, {transform_indices = @transform_5, window_bounds = array<i64: 128, 768>}]} {
    %get3A = arith.constant 0 : index
    %get3A_0 = arith.constant 0 : index
    %get3A_1 = vector.load %arg2[%get3A, %get3A_0] : memref<128x768xf32, #tpu.memory_space<vmem>>, vector<128x768xf32>
    %get3A_2 = arith.constant 0 : index
    %get3A_3 = arith.constant 0 : index
    %get3A_4 = arith.constant 0 : index
    %get3A_5 = vector.load %arg3[%get3A_2, %get3A_3, %get3A_4] : memref<1x768x1024xf32, #tpu.memory_space<vmem>>, vector<1x768x1024xf32>
    %get3A_6 = vector.shape_cast %get3A_5 : vector<1x768x1024xf32> to vector<768x1024xf32>
    %dot_general3A = arith.constant dense<0.000000e+00> : vector<128x1024xf32>
    %dot_general3A_7 = tpu.matmul %get3A_1, %get3A_6, %dot_general3A {dimension_numbers = #tpu.dot_dimension_numbers<[1], [0], [0], [1], [0, 0, 1, 1], [], []>, transpose_lhs_hint = false} : vector<128x768xf32>, vector<768x1024xf32>, vector<128x1024xf32> -> vector<128x1024xf32>
    %get3A_8 = arith.constant 0 : index
    %get3A_9 = arith.constant 0 : index
    %get3A_10 = arith.constant 0 : index
    %get3A_11 = vector.load %arg4[%get3A_8, %get3A_9, %get3A_10] : memref<1x768x1024xf32, #tpu.memory_space<vmem>>, vector<1x768x1024xf32>
    %get3A_12 = vector.shape_cast %get3A_11 : vector<1x768x1024xf32> to vector<768x1024xf32>
    %dot_general3A_13 = arith.constant dense<0.000000e+00> : vector<128x1024xf32>
    %dot_general3A_14 = tpu.matmul %get3A_1, %get3A_12, %dot_general3A_13 {dimension_numbers = #tpu.dot_dimension_numbers<[1], [0], [0], [1], [0, 0, 1, 1], [], []>, transpose_lhs_hint = false} : vector<128x768xf32>, vector<768x1024xf32>, vector<128x1024xf32> -> vector<128x1024xf32>
    %logistic3A = arith.negf %dot_general3A_7 : vector<128x1024xf32>
    %logistic3A_15 = math.exp %logistic3A : vector<128x1024xf32>
    %logistic3A_16 = arith.constant 1.000000e+00 : f32
    %logistic3A_17 = vector.broadcast %logistic3A_16 : f32 to vector<128x1024xf32>
    %logistic3A_18 = arith.addf %logistic3A_17, %logistic3A_15 : vector<128x1024xf32>
    %logistic3A_19 = arith.divf %logistic3A_17, %logistic3A_18 : vector<128x1024xf32>
    %mul3A = arith.mulf %dot_general3A_7, %logistic3A_19 : vector<128x1024xf32>
    %mul3A_20 = arith.mulf %mul3A, %dot_general3A_14 : vector<128x1024xf32>
    %get3A_21 = arith.constant 0 : index
    %get3A_22 = arith.constant 0 : index
    %get3A_23 = arith.constant 0 : index
    %get3A_24 = vector.load %arg5[%get3A_21, %get3A_22, %get3A_23] : memref<1x1024x768xf32, #tpu.memory_space<vmem>>, vector<1x1024x768xf32>
    %get3A_25 = vector.shape_cast %get3A_24 : vector<1x1024x768xf32> to vector<1024x768xf32>
    %dot_general3A_26 = arith.constant dense<0.000000e+00> : vector<128x768xf32>
    %dot_general3A_27 = tpu.matmul %mul3A_20, %get3A_25, %dot_general3A_26 {dimension_numbers = #tpu.dot_dimension_numbers<[1], [0], [0], [1], [0, 0, 1, 1], [], []>, transpose_lhs_hint = false} : vector<128x1024xf32>, vector<1024x768xf32>, vector<128x768xf32> -> vector<128x768xf32>
    %get3A_28 = arith.constant 0 : index
    %get3A_29 = arith.constant 0 : index
    %get3A_30 = vector.load %arg6[%get3A_28, %get3A_29] : memref<128x1xf32, #tpu.memory_space<vmem>>, vector<128x1xf32>
    %mul3A_31 = vector.broadcast %get3A_30 : vector<128x1xf32> to vector<128x768xf32>
    %mul3A_32 = arith.mulf %dot_general3A_27, %mul3A_31 : vector<128x768xf32>
    %swap3A = arith.constant 0 : index
    %swap3A_33 = arith.constant 0 : index
    %swap3A_34 = vector.load %arg7[%swap3A, %swap3A_33] : memref<128x768xf32, #tpu.memory_space<vmem>>, vector<128x768xf32>
    tpu.vector_store %arg7[%swap3A, %swap3A_33], %mul3A_32 {strides = array<i32>} : memref<128x768xf32, #tpu.memory_space<vmem>>, vector<128x768xf32>,
    return
  }
  func.func @transform_0(%arg0: i32, %arg1: memref<48xi32, #tpu.memory_space<smem>>) -> (i32, i32) {
    %c0_i32 = arith.constant 0 : i32
    %c0_i32_0 = arith.constant 0 : i32
    return %arg0, %c0_i32 : i32, i32
  }
  func.func @transform_1(%arg0: i32, %arg1: memref<48xi32, #tpu.memory_space<smem>>) -> (i32, i32, i32) {
    %get3A = arith.index_cast %arg0 : i32 to index
    %get3A_0 = memref.load %arg1[%get3A] : memref<48xi32, #tpu.memory_space<smem>>
    %c0_i32 = arith.constant 0 : i32
    %c0_i32_1 = arith.constant 0 : i32
    %c0_i32_2 = arith.constant 0 : i32
    return %get3A_0, %c0_i32, %c0_i32_1 : i32, i32, i32
  }
  func.func @transform_2(%arg0: i32, %arg1: memref<48xi32, #tpu.memory_space<smem>>) -> (i32, i32, i32) {
    %get3A = arith.index_cast %arg0 : i32 to index
    %get3A_0 = memref.load %arg1[%get3A] : memref<48xi32, #tpu.memory_space<smem>>
    %c0_i32 = arith.constant 0 : i32
    %c0_i32_1 = arith.constant 0 : i32
    %c0_i32_2 = arith.constant 0 : i32
    return %get3A_0, %c0_i32, %c0_i32_1 : i32, i32, i32
  }
  func.func @transform_3(%arg0: i32, %arg1: memref<48xi32, #tpu.memory_space<smem>>) -> (i32, i32, i32) {
    %get3A = arith.index_cast %arg0 : i32 to index
    %get3A_0 = memref.load %arg1[%get3A] : memref<48xi32, #tpu.memory_space<smem>>
    %c0_i32 = arith.constant 0 : i32
    %c0_i32_1 = arith.constant 0 : i32
    %c0_i32_2 = arith.constant 0 : i32
    return %get3A_0, %c0_i32, %c0_i32_1 : i32, i32, i32
  }
  func.func @transform_4(%arg0: i32, %arg1: memref<48xi32, #tpu.memory_space<smem>>) -> (i32, i32) {
    %c0_i32 = arith.constant 0 : i32
    %c0_i32_0 = arith.constant 0 : i32
    return %arg0, %c0_i32 : i32, i32
  }
  func.func @transform_5(%arg0: i32, %arg1: memref<48xi32, #tpu.memory_space<smem>>) -> (i32, i32) {
    %c0_i32 = arith.constant 0 : i32
    %c0_i32_0 = arith.constant 0 : i32
    return %arg0, %c0_i32 : i32, i32
  }
}

</mosaic_0001>

<sc_bundles>
// kernel: kernel.11.cloned.1.call-start
scs
__scs_entry_jumppad:
0x0: {  	(pc) =	sbr.rel $0x88, $3  }
0x1: {  	(tag) =	ssettag $0x0;
	lr =	simm.s32 $0x1  }
0x2: {  	[smem:$0x3F99] =	sst lr;
	_ =	strace $0xD0000000  }
0x3: {  	_ = 	snop  }
0x4: {  	_ = 	snop  }
0x5: {  	_ = 	snop  }
0x6: {  	_ = 	snop  }
0x7: {  	_ = 	snop  }
__scs_overlays_trampoline_lowered:
0x8: {  	[smem:$0x3FA8] =	sst s0  }
0x9: {  	[smem:$0x3FA9] =	sst s1  }
0xa: {  	[smem:$0x3FAA] =	sst s2  }
0xb: {  	[smem:$0x3FAB] =	sst s3  }
0xc: {  	[smem:$0x3FAC] =	sst s4  }
0xd: {  	[smem:$0x3FAD] =	sst s5  }
0xe: {  	[smem:$0x3FAE] =	sst s6  }
0xf: {  	[smem:$0x3FAF] =	sst s7  }
0x10: {  	[smem:$0x3FB0] =	sst s8  }
0x11: {  	[smem:$0x3FB1] =	sst s9;
	s0 =	simm.s32 @!p0 $0x0  }
0x12: {  	s1 =	sld [smem:$0x3F97];
	s0 =	simm.s32 @p0 $0x1  }
0x13: {  	[smem:$0x3FB2] =	sst s0;
	s0 =	simm.s32 @!p1 $0x0  }
0x14: {  	s2 =	sld [smem:$0x3F96];
	s0 =	simm.s32 @p1 $0x1  }
0x15: {  	[smem:$0x3FB3] =	sst s0;
	s0 =	simm.s32 @!p2 $0x0  }
0x16: {  	s3 =	sld [smem:$0x3FDB];
	s0 =	simm.s32 @p2 $0x1  }
0x17: {  	s4 =	simm.s32 $0x1BF5;
	[smem:$0x3FB5] =	sst s0  }
0x18: {  	s0 =	sld [smem:$0x3F98];
	_ =	swait.ge [sflag:s4], $0x0  }
0x19: {  	s7 =	sld [smem:$0x3F99]  }
0x1a: {  	s8 =	sadd.s32 $0xFFFFE003, lr  }
0x1b: {  	s9 =	sadd.s32 $0xFFFFFEF7, lr;
	s5 =	simm.s32 $0xFFFFFFFF;
	p2 =	slt.u32 s8, $0xFFFFF086  }
0x1c: {  	p1 =	slt.u32 s9, $0xF7A;
	s5 =	simm.s32 @!p2 $0x0  }
0x1d: {  	s5 =	simm.s32 @p1 $0x1;
	p0 =	seq.s32 s7, s2  }
0x1e: {  	s7 =	smul.u32 @!p0 $0xF7A, s2;
	p2 =	seq.s32 @!p0 s5, $0x0  }
0x1f: {  	s9 =	smul.u32 $0xF7A, s1;
	s8 =	simm.s32 @!p0 $0x1BF5;
	p2 =	por !p2, p0  }
0x20: {  	[sflag:s8] =	ssyncset.s32 @!p0 $0xFFFFF086;
	s6 =	sadd.s32 @!p0 s3, s7;
	s7 =	simm.s32 @!p0 $0x108  }
0x21: {  	s3 =	sadd.s32 s3, s9;
	s6 =	sadd.s32 @!p0 $0x88, s6;
	s7 =	simm.s32 @p2 $0x1082  }
0x22: {  	[simem:s7], [sflag:s8] =	dma.local @!p0 [hbm:s6], $0xF7A  }
0x23: {  	s9 =	sor.u32 $0xD0000000, s2;
	s6 =	simm.s32 $0x108;
	_ =	swait.ge @!p0 [sflag:s8], $0x0  }
0x24: {  	s3 =	sadd.s32 $0x88, s3;
	s6 =	simm.s32 @!p1 $0x1082;
	[sflag:s4] =	ssyncset.s32 $0xFFFFF086  }
0x25: {  	[simem:s6], [sflag:s4] =	dma.local [hbm:s3], $0xF7A  }
0x26: {  	[smem:$0x3F99] =	sst s1;
	(tag) =	ssettag s2;
	_ =	strace s9  }
0x27: {  	s1 =	sld [smem:$0x3FA9]  }
0x28: {  	s2 =	sld [smem:$0x3FAA]  }
0x29: {  	s4 =	sld [smem:$0x3FAC]  }
0x2a: {  	p0 =	seq.s32 s5, $0x0;
	s5 =	sld [smem:$0x3FAD]  }
0x2b: {  	s6 =	sld [smem:$0x3FAE]  }
0x2c: {  	s7 =	sld [smem:$0x3FAF]  }
0x2d: {  	s3 =	simm.s32 $0x108;
	s8 =	sld [smem:$0x3FB0]  }
0x2e: {  	s3 =	simm.s32 @!p0 $0x1082;
	s9 =	sld [smem:$0x3FB1]  }
0x2f: {  	lr =	sadd.s32 s0, s3;
	s0 =	sld [smem:$0x3FA8]  }
0x30: {  	s3 =	sld [smem:$0x3FAB]  }
0x31: {  	[smem:$0x3FB4] =	sst s10  }
0x32: {  	s10 =	sld [smem:$0x3FB2];
	_ =	sdelay $0x3  }
0x33: {  	p0 =	seq.s32 s10, $0x1;
	s10 =	sld [smem:$0x3FB4];
	_ =	sdelay $0x3  }
0x34: {  	[smem:$0x3FB4] =	sst s10  }
0x35: {  	s10 =	sld [smem:$0x3FB3];
	_ =	sdelay $0x3  }
0x36: {  	p1 =	seq.s32 s10, $0x1;
	s10 =	sld [smem:$0x3FB4];
	_ =	sdelay $0x3  }
0x37: {  	[smem:$0x3FB4] =	sst s10  }
0x38: {  	s10 =	sld [smem:$0x3FB5]  }
0x39: {  	_ = 	snop;
	(pc) =	sbr.ind lr, $3  }
0x3a: {  	_ = 	snop  }
0x3b: {  	_ = 	snop  }
0x3c: {  	p2 =	seq.s32 s10, $0x1;
	s10 =	sld [smem:$0x3FB4]  }
0x3d: {  	_ =	shalt  }
0x3e: {  	_ =	shalt  }
0x3f: {  	_ =	shalt  }
0x40: {  	_ =	shalt  }
0x41: {  	_ =	shalt  }
0x42: {  	_ =	shalt  }
0x43: {  	_ =	shalt  }
0x44: {  	_ =	shalt  }
0x45: {  	_ =	shalt  }
0x46: {  	_ =	shalt  }
0x47: {  	_ =	shalt  }
0x48: {  	_ =	shalt  }
0x49: {  	_ =	shalt  }
0x4a: {  	_ =	shalt  }
0x4b: {  	_ =	shalt  }
0x4c: {  	_ =	shalt  }
0x4d: {  	_ =	shalt  }
0x4e: {  	_ =	shalt  }
0x4f: {  	_ =	shalt  }
0x50: {  	_ =	shalt  }
0x51: {  	_ =	shalt  }
0x52: {  	_ =	shalt  }
0x53: {  	_ =	shalt  }
0x54: {  	_ =	shalt  }
0x55: {  	_ =	shalt  }
0x56: {  	_ =	shalt  }
0x57: {  	_ =	shalt  }
0x58: {  	_ =	shalt  }
0x59: {  	_ =	shalt  }
0x5a: {  	_ =	shalt  }
0x5b: {  	_ =	shalt  }
0x5c: {  	_ =	shalt  }
0x5d: {  	_ =	shalt  }
0x5e: {  	_ =	shalt  }
0x5f: {  	_ =	shalt  }
0x60: {  	_ =	shalt  }
0x61: {  	_ =	shalt  }
0x62: {  	_ =	shalt  }
0x63: {  	_ =	shalt  }
0x64: {  	_ =	shalt  }
0x65: {  	_ =	shalt  }
0x66: {  	_ =	shalt  }
0x67: {  	_ =	shalt  }
0x68: {  	_ =	shalt  }
0x69: {  	_ =	shalt  }
0x6a: {  	_ =	shalt  }
0x6b: {  	_ =	shalt  }
0x6c: {  	_ =	shalt  }
0x6d: {  	_ =	shalt  }
0x6e: {  	_ =	shalt  }
0x6f: {  	_ =	shalt  }
0x70: {  	_ =	shalt  }
0x71: {  	_ =	shalt  }
0x72: {  	_ =	shalt  }
0x73: {  	_ =	shalt  }
0x74: {  	_ =	shalt  }
0x75: {  	_ =	shalt  }
0x76: {  	_ =	shalt  }
0x77: {  	_ =	shalt  }
0x78: {  	_ =	shalt  }
0x79: {  	_ =	shalt  }
0x7a: {  	_ =	shalt  }
0x7b: {  	_ =	shalt  }
0x7c: {  	_ =	shalt  }
0x7d: {  	_ =	shalt  }
0x7e: {  	_ =	shalt  }
0x7f: {  	_ =	shalt  }
0x80: {  	_ =	shalt  }
0x81: {  	_ =	shalt  }
0x82: {  	_ =	shalt  }
0x83: {  	_ =	shalt  }
0x84: {  	_ =	shalt  }
0x85: {  	_ =	shalt  }
0x86: {  	_ =	shalt  }
0x87: {  	_ =	shalt  }
.Lfunc_end0:
.L_simem_size_0:
called_computation.1_lowered:
.L_overlay_start_0:
0x88: {  	s2 =	sld [smem:$0x3FD9]  }
0x89: {  	s3 =	sld [smem:$0x3FFE];
	_ =	sdelay $0x1  }
0x8a: {  	s1 =	srdreg.scid  }
0x8b: {  	s0 =	sand.u32 $0x1, s1  }
0x8c: {  	s17 =	sshll.u32 s0, $0xA;
	s2 =	sadd.s32 s3, s2  }
0x8d: {  	s2 =	sadd.s32 s2, s17  }
0x8e: {  	[smem:$0x3FC0] =	sst s2  }
0x8f: {  	_ = 	snop  }
0x90: {  	s2 =	sld [smem:$0x3FD0];
	(tm) =	ssettm $0x1  }
0x91: {  	s18 =	sld [smem:$0x3FFB];
	_ =	sdelay $0x3  }
0x92: {  	_ =	strace s18  }
0x93: {  	s3 =	sld [smem:$0x3FFC];
	_ =	sdelay $0x3  }
0x94: {  	_ =	strace s3  }
0x95: {  	s3 =	sld [smem:$0x3FFD];
	_ =	sdelay $0x3  }
0x96: {  	_ =	strace s3  }
0x97: {  	_ =	strace $0x8FFFFFFF  }
0x98: {  	s19 =	sld [smem:$0x3FDB];
	_ =	sdelay $0x1  }
0x99: {  	s4 =	simm.s32 $_scs_section_size  }
0x9a: {  	s5 =	simm.s32 $_size__tile_overlayer_lowered;
	s6 =	simm.s32 $_tile_overlayer_lowered  }
0x9b: {  	s22 =	simm.s32 $0x1BFF;
	s21 =	sshll.u32 s6, $0x1;
	s3 =	sadd.s32 s4, s19  }
0x9c: {  	s7 =	simm.s32 $0x0;
	s20 =	sshll.u32 s5, $0x1;
	s5 =	sadd.s32 s21, s3  }
0x9d: {  	[timem:s7], [sflag:s22] =	dma.local [hbm:s5], s20  }
0x9e: {  	_ =	swait.ge [sflag:s22], s20  }
0x9f: {  	s4 =	ssub.s32 $0x0, s20;
	[sflag:s22] =	ssyncset.done $0x0  }
0xa0: {  	[sflag:s22] =	ssyncadd.s32 s4;
	_ =	sdelay $0x1  }
0xa1: {  	s23 =	simm.s32 $0x1B8B  }
0xa2: {  	_ =	swait.ge [sflag:s23], $0x1  }
0xa3: {  	[sflag:s23] =	ssyncset.done $0x0  }
0xa4: {  	s25 =	simm.s32 $0x1B8E;
	s24 =	sld [smem:$0x3FFE];
	[sflag:s23] =	ssyncadd.s32 $0xFFFFFFFF  }
0xa5: {  	s26 =	simm.s32 $execute0_lowered;
	[smem:$0x3FD2] =	sst s25  }
0xa6: {  	s5 =	sshll.u32 s26, $0x1;
	_ =	strace $0x80000049;
	[dreg:$0x1] =	wrdreg $0xFFFFFFFF  }
0xa7: {  	s28 =	simm.s32 $_size_execute0_lowered;
	s3 =	sadd.s32 s3, s5;
	[dreg:$0x0] =	wrdreg $0x0  }
0xa8: {  	s5 =	sshll.u32 s28, $0x1;
	[dreg:$0x2] =	wrdreg s3  }
0xa9: {  	[dreg:$0x3] =	wrdreg s5  }
0xaa: {  	[dreg:$0x4] =	wrdreg $0xC0  }
0xab: {  	_ =	task [dreg:s7], $0x5FFFF  }
0xac: {  	[dreg:$0x1] =	wrdreg $0xFFFFFFFF  }
0xad: {  	[dreg:$0x0] =	wrdreg $0x60  }
0xae: {  	[dreg:$0x2] =	wrdreg s24  }
0xaf: {  	[dreg:$0x3] =	wrdreg s2  }
0xb0: {  	[dreg:$0x4] =	wrdreg $0x9  }
0xb1: {  	_ =	task.clear_ibuf [dreg:s7], $0x5FFFF;
	_ =	strace $0x90000049  }
0xb2: {  	s29 =	simm.s32 $0x9;
	_ =	strace $0x8000004B  }
0xb3: {  	_ =	swait.ge [sflag:s29], $0x1  }
0xb4: {  	[sflag:s29] =	ssyncadd.s32 $0xFFFFFFFF  }
0xb5: {  	_ =	strace $0x9000004B  }
0xb6: {  	_ =	sfence  }
0xb7: {  	s30 =	sld [smem:$0x0];
	_ =	sdelay $0x2  }
0xb8: {  	s31 =	sshll.u32 s1, $0xD;
	s1 =	sshrl.u32 s1, $0x2  }
0xb9: {  	s3 =	sand.u32 $0x4000, s31;
	s1 =	sadd.s32 s1, s30  }
0xba: {  	s0 =	sor.u32 s3, s0;
	s1 =	sshll.u32 s1, $0x11  }
0xbb: {  	s0 =	sor.u32 s1, s0  }
0xbc: {  	s0 =	sadd.s32 $0x8F2B, s0  }
0xbd: {  	[sflag:s0] =	ssyncadd.remote.s32 $0x1  }
0xbe: {  	_ =	sfence.sel $0xFFFF  }
0xbf: {  	[dreg:$0x0] =	wrdreg $0xFFFFFFFF;
	(pc) =	sbr.abs _section_cstart, $3  }
0xc0: {  	[dreg:$0x1] =	wrdreg $0xFFFFFFFF  }
0xc1: {  	_ =	task.clear_ibuf [dreg:s7], $0x2FFFF;
	_ =	strace $0x9FFFFFFF  }
0xc2: {  	(tm) =	ssettm $0x7FFFFFFF  }
0xc3: {  	_ =	shalt  }
tec
execute0_lowered:
.L_overlay_start_1:
0x0: {  	(tag) =	ssettag $0x1  }
0x1: {  	s0 =	rddreg [dreg:$0x0]  }
0x2: {  	s1 =	rddreg [dreg:$0x1];
	s3 =	srdreg.scid  }
0x3: {  	s2 =	simm.s32 $0x0;
	s5 =	stileid.u32;
	s13 =	simm.s32 $0x4  }
0x4: {  	s15 =	simm.s32 $0x100;
	s30 =	simm.s32 $0x7100;
	s31 =	simm.s32 $0x7900  }
0x5: {  	s14 =	simm.s32 $0x9100;
	s16 =	simm.s32 $0x9900;
	s17 =	simm.s32 $0xA100  }
0x6: {  	s18 =	simm.s32 $0xA900;
	s19 =	simm.s32 $0xB100;
	s20 =	simm.s32 $0xB900  }
0x7: {  	s21 =	simm.s32 $0xC100;
	s4 =	sand.u32 $0x1, s3;
	[smem:$0x7FF] =	sst s2  }
0x8: {  	s5 =	sshll.u32 s5, $0x7;
	s3 =	sadd.s32 $0x2A00, s0;
	s6 =	sshll.u32 s4, $0x6  }
0x9: {  	s7 =	sadd.s32 $0x2800, s0;
	s10 =	sadd.s32 $0x7AE00, s0;
	s5 =	sor.u32 s6, s5  }
0xa: {  	_ =	strace $0x8000004A;
	s4 =	ssub.s32 $0x2, s4;
	s22 =	sshrl.u32 s5, $0x3  }
0xb: {  	s9 =	sshrl.u32 s4, $0x1;
	s8 =	sshll.u32 s5, $0x1;
	s24 =	smul.u32 $0x1800, s22  }
0xc: {  	s4 =	ssub.s32 s4, s9;
	s11 =	sand.u32 $0xF00, s8;
	s26 =	smul.u32 $0x300, s22  }
0xd: {  	s12 =	smax.u32 s4, $0x1;
	s11 =	sor.u32 s6, s11;
	s6 =	sor.u32 s6, s8  }
0xe: {  	s22 =	simm.s32 $0x1;
	s23 =	sshrl.u32 s11, $0x3;
	s6 =	sshrl.u32 s6, $0x3  }
0xf: {  	s28 =	sshrl.u32 s24, $0x3;
	s8 =	sadd.s32 s10, s26;
	s9 =	sadd.s32 s1, s26  }
0x10: {  	v0 =	vlaneseq.u32;
	s24 =	simm.s32 $0x3;
	s5 =	sadd.s32 s7, s23;
	s25 =	sor.u32 $0x10, s6  }
0x11: {  	v1 =	vand.u32 $0x7, v0;
	v63 =	vshrl.u32 v0, $0x3;
	s6 =	sadd.s32 $0x2B00, s0;
	s29 =	sadd.s32 $0xC00, s28;
	s23 =	simm.s32 $0x2  }
0x12: {  	v0 =	vor.u32 $0x8, v0;
	[tilespmem:$0x1FFD0] =	vst v1;
	v1 =	vmul.u32 $0x8, v63;
	[dreg:$0x3] =	wrdreg s5;
	s5 =	sadd.s32 s7, s25;
	s7 =	sadd.s32 $0x2C00, s0  }
0x13: {  	[tilespmem:$0x1FFF0] =	vst v0;
	s10 =	sadd.s32 s10, s29;
	s11 =	sadd.s32 s1, s29;
	s0 =	simm.s32 $0x8100  }
0x14: {  	vm0 =	vmmov $0xffff;
	[tilespmem:$0x1FFE0] =	vst v1;
	s1 =	simm.s32 $0x8900;
	s25 =	simm.s32 $0x0;
	[dreg:$0x4] =	wrdreg s5  }
.LBB2_1:
0x15: {  	s4 =	rddreg [dreg:$0x3]  }
0x16: {  	[tilespmem:s2], [sflag:$0x4] =	stream.linear.gather [hbm4b:s4+s2], $0x40, $0x38;
	[tilespmem:$0x12100] =	vst v63  }
0x17: {  	_ =	swait.ge [sflag:s13], $0x40  }
0x18: {  	[sflag:s13] =	ssyncset.done $0x0  }
0x19: {  	s5 =	simm.s32 $0x80;
	s29 =	rddreg [dreg:$0x4];
	[sflag:s13] =	ssyncadd.s32 $0xFFFFFFC0  }
0x1a: {  	[tilespmem:s5], [sflag:$0x4] =	stream.linear.gather [hbm4b:s29+s2], $0x40, $0x38;
	[tilespmem:$0x12100] =	vst v63  }
0x1b: {  	_ =	swait.ge [sflag:s13], $0x40  }
0x1c: {  	[sflag:s13] =	ssyncset.done $0x0  }
0x1d: {  	[sflag:s13] =	ssyncadd.s32 $0xFFFFFFC0  }
0x1e: {  	v0 =	vld [tilespmem:$0x0];
	_ =	sdelay $0x3  }
0x1f: {  	v2 =	vld [tilespmem:$0x1FFD0]  }
0x20: {  	v1 =	vshrl.u32 v0, $0x3  }
0x21: {  	v3 =	vld [tilespmem:$0x1FFE0];
	v1 =	vmul.u32 $0x30, v1  }
0x22: {  	v0 =	vand.u32 $0x7, v0  }
0x23: {  	v0 =	vor.u32 v0, v1  }
0x24: {  	v1 =	vperm.xlane v0, v2  }
0x25: {  	v4 =	vld [tilespmem:$0x1FFF0]  }
0x26: {  	v1 =	vadd.s32 v3, v1;
	_ =	sdelay $0x3  }
0x27: {  	v0 =	vperm.xlane v0, v4  }
0x28: {  	[tilespmem:s15], [sflag:$0x1] =	stream.indirect_vreg.gather [hbm4b:s3+s2], $0x80, v1, vm0, $0xb8;
	[tilespmem:$0x12100] =	vst v63  }
0x29: {  	s26 =	simm.s32 $0x900;
	v0 =	vadd.s32 v3, v0  }
0x2a: {  	[tilespmem:s26], [sflag:$0x1] =	stream.indirect_vreg.gather [hbm4b:s6+s2], $0x80, v1, vm0, $0xb8;
	[tilespmem:$0x12100] =	vst v63  }
0x2b: {  	s29 =	simm.s32 $0x1100  }
0x2c: {  	[tilespmem:s29], [sflag:$0x1] =	stream.indirect_vreg.gather [hbm4b:s7+s2], $0x80, v1, vm0, $0xb8;
	[tilespmem:$0x12100] =	vst v63  }
0x2d: {  	s5 =	simm.s32 $0x1900  }
0x2e: {  	[tilespmem:s5], [sflag:$0x1] =	stream.indirect_vreg.gather [hbm4b:s3+s2], $0x80, v0, vm0, $0xb8;
	[tilespmem:$0x12100] =	vst v63  }
0x2f: {  	s26 =	simm.s32 $0x2100  }
0x30: {  	[tilespmem:s26], [sflag:$0x1] =	stream.indirect_vreg.gather [hbm4b:s6+s2], $0x80, v0, vm0, $0xb8;
	[tilespmem:$0x12100] =	vst v63  }
0x31: {  	s29 =	simm.s32 $0x2900  }
0x32: {  	[tilespmem:s29], [sflag:$0x1] =	stream.indirect_vreg.gather [hbm4b:s7+s2], $0x80, v0, vm0, $0xb8;
	[tilespmem:$0x12100] =	vst v63  }
0x33: {  	v0 =	vld [tilespmem:$0x10];
	_ =	sdelay $0x4  }
0x34: {  	v1 =	vshrl.u32 v0, $0x3  }
0x35: {  	v1 =	vmul.u32 $0x30, v1  }
0x36: {  	v0 =	vand.u32 $0x7, v0  }
0x37: {  	v0 =	vor.u32 v0, v1  }
0x38: {  	v1 =	vperm.xlane v0, v2;
	_ =	sdelay $0x1  }
0x39: {  	v1 =	vadd.s32 v3, v1;
	_ =	sdelay $0x3  }
0x3a: {  	s5 =	simm.s32 $0x3100;
	v0 =	vperm.xlane v0, v4  }
0x3b: {  	[tilespmem:s5], [sflag:$0x1] =	stream.indirect_vreg.gather [hbm4b:s3+s2], $0x80, v1, vm0, $0xb8;
	[tilespmem:$0x12100] =	vst v63  }
0x3c: {  	s26 =	simm.s32 $0x3900;
	v0 =	vadd.s32 v3, v0  }
0x3d: {  	[tilespmem:s26], [sflag:$0x1] =	stream.indirect_vreg.gather [hbm4b:s6+s2], $0x80, v1, vm0, $0xb8;
	[tilespmem:$0x12100] =	vst v63  }
0x3e: {  	s29 =	simm.s32 $0x4100  }
0x3f: {  	[tilespmem:s29], [sflag:$0x1] =	stream.indirect_vreg.gather [hbm4b:s7+s2], $0x80, v1, vm0, $0xb8;
	[tilespmem:$0x12100] =	vst v63  }
0x40: {  	s5 =	simm.s32 $0x4900  }
0x41: {  	[tilespmem:s5], [sflag:$0x1] =	stream.indirect_vreg.gather [hbm4b:s3+s2], $0x80, v0, vm0, $0xb8;
	[tilespmem:$0x12100] =	vst v63  }
0x42: {  	s26 =	simm.s32 $0x5100  }
0x43: {  	[tilespmem:s26], [sflag:$0x1] =	stream.indirect_vreg.gather [hbm4b:s6+s2], $0x80, v0, vm0, $0xb8;
	[tilespmem:$0x12100] =	vst v63  }
0x44: {  	s29 =	simm.s32 $0x5900  }
0x45: {  	[tilespmem:s29], [sflag:$0x1] =	stream.indirect_vreg.gather [hbm4b:s7+s2], $0x80, v0, vm0, $0xb8;
	[tilespmem:$0x12100] =	vst v63  }
0x46: {  	v0 =	vld [tilespmem:$0x80];
	_ =	sdelay $0x4  }
0x47: {  	v1 =	vshrl.u32 v0, $0x3  }
0x48: {  	v1 =	vmul.u32 $0x30, v1  }
0x49: {  	v0 =	vand.u32 $0x7, v0  }
0x4a: {  	v0 =	vor.u32 v0, v1  }
0x4b: {  	v1 =	vperm.xlane v0, v2;
	_ =	sdelay $0x1  }
0x4c: {  	v1 =	vadd.s32 v3, v1;
	_ =	sdelay $0x3  }
0x4d: {  	s5 =	simm.s32 $0x6100;
	v0 =	vperm.xlane v0, v4  }
0x4e: {  	[tilespmem:s5], [sflag:$0x2] =	stream.indirect_vreg.gather [hbm4b:s3+s2], $0x80, v1, vm0, $0xb8;
	[tilespmem:$0x12100] =	vst v63  }
0x4f: {  	s26 =	simm.s32 $0x6900;
	v0 =	vadd.s32 v3, v0  }
0x50: {  	[tilespmem:s26], [sflag:$0x2] =	stream.indirect_vreg.gather [hbm4b:s6+s2], $0x80, v1, vm0, $0xb8;
	[tilespmem:$0x12100] =	vst v63  }
0x51: {  	_ = 	snop  }
0x52: {  	[tilespmem:s30], [sflag:$0x2] =	stream.indirect_vreg.gather [hbm4b:s7+s2], $0x80, v1, vm0, $0xb8;
	[tilespmem:$0x12100] =	vst v63  }
0x53: {  	_ = 	snop  }
0x54: {  	[tilespmem:s31], [sflag:$0x2] =	stream.indirect_vreg.gather [hbm4b:s3+s2], $0x80, v0, vm0, $0xb8;
	[tilespmem:$0x12100] =	vst v63  }
0x55: {  	_ = 	snop  }
0x56: {  	[tilespmem:s0], [sflag:$0x2] =	stream.indirect_vreg.gather [hbm4b:s6+s2], $0x80, v0, vm0, $0xb8;
	[tilespmem:$0x12100] =	vst v63  }
0x57: {  	_ = 	snop  }
0x58: {  	[tilespmem:s1], [sflag:$0x2] =	stream.indirect_vreg.gather [hbm4b:s7+s2], $0x80, v0, vm0, $0xb8;
	[tilespmem:$0x12100] =	vst v63  }
0x59: {  	v0 =	vld [tilespmem:$0x90];
	_ =	sdelay $0x4  }
0x5a: {  	v1 =	vshrl.u32 v0, $0x3  }
0x5b: {  	v1 =	vmul.u32 $0x30, v1  }
0x5c: {  	v0 =	vand.u32 $0x7, v0  }
0x5d: {  	v0 =	vor.u32 v0, v1  }
0x5e: {  	v1 =	vperm.xlane v0, v2;
	_ =	sdelay $0x1  }
0x5f: {  	v1 =	vadd.s32 v3, v1;
	_ =	sdelay $0x3  }
0x60: {  	v0 =	vperm.xlane v0, v4  }
0x61: {  	[tilespmem:s14], [sflag:$0x2] =	stream.indirect_vreg.gather [hbm4b:s3+s2], $0x80, v1, vm0, $0xb8;
	[tilespmem:$0x12100] =	vst v63  }
0x62: {  	v0 =	vadd.s32 v3, v0  }
0x63: {  	[tilespmem:s16], [sflag:$0x2] =	stream.indirect_vreg.gather [hbm4b:s6+s2], $0x80, v1, vm0, $0xb8;
	[tilespmem:$0x12100] =	vst v63  }
0x64: {  	_ = 	snop  }
0x65: {  	[tilespmem:s17], [sflag:$0x2] =	stream.indirect_vreg.gather [hbm4b:s7+s2], $0x80, v1, vm0, $0xb8;
	[tilespmem:$0x12100] =	vst v63  }
0x66: {  	_ = 	snop  }
0x67: {  	[tilespmem:s18], [sflag:$0x2] =	stream.indirect_vreg.gather [hbm4b:s3+s2], $0x80, v0, vm0, $0xb8;
	[tilespmem:$0x12100] =	vst v63  }
0x68: {  	_ = 	snop  }
0x69: {  	[tilespmem:s19], [sflag:$0x2] =	stream.indirect_vreg.gather [hbm4b:s6+s2], $0x80, v0, vm0, $0xb8;
	[tilespmem:$0x12100] =	vst v63  }
0x6a: {  	_ = 	snop  }
0x6b: {  	[tilespmem:s20], [sflag:$0x2] =	stream.indirect_vreg.gather [hbm4b:s7+s2], $0x80, v0, vm0, $0xb8;
	[tilespmem:$0x12100] =	vst v63  }
0x6c: {  	_ = 	snop  }
0x6d: {  	[tilespmem:s21], [sflag:$0x3] =	stream.linear.gather [hbm4b:s8+s2], $0x6000, $0x38;
	[tilespmem:$0x12100] =	vst v63  }
0x6e: {  	_ =	swait.ge [sflag:s22], $0x6000  }
0x6f: {  	[sflag:s22] =	ssyncset.done $0x0  }
0x70: {  	[sflag:s22] =	ssyncadd.s32 $0xFFFFA000  }
0x71: {  	_ =	swait.ge [sflag:s23], $0x6000  }
0x72: {  	[sflag:s23] =	ssyncset.done $0x0  }
0x73: {  	s29 =	simm.s32 $0x0;
	[sflag:s23] =	ssyncadd.s32 $0xFFFFA000  }
0x74: {  	s4 =	smul.u32 $0x1800, s29;
	_ =	swait.ge [sflag:s24], $0x6000  }
0x75: {  	s26 =	sand.u32 $0x380, s2;
	[sflag:s24] =	ssyncset.done $0x0  }
0x76: {  	s4 =	sor.u32 s26, s4;
	[sflag:s24] =	ssyncadd.s32 $0xFFFFA000  }
0x77: {  	v0 =	vld [tilespmem:s4+$0xC570];
	_ =	sdelay $0x4  }
0x78: {  	[tilespmem:$0x1FE00] =	vst v0;
	v0 =	vld [tilespmem:s4+$0xC900];
	_ =	sdelay $0x4  }
0x79: {  	[tilespmem:$0x1FE10] =	vst v0;
	v0 =	vld [tilespmem:s4+$0xC910];
	_ =	sdelay $0x4  }
0x7a: {  	[tilespmem:$0x1FE20] =	vst v0;
	v0 =	vld [tilespmem:s4+$0xC920];
	_ =	sdelay $0x4  }
0x7b: {  	[tilespmem:$0x1FE30] =	vst v0;
	v0 =	vld [tilespmem:s4+$0xC930];
	_ =	sdelay $0x4  }
0x7c: {  	[tilespmem:$0x1FE40] =	vst v0;
	v0 =	vld [tilespmem:s4+$0xC940];
	_ =	sdelay $0x4  }
0x7d: {  	[tilespmem:$0x1FE50] =	vst v0;
	v0 =	vld [tilespmem:s4+$0xC950];
	_ =	sdelay $0x4  }
0x7e: {  	[tilespmem:$0x1FE60] =	vst v0;
	v0 =	vld [tilespmem:s4+$0xC960];
	_ =	sdelay $0x4  }
0x7f: {  	[tilespmem:$0x1FE70] =	vst v0;
	v0 =	vld [tilespmem:s4+$0xC970];
	_ =	sdelay $0x4  }
0x80: {  	[tilespmem:$0x1FE80] =	vst v0;
	v0 =	vld [tilespmem:s4+$0xCD00];
	_ =	sdelay $0x4  }
0x81: {  	[tilespmem:$0x1FE90] =	vst v0;
	v0 =	vld [tilespmem:s4+$0xCD10];
	_ =	sdelay $0x4  }
0x82: {  	[tilespmem:$0x1FEA0] =	vst v0;
	v0 =	vld [tilespmem:s4+$0xCD20];
	_ =	sdelay $0x4  }
0x83: {  	[tilespmem:$0x1FEB0] =	vst v0;
	v0 =	vld [tilespmem:s4+$0xCD30];
	_ =	sdelay $0x4  }
0x84: {  	[tilespmem:$0x1FEC0] =	vst v0;
	v0 =	vld [tilespmem:s4+$0xCD40];
	_ =	sdelay $0x4  }
0x85: {  	[tilespmem:$0x1FED0] =	vst v0;
	v0 =	vld [tilespmem:s4+$0xCD50];
	_ =	sdelay $0x4  }
0x86: {  	[tilespmem:$0x1FEE0] =	vst v0;
	v0 =	vld [tilespmem:s4+$0xCD60];
	_ =	sdelay $0x4  }
0x87: {  	[tilespmem:$0x1FEF0] =	vst v0;
	v0 =	vld [tilespmem:s4+$0xCD70];
	_ =	sdelay $0x4  }
0x88: {  	[tilespmem:$0x1FF10] =	vst v0;
	v0 =	vld [tilespmem:s4+$0xD100];
	_ =	sdelay $0x4  }
0x89: {  	[tilespmem:$0x1FF30] =	vst v0;
	v0 =	vld [tilespmem:s4+$0xD110];
	_ =	sdelay $0x4  }
0x8a: {  	[tilespmem:$0x1FF50] =	vst v0;
	v0 =	vld [tilespmem:s4+$0xD120];
	_ =	sdelay $0x4  }
0x8b: {  	[tilespmem:$0x1FF70] =	vst v0;
	v0 =	vld [tilespmem:s4+$0xD130];
	_ =	sdelay $0x4  }
0x8c: {  	[tilespmem:$0x1FF90] =	vst v0;
	v0 =	vld [tilespmem:s4+$0xD140];
	_ =	sdelay $0x4  }
0x8d: {  	[tilespmem:$0x1FFB0] =	vst v0;
	v0 =	vld [tilespmem:s4+$0xD150];
	_ =	sdelay $0x2  }
0x8e: {  	v14 =	vld [tilespmem:s4+$0xC100]  }
0x8f: {  	v53 =	vld [tilespmem:s4+$0xC110]  }
0x90: {  	[tilespmem:$0x1FDB0] =	vst v0;
	v0 =	vld [tilespmem:s4+$0xD160]  }
0x91: {  	v54 =	vld [tilespmem:s4+$0xC120]  }
0x92: {  	v55 =	vld [tilespmem:s4+$0xC130]  }
0x93: {  	v56 =	vld [tilespmem:s4+$0xC140]  }
0x94: {  	v57 =	vld [tilespmem:s4+$0xC150]  }
0x95: {  	[tilespmem:$0x1FDC0] =	vst v0;
	v0 =	vld [tilespmem:s4+$0xD170]  }
0x96: {  	v58 =	vld [tilespmem:s4+$0xC160]  }
0x97: {  	v59 =	vld [tilespmem:s4+$0xC170]  }
0x98: {  	v60 =	vld [tilespmem:s4+$0xC500]  }
0x99: {  	v61 =	vld [tilespmem:s4+$0xC510]  }
0x9a: {  	[tilespmem:$0x1FDD0] =	vst v0;
	v0 =	vld [tilespmem:s4+$0xD500]  }
0x9b: {  	v51 =	vld [tilespmem:s4+$0xC520]  }
0x9c: {  	v37 =	vld [tilespmem:s4+$0xC530]  }
0x9d: {  	v38 =	vld [tilespmem:s4+$0xC540]  }
0x9e: {  	v41 =	vld [tilespmem:s4+$0xC550]  }
0x9f: {  	[tilespmem:$0x1FDE0] =	vst v0;
	v0 =	vld [tilespmem:s4+$0xD510]  }
0xa0: {  	v39 =	vld [tilespmem:s4+$0xC560]  }
0xa1: {  	v48 =	vld [tilespmem:s4+$0xD520]  }
0xa2: {  	v46 =	vld [tilespmem:s4+$0xD530]  }
0xa3: {  	v44 =	vld [tilespmem:s4+$0xD540]  }
0xa4: {  	[tilespmem:$0x1FDF0] =	vst v0;
	v0 =	vld [tilespmem:s4+$0x7100]  }
0xa5: {  	v42 =	vld [tilespmem:s4+$0xD550]  }
0xa6: {  	v62 =	vld [tilespmem:s4+$0x6100]  }
0xa7: {  	v63 =	vld [tilespmem:s4+$0x6110]  }
0xa8: {  	v5 =	vld [tilespmem:s4+$0x6120]  }
0xa9: {  	[tilespmem:$0x1FF00] =	vst v0;
	v0 =	vld [tilespmem:s4+$0x7110]  }
0xaa: {  	v6 =	vld [tilespmem:s4+$0x6130]  }
0xab: {  	v7 =	vld [tilespmem:s4+$0x6140]  }
0xac: {  	v8 =	vld [tilespmem:s4+$0x6150]  }
0xad: {  	v21 =	vld [tilespmem:s4+$0x6160]  }
0xae: {  	[tilespmem:$0x1FF20] =	vst v0;
	v0 =	vld [tilespmem:s4+$0x7120]  }
0xaf: {  	v22 =	vld [tilespmem:s4+$0x6170]  }
0xb0: {  	v23 =	vld [tilespmem:s4+$0x6500]  }
0xb1: {  	v24 =	vld [tilespmem:s4+$0x6510]  }
0xb2: {  	v25 =	vld [tilespmem:s4+$0x6520]  }
0xb3: {  	[tilespmem:$0x1FF40] =	vst v0;
	v0 =	vld [tilespmem:s4+$0x7130]  }
0xb4: {  	v26 =	vld [tilespmem:s4+$0x6530]  }
0xb5: {  	v27 =	vld [tilespmem:s4+$0x6540]  }
0xb6: {  	v28 =	vld [tilespmem:s4+$0x6550]  }
0xb7: {  	v29 =	vld [tilespmem:s4+$0x6560]  }
0xb8: {  	[tilespmem:$0x1FF60] =	vst v0;
	v0 =	vld [tilespmem:s4+$0x7140]  }
0xb9: {  	v30 =	vld [tilespmem:s4+$0x6570]  }
0xba: {  	v31 =	vld [tilespmem:s4+$0x6900]  }
0xbb: {  	v32 =	vld [tilespmem:s4+$0x6910]  }
0xbc: {  	v33 =	vld [tilespmem:s4+$0x6920]  }
0xbd: {  	[tilespmem:$0x1FF80] =	vst v0;
	v0 =	vld [tilespmem:s4+$0x7150]  }
0xbe: {  	v34 =	vld [tilespmem:s4+$0x6930]  }
0xbf: {  	v35 =	vld [tilespmem:s4+$0x6940]  }
0xc0: {  	v9 =	vld [tilespmem:s4+$0x6950]  }
0xc1: {  	v10 =	vld [tilespmem:s4+$0x6960]  }
0xc2: {  	[tilespmem:$0x1FFA0] =	vst v0;
	v0 =	vld [tilespmem:s4+$0x7160]  }
0xc3: {  	v11 =	vld [tilespmem:s4+$0x6970]  }
0xc4: {  	v12 =	vld [tilespmem:s4+$0x6D00]  }
0xc5: {  	v36 =	vld [tilespmem:s4+$0x6D10]  }
0xc6: {  	v52 =	vld [tilespmem:s4+$0x6D20]  }
0xc7: {  	[tilespmem:$0x1FFC0] =	vst v0;
	v0 =	vld [tilespmem:s4+$0x100]  }
0xc8: {  	v1 =	vld [tilespmem:s4+$0x110]  }
0xc9: {  	v2 =	vld [tilespmem:s4+$0x120]  }
0xca: {  	v49 =	vld [tilespmem:s4+$0x6D30]  }
0xcb: {  	v4 =	vld [tilespmem:s4+$0x140]  }
0xcc: {  	v47 =	vld [tilespmem:s4+$0x6D40];
	v0 =	vadd.f32 v62, v0  }
0xcd: {  	v1 =	vadd.f32 v63, v1;
	v63 =	vld [tilespmem:s4+$0x160]  }
0xce: {  	v45 =	vld [tilespmem:s4+$0x6D50];
	v2 =	vadd.f32 v5, v2;
	v0 =	vadd.f32 v14, v0  }
0xcf: {  	v3 =	vld [tilespmem:s4+$0x130]  }
0xd0: {  	v43 =	vld [tilespmem:s4+$0x6D60];
	[tilespmem:s4+$0x100] =	vst v0;
	v0 =	vadd.f32 v54, v2;
	v2 =	vadd.f32 v7, v4  }
0xd1: {  	v62 =	vld [tilespmem:s4+$0x150]  }
0xd2: {  	v40 =	vld [tilespmem:s4+$0x6D70];
	[tilespmem:s4+$0x120] =	vst v0;
	v0 =	vadd.f32 v56, v2;
	v2 =	vadd.f32 v21, v63  }
0xd3: {  	v5 =	vld [tilespmem:s4+$0x170];
	v1 =	vadd.f32 v53, v1  }
0xd4: {  	v20 =	vld [tilespmem:s4+$0x7170];
	v3 =	vadd.f32 v6, v3;
	[tilespmem:s4+$0x140] =	vst v0;
	v0 =	vadd.f32 v58, v2  }
0xd5: {  	v6 =	vld [tilespmem:s4+$0x510];
	[tilespmem:s4+$0x110] =	vst v1  }
0xd6: {  	v1 =	vadd.f32 v55, v3;
	v3 =	vadd.f32 v8, v62;
	[tilespmem:s4+$0x160] =	vst v0;
	v0 =	vld [tilespmem:s4+$0x530]  }
0xd7: {  	v19 =	vld [tilespmem:s4+$0x7500]  }
0xd8: {  	v18 =	vld [tilespmem:s4+$0x7510];
	[tilespmem:s4+$0x130] =	vst v1;
	v1 =	vadd.f32 v57, v3;
	v3 =	vadd.f32 v22, v5  }
0xd9: {  	v4 =	vld [tilespmem:s4+$0x500]  }
0xda: {  	v17 =	vld [tilespmem:s4+$0x7520];
	[tilespmem:s4+$0x150] =	vst v1;
	v1 =	vadd.f32 v59, v3;
	v3 =	vadd.f32 v24, v6  }
0xdb: {  	v16 =	vld [tilespmem:s4+$0x7530];
	v0 =	vadd.f32 v26, v0  }
0xdc: {  	v2 =	vld [tilespmem:s4+$0x520];
	v3 =	vadd.f32 v61, v3  }
0xdd: {  	v15 =	vld [tilespmem:s4+$0x7540];
	v0 =	vadd.f32 v37, v0  }
0xde: {  	v4 =	vadd.f32 v23, v4;
	[tilespmem:s4+$0x510] =	vst v3;
	v3 =	vld [tilespmem:s4+$0x560]  }
0xdf: {  	[tilespmem:s4+$0x530] =	vst v0;
	v0 =	vld [tilespmem:s4+$0x940]  }
0xe0: {  	v13 =	vld [tilespmem:s4+$0x7550];
	v4 =	vadd.f32 v60, v4  }
0xe1: {  	v53 =	vld [tilespmem:$0x1FE50];
	v2 =	vadd.f32 v25, v2  }
0xe2: {  	[tilespmem:s4+$0x500] =	vst v4;
	v4 =	vld [tilespmem:s4+$0x550]  }
0xe3: {  	v50 =	vld [tilespmem:s4+$0x7560];
	v2 =	vadd.f32 v51, v2;
	v3 =	vadd.f32 v29, v3  }
0xe4: {  	v62 =	vld [tilespmem:$0x1FEE0];
	v0 =	vadd.f32 v35, v0  }
0xe5: {  	[tilespmem:s4+$0x520] =	vst v2;
	v2 =	vld [tilespmem:s4+$0x570];
	v3 =	vadd.f32 v39, v3  }
0xe6: {  	v21 =	vld [tilespmem:$0x1FE00];
	v0 =	vadd.f32 v53, v0  }
0xe7: {  	v4 =	vadd.f32 v28, v4;
	[tilespmem:s4+$0x560] =	vst v3;
	v3 =	vld [tilespmem:s4+$0x970]  }
0xe8: {  	[tilespmem:s4+$0x940] =	vst v0;
	v0 =	vld [tilespmem:s4+$0xD50]  }
0xe9: {  	v56 =	vld [tilespmem:$0x1FE80];
	v4 =	vadd.f32 v41, v4  }
0xea: {  	v5 =	vld [tilespmem:s4+$0x900];
	v2 =	vadd.f32 v30, v2  }
0xeb: {  	[tilespmem:s4+$0x550] =	vst v4;
	v4 =	vld [tilespmem:s4+$0x960]  }
0xec: {  	v2 =	vadd.f32 v21, v2;
	v21 =	vld [tilespmem:$0x1FE10];
	v3 =	vadd.f32 v11, v3  }
0xed: {  	v55 =	vld [tilespmem:$0x1FE70];
	v0 =	vadd.f32 v45, v0  }
0xee: {  	v58 =	vld [tilespmem:$0x1FEA0];
	v3 =	vadd.f32 v56, v3  }
0xef: {  	v6 =	vld [tilespmem:s4+$0x910];
	v5 =	vadd.f32 v31, v5;
	v0 =	vadd.f32 v62, v0  }
0xf0: {  	v4 =	vadd.f32 v10, v4;
	[tilespmem:s4+$0x970] =	vst v3;
	v3 =	vld [tilespmem:s4+$0x1100]  }
0xf1: {  	v5 =	vadd.f32 v21, v5;
	[tilespmem:s4+$0xD50] =	vst v0;
	v0 =	vld [tilespmem:$0x1FF00]  }
0xf2: {  	v21 =	vld [tilespmem:$0x1FE20];
	v4 =	vadd.f32 v55, v4  }
0xf3: {  	[tilespmem:s4+$0x900] =	vst v5;
	v5 =	vld [tilespmem:s4+$0xD10]  }
0xf4: {  	[tilespmem:s4+$0x960] =	vst v4;
	v4 =	vld [tilespmem:s4+$0xD70]  }
0xf5: {  	[tilespmem:s4+$0x570] =	vst v2;
	v2 =	vld [tilespmem:s4+$0xD00]  }
0xf6: {  	v0 =	vadd.f32 v0, v3;
	v3 =	vld [tilespmem:$0x1FF10]  }
0xf7: {  	v7 =	vld [tilespmem:s4+$0x920];
	v6 =	vadd.f32 v32, v6  }
0xf8: {  	v57 =	vld [tilespmem:$0x1FE90];
	v5 =	vadd.f32 v36, v5  }
0xf9: {  	v59 =	vld [tilespmem:$0x1FEB0];
	v6 =	vadd.f32 v21, v6;
	v4 =	vadd.f32 v40, v4  }
0xfa: {  	[tilespmem:s4+$0x170] =	vst v1;
	v1 =	vld [tilespmem:s4+$0x540];
	v5 =	vadd.f32 v58, v5  }
0xfb: {  	v2 =	vadd.f32 v12, v2;
	[tilespmem:s4+$0x910] =	vst v6;
	v6 =	vld [tilespmem:s4+$0xD20];
	v3 =	vadd.f32 v3, v4  }
0xfc: {  	[tilespmem:s4+$0xD10] =	vst v5;
	v5 =	vld [tilespmem:s4+$0x1120]  }
0xfd: {  	v2 =	vadd.f32 v57, v2;
	[tilespmem:s4+$0xD70] =	vst v3;
	v3 =	vld [tilespmem:$0x1FF40]  }
0xfe: {  	v21 =	vld [tilespmem:$0x1FE30]  }
0xff: {  	v1 =	vadd.f32 v27, v1;
	[tilespmem:s4+$0xD00] =	vst v2;
	v2 =	vld [tilespmem:s4+$0x1110]  }
0x100: {  	v4 =	vld [tilespmem:$0x1FF20]  }
0x101: {  	v8 =	vld [tilespmem:s4+$0x930];
	v7 =	vadd.f32 v33, v7;
	v1 =	vadd.f32 v38, v1  }
0x102: {  	v6 =	vadd.f32 v52, v6;
	v3 =	vadd.f32 v3, v5;
	v5 =	vld [tilespmem:$0x1FF50]  }
0x103: {  	[tilespmem:s4+$0x540] =	vst v1;
	v1 =	vld [tilespmem:s4+$0x950];
	v7 =	vadd.f32 v21, v7  }
0x104: {  	v21 =	vld [tilespmem:$0x1FE40];
	v6 =	vadd.f32 v59, v6  }
0x105: {  	[tilespmem:s4+$0x920] =	vst v7;
	v7 =	vld [tilespmem:s4+$0xD30];
	v4 =	vadd.f32 v4, v2  }
0x106: {  	[tilespmem:s4+$0xD20] =	vst v6;
	v6 =	vld [tilespmem:s4+$0x1130]  }
0x107: {  	v4 =	vadd.f32 v5, v4;
	v5 =	vld [tilespmem:$0x1FF60]  }
0x108: {  	v54 =	vld [tilespmem:$0x1FE60]  }
0x109: {  	v8 =	vadd.f32 v34, v8;
	v60 =	vld [tilespmem:$0x1FEC0]  }
0x10a: {  	v14 =	vld [tilespmem:s4+$0x7570]  }
0x10b: {  	v63 =	vld [tilespmem:$0x1FEF0];
	v1 =	vadd.f32 v9, v1;
	v8 =	vadd.f32 v21, v8  }
0x10c: {  	v7 =	vadd.f32 v49, v7;
	v5 =	vadd.f32 v5, v6;
	v6 =	vld [tilespmem:$0x1FF70]  }
0x10d: {  	v1 =	vadd.f32 v54, v1;
	[tilespmem:s4+$0x930] =	vst v8;
	v8 =	vld [tilespmem:s4+$0xD40]  }
0x10e: {  	v61 =	vld [tilespmem:$0x1FED0];
	v7 =	vadd.f32 v60, v7  }
0x10f: {  	[tilespmem:s4+$0x950] =	vst v1;
	v1 =	vld [tilespmem:s4+$0xD60]  }
0x110: {  	[tilespmem:s4+$0xD30] =	vst v7;
	v7 =	vld [tilespmem:s4+$0x1140]  }
0x111: {  	[tilespmem:s4+$0x1110] =	vst v4;
	v4 =	vld [tilespmem:$0x1FF80];
	v3 =	vadd.f32 v6, v3  }
0x112: {  	v8 =	vadd.f32 v47, v8;
	v6 =	vld [tilespmem:$0x1FF90]  }
0x113: {  	[tilespmem:s4+$0x1120] =	vst v3;
	v3 =	vld [tilespmem:$0x1FFB0]  }
0x114: {  	v2 =	vld [tilespmem:$0x1FF30];
	v8 =	vadd.f32 v61, v8  }
0x115: {  	v22 =	vld [tilespmem:s4+$0x1160];
	v1 =	vadd.f32 v43, v1  }
0x116: {  	[tilespmem:s4+$0xD40] =	vst v8;
	v8 =	vld [tilespmem:s4+$0x1150];
	v21 =	vadd.f32 v4, v7  }
0x117: {  	v1 =	vadd.f32 v63, v1;
	v7 =	vadd.f32 v6, v5;
	v5 =	vld [tilespmem:$0x1FFA0]  }
0x118: {  	v21 =	vadd.f32 v3, v21;
	v3 =	vld [tilespmem:$0x1FFC0]  }
0x119: {  	[tilespmem:s4+$0xD60] =	vst v1;
	v1 =	vld [tilespmem:s4+$0x1170];
	v0 =	vadd.f32 v2, v0  }
0x11a: {  	v2 =	vld [tilespmem:s4+$0x1500]  }
0x11b: {  	[tilespmem:s4+$0x1100] =	vst v0;
	v0 =	vld [tilespmem:s4+$0x1510]  }
0x11c: {  	v4 =	vld [tilespmem:s4+$0x1520]  }
0x11d: {  	s28 =	simm.s32 $0x0;
	s26 =	simm.s32 $0x1;
	v6 =	vadd.f32 v5, v8;
	v5 =	vadd.f32 v3, v22;
	v3 =	vld [tilespmem:s4+$0x1530]  }
.LBB2_2:
0x11e: {  	[tilespmem:s4+$0x1130] =	vst v7;
	v7 =	vld [tilespmem:$0x1FDB0];
	_ =	sdelay $0x4  }
0x11f: {  	v6 =	vadd.f32 v7, v6  }
0x120: {  	v8 =	vld [tilespmem:$0x1FDC0]  }
0x121: {  	[tilespmem:s4+$0x1150] =	vst v6;
	v6 =	vld [tilespmem:$0x1FDD0];
	_ =	sdelay $0x2  }
0x122: {  	v1 =	vadd.f32 v20, v1  }
0x123: {  	v5 =	vadd.f32 v8, v5  }
0x124: {  	v1 =	vadd.f32 v6, v1  }
0x125: {  	[tilespmem:s4+$0x1160] =	vst v5;
	v5 =	vld [tilespmem:$0x1FDE0]  }
0x126: {  	[tilespmem:s4+$0x1170] =	vst v1;
	v1 =	vld [tilespmem:$0x1FDF0]  }
0x127: {  	v7 =	vld [tilespmem:s4+$0x1540]  }
0x128: {  	v2 =	vadd.f32 v19, v2;
	v8 =	vld [tilespmem:s4+$0x1550]  }
0x129: {  	s5 =	sshrl.u32 s26, $0x3;
	v0 =	vadd.f32 v18, v0;
	v6 =	vld [tilespmem:s4+$0x1560]  }
0x12a: {  	s28 =	sadd.s32 $0x80, s28;
	s5 =	smul.u32 $0x1800, s5;
	v4 =	vadd.f32 v17, v4;
	v2 =	vadd.f32 v5, v2;
	v5 =	vld [tilespmem:s4+$0x1570]  }
0x12b: {  	[tilespmem:s4+$0x1140] =	vst v21;
	s29 =	sand.u32 $0x380, s28;
	v0 =	vadd.f32 v1, v0;
	v1 =	vadd.f32 v16, v3;
	v3 =	vld [tilespmem:s4+$0xD560]  }
0x12c: {  	s5 =	sor.u32 s29, s5;
	[tilespmem:s4+$0x1500] =	vst v2;
	v2 =	vadd.f32 v48, v4;
	v4 =	vadd.f32 v15, v7;
	v7 =	vld [tilespmem:s4+$0xD570]  }
0x12d: {  	v53 =	vld [tilespmem:s5+$0xC100];
	[tilespmem:s4+$0x1510] =	vst v0;
	v0 =	vadd.f32 v46, v1;
	v1 =	vadd.f32 v13, v8  }
0x12e: {  	v55 =	vld [tilespmem:s5+$0xC110];
	[tilespmem:s4+$0x1520] =	vst v2;
	v2 =	vadd.f32 v44, v4;
	v4 =	vadd.f32 v50, v6  }
0x12f: {  	v56 =	vld [tilespmem:s5+$0xC120];
	[tilespmem:s4+$0x1530] =	vst v0;
	v0 =	vadd.f32 v42, v1;
	v1 =	vadd.f32 v14, v5  }
0x130: {  	v57 =	vld [tilespmem:s5+$0xC130];
	[tilespmem:s4+$0x1540] =	vst v2;
	v2 =	vadd.f32 v3, v4  }
0x131: {  	v54 =	vld [tilespmem:s5+$0xC140];
	[tilespmem:s4+$0x1550] =	vst v0;
	v0 =	vadd.f32 v7, v1  }
0x132: {  	v52 =	vld [tilespmem:s5+$0xC150];
	[tilespmem:s4+$0x1560] =	vst v2  }
0x133: {  	v51 =	vld [tilespmem:s5+$0xC160];
	[tilespmem:s4+$0x1570] =	vst v0;
	s4 =	smov.u32 s5  }
0x134: {  	v0 =	vld [tilespmem:s4+$0xC170];
	_ =	sdelay $0x4  }
0x135: {  	[tilespmem:$0x1FBD0] =	vst v0;
	v0 =	vld [tilespmem:s4+$0xC500];
	_ =	sdelay $0x4  }
0x136: {  	[tilespmem:$0x1FBE0] =	vst v0;
	v0 =	vld [tilespmem:s4+$0xC510];
	_ =	sdelay $0x4  }
0x137: {  	[tilespmem:$0x1FBF0] =	vst v0;
	v0 =	vld [tilespmem:s4+$0xC520];
	_ =	sdelay $0x4  }
0x138: {  	[tilespmem:$0x1FC00] =	vst v0;
	v0 =	vld [tilespmem:s4+$0xC530];
	_ =	sdelay $0x4  }
0x139: {  	[tilespmem:$0x1FC10] =	vst v0;
	v0 =	vld [tilespmem:s4+$0xC540];
	_ =	sdelay $0x4  }
0x13a: {  	[tilespmem:$0x1FC20] =	vst v0;
	v0 =	vld [tilespmem:s4+$0xC550];
	_ =	sdelay $0x4  }
0x13b: {  	[tilespmem:$0x1FC30] =	vst v0;
	v0 =	vld [tilespmem:s4+$0xC560];
	_ =	sdelay $0x4  }
0x13c: {  	[tilespmem:$0x1FC40] =	vst v0;
	v0 =	vld [tilespmem:s4+$0xC570];
	_ =	sdelay $0x2  }
0x13d: {  	v49 =	vld [tilespmem:s4+$0xD520]  }
0x13e: {  	v48 =	vld [tilespmem:s4+$0xD530]  }
0x13f: {  	[tilespmem:$0x1FC50] =	vst v0;
	v0 =	vld [tilespmem:s4+$0xC900]  }
0x140: {  	v47 =	vld [tilespmem:s4+$0xD540]  }
0x141: {  	v46 =	vld [tilespmem:s4+$0xD550]  }
0x142: {  	v36 =	vld [tilespmem:s4+$0x6100]  }
0x143: {  	v9 =	vld [tilespmem:s4+$0x6110]  }
0x144: {  	[tilespmem:$0x1FC60] =	vst v0;
	v0 =	vld [tilespmem:s4+$0xC910]  }
0x145: {  	v37 =	vld [tilespmem:s4+$0x6120]  }
0x146: {  	v10 =	vld [tilespmem:s4+$0x6130]  }
0x147: {  	v38 =	vld [tilespmem:s4+$0x6140]  }
0x148: {  	v11 =	vld [tilespmem:s4+$0x6150]  }
0x149: {  	[tilespmem:$0x1FC70] =	vst v0;
	v0 =	vld [tilespmem:s4+$0xC920]  }
0x14a: {  	v39 =	vld [tilespmem:s4+$0x6160]  }
0x14b: {  	v12 =	vld [tilespmem:s4+$0x6170]  }
0x14c: {  	v40 =	vld [tilespmem:s4+$0x6500]  }
0x14d: {  	v35 =	vld [tilespmem:s4+$0x6510]  }
0x14e: {  	[tilespmem:$0x1FC80] =	vst v0;
	v0 =	vld [tilespmem:s4+$0xC930]  }
0x14f: {  	v8 =	vld [tilespmem:s4+$0x6520]  }
0x150: {  	v34 =	vld [tilespmem:s4+$0x6530]  }
0x151: {  	v7 =	vld [tilespmem:s4+$0x6540]  }
0x152: {  	v33 =	vld [tilespmem:s4+$0x6550]  }
0x153: {  	[tilespmem:$0x1FC90] =	vst v0;
	v0 =	vld [tilespmem:s4+$0xC940]  }
0x154: {  	v6 =	vld [tilespmem:s4+$0x6560]  }
0x155: {  	v32 =	vld [tilespmem:s4+$0x6570]  }
0x156: {  	v5 =	vld [tilespmem:s4+$0x6900]  }
0x157: {  	v4 =	vld [tilespmem:s4+$0x6910]  }
0x158: {  	[tilespmem:$0x1FCA0] =	vst v0;
	v0 =	vld [tilespmem:s4+$0xC950]  }
0x159: {  	v31 =	vld [tilespmem:s4+$0x6920]  }
0x15a: {  	v30 =	vld [tilespmem:s4+$0x6930]  }
0x15b: {  	v29 =	vld [tilespmem:s4+$0x6940]  }
0x15c: {  	v28 =	vld [tilespmem:s4+$0x6950]  }
0x15d: {  	[tilespmem:$0x1FCB0] =	vst v0;
	v0 =	vld [tilespmem:s4+$0xC960]  }
0x15e: {  	v41 =	vld [tilespmem:s4+$0x100]  }
0x15f: {  	v42 =	vld [tilespmem:s4+$0x110]  }
0x160: {  	v43 =	vld [tilespmem:s4+$0x120]  }
0x161: {  	v44 =	vld [tilespmem:s4+$0x130]  }
0x162: {  	[tilespmem:$0x1FCC0] =	vst v0;
	v0 =	vld [tilespmem:s4+$0xC970]  }
0x163: {  	v45 =	vld [tilespmem:s4+$0x140]  }
0x164: {  	v36 =	vadd.f32 v36, v41;
	v41 =	vld [tilespmem:s4+$0x150]  }
0x165: {  	v27 =	vld [tilespmem:s4+$0x6960]  }
0x166: {  	v26 =	vld [tilespmem:s4+$0x6970];
	v9 =	vadd.f32 v9, v42  }
0x167: {  	v37 =	vadd.f32 v37, v43;
	v36 =	vadd.f32 v53, v36;
	[tilespmem:$0x1FCD0] =	vst v0;
	v0 =	vld [tilespmem:s4+$0xCD00]  }
0x168: {  	v25 =	vld [tilespmem:s4+$0x6D00];
	v10 =	vadd.f32 v10, v44;
	v53 =	vadd.f32 v38, v45  }
0x169: {  	v44 =	vld [tilespmem:s4+$0x500];
	[tilespmem:s4+$0x100] =	vst v36;
	v36 =	vadd.f32 v56, v37;
	v56 =	vadd.f32 v11, v41  }
0x16a: {  	v24 =	vld [tilespmem:s4+$0x6D10];
	v9 =	vadd.f32 v55, v9;
	v55 =	vadd.f32 v57, v10  }
0x16b: {  	v57 =	vadd.f32 v54, v53;
	v54 =	vadd.f32 v52, v56;
	v52 =	vld [tilespmem:$0x1FBE0]  }
0x16c: {  	[tilespmem:$0x1FCE0] =	vst v0;
	v0 =	vld [tilespmem:s4+$0xCD10]  }
0x16d: {  	v23 =	vld [tilespmem:s4+$0x6D20]  }
0x16e: {  	v43 =	vld [tilespmem:s4+$0x170];
	[tilespmem:s4+$0x140] =	vst v57;
	v57 =	vadd.f32 v40, v44  }
0x16f: {  	v11 =	vld [tilespmem:s4+$0x520]  }
0x170: {  	[tilespmem:s4+$0x120] =	vst v36;
	v36 =	vadd.f32 v52, v57;
	v57 =	vld [tilespmem:$0x1FC00]  }
0x171: {  	[tilespmem:$0x1FCF0] =	vst v0;
	v0 =	vld [tilespmem:s4+$0xCD20]  }
0x172: {  	v22 =	vld [tilespmem:s4+$0x6D30]  }
0x173: {  	v21 =	vld [tilespmem:s4+$0x6D40]  }
0x174: {  	v42 =	vld [tilespmem:s4+$0x160];
	v8 =	vadd.f32 v8, v11  }
0x175: {  	[tilespmem:s4+$0x130] =	vst v55;
	v55 =	vadd.f32 v12, v43;
	v12 =	vld [tilespmem:s4+$0x540]  }
0x176: {  	v8 =	vadd.f32 v57, v8;
	[tilespmem:$0x1FD00] =	vst v0;
	v0 =	vld [tilespmem:s4+$0xCD30]  }
0x177: {  	v3 =	vld [tilespmem:s4+$0x6D50]  }
0x178: {  	[tilespmem:s4+$0x520] =	vst v8;
	v8 =	vld [tilespmem:$0x1FC20]  }
0x179: {  	v1 =	vld [tilespmem:s4+$0x6D60]  }
0x17a: {  	v2 =	vld [tilespmem:s4+$0x6D70]  }
0x17b: {  	v53 =	vadd.f32 v39, v42;
	v7 =	vadd.f32 v7, v12;
	[tilespmem:$0x1FD10] =	vst v0;
	v0 =	vld [tilespmem:s4+$0xCD40]  }
0x17c: {  	v63 =	vld [tilespmem:s4+$0x7110]  }
0x17d: {  	v56 =	vadd.f32 v51, v53;
	v51 =	vld [tilespmem:s4+$0x560];
	v7 =	vadd.f32 v8, v7  }
0x17e: {  	v62 =	vld [tilespmem:s4+$0x7120]  }
0x17f: {  	[tilespmem:s4+$0x540] =	vst v7;
	v7 =	vld [tilespmem:$0x1FC40]  }
0x180: {  	[tilespmem:$0x1FD20] =	vst v0;
	v0 =	vld [tilespmem:s4+$0xCD50]  }
0x181: {  	v61 =	vld [tilespmem:s4+$0x7130]  }
0x182: {  	v45 =	vld [tilespmem:s4+$0x550];
	v6 =	vadd.f32 v6, v51  }
0x183: {  	[tilespmem:s4+$0x160] =	vst v56;
	v56 =	vld [tilespmem:s4+$0x900]  }
0x184: {  	v12 =	vld [tilespmem:s4+$0x910];
	v6 =	vadd.f32 v7, v6  }
0x185: {  	[tilespmem:$0x1FD30] =	vst v0;
	v0 =	vld [tilespmem:s4+$0xCD60]  }
0x186: {  	[tilespmem:s4+$0x560] =	vst v6;
	v6 =	vld [tilespmem:$0x1FC60]  }
0x187: {  	v51 =	vld [tilespmem:$0x1FC70]  }
0x188: {  	v39 =	vld [tilespmem:s4+$0x530]  }
0x189: {  	v44 =	vmov v47;
	v47 =	vld [tilespmem:$0x1FBD0];
	v5 =	vadd.f32 v5, v56  }
0x18a: {  	v4 =	vadd.f32 v4, v12;
	[tilespmem:$0x1FD40] =	vst v0;
	v0 =	vld [tilespmem:s4+$0xCD70]  }
0x18b: {  	v40 =	vld [tilespmem:s4+$0x920];
	v5 =	vadd.f32 v6, v5  }
0x18c: {  	v8 =	vld [tilespmem:s4+$0x930];
	v4 =	vadd.f32 v51, v4  }
0x18d: {  	[tilespmem:s4+$0x900] =	vst v5;
	v5 =	vld [tilespmem:$0x1FC80]  }
0x18e: {  	[tilespmem:s4+$0x910] =	vst v4;
	v4 =	vld [tilespmem:$0x1FC90]  }
0x18f: {  	[tilespmem:$0x1FD50] =	vst v0;
	v0 =	vld [tilespmem:s4+$0xD100]  }
0x190: {  	v38 =	vld [tilespmem:s4+$0x510];
	[tilespmem:s4+$0x110] =	vst v9;
	v9 =	vadd.f32 v47, v55  }
0x191: {  	[tilespmem:s4+$0x150] =	vst v54;
	v54 =	vld [tilespmem:$0x1FBF0];
	v55 =	vadd.f32 v34, v39;
	v6 =	vadd.f32 v31, v40  }
0x192: {  	v39 =	vadd.f32 v33, v45;
	v45 =	vld [tilespmem:s4+$0x940];
	v8 =	vadd.f32 v30, v8  }
0x193: {  	v7 =	vld [tilespmem:s4+$0x950];
	v5 =	vadd.f32 v5, v6  }
0x194: {  	v4 =	vadd.f32 v4, v8;
	[tilespmem:$0x1FD60] =	vst v0;
	v0 =	vld [tilespmem:s4+$0xD110]  }
0x195: {  	[tilespmem:s4+$0x920] =	vst v5;
	v5 =	vld [tilespmem:$0x1FCA0]  }
0x196: {  	[tilespmem:s4+$0x930] =	vst v4;
	v4 =	vld [tilespmem:$0x1FCB0]  }
0x197: {  	v60 =	vld [tilespmem:s4+$0x7140]  }
0x198: {  	v42 =	vmov v46;
	v53 =	vld [tilespmem:s4+$0x570];
	v6 =	vadd.f32 v29, v45  }
0x199: {  	v46 =	vmovc v48;
	v48 =	vmov v49;
	v49 =	vadd.f32 v35, v38;
	v7 =	vadd.f32 v28, v7;
	[tilespmem:$0x1FD70] =	vst v0;
	v0 =	vld [tilespmem:s4+$0xD120]  }
0x19a: {  	v12 =	vld [tilespmem:s4+$0x970];
	v5 =	vadd.f32 v5, v6  }
0x19b: {  	[tilespmem:s4+$0x170] =	vst v9;
	v9 =	vadd.f32 v54, v49;
	v49 =	vld [tilespmem:s4+$0x960];
	v4 =	vadd.f32 v4, v7  }
0x19c: {  	[tilespmem:s4+$0x940] =	vst v5;
	v5 =	vld [tilespmem:$0x1FCC0]  }
0x19d: {  	[tilespmem:s4+$0x950] =	vst v4;
	v4 =	vld [tilespmem:$0x1FCD0]  }
0x19e: {  	[tilespmem:$0x1FD80] =	vst v0;
	v0 =	vld [tilespmem:s4+$0xD130]  }
0x19f: {  	v59 =	vld [tilespmem:s4+$0x7150]  }
0x1a0: {  	v58 =	vld [tilespmem:s4+$0x7160];
	v6 =	vadd.f32 v27, v49  }
0x1a1: {  	v52 =	vld [tilespmem:s4+$0xD00];
	v7 =	vadd.f32 v26, v12  }
0x1a2: {  	v43 =	vadd.f32 v32, v53;
	v53 =	vld [tilespmem:s4+$0xD10];
	v5 =	vadd.f32 v5, v6  }
0x1a3: {  	v4 =	vadd.f32 v4, v7;
	[tilespmem:$0x1FD90] =	vst v0;
	v0 =	vld [tilespmem:s4+$0xD140]  }
0x1a4: {  	[tilespmem:s4+$0x960] =	vst v5;
	v5 =	vld [tilespmem:$0x1FCE0]  }
0x1a5: {  	[tilespmem:s4+$0x970] =	vst v4;
	v4 =	vld [tilespmem:$0x1FCF0]  }
0x1a6: {  	v20 =	vld [tilespmem:s4+$0x7170]  }
0x1a7: {  	v54 =	vld [tilespmem:s4+$0xD30];
	v6 =	vadd.f32 v25, v52  }
0x1a8: {  	v7 =	vadd.f32 v24, v53;
	[tilespmem:$0x1FDA0] =	vst v0;
	v0 =	vld [tilespmem:s4+$0xD150]  }
0x1a9: {  	v38 =	vld [tilespmem:$0x1FC10];
	v5 =	vadd.f32 v5, v6  }
0x1aa: {  	v8 =	vld [tilespmem:s4+$0xD20];
	v4 =	vadd.f32 v4, v7  }
0x1ab: {  	[tilespmem:s4+$0xD00] =	vst v5;
	v5 =	vld [tilespmem:$0x1FD00]  }
0x1ac: {  	[tilespmem:s4+$0xD10] =	vst v4;
	v4 =	vld [tilespmem:$0x1FD10]  }
0x1ad: {  	[tilespmem:$0x1FDB0] =	vst v0;
	v0 =	vld [tilespmem:s4+$0xD160]  }
0x1ae: {  	v19 =	vld [tilespmem:s4+$0x7500]  }
0x1af: {  	v18 =	vld [tilespmem:s4+$0x7510];
	v6 =	vadd.f32 v23, v8  }
0x1b0: {  	[tilespmem:s4+$0x510] =	vst v9;
	v9 =	vadd.f32 v38, v55;
	v55 =	vld [tilespmem:s4+$0xD50];
	v7 =	vadd.f32 v22, v54  }
0x1b1: {  	v12 =	vld [tilespmem:s4+$0xD40];
	v5 =	vadd.f32 v5, v6  }
0x1b2: {  	v4 =	vadd.f32 v4, v7;
	[tilespmem:$0x1FDC0] =	vst v0;
	v0 =	vld [tilespmem:s4+$0xD170]  }
0x1b3: {  	[tilespmem:s4+$0xD20] =	vst v5;
	v5 =	vld [tilespmem:$0x1FD20]  }
0x1b4: {  	[tilespmem:s4+$0xD30] =	vst v4;
	v4 =	vld [tilespmem:$0x1FD30]  }
0x1b5: {  	v17 =	vld [tilespmem:s4+$0x7520]  }
0x1b6: {  	v16 =	vld [tilespmem:s4+$0x7530];
	v6 =	vadd.f32 v21, v12  }
0x1b7: {  	v3 =	vadd.f32 v3, v55;
	[tilespmem:$0x1FDD0] =	vst v0;
	v0 =	vld [tilespmem:s4+$0xD500]  }
0x1b8: {  	v56 =	vld [tilespmem:s4+$0xD60];
	v5 =	vadd.f32 v5, v6  }
0x1b9: {  	v8 =	vld [tilespmem:s4+$0xD70];
	v3 =	vadd.f32 v4, v3  }
0x1ba: {  	[tilespmem:s4+$0xD40] =	vst v5;
	v5 =	vld [tilespmem:$0x1FD40]  }
0x1bb: {  	[tilespmem:s4+$0xD50] =	vst v3;
	v3 =	vld [tilespmem:$0x1FD50]  }
0x1bc: {  	[tilespmem:$0x1FDE0] =	vst v0;
	v0 =	vld [tilespmem:s4+$0xD510]  }
0x1bd: {  	v15 =	vld [tilespmem:s4+$0x7540]  }
0x1be: {  	v13 =	vld [tilespmem:s4+$0x7550];
	v2 =	vadd.f32 v2, v8  }
0x1bf: {  	v1 =	vadd.f32 v1, v56;
	v57 =	vld [tilespmem:s4+$0x1100]  }
0x1c0: {  	v12 =	vld [tilespmem:s4+$0x1110];
	v2 =	vadd.f32 v3, v2  }
0x1c1: {  	v1 =	vadd.f32 v5, v1;
	[tilespmem:$0x1FDF0] =	vst v0;
	v0 =	vld [tilespmem:s4+$0x7100]  }
0x1c2: {  	[tilespmem:s4+$0xD70] =	vst v2;
	v2 =	vld [tilespmem:$0x1FD70]  }
0x1c3: {  	[tilespmem:s4+$0xD60] =	vst v1;
	v1 =	vld [tilespmem:$0x1FD60]  }
0x1c4: {  	v50 =	vld [tilespmem:s4+$0x7560]  }
0x1c5: {  	v14 =	vld [tilespmem:s4+$0x7570];
	v3 =	vadd.f32 v63, v12  }
0x1c6: {  	v41 =	vld [tilespmem:$0x1FC30];
	v0 =	vadd.f32 v0, v57  }
0x1c7: {  	v7 =	vld [tilespmem:s4+$0x1120];
	v3 =	vadd.f32 v2, v3  }
0x1c8: {  	v6 =	vld [tilespmem:s4+$0x1130];
	v0 =	vadd.f32 v1, v0  }
0x1c9: {  	[tilespmem:s4+$0x1110] =	vst v3;
	v3 =	vld [tilespmem:$0x1FD90]  }
0x1ca: {  	[tilespmem:s4+$0x1100] =	vst v0;
	v0 =	vld [tilespmem:$0x1FD80]  }
0x1cb: {  	v4 =	vld [tilespmem:s4+$0x1140]  }
0x1cc: {  	v47 =	vld [tilespmem:$0x1FC50]  }
0x1cd: {  	v8 =	vld [tilespmem:s4+$0x1160];
	v7 =	vadd.f32 v62, v7;
	v6 =	vadd.f32 v61, v6  }
0x1ce: {  	[tilespmem:s4+$0x530] =	vst v9;
	v9 =	vadd.f32 v41, v39;
	v5 =	vld [tilespmem:s4+$0x1150]  }
0x1cf: {  	p0 =	sne.s32 s26, $0x1F;
	v62 =	vadd.f32 v0, v7;
	v7 =	vadd.f32 v3, v6;
	v3 =	vld [tilespmem:$0x1FDA0]  }
.Ltmp0:
0x1d0: {  	v63 =	vadd.f32 v60, v4;
	v4 =	vld [tilespmem:s4+$0x1520];
	(pc) =	sbr.rel @p0 .LBB2_2-.Ltmp0, $4  }
0x1d1: {  	[tilespmem:s4+$0x550] =	vst v9;
	v9 =	vadd.f32 v47, v43;
	v2 =	vld [tilespmem:s4+$0x1500]  }
0x1d2: {  	[tilespmem:s4+$0x500] =	vst v36;
	v1 =	vld [tilespmem:s4+$0x1170]  }
0x1d3: {  	[tilespmem:s4+$0x570] =	vst v9;
	v0 =	vld [tilespmem:s4+$0x1510];
	v6 =	vadd.f32 v59, v5  }
0x1d4: {  	s26 =	sadd.s32 $0x1, s26;
	v5 =	vadd.f32 v58, v8;
	[tilespmem:s4+$0x1120] =	vst v62;
	v21 =	vadd.f32 v3, v63;
	v3 =	vld [tilespmem:s4+$0x1530]  }
0x1d5: {  	v9 =	vld [tilespmem:$0x1FDC0];
	_ =	sdelay $0x4  }
0x1d6: {  	v5 =	vadd.f32 v9, v5;
	v9 =	vld [tilespmem:$0x1FDD0];
	_ =	sdelay $0x2  }
0x1d7: {  	v1 =	vadd.f32 v20, v1  }
0x1d8: {  	v8 =	vld [tilespmem:$0x1FDB0]  }
0x1d9: {  	v1 =	vadd.f32 v9, v1;
	v9 =	vld [tilespmem:$0x1FDE0];
	_ =	sdelay $0x2  }
0x1da: {  	v2 =	vadd.f32 v19, v2;
	_ =	sdelay $0x1  }
0x1db: {  	v6 =	vadd.f32 v8, v6;
	v2 =	vadd.f32 v9, v2;
	v9 =	vld [tilespmem:$0x1FDF0]  }
0x1dc: {  	[tilespmem:s4+$0x1130] =	vst v7;
	v7 =	vld [tilespmem:s4+$0x1540]  }
0x1dd: {  	v8 =	vld [tilespmem:s4+$0x1550];
	[tilespmem:s4+$0x1150] =	vst v6  }
0x1de: {  	v0 =	vadd.f32 v18, v0;
	v6 =	vld [tilespmem:s4+$0x1560];
	[tilespmem:s4+$0x1160] =	vst v5  }
0x1df: {  	v5 =	vld [tilespmem:s4+$0x1570];
	[tilespmem:s4+$0x1170] =	vst v1;
	v1 =	vadd.f32 v17, v4  }
0x1e0: {  	[tilespmem:s4+$0x1140] =	vst v21;
	v3 =	vadd.f32 v16, v3;
	v4 =	vld [tilespmem:s4+$0xD560];
	v0 =	vadd.f32 v9, v0  }
0x1e1: {  	v1 =	vadd.f32 v48, v1;
	[tilespmem:s4+$0x1500] =	vst v2;
	v2 =	vadd.f32 v15, v7;
	v7 =	vld [tilespmem:s4+$0xD570]  }
0x1e2: {  	[tilespmem:s4+$0x1510] =	vst v0;
	v0 =	vadd.f32 v46, v3;
	v3 =	vadd.f32 v13, v8  }
0x1e3: {  	[tilespmem:s4+$0x1520] =	vst v1;
	v1 =	vadd.f32 v44, v2;
	v2 =	vadd.f32 v50, v6  }
0x1e4: {  	[tilespmem:s4+$0x1530] =	vst v0;
	v0 =	vadd.f32 v42, v3;
	v3 =	vadd.f32 v14, v5  }
0x1e5: {  	[tilespmem:s4+$0x1540] =	vst v1;
	v1 =	vadd.f32 v4, v2  }
0x1e6: {  	[tilespmem:s4+$0x1550] =	vst v0;
	v0 =	vadd.f32 v7, v3  }
0x1e7: {  	[tilespmem:s4+$0x1560] =	vst v1  }
0x1e8: {  	[tilespmem:s4+$0x1570] =	vst v0;
	s4 =	simm.s32 $0x0  }
0x1e9: {  	[hbm4b:s9+s4] =	stream.linear.scatter [tilespmem:s15], [sflag:$0x4], $0x6000, $0x38;
	[tilespmem:$0x12100] =	vst v63  }
0x1ea: {  	_ =	swait.ge [sflag:s13], $0x6000  }
0x1eb: {  	[sflag:s13] =	ssyncset.done $0x0  }
0x1ec: {  	[sflag:s13] =	ssyncadd.s32 $0xFFFFA000  }
0x1ed: {  	v0 =	vld [tilespmem:$0x20];
	_ =	sdelay $0x3  }
0x1ee: {  	v2 =	vld [tilespmem:$0x1FFD0]  }
0x1ef: {  	v1 =	vshrl.u32 v0, $0x3  }
0x1f0: {  	v3 =	vld [tilespmem:$0x1FFE0];
	v1 =	vmul.u32 $0x30, v1  }
0x1f1: {  	v0 =	vand.u32 $0x7, v0  }
0x1f2: {  	v0 =	vor.u32 v0, v1  }
0x1f3: {  	v1 =	vperm.xlane v0, v2  }
0x1f4: {  	v4 =	vld [tilespmem:$0x1FFF0]  }
0x1f5: {  	v1 =	vadd.s32 v3, v1;
	_ =	sdelay $0x3  }
0x1f6: {  	v0 =	vperm.xlane v0, v4  }
0x1f7: {  	[tilespmem:s15], [sflag:$0x1] =	stream.indirect_vreg.gather [hbm4b:s3+s4], $0x80, v1, vm0, $0xb8;
	[tilespmem:$0x12100] =	vst v63  }
0x1f8: {  	s5 =	simm.s32 $0x900;
	v0 =	vadd.s32 v3, v0  }
0x1f9: {  	[tilespmem:s5], [sflag:$0x1] =	stream.indirect_vreg.gather [hbm4b:s6+s4], $0x80, v1, vm0, $0xb8;
	[tilespmem:$0x12100] =	vst v63  }
0x1fa: {  	s29 =	simm.s32 $0x1100  }
0x1fb: {  	[tilespmem:s29], [sflag:$0x1] =	stream.indirect_vreg.gather [hbm4b:s7+s4], $0x80, v1, vm0, $0xb8;
	[tilespmem:$0x12100] =	vst v63  }
0x1fc: {  	s26 =	simm.s32 $0x1900  }
0x1fd: {  	[tilespmem:s26], [sflag:$0x1] =	stream.indirect_vreg.gather [hbm4b:s3+s4], $0x80, v0, vm0, $0xb8;
	[tilespmem:$0x12100] =	vst v63  }
0x1fe: {  	s29 =	simm.s32 $0x2100  }
0x1ff: {  	[tilespmem:s29], [sflag:$0x1] =	stream.indirect_vreg.gather [hbm4b:s6+s4], $0x80, v0, vm0, $0xb8;
	[tilespmem:$0x12100] =	vst v63  }
0x200: {  	s26 =	simm.s32 $0x2900  }
0x201: {  	[tilespmem:s26], [sflag:$0x1] =	stream.indirect_vreg.gather [hbm4b:s7+s4], $0x80, v0, vm0, $0xb8;
	[tilespmem:$0x12100] =	vst v63  }
0x202: {  	v0 =	vld [tilespmem:$0x30];
	_ =	sdelay $0x4  }
0x203: {  	v1 =	vshrl.u32 v0, $0x3  }
0x204: {  	v1 =	vmul.u32 $0x30, v1  }
0x205: {  	v0 =	vand.u32 $0x7, v0  }
0x206: {  	v0 =	vor.u32 v0, v1  }
0x207: {  	v1 =	vperm.xlane v0, v2;
	_ =	sdelay $0x1  }
0x208: {  	v1 =	vadd.s32 v3, v1;
	_ =	sdelay $0x3  }
0x209: {  	s29 =	simm.s32 $0x3100;
	v0 =	vperm.xlane v0, v4  }
0x20a: {  	[tilespmem:s29], [sflag:$0x1] =	stream.indirect_vreg.gather [hbm4b:s3+s4], $0x80, v1, vm0, $0xb8;
	[tilespmem:$0x12100] =	vst v63  }
0x20b: {  	s26 =	simm.s32 $0x3900;
	v0 =	vadd.s32 v3, v0  }
0x20c: {  	[tilespmem:s26], [sflag:$0x1] =	stream.indirect_vreg.gather [hbm4b:s6+s4], $0x80, v1, vm0, $0xb8;
	[tilespmem:$0x12100] =	vst v63  }
0x20d: {  	s29 =	simm.s32 $0x4100  }
0x20e: {  	[tilespmem:s29], [sflag:$0x1] =	stream.indirect_vreg.gather [hbm4b:s7+s4], $0x80, v1, vm0, $0xb8;
	[tilespmem:$0x12100] =	vst v63  }
0x20f: {  	s26 =	simm.s32 $0x4900  }
0x210: {  	[tilespmem:s26], [sflag:$0x1] =	stream.indirect_vreg.gather [hbm4b:s3+s4], $0x80, v0, vm0, $0xb8;
	[tilespmem:$0x12100] =	vst v63  }
0x211: {  	s29 =	simm.s32 $0x5100  }
0x212: {  	[tilespmem:s29], [sflag:$0x1] =	stream.indirect_vreg.gather [hbm4b:s6+s4], $0x80, v0, vm0, $0xb8;
	[tilespmem:$0x12100] =	vst v63  }
0x213: {  	s26 =	simm.s32 $0x5900  }
0x214: {  	[tilespmem:s26], [sflag:$0x1] =	stream.indirect_vreg.gather [hbm4b:s7+s4], $0x80, v0, vm0, $0xb8;
	[tilespmem:$0x12100] =	vst v63  }
0x215: {  	v0 =	vld [tilespmem:$0xA0];
	_ =	sdelay $0x4  }
0x216: {  	v1 =	vshrl.u32 v0, $0x3  }
0x217: {  	v1 =	vmul.u32 $0x30, v1  }
0x218: {  	v0 =	vand.u32 $0x7, v0  }
0x219: {  	v0 =	vor.u32 v0, v1  }
0x21a: {  	v1 =	vperm.xlane v0, v2;
	_ =	sdelay $0x1  }
0x21b: {  	v1 =	vadd.s32 v3, v1;
	_ =	sdelay $0x3  }
0x21c: {  	s29 =	simm.s32 $0x6100;
	v0 =	vperm.xlane v0, v4  }
0x21d: {  	[tilespmem:s29], [sflag:$0x2] =	stream.indirect_vreg.gather [hbm4b:s3+s4], $0x80, v1, vm0, $0xb8;
	[tilespmem:$0x12100] =	vst v63  }
0x21e: {  	s26 =	simm.s32 $0x6900;
	v0 =	vadd.s32 v3, v0  }
0x21f: {  	[tilespmem:s26], [sflag:$0x2] =	stream.indirect_vreg.gather [hbm4b:s6+s4], $0x80, v1, vm0, $0xb8;
	[tilespmem:$0x12100] =	vst v63  }
0x220: {  	_ = 	snop  }
0x221: {  	[tilespmem:s30], [sflag:$0x2] =	stream.indirect_vreg.gather [hbm4b:s7+s4], $0x80, v1, vm0, $0xb8;
	[tilespmem:$0x12100] =	vst v63  }
0x222: {  	_ = 	snop  }
0x223: {  	[tilespmem:s31], [sflag:$0x2] =	stream.indirect_vreg.gather [hbm4b:s3+s4], $0x80, v0, vm0, $0xb8;
	[tilespmem:$0x12100] =	vst v63  }
0x224: {  	_ = 	snop  }
0x225: {  	[tilespmem:s0], [sflag:$0x2] =	stream.indirect_vreg.gather [hbm4b:s6+s4], $0x80, v0, vm0, $0xb8;
	[tilespmem:$0x12100] =	vst v63  }
0x226: {  	_ = 	snop  }
0x227: {  	[tilespmem:s1], [sflag:$0x2] =	stream.indirect_vreg.gather [hbm4b:s7+s4], $0x80, v0, vm0, $0xb8;
	[tilespmem:$0x12100] =	vst v63  }
0x228: {  	v0 =	vld [tilespmem:$0xB0];
	_ =	sdelay $0x4  }
0x229: {  	v1 =	vshrl.u32 v0, $0x3  }
0x22a: {  	v1 =	vmul.u32 $0x30, v1  }
0x22b: {  	v0 =	vand.u32 $0x7, v0  }
0x22c: {  	v0 =	vor.u32 v0, v1  }
0x22d: {  	v1 =	vperm.xlane v0, v2;
	_ =	sdelay $0x1  }
0x22e: {  	v1 =	vadd.s32 v3, v1;
	_ =	sdelay $0x3  }
0x22f: {  	v0 =	vperm.xlane v0, v4  }
0x230: {  	[tilespmem:s14], [sflag:$0x2] =	stream.indirect_vreg.gather [hbm4b:s3+s4], $0x80, v1, vm0, $0xb8;
	[tilespmem:$0x12100] =	vst v63  }
0x231: {  	v0 =	vadd.s32 v3, v0  }
0x232: {  	[tilespmem:s16], [sflag:$0x2] =	stream.indirect_vreg.gather [hbm4b:s6+s4], $0x80, v1, vm0, $0xb8;
	[tilespmem:$0x12100] =	vst v63  }
0x233: {  	_ = 	snop  }
0x234: {  	[tilespmem:s17], [sflag:$0x2] =	stream.indirect_vreg.gather [hbm4b:s7+s4], $0x80, v1, vm0, $0xb8;
	[tilespmem:$0x12100] =	vst v63  }
0x235: {  	_ = 	snop  }
0x236: {  	[tilespmem:s18], [sflag:$0x2] =	stream.indirect_vreg.gather [hbm4b:s3+s4], $0x80, v0, vm0, $0xb8;
	[tilespmem:$0x12100] =	vst v63  }
0x237: {  	_ = 	snop  }
0x238: {  	[tilespmem:s19], [sflag:$0x2] =	stream.indirect_vreg.gather [hbm4b:s6+s4], $0x80, v0, vm0, $0xb8;
	[tilespmem:$0x12100] =	vst v63  }
0x239: {  	_ = 	snop  }
0x23a: {  	[tilespmem:s20], [sflag:$0x2] =	stream.indirect_vreg.gather [hbm4b:s7+s4], $0x80, v0, vm0, $0xb8;
	[tilespmem:$0x12100] =	vst v63  }
0x23b: {  	_ = 	snop  }
0x23c: {  	[tilespmem:s21], [sflag:$0x3] =	stream.linear.gather [hbm4b:s10+s4], $0x6000, $0x38;
	[tilespmem:$0x12100] =	vst v63  }
0x23d: {  	_ =	swait.ge [sflag:s22], $0x6000  }
0x23e: {  	[sflag:s22] =	ssyncset.done $0x0  }
0x23f: {  	[sflag:s22] =	ssyncadd.s32 $0xFFFFA000  }
0x240: {  	_ =	swait.ge [sflag:s23], $0x6000  }
0x241: {  	[sflag:s23] =	ssyncset.done $0x0  }
0x242: {  	s29 =	simm.s32 $0x0;
	[sflag:s23] =	ssyncadd.s32 $0xFFFFA000  }
0x243: {  	s5 =	smul.u32 $0x1800, s29;
	_ =	swait.ge [sflag:s24], $0x6000  }
0x244: {  	s26 =	sand.u32 $0x380, s4;
	[sflag:s24] =	ssyncset.done $0x0  }
0x245: {  	s26 =	sor.u32 s26, s5;
	[sflag:s24] =	ssyncadd.s32 $0xFFFFA000  }
0x246: {  	v0 =	vld [tilespmem:s26+$0xC570];
	_ =	sdelay $0x4  }
0x247: {  	[tilespmem:$0x1FA00] =	vst v0;
	v0 =	vld [tilespmem:s26+$0xC900];
	_ =	sdelay $0x4  }
0x248: {  	[tilespmem:$0x1FA10] =	vst v0;
	v0 =	vld [tilespmem:s26+$0xC910];
	_ =	sdelay $0x4  }
0x249: {  	[tilespmem:$0x1FA20] =	vst v0;
	v0 =	vld [tilespmem:s26+$0xC920];
	_ =	sdelay $0x4  }
0x24a: {  	[tilespmem:$0x1FA30] =	vst v0;
	v0 =	vld [tilespmem:s26+$0xC930];
	_ =	sdelay $0x4  }
0x24b: {  	[tilespmem:$0x1FA40] =	vst v0;
	v0 =	vld [tilespmem:s26+$0xC940];
	_ =	sdelay $0x4  }
0x24c: {  	[tilespmem:$0x1FA50] =	vst v0;
	v0 =	vld [tilespmem:s26+$0xC950];
	_ =	sdelay $0x4  }
0x24d: {  	[tilespmem:$0x1FA60] =	vst v0;
	v0 =	vld [tilespmem:s26+$0xC960];
	_ =	sdelay $0x4  }
0x24e: {  	[tilespmem:$0x1FA70] =	vst v0;
	v0 =	vld [tilespmem:s26+$0xC970];
	_ =	sdelay $0x4  }
0x24f: {  	[tilespmem:$0x1FA80] =	vst v0;
	v0 =	vld [tilespmem:s26+$0xCD00];
	_ =	sdelay $0x4  }
0x250: {  	[tilespmem:$0x1FA90] =	vst v0;
	v0 =	vld [tilespmem:s26+$0xCD10];
	_ =	sdelay $0x4  }
0x251: {  	[tilespmem:$0x1FAA0] =	vst v0;
	v0 =	vld [tilespmem:s26+$0xCD20];
	_ =	sdelay $0x4  }
0x252: {  	[tilespmem:$0x1FAB0] =	vst v0;
	v0 =	vld [tilespmem:s26+$0xCD30];
	_ =	sdelay $0x4  }
0x253: {  	[tilespmem:$0x1FAC0] =	vst v0;
	v0 =	vld [tilespmem:s26+$0xCD40];
	_ =	sdelay $0x4  }
0x254: {  	[tilespmem:$0x1FAD0] =	vst v0;
	v0 =	vld [tilespmem:s26+$0xCD50];
	_ =	sdelay $0x4  }
0x255: {  	[tilespmem:$0x1FAE0] =	vst v0;
	v0 =	vld [tilespmem:s26+$0xCD60];
	_ =	sdelay $0x4  }
0x256: {  	[tilespmem:$0x1FAF0] =	vst v0;
	v0 =	vld [tilespmem:s26+$0xCD70];
	_ =	sdelay $0x4  }
0x257: {  	[tilespmem:$0x1FB10] =	vst v0;
	v0 =	vld [tilespmem:s26+$0xD100];
	_ =	sdelay $0x4  }
0x258: {  	[tilespmem:$0x1FB30] =	vst v0;
	v0 =	vld [tilespmem:s26+$0xD110];
	_ =	sdelay $0x4  }
0x259: {  	[tilespmem:$0x1FB50] =	vst v0;
	v0 =	vld [tilespmem:s26+$0xD120];
	_ =	sdelay $0x4  }
0x25a: {  	[tilespmem:$0x1FB70] =	vst v0;
	v0 =	vld [tilespmem:s26+$0xD130];
	_ =	sdelay $0x4  }
0x25b: {  	[tilespmem:$0x1FB90] =	vst v0;
	v0 =	vld [tilespmem:s26+$0xD140];
	_ =	sdelay $0x4  }
0x25c: {  	[tilespmem:$0x1FBB0] =	vst v0;
	v0 =	vld [tilespmem:s26+$0xD150];
	_ =	sdelay $0x4  }
0x25d: {  	[tilespmem:$0x1F9B0] =	vst v0;
	v0 =	vld [tilespmem:s26+$0xD160];
	_ =	sdelay $0x4  }
0x25e: {  	[tilespmem:$0x1F9C0] =	vst v0;
	v0 =	vld [tilespmem:s26+$0xD170];
	_ =	sdelay $0x4  }
0x25f: {  	[tilespmem:$0x1F9D0] =	vst v0;
	v0 =	vld [tilespmem:s26+$0xD500];
	_ =	sdelay $0x4  }
0x260: {  	[tilespmem:$0x1F9E0] =	vst v0;
	v0 =	vld [tilespmem:s26+$0xD510];
	_ =	sdelay $0x4  }
0x261: {  	[tilespmem:$0x1F9F0] =	vst v0;
	v0 =	vld [tilespmem:s26+$0x7100];
	_ =	sdelay $0x4  }
0x262: {  	[tilespmem:$0x1FB00] =	vst v0;
	v0 =	vld [tilespmem:s26+$0x7110];
	_ =	sdelay $0x4  }
0x263: {  	[tilespmem:$0x1FB20] =	vst v0;
	v0 =	vld [tilespmem:s26+$0x7120];
	_ =	sdelay $0x1  }
0x264: {  	v14 =	vld [tilespmem:s26+$0xC100]  }
0x265: {  	v53 =	vld [tilespmem:s26+$0xC110]  }
0x266: {  	v54 =	vld [tilespmem:s26+$0xC120]  }
0x267: {  	[tilespmem:$0x1FB40] =	vst v0;
	v0 =	vld [tilespmem:s26+$0x7130]  }
0x268: {  	v55 =	vld [tilespmem:s26+$0xC130]  }
0x269: {  	v56 =	vld [tilespmem:s26+$0xC140]  }
0x26a: {  	v57 =	vld [tilespmem:s26+$0xC150]  }
0x26b: {  	v58 =	vld [tilespmem:s26+$0xC160]  }
0x26c: {  	[tilespmem:$0x1FB60] =	vst v0;
	v0 =	vld [tilespmem:s26+$0x7140]  }
0x26d: {  	v59 =	vld [tilespmem:s26+$0xC170]  }
0x26e: {  	v60 =	vld [tilespmem:s26+$0xC500]  }
0x26f: {  	v61 =	vld [tilespmem:s26+$0xC510]  }
0x270: {  	v37 =	vld [tilespmem:s26+$0xC520]  }
0x271: {  	[tilespmem:$0x1FB80] =	vst v0;
	v0 =	vld [tilespmem:s26+$0x7150]  }
0x272: {  	v49 =	vld [tilespmem:s26+$0xC530]  }
0x273: {  	v45 =	vld [tilespmem:s26+$0xC540]  }
0x274: {  	v41 =	vld [tilespmem:s26+$0xC550]  }
0x275: {  	v62 =	vld [tilespmem:s26+$0x6100]  }
0x276: {  	[tilespmem:$0x1FBA0] =	vst v0;
	v0 =	vld [tilespmem:s26+$0x7160]  }
0x277: {  	v63 =	vld [tilespmem:s26+$0x6110]  }
0x278: {  	v5 =	vld [tilespmem:s26+$0x6120]  }
0x279: {  	v6 =	vld [tilespmem:s26+$0x6130]  }
0x27a: {  	v7 =	vld [tilespmem:s26+$0x6140]  }
0x27b: {  	[tilespmem:$0x1FBC0] =	vst v0;
	v0 =	vld [tilespmem:s26+$0x100]  }
0x27c: {  	v1 =	vld [tilespmem:s26+$0x110]  }
0x27d: {  	v2 =	vld [tilespmem:s26+$0x120]  }
0x27e: {  	v3 =	vld [tilespmem:s26+$0x130]  }
0x27f: {  	v8 =	vld [tilespmem:s26+$0x6150]  }
0x280: {  	v0 =	vadd.f32 v62, v0;
	v62 =	vld [tilespmem:s26+$0x150]  }
0x281: {  	v22 =	vld [tilespmem:s26+$0x6170];
	v1 =	vadd.f32 v63, v1  }
0x282: {  	v2 =	vadd.f32 v5, v2;
	v5 =	vld [tilespmem:s26+$0x170]  }
0x283: {  	v4 =	vld [tilespmem:s26+$0x140];
	v3 =	vadd.f32 v6, v3;
	v1 =	vadd.f32 v53, v1  }
0x284: {  	v21 =	vld [tilespmem:s26+$0x6160]  }
0x285: {  	v63 =	vld [tilespmem:s26+$0x160];
	[tilespmem:s26+$0x110] =	vst v1;
	v1 =	vadd.f32 v55, v3;
	v3 =	vadd.f32 v8, v62  }
0x286: {  	v39 =	vld [tilespmem:s26+$0xC560];
	v0 =	vadd.f32 v14, v0  }
0x287: {  	v23 =	vld [tilespmem:s26+$0x6500];
	[tilespmem:s26+$0x130] =	vst v1;
	v1 =	vadd.f32 v57, v3;
	v3 =	vadd.f32 v22, v5  }
0x288: {  	v24 =	vld [tilespmem:s26+$0x6510];
	[tilespmem:s26+$0x100] =	vst v0;
	v0 =	vadd.f32 v54, v2;
	v2 =	vadd.f32 v7, v4  }
0x289: {  	v25 =	vld [tilespmem:s26+$0x6520];
	[tilespmem:s26+$0x150] =	vst v1;
	v1 =	vadd.f32 v59, v3  }
0x28a: {  	v27 =	vld [tilespmem:s26+$0x6540];
	[tilespmem:s26+$0x120] =	vst v0;
	v0 =	vadd.f32 v56, v2;
	v2 =	vadd.f32 v21, v63  }
0x28b: {  	[tilespmem:s26+$0x170] =	vst v1;
	v1 =	vld [tilespmem:s26+$0x540]  }
0x28c: {  	v26 =	vld [tilespmem:s26+$0x6530];
	[tilespmem:s26+$0x140] =	vst v0;
	v0 =	vadd.f32 v58, v2  }
0x28d: {  	v28 =	vld [tilespmem:s26+$0x6550]  }
0x28e: {  	[tilespmem:s26+$0x160] =	vst v0;
	v0 =	vld [tilespmem:s26+$0x530]  }
0x28f: {  	v4 =	vld [tilespmem:s26+$0x500]  }
0x290: {  	v29 =	vld [tilespmem:s26+$0x6560];
	v1 =	vadd.f32 v27, v1  }
0x291: {  	v30 =	vld [tilespmem:s26+$0x6570]  }
0x292: {  	v9 =	vld [tilespmem:s26+$0x6950];
	v1 =	vadd.f32 v45, v1  }
0x293: {  	v6 =	vld [tilespmem:s26+$0x510];
	v0 =	vadd.f32 v26, v0  }
0x294: {  	v4 =	vadd.f32 v23, v4;
	[tilespmem:s26+$0x540] =	vst v1;
	v1 =	vld [tilespmem:s26+$0x950]  }
0x295: {  	v35 =	vld [tilespmem:s26+$0x6940];
	v0 =	vadd.f32 v49, v0  }
0x296: {  	v2 =	vld [tilespmem:s26+$0x520];
	v4 =	vadd.f32 v60, v4  }
0x297: {  	[tilespmem:s26+$0x530] =	vst v0;
	v0 =	vld [tilespmem:s26+$0x940]  }
0x298: {  	[tilespmem:s26+$0x500] =	vst v4;
	v4 =	vld [tilespmem:s26+$0x550]  }
0x299: {  	v3 =	vadd.f32 v24, v6;
	v1 =	vadd.f32 v9, v1;
	v9 =	vld [tilespmem:$0x1FA50]  }
0x29a: {  	v31 =	vld [tilespmem:s26+$0x6900]  }
0x29b: {  	v32 =	vld [tilespmem:s26+$0x6910];
	v3 =	vadd.f32 v61, v3  }
0x29c: {  	v33 =	vld [tilespmem:s26+$0x6920];
	v0 =	vadd.f32 v35, v0  }
0x29d: {  	[tilespmem:s26+$0x510] =	vst v3;
	v3 =	vld [tilespmem:s26+$0x560];
	v4 =	vadd.f32 v28, v4  }
0x29e: {  	v2 =	vadd.f32 v25, v2;
	v0 =	vadd.f32 v9, v0;
	v9 =	vld [tilespmem:$0x1FA60]  }
0x29f: {  	v34 =	vld [tilespmem:s26+$0x6930];
	v4 =	vadd.f32 v41, v4  }
0x2a0: {  	v10 =	vld [tilespmem:s26+$0x6960];
	v2 =	vadd.f32 v37, v2  }
0x2a1: {  	[tilespmem:s26+$0x550] =	vst v4;
	v4 =	vld [tilespmem:s26+$0x960]  }
0x2a2: {  	[tilespmem:s26+$0x520] =	vst v2;
	v2 =	vld [tilespmem:s26+$0x570];
	v3 =	vadd.f32 v29, v3  }
0x2a3: {  	v1 =	vadd.f32 v9, v1;
	v9 =	vld [tilespmem:$0x1FA70]  }
0x2a4: {  	v21 =	vld [tilespmem:$0x1FA00];
	v3 =	vadd.f32 v39, v3  }
0x2a5: {  	v11 =	vld [tilespmem:s26+$0x6970]  }
0x2a6: {  	[tilespmem:s26+$0x560] =	vst v3;
	v3 =	vld [tilespmem:s26+$0x970];
	v4 =	vadd.f32 v10, v4  }
0x2a7: {  	v5 =	vld [tilespmem:s26+$0x900];
	v2 =	vadd.f32 v30, v2  }
0x2a8: {  	v4 =	vadd.f32 v9, v4;
	v9 =	vld [tilespmem:$0x1FA80]  }
0x2a9: {  	v2 =	vadd.f32 v21, v2;
	v21 =	vld [tilespmem:$0x1FA10]  }
0x2aa: {  	v12 =	vld [tilespmem:s26+$0x6D00]  }
0x2ab: {  	[tilespmem:s26+$0x570] =	vst v2;
	v2 =	vld [tilespmem:s26+$0xD00];
	v3 =	vadd.f32 v11, v3  }
0x2ac: {  	v6 =	vld [tilespmem:s26+$0x910];
	v5 =	vadd.f32 v31, v5  }
0x2ad: {  	v3 =	vadd.f32 v9, v3;
	v9 =	vld [tilespmem:$0x1FA90]  }
0x2ae: {  	v5 =	vadd.f32 v21, v5;
	v21 =	vld [tilespmem:$0x1FA20]  }
0x2af: {  	v36 =	vld [tilespmem:s26+$0x6D10]  }
0x2b0: {  	[tilespmem:s26+$0x900] =	vst v5;
	v5 =	vld [tilespmem:s26+$0xD10];
	v2 =	vadd.f32 v12, v2  }
0x2b1: {  	v7 =	vld [tilespmem:s26+$0x920];
	v6 =	vadd.f32 v32, v6  }
0x2b2: {  	v2 =	vadd.f32 v9, v2;
	v9 =	vld [tilespmem:$0x1FAA0]  }
0x2b3: {  	v6 =	vadd.f32 v21, v6;
	v21 =	vld [tilespmem:$0x1FA30]  }
0x2b4: {  	v52 =	vld [tilespmem:s26+$0x6D20]  }
0x2b5: {  	[tilespmem:s26+$0x910] =	vst v6;
	v6 =	vld [tilespmem:s26+$0xD20];
	v5 =	vadd.f32 v36, v5  }
0x2b6: {  	v8 =	vld [tilespmem:s26+$0x930];
	v7 =	vadd.f32 v33, v7  }
0x2b7: {  	v5 =	vadd.f32 v9, v5;
	v9 =	vld [tilespmem:$0x1FAB0]  }
0x2b8: {  	v7 =	vadd.f32 v21, v7;
	v21 =	vld [tilespmem:$0x1FA40]  }
0x2b9: {  	v51 =	vld [tilespmem:s26+$0x6D30]  }
0x2ba: {  	[tilespmem:s26+$0x920] =	vst v7;
	v7 =	vld [tilespmem:s26+$0xD30];
	v6 =	vadd.f32 v52, v6  }
0x2bb: {  	v8 =	vadd.f32 v34, v8  }
0x2bc: {  	v6 =	vadd.f32 v9, v6;
	v9 =	vld [tilespmem:$0x1FAC0]  }
0x2bd: {  	v8 =	vadd.f32 v21, v8  }
0x2be: {  	v38 =	vld [tilespmem:s26+$0x6D40]  }
0x2bf: {  	[tilespmem:s26+$0x930] =	vst v8;
	v8 =	vld [tilespmem:s26+$0xD40];
	v7 =	vadd.f32 v51, v7;
	_ =	sdelay $0x1  }
0x2c0: {  	v7 =	vadd.f32 v9, v7;
	v9 =	vld [tilespmem:$0x1FAD0];
	_ =	sdelay $0x1  }
0x2c1: {  	v47 =	vld [tilespmem:s26+$0x6D50]  }
0x2c2: {  	[tilespmem:s26+$0x940] =	vst v0;
	v0 =	vld [tilespmem:s26+$0xD50];
	v8 =	vadd.f32 v38, v8;
	_ =	sdelay $0x1  }
0x2c3: {  	v8 =	vadd.f32 v9, v8;
	v9 =	vld [tilespmem:$0x1FAE0];
	_ =	sdelay $0x2  }
0x2c4: {  	v0 =	vadd.f32 v47, v0;
	_ =	sdelay $0x1  }
0x2c5: {  	v0 =	vadd.f32 v9, v0  }
0x2c6: {  	[tilespmem:s26+$0x970] =	vst v3;
	v3 =	vld [tilespmem:s26+$0x1100]  }
0x2c7: {  	[tilespmem:s26+$0xD50] =	vst v0;
	v0 =	vld [tilespmem:$0x1FB00];
	_ =	sdelay $0x1  }
0x2c8: {  	v40 =	vld [tilespmem:s26+$0x6D70]  }
0x2c9: {  	[tilespmem:s26+$0x960] =	vst v4;
	v4 =	vld [tilespmem:s26+$0xD70];
	_ =	sdelay $0x1  }
0x2ca: {  	v0 =	vadd.f32 v0, v3;
	v3 =	vld [tilespmem:$0x1FB10];
	_ =	sdelay $0x2  }
0x2cb: {  	v4 =	vadd.f32 v40, v4;
	_ =	sdelay $0x1  }
0x2cc: {  	v48 =	vld [tilespmem:s26+$0xD520];
	v3 =	vadd.f32 v3, v4  }
0x2cd: {  	[tilespmem:s26+$0xD10] =	vst v5;
	v5 =	vld [tilespmem:s26+$0x1120]  }
0x2ce: {  	[tilespmem:s26+$0xD70] =	vst v3;
	v3 =	vld [tilespmem:$0x1FB40]  }
0x2cf: {  	v46 =	vld [tilespmem:s26+$0xD530]  }
0x2d0: {  	[tilespmem:s26+$0xD00] =	vst v2;
	v2 =	vld [tilespmem:s26+$0x1110]  }
0x2d1: {  	v4 =	vld [tilespmem:$0x1FB20]  }
0x2d2: {  	v44 =	vld [tilespmem:s26+$0xD540]  }
0x2d3: {  	v3 =	vadd.f32 v3, v5;
	v5 =	vld [tilespmem:$0x1FB50]  }
0x2d4: {  	v42 =	vld [tilespmem:s26+$0xD550]  }
0x2d5: {  	v43 =	vld [tilespmem:s26+$0x6D60]  }
0x2d6: {  	v20 =	vld [tilespmem:s26+$0x7170];
	v4 =	vadd.f32 v4, v2  }
0x2d7: {  	[tilespmem:s26+$0xD20] =	vst v6;
	v6 =	vld [tilespmem:s26+$0x1130]  }
0x2d8: {  	v4 =	vadd.f32 v5, v4;
	v5 =	vld [tilespmem:$0x1FB60]  }
0x2d9: {  	v19 =	vld [tilespmem:s26+$0x7500]  }
0x2da: {  	v18 =	vld [tilespmem:s26+$0x7510]  }
0x2db: {  	v17 =	vld [tilespmem:s26+$0x7520]  }
0x2dc: {  	v16 =	vld [tilespmem:s26+$0x7530]  }
0x2dd: {  	v5 =	vadd.f32 v5, v6;
	v6 =	vld [tilespmem:$0x1FB70]  }
0x2de: {  	v15 =	vld [tilespmem:s26+$0x7540]  }
0x2df: {  	v13 =	vld [tilespmem:s26+$0x7550]  }
0x2e0: {  	[tilespmem:s26+$0x950] =	vst v1;
	v1 =	vld [tilespmem:s26+$0xD60]  }
0x2e1: {  	[tilespmem:s26+$0xD30] =	vst v7;
	v7 =	vld [tilespmem:s26+$0x1140]  }
0x2e2: {  	v3 =	vadd.f32 v6, v3;
	v6 =	vld [tilespmem:$0x1FB90]  }
0x2e3: {  	[tilespmem:s26+$0xD40] =	vst v8;
	v8 =	vld [tilespmem:s26+$0x1150]  }
0x2e4: {  	v9 =	vld [tilespmem:$0x1FAF0]  }
0x2e5: {  	[tilespmem:s26+$0x1110] =	vst v4;
	v4 =	vld [tilespmem:$0x1FB80]  }
0x2e6: {  	[tilespmem:s26+$0x1120] =	vst v3;
	v3 =	vld [tilespmem:$0x1FBB0]  }
0x2e7: {  	v21 =	vadd.f32 v6, v5;
	v5 =	vld [tilespmem:$0x1FBA0]  }
0x2e8: {  	v2 =	vld [tilespmem:$0x1FB30]  }
0x2e9: {  	v50 =	vld [tilespmem:s26+$0x7560];
	v1 =	vadd.f32 v43, v1  }
0x2ea: {  	v14 =	vld [tilespmem:s26+$0x7570];
	v7 =	vadd.f32 v4, v7  }
0x2eb: {  	v22 =	vld [tilespmem:s26+$0x1160];
	v1 =	vadd.f32 v9, v1  }
0x2ec: {  	v6 =	vadd.f32 v5, v8;
	v8 =	vadd.f32 v3, v7;
	v3 =	vld [tilespmem:$0x1FBC0]  }
0x2ed: {  	[tilespmem:s26+$0xD60] =	vst v1;
	v1 =	vld [tilespmem:s26+$0x1170];
	v0 =	vadd.f32 v2, v0  }
0x2ee: {  	v2 =	vld [tilespmem:s26+$0x1500]  }
0x2ef: {  	[tilespmem:s26+$0x1100] =	vst v0;
	v0 =	vld [tilespmem:s26+$0x1510]  }
0x2f0: {  	v4 =	vld [tilespmem:s26+$0x1520]  }
0x2f1: {  	s28 =	simm.s32 $0x1;
	v5 =	vadd.f32 v3, v22;
	v3 =	vld [tilespmem:s26+$0x1530]  }
.LBB2_4:
0x2f2: {  	v7 =	vld [tilespmem:$0x1F9B0];
	_ =	sdelay $0x4  }
0x2f3: {  	v6 =	vadd.f32 v7, v6  }
0x2f4: {  	[tilespmem:s26+$0x1140] =	vst v8;
	v8 =	vld [tilespmem:$0x1F9C0]  }
0x2f5: {  	[tilespmem:s26+$0x1150] =	vst v6;
	v6 =	vld [tilespmem:$0x1F9D0];
	_ =	sdelay $0x2  }
0x2f6: {  	v1 =	vadd.f32 v20, v1  }
0x2f7: {  	v5 =	vadd.f32 v8, v5  }
0x2f8: {  	v1 =	vadd.f32 v6, v1  }
0x2f9: {  	[tilespmem:s26+$0x1160] =	vst v5;
	v5 =	vld [tilespmem:$0x1F9E0]  }
0x2fa: {  	[tilespmem:s26+$0x1170] =	vst v1;
	v1 =	vld [tilespmem:$0x1F9F0]  }
0x2fb: {  	v7 =	vld [tilespmem:s26+$0x1540]  }
0x2fc: {  	v2 =	vadd.f32 v19, v2;
	v8 =	vld [tilespmem:s26+$0x1550]  }
0x2fd: {  	s5 =	sshrl.u32 s28, $0x3;
	v0 =	vadd.f32 v18, v0;
	v6 =	vld [tilespmem:s26+$0x1560]  }
0x2fe: {  	s4 =	sadd.s32 $0x80, s4;
	s5 =	smul.u32 $0x1800, s5;
	v4 =	vadd.f32 v17, v4;
	v2 =	vadd.f32 v5, v2;
	v5 =	vld [tilespmem:s26+$0x1570]  }
0x2ff: {  	[tilespmem:s26+$0x1130] =	vst v21;
	s29 =	sand.u32 $0x380, s4;
	v0 =	vadd.f32 v1, v0;
	v1 =	vadd.f32 v16, v3;
	v3 =	vld [tilespmem:s26+$0xD560]  }
0x300: {  	s5 =	sor.u32 s29, s5;
	[tilespmem:s26+$0x1500] =	vst v2;
	v2 =	vadd.f32 v48, v4;
	v4 =	vadd.f32 v15, v7;
	v7 =	vld [tilespmem:s26+$0xD570]  }
0x301: {  	v53 =	vld [tilespmem:s5+$0xC100];
	[tilespmem:s26+$0x1510] =	vst v0;
	v0 =	vadd.f32 v46, v1;
	v1 =	vadd.f32 v13, v8  }
0x302: {  	v55 =	vld [tilespmem:s5+$0xC110];
	[tilespmem:s26+$0x1520] =	vst v2;
	v2 =	vadd.f32 v44, v4;
	v4 =	vadd.f32 v50, v6  }
0x303: {  	v56 =	vld [tilespmem:s5+$0xC120];
	[tilespmem:s26+$0x1530] =	vst v0;
	v0 =	vadd.f32 v42, v1;
	v1 =	vadd.f32 v14, v5  }
0x304: {  	v57 =	vld [tilespmem:s5+$0xC130];
	[tilespmem:s26+$0x1540] =	vst v2;
	v2 =	vadd.f32 v3, v4  }
0x305: {  	v54 =	vld [tilespmem:s5+$0xC140];
	[tilespmem:s26+$0x1550] =	vst v0;
	v0 =	vadd.f32 v7, v1  }
0x306: {  	v52 =	vld [tilespmem:s5+$0xC150];
	[tilespmem:s26+$0x1560] =	vst v2  }
0x307: {  	v51 =	vld [tilespmem:s5+$0xC160];
	[tilespmem:s26+$0x1570] =	vst v0;
	s26 =	smov.u32 s5  }
0x308: {  	v0 =	vld [tilespmem:s26+$0xC170];
	_ =	sdelay $0x4  }
0x309: {  	[tilespmem:$0x1F7D0] =	vst v0;
	v0 =	vld [tilespmem:s26+$0xC500];
	_ =	sdelay $0x4  }
0x30a: {  	[tilespmem:$0x1F7E0] =	vst v0;
	v0 =	vld [tilespmem:s26+$0xC510];
	_ =	sdelay $0x4  }
0x30b: {  	[tilespmem:$0x1F7F0] =	vst v0;
	v0 =	vld [tilespmem:s26+$0xC520];
	_ =	sdelay $0x4  }
0x30c: {  	[tilespmem:$0x1F800] =	vst v0;
	v0 =	vld [tilespmem:s26+$0xC530];
	_ =	sdelay $0x4  }
0x30d: {  	[tilespmem:$0x1F810] =	vst v0;
	v0 =	vld [tilespmem:s26+$0xC540];
	_ =	sdelay $0x4  }
0x30e: {  	[tilespmem:$0x1F820] =	vst v0;
	v0 =	vld [tilespmem:s26+$0xC550];
	_ =	sdelay $0x4  }
0x30f: {  	[tilespmem:$0x1F830] =	vst v0;
	v0 =	vld [tilespmem:s26+$0xC560];
	_ =	sdelay $0x3  }
0x310: {  	v49 =	vld [tilespmem:s26+$0xD520]  }
0x311: {  	[tilespmem:$0x1F840] =	vst v0;
	v0 =	vld [tilespmem:s26+$0xC570]  }
0x312: {  	v48 =	vld [tilespmem:s26+$0xD530]  }
0x313: {  	v47 =	vld [tilespmem:s26+$0xD540]  }
0x314: {  	v46 =	vld [tilespmem:s26+$0xD550]  }
0x315: {  	v36 =	vld [tilespmem:s26+$0x6100]  }
0x316: {  	[tilespmem:$0x1F850] =	vst v0;
	v0 =	vld [tilespmem:s26+$0xC900]  }
0x317: {  	v9 =	vld [tilespmem:s26+$0x6110]  }
0x318: {  	v37 =	vld [tilespmem:s26+$0x6120]  }
0x319: {  	v10 =	vld [tilespmem:s26+$0x6130]  }
0x31a: {  	v38 =	vld [tilespmem:s26+$0x6140]  }
0x31b: {  	[tilespmem:$0x1F860] =	vst v0;
	v0 =	vld [tilespmem:s26+$0xC910]  }
0x31c: {  	v11 =	vld [tilespmem:s26+$0x6150]  }
0x31d: {  	v39 =	vld [tilespmem:s26+$0x6160]  }
0x31e: {  	v12 =	vld [tilespmem:s26+$0x6170]  }
0x31f: {  	v40 =	vld [tilespmem:s26+$0x6500]  }
0x320: {  	[tilespmem:$0x1F870] =	vst v0;
	v0 =	vld [tilespmem:s26+$0xC920]  }
0x321: {  	v8 =	vld [tilespmem:s26+$0x6510]  }
0x322: {  	v35 =	vld [tilespmem:s26+$0x6520]  }
0x323: {  	v7 =	vld [tilespmem:s26+$0x6530]  }
0x324: {  	v34 =	vld [tilespmem:s26+$0x6540]  }
0x325: {  	[tilespmem:$0x1F880] =	vst v0;
	v0 =	vld [tilespmem:s26+$0xC930]  }
0x326: {  	v33 =	vld [tilespmem:s26+$0x6550]  }
0x327: {  	v41 =	vld [tilespmem:s26+$0x100]  }
0x328: {  	v42 =	vld [tilespmem:s26+$0x110]  }
0x329: {  	v44 =	vld [tilespmem:s26+$0x130]  }
0x32a: {  	[tilespmem:$0x1F890] =	vst v0;
	v0 =	vld [tilespmem:s26+$0xC940]  }
0x32b: {  	v6 =	vld [tilespmem:s26+$0x6560]  }
0x32c: {  	v5 =	vld [tilespmem:s26+$0x6570]  }
0x32d: {  	v36 =	vadd.f32 v36, v41;
	v41 =	vld [tilespmem:s26+$0x150];
	v9 =	vadd.f32 v9, v42  }
0x32e: {  	v43 =	vld [tilespmem:s26+$0x120]  }
0x32f: {  	v10 =	vadd.f32 v10, v44;
	v9 =	vadd.f32 v55, v9;
	[tilespmem:$0x1F8A0] =	vst v0;
	v0 =	vld [tilespmem:s26+$0xC950]  }
0x330: {  	v32 =	vld [tilespmem:s26+$0x6900]  }
0x331: {  	v4 =	vld [tilespmem:s26+$0x6910];
	[tilespmem:s26+$0x110] =	vst v9;
	v9 =	vadd.f32 v57, v10  }
0x332: {  	v31 =	vld [tilespmem:s26+$0x6920];
	v10 =	vadd.f32 v11, v41  }
0x333: {  	v37 =	vadd.f32 v37, v43;
	v43 =	vld [tilespmem:s26+$0x170];
	[tilespmem:s26+$0x130] =	vst v9  }
0x334: {  	v9 =	vadd.f32 v52, v10;
	[tilespmem:$0x1F8B0] =	vst v0;
	v0 =	vld [tilespmem:s26+$0xC960]  }
0x335: {  	v30 =	vld [tilespmem:s26+$0x6930]  }
0x336: {  	[tilespmem:s26+$0x150] =	vst v9;
	v9 =	vld [tilespmem:$0x1F7D0]  }
0x337: {  	v29 =	vld [tilespmem:s26+$0x6940]  }
0x338: {  	v28 =	vld [tilespmem:s26+$0x6950]  }
0x339: {  	v10 =	vadd.f32 v12, v43;
	[tilespmem:$0x1F8C0] =	vst v0;
	v0 =	vld [tilespmem:s26+$0xC970]  }
0x33a: {  	v27 =	vld [tilespmem:s26+$0x6960]  }
0x33b: {  	v45 =	vld [tilespmem:s26+$0x140];
	v9 =	vadd.f32 v9, v10  }
0x33c: {  	v36 =	vadd.f32 v53, v36;
	v53 =	vld [tilespmem:s26+$0x510]  }
0x33d: {  	[tilespmem:s26+$0x170] =	vst v9;
	v9 =	vld [tilespmem:$0x1F7F0]  }
0x33e: {  	[tilespmem:$0x1F8D0] =	vst v0;
	v0 =	vld [tilespmem:s26+$0xCD00]  }
0x33f: {  	v26 =	vld [tilespmem:s26+$0x6970]  }
0x340: {  	v25 =	vld [tilespmem:s26+$0x6D00]  }
0x341: {  	v24 =	vld [tilespmem:s26+$0x6D10];
	v8 =	vadd.f32 v8, v53  }
0x342: {  	v57 =	vld [tilespmem:s26+$0x530]  }
0x343: {  	v45 =	vadd.f32 v38, v45;
	v8 =	vadd.f32 v9, v8;
	[tilespmem:$0x1F8E0] =	vst v0;
	v0 =	vld [tilespmem:s26+$0xCD10]  }
0x344: {  	v23 =	vld [tilespmem:s26+$0x6D20]  }
0x345: {  	v55 =	vadd.f32 v54, v45;
	[tilespmem:s26+$0x510] =	vst v8;
	v8 =	vld [tilespmem:$0x1F810]  }
0x346: {  	v11 =	vld [tilespmem:s26+$0x520]  }
0x347: {  	[tilespmem:s26+$0x140] =	vst v55;
	v55 =	vld [tilespmem:$0x1F800]  }
0x348: {  	v7 =	vadd.f32 v7, v57;
	[tilespmem:$0x1F8F0] =	vst v0;
	v0 =	vld [tilespmem:s26+$0xCD20]  }
0x349: {  	v22 =	vld [tilespmem:s26+$0x6D30]  }
0x34a: {  	v12 =	vld [tilespmem:s26+$0x540];
	v7 =	vadd.f32 v8, v7  }
0x34b: {  	v52 =	vld [tilespmem:s26+$0x550];
	v11 =	vadd.f32 v35, v11  }
0x34c: {  	[tilespmem:s26+$0x530] =	vst v7;
	v7 =	vld [tilespmem:$0x1F830]  }
0x34d: {  	v11 =	vadd.f32 v55, v11;
	[tilespmem:$0x1F900] =	vst v0;
	v0 =	vld [tilespmem:s26+$0xCD30]  }
0x34e: {  	v21 =	vld [tilespmem:s26+$0x6D40]  }
0x34f: {  	[tilespmem:s26+$0x520] =	vst v11;
	v11 =	vld [tilespmem:$0x1F820]  }
0x350: {  	v42 =	vld [tilespmem:s26+$0x160];
	v8 =	vadd.f32 v33, v52  }
0x351: {  	v54 =	vld [tilespmem:s26+$0x570]  }
0x352: {  	v12 =	vadd.f32 v34, v12;
	v7 =	vadd.f32 v7, v8;
	[tilespmem:$0x1F910] =	vst v0;
	v0 =	vld [tilespmem:s26+$0xCD40]  }
0x353: {  	v3 =	vld [tilespmem:s26+$0x6D50];
	v56 =	vadd.f32 v56, v37  }
0x354: {  	v11 =	vadd.f32 v11, v12;
	[tilespmem:s26+$0x550] =	vst v7;
	v7 =	vld [tilespmem:$0x1F850]  }
0x355: {  	[tilespmem:s26+$0x120] =	vst v56;
	v10 =	vld [tilespmem:s26+$0x560]  }
0x356: {  	[tilespmem:s26+$0x540] =	vst v11;
	v11 =	vld [tilespmem:$0x1F840]  }
0x357: {  	v56 =	vadd.f32 v39, v42;
	v5 =	vadd.f32 v5, v54;
	[tilespmem:$0x1F920] =	vst v0;
	v0 =	vld [tilespmem:s26+$0xCD50]  }
0x358: {  	v1 =	vld [tilespmem:s26+$0x6D60]  }
0x359: {  	v42 =	vmovc v46;
	v46 =	vmovc v48;
	v48 =	vmov v49;
	v49 =	vadd.f32 v51, v56;
	v56 =	vld [tilespmem:s26+$0x910];
	v5 =	vadd.f32 v7, v5  }
0x35a: {  	v6 =	vadd.f32 v6, v10;
	v9 =	vld [tilespmem:s26+$0x900]  }
0x35b: {  	[tilespmem:s26+$0x570] =	vst v5;
	v5 =	vld [tilespmem:$0x1F870]  }
0x35c: {  	v6 =	vadd.f32 v11, v6;
	[tilespmem:$0x1F930] =	vst v0;
	v0 =	vld [tilespmem:s26+$0xCD60]  }
0x35d: {  	v2 =	vld [tilespmem:s26+$0x6D70]  }
0x35e: {  	[tilespmem:s26+$0x560] =	vst v6;
	v6 =	vld [tilespmem:$0x1F860]  }
0x35f: {  	v63 =	vld [tilespmem:s26+$0x7110];
	v4 =	vadd.f32 v4, v56  }
0x360: {  	v10 =	vld [tilespmem:s26+$0x930]  }
0x361: {  	v9 =	vadd.f32 v32, v9;
	v4 =	vadd.f32 v5, v4;
	[tilespmem:$0x1F940] =	vst v0;
	v0 =	vld [tilespmem:s26+$0xCD70]  }
0x362: {  	v62 =	vld [tilespmem:s26+$0x7120]  }
0x363: {  	v6 =	vadd.f32 v6, v9;
	[tilespmem:s26+$0x910] =	vst v4;
	v4 =	vld [tilespmem:$0x1F890]  }
0x364: {  	v57 =	vld [tilespmem:s26+$0x920]  }
0x365: {  	[tilespmem:s26+$0x900] =	vst v6;
	v6 =	vld [tilespmem:$0x1F880]  }
0x366: {  	v5 =	vadd.f32 v30, v10;
	[tilespmem:$0x1F950] =	vst v0;
	v0 =	vld [tilespmem:s26+$0xD100]  }
0x367: {  	v61 =	vld [tilespmem:s26+$0x7130]  }
0x368: {  	v8 =	vld [tilespmem:s26+$0x940];
	v4 =	vadd.f32 v4, v5  }
0x369: {  	v11 =	vld [tilespmem:s26+$0x950];
	v9 =	vadd.f32 v31, v57  }
0x36a: {  	[tilespmem:s26+$0x930] =	vst v4;
	v4 =	vld [tilespmem:$0x1F8B0]  }
0x36b: {  	v6 =	vadd.f32 v6, v9;
	[tilespmem:$0x1F960] =	vst v0;
	v0 =	vld [tilespmem:s26+$0xD110]  }
0x36c: {  	v60 =	vld [tilespmem:s26+$0x7140]  }
0x36d: {  	[tilespmem:s26+$0x920] =	vst v6;
	v6 =	vld [tilespmem:$0x1F8A0]  }
0x36e: {  	v59 =	vld [tilespmem:s26+$0x7150];
	v5 =	vadd.f32 v28, v11  }
0x36f: {  	v12 =	vld [tilespmem:s26+$0x970]  }
0x370: {  	v8 =	vadd.f32 v29, v8;
	v4 =	vadd.f32 v4, v5;
	[tilespmem:$0x1F970] =	vst v0;
	v0 =	vld [tilespmem:s26+$0xD120]  }
0x371: {  	v58 =	vld [tilespmem:s26+$0x7160]  }
0x372: {  	v6 =	vadd.f32 v6, v8;
	[tilespmem:s26+$0x950] =	vst v4;
	v4 =	vld [tilespmem:$0x1F8D0]  }
0x373: {  	v7 =	vld [tilespmem:s26+$0x960]  }
0x374: {  	[tilespmem:s26+$0x940] =	vst v6;
	v6 =	vld [tilespmem:$0x1F8C0]  }
0x375: {  	v5 =	vadd.f32 v26, v12;
	[tilespmem:$0x1F980] =	vst v0;
	v0 =	vld [tilespmem:s26+$0xD130]  }
0x376: {  	v20 =	vld [tilespmem:s26+$0x7170]  }
0x377: {  	v10 =	vld [tilespmem:s26+$0xD00];
	v4 =	vadd.f32 v4, v5  }
0x378: {  	v7 =	vadd.f32 v27, v7;
	v9 =	vld [tilespmem:s26+$0xD10]  }
0x379: {  	[tilespmem:s26+$0x970] =	vst v4;
	v4 =	vld [tilespmem:$0x1F8F0]  }
0x37a: {  	v6 =	vadd.f32 v6, v7;
	[tilespmem:$0x1F990] =	vst v0;
	v0 =	vld [tilespmem:s26+$0xD140]  }
0x37b: {  	v19 =	vld [tilespmem:s26+$0x7500]  }
0x37c: {  	[tilespmem:s26+$0x960] =	vst v6;
	v6 =	vld [tilespmem:$0x1F8E0]  }
0x37d: {  	v18 =	vld [tilespmem:s26+$0x7510];
	v5 =	vadd.f32 v24, v9  }
0x37e: {  	v8 =	vld [tilespmem:s26+$0xD30]  }
0x37f: {  	v7 =	vadd.f32 v25, v10;
	v4 =	vadd.f32 v4, v5;
	[tilespmem:$0x1F9A0] =	vst v0;
	v0 =	vld [tilespmem:s26+$0xD150]  }
0x380: {  	v17 =	vld [tilespmem:s26+$0x7520]  }
0x381: {  	v6 =	vadd.f32 v6, v7;
	[tilespmem:s26+$0xD10] =	vst v4;
	v4 =	vld [tilespmem:$0x1F910]  }
0x382: {  	v11 =	vld [tilespmem:s26+$0xD20]  }
0x383: {  	[tilespmem:s26+$0xD00] =	vst v6;
	v6 =	vld [tilespmem:$0x1F900]  }
0x384: {  	v5 =	vadd.f32 v22, v8;
	[tilespmem:$0x1F9B0] =	vst v0;
	v0 =	vld [tilespmem:s26+$0xD160]  }
0x385: {  	v16 =	vld [tilespmem:s26+$0x7530]  }
0x386: {  	v10 =	vld [tilespmem:s26+$0xD50];
	v4 =	vadd.f32 v4, v5  }
0x387: {  	v12 =	vld [tilespmem:s26+$0xD40];
	v7 =	vadd.f32 v23, v11  }
0x388: {  	[tilespmem:s26+$0xD30] =	vst v4;
	v4 =	vld [tilespmem:$0x1F930]  }
0x389: {  	v6 =	vadd.f32 v6, v7;
	[tilespmem:$0x1F9C0] =	vst v0;
	v0 =	vld [tilespmem:s26+$0xD170]  }
0x38a: {  	v15 =	vld [tilespmem:s26+$0x7540]  }
0x38b: {  	v3 =	vadd.f32 v3, v10;
	[tilespmem:s26+$0xD20] =	vst v6;
	v6 =	vld [tilespmem:$0x1F920]  }
0x38c: {  	v13 =	vld [tilespmem:s26+$0x7550]  }
0x38d: {  	v11 =	vld [tilespmem:s26+$0xD70];
	v3 =	vadd.f32 v4, v3  }
0x38e: {  	v7 =	vadd.f32 v21, v12;
	[tilespmem:$0x1F9D0] =	vst v0;
	v0 =	vld [tilespmem:s26+$0xD500]  }
0x38f: {  	[tilespmem:s26+$0xD50] =	vst v3;
	v3 =	vld [tilespmem:$0x1F950]  }
0x390: {  	v50 =	vld [tilespmem:s26+$0x7560];
	v6 =	vadd.f32 v6, v7  }
0x391: {  	v9 =	vld [tilespmem:s26+$0xD60]  }
0x392: {  	v2 =	vadd.f32 v2, v11;
	[tilespmem:s26+$0xD40] =	vst v6;
	v6 =	vld [tilespmem:$0x1F940]  }
0x393: {  	[tilespmem:$0x1F9E0] =	vst v0;
	v0 =	vld [tilespmem:s26+$0xD510]  }
0x394: {  	v12 =	vld [tilespmem:s26+$0x1110];
	v2 =	vadd.f32 v3, v2  }
0x395: {  	v14 =	vld [tilespmem:s26+$0x7570]  }
0x396: {  	v1 =	vadd.f32 v1, v9;
	[tilespmem:s26+$0xD70] =	vst v2;
	v2 =	vld [tilespmem:$0x1F970]  }
0x397: {  	v8 =	vld [tilespmem:s26+$0x1100]  }
0x398: {  	v1 =	vadd.f32 v6, v1;
	[tilespmem:$0x1F9F0] =	vst v0;
	v0 =	vld [tilespmem:s26+$0x7100]  }
0x399: {  	v44 =	vld [tilespmem:s26+$0x500];
	v3 =	vadd.f32 v63, v12  }
0x39a: {  	[tilespmem:s26+$0xD60] =	vst v1;
	v1 =	vld [tilespmem:$0x1F960]  }
0x39b: {  	v7 =	vld [tilespmem:s26+$0x1130];
	v3 =	vadd.f32 v2, v3  }
0x39c: {  	v53 =	vld [tilespmem:$0x1F7E0]  }
0x39d: {  	[tilespmem:s26+$0x1110] =	vst v3;
	v3 =	vld [tilespmem:$0x1F990];
	v0 =	vadd.f32 v0, v8  }
0x39e: {  	v9 =	vld [tilespmem:s26+$0x1160]  }
0x39f: {  	v5 =	vld [tilespmem:s26+$0x1120];
	v0 =	vadd.f32 v1, v0  }
0x3a0: {  	v4 =	vld [tilespmem:s26+$0x1140];
	v7 =	vadd.f32 v61, v7  }
0x3a1: {  	[tilespmem:s26+$0x1100] =	vst v0;
	v0 =	vld [tilespmem:$0x1F980]  }
0x3a2: {  	v21 =	vadd.f32 v3, v7;
	v3 =	vld [tilespmem:$0x1F9A0]  }
0x3a3: {  	p0 =	sne.s32 s28, $0x1F;
	v51 =	vadd.f32 v40, v44;
	v6 =	vld [tilespmem:s26+$0x1150]  }
.Ltmp1:
0x3a4: {  	v5 =	vadd.f32 v62, v5;
	v2 =	vld [tilespmem:s26+$0x1500];
	(pc) =	sbr.rel @p0 .LBB2_4-.Ltmp1, $4  }
0x3a5: {  	[tilespmem:s26+$0x100] =	vst v36;
	v36 =	vadd.f32 v53, v51;
	v8 =	vadd.f32 v60, v4;
	v4 =	vld [tilespmem:s26+$0x1520]  }
0x3a6: {  	[tilespmem:s26+$0x160] =	vst v49;
	v1 =	vld [tilespmem:s26+$0x1170];
	v5 =	vadd.f32 v0, v5  }
0x3a7: {  	[tilespmem:s26+$0x500] =	vst v36;
	v8 =	vadd.f32 v3, v8;
	v3 =	vld [tilespmem:s26+$0x1530]  }
0x3a8: {  	s28 =	sadd.s32 $0x1, s28;
	v44 =	vmov v47;
	v6 =	vadd.f32 v59, v6;
	v0 =	vld [tilespmem:s26+$0x1510];
	[tilespmem:s26+$0x1120] =	vst v5;
	v5 =	vadd.f32 v58, v9  }
0x3a9: {  	v9 =	vld [tilespmem:$0x1F9B0]  }
0x3aa: {  	v41 =	vld [tilespmem:$0x1F9C0]  }
0x3ab: {  	v45 =	vld [tilespmem:$0x1F9D0]  }
0x3ac: {  	v49 =	vld [tilespmem:$0x1F9E0]  }
0x3ad: {  	v7 =	vld [tilespmem:s26+$0x1540]  }
0x3ae: {  	[tilespmem:s26+$0x1130] =	vst v21;
	v53 =	vld [tilespmem:$0x1F9F0];
	v1 =	vadd.f32 v20, v1;
	v6 =	vadd.f32 v9, v6  }
0x3af: {  	[tilespmem:s26+$0x1140] =	vst v8;
	v40 =	vld [tilespmem:s26+$0x1550];
	v2 =	vadd.f32 v19, v2;
	v5 =	vadd.f32 v41, v5  }
0x3b0: {  	v43 =	vld [tilespmem:s26+$0x1560];
	v3 =	vadd.f32 v16, v3;
	v1 =	vadd.f32 v45, v1;
	[tilespmem:s26+$0x1150] =	vst v6  }
0x3b1: {  	v47 =	vld [tilespmem:s26+$0x1570];
	v0 =	vadd.f32 v18, v0;
	v2 =	vadd.f32 v49, v2;
	[tilespmem:s26+$0x1160] =	vst v5  }
0x3b2: {  	v52 =	vld [tilespmem:s26+$0xD560];
	v51 =	vadd.f32 v17, v4;
	v56 =	vadd.f32 v46, v3;
	[tilespmem:s26+$0x1170] =	vst v1  }
0x3b3: {  	v55 =	vld [tilespmem:s26+$0xD570];
	v54 =	vadd.f32 v15, v7;
	v0 =	vadd.f32 v53, v0;
	[tilespmem:s26+$0x1500] =	vst v2  }
0x3b4: {  	v57 =	vadd.f32 v13, v40;
	v1 =	vadd.f32 v48, v51;
	[tilespmem:s26+$0x1530] =	vst v56  }
0x3b5: {  	v59 =	vadd.f32 v50, v43;
	v58 =	vadd.f32 v44, v54;
	[tilespmem:s26+$0x1510] =	vst v0  }
0x3b6: {  	v61 =	vadd.f32 v14, v47;
	v60 =	vadd.f32 v42, v57;
	[tilespmem:s26+$0x1520] =	vst v1  }
0x3b7: {  	v62 =	vadd.f32 v52, v59;
	[tilespmem:s26+$0x1540] =	vst v58  }
0x3b8: {  	s25 =	sadd.s32 $0x1, s25;
	v63 =	vadd.f32 v55, v61;
	[tilespmem:s26+$0x1550] =	vst v60  }
0x3b9: {  	p0 =	sne.s32 s25, s12;
	[tilespmem:s26+$0x1560] =	vst v62  }
.Ltmp2:
0x3ba: {  	[tilespmem:s26+$0x1570] =	vst v63;
	(pc) =	sbr.rel @p0 .LBB2_1-.Ltmp2, $4  }
0x3bb: {  	[hbm4b:s11+s2] =	stream.linear.scatter [tilespmem:s15], [sflag:$0x4], $0x6000, $0x38;
	[tilespmem:$0x12100] =	vst v63  }
0x3bc: {  	_ =	swait.ge [sflag:s13], $0x6000  }
0x3bd: {  	[sflag:s13] =	ssyncset.done $0x0  }
0x3be: {  	[sflag:s13] =	ssyncadd.s32 $0xFFFFA000  }
0x3bf: {  	_ =	sfence.sel $0x180000  }
0x3c0: {  	[bflag:$0x0] =	sbarrier.arrive $0xFFFF  }
0x3c1: {  	_ =	strace $0x9000004A  }
0x3c2: {  	s0 =	stileid.u32;
	[bflag:$0x2] =	sbarrier.arrive $0xFFFF  }
0x3c3: {  	p0 =	sne.s32 s0, $0x0;
	s0 =	rddreg [dreg:$0x2]  }
0x3c4: {  	s0 =	sadd.s32 @!p0 $0x100000, s0  }
0x3c5: {  	[sflag:s0] =	ssyncadd.tile.s32 @!p0 $0x1;
	_ =	shalt  }
.Lfunc_end2:
_tile_overlayer_lowered:
.L_overlay_start_2:
0x3c6: {  	(tag) =	ssettag $0x2  }
0x3c7: {  	s0 =	rddreg [dreg:$0x0];
	s2 =	stileid.u32  }
0x3c8: {  	s1 =	rddreg [dreg:$0x1];
	p0 =	sne.s32 s2, $0x0  }
0x3c9: {  	s3 =	rddreg [dreg:$0x2];
	[bflag:$0x3] =	sbarrier.arrive $0xFFFF;
	s2 =	simm.s32 @!p0 $0x1C04  }
0x3ca: {  	[timem:s3], [sflag:s2] =	dma.local @!p0 [hbm:s0], s1  }
0x3cb: {  	s0 =	simm.s32 @!p0 $0x4  }
0x3cc: {  	_ =	swait.ge @!p0 [sflag:s0], s1  }
0x3cd: {  	s1 =	ssub.s32 @!p0 $0x0, s1;
	[sflag:s0] =	ssyncset.done @!p0 $0x0  }
0x3ce: {  	[sflag:s0] =	ssyncadd.s32 @!p0 s1  }
0x3cf: {  	[bflag:$0x3] =	sbarrier.arrive $0xFFFF  }
0x3d0: {  	_ =	shalt  }

// kernel: kernel.8.cloned.1.call-start
scs
__scs_entry_jumppad:
0x0: {  	(pc) =	sbr.rel $0x88, $3  }
0x1: {  	(tag) =	ssettag $0x0;
	lr =	simm.s32 $0x1  }
0x2: {  	[smem:$0x3F99] =	sst lr;
	_ =	strace $0xD0000000  }
0x3: {  	_ = 	snop  }
0x4: {  	_ = 	snop  }
0x5: {  	_ = 	snop  }
0x6: {  	_ = 	snop  }
0x7: {  	_ = 	snop  }
__scs_overlays_trampoline_lowered:
0x8: {  	[smem:$0x3FA8] =	sst s0  }
0x9: {  	[smem:$0x3FA9] =	sst s1  }
0xa: {  	[smem:$0x3FAA] =	sst s2  }
0xb: {  	[smem:$0x3FAB] =	sst s3  }
0xc: {  	[smem:$0x3FAC] =	sst s4  }
0xd: {  	[smem:$0x3FAD] =	sst s5  }
0xe: {  	[smem:$0x3FAE] =	sst s6  }
0xf: {  	[smem:$0x3FAF] =	sst s7  }
0x10: {  	[smem:$0x3FB0] =	sst s8  }
0x11: {  	[smem:$0x3FB1] =	sst s9;
	s0 =	simm.s32 @!p0 $0x0  }
0x12: {  	s1 =	sld [smem:$0x3F97];
	s0 =	simm.s32 @p0 $0x1  }
0x13: {  	[smem:$0x3FB2] =	sst s0;
	s0 =	simm.s32 @!p1 $0x0  }
0x14: {  	s2 =	sld [smem:$0x3F96];
	s0 =	simm.s32 @p1 $0x1  }
0x15: {  	[smem:$0x3FB3] =	sst s0;
	s0 =	simm.s32 @!p2 $0x0  }
0x16: {  	s3 =	sld [smem:$0x3FDB];
	s0 =	simm.s32 @p2 $0x1  }
0x17: {  	s4 =	simm.s32 $0x1BF5;
	[smem:$0x3FB5] =	sst s0  }
0x18: {  	s0 =	sld [smem:$0x3F98];
	_ =	swait.ge [sflag:s4], $0x0  }
0x19: {  	s7 =	sld [smem:$0x3F99]  }
0x1a: {  	s8 =	sadd.s32 $0xFFFFE003, lr  }
0x1b: {  	s9 =	sadd.s32 $0xFFFFFEF7, lr;
	s5 =	simm.s32 $0xFFFFFFFF;
	p2 =	slt.u32 s8, $0xFFFFF086  }
0x1c: {  	p1 =	slt.u32 s9, $0xF7A;
	s5 =	simm.s32 @!p2 $0x0  }
0x1d: {  	s5 =	simm.s32 @p1 $0x1;
	p0 =	seq.s32 s7, s2  }
0x1e: {  	s7 =	smul.u32 @!p0 $0xF7A, s2;
	p2 =	seq.s32 @!p0 s5, $0x0  }
0x1f: {  	s9 =	smul.u32 $0xF7A, s1;
	s8 =	simm.s32 @!p0 $0x1BF5;
	p2 =	por !p2, p0  }
0x20: {  	[sflag:s8] =	ssyncset.s32 @!p0 $0xFFFFF086;
	s6 =	sadd.s32 @!p0 s3, s7;
	s7 =	simm.s32 @!p0 $0x108  }
0x21: {  	s3 =	sadd.s32 s3, s9;
	s6 =	sadd.s32 @!p0 $0x88, s6;
	s7 =	simm.s32 @p2 $0x1082  }
0x22: {  	[simem:s7], [sflag:s8] =	dma.local @!p0 [hbm:s6], $0xF7A  }
0x23: {  	s9 =	sor.u32 $0xD0000000, s2;
	s6 =	simm.s32 $0x108;
	_ =	swait.ge @!p0 [sflag:s8], $0x0  }
0x24: {  	s3 =	sadd.s32 $0x88, s3;
	s6 =	simm.s32 @!p1 $0x1082;
	[sflag:s4] =	ssyncset.s32 $0xFFFFF086  }
0x25: {  	[simem:s6], [sflag:s4] =	dma.local [hbm:s3], $0xF7A  }
0x26: {  	[smem:$0x3F99] =	sst s1;
	(tag) =	ssettag s2;
	_ =	strace s9  }
0x27: {  	s1 =	sld [smem:$0x3FA9]  }
0x28: {  	s2 =	sld [smem:$0x3FAA]  }
0x29: {  	s4 =	sld [smem:$0x3FAC]  }
0x2a: {  	p0 =	seq.s32 s5, $0x0;
	s5 =	sld [smem:$0x3FAD]  }
0x2b: {  	s6 =	sld [smem:$0x3FAE]  }
0x2c: {  	s7 =	sld [smem:$0x3FAF]  }
0x2d: {  	s3 =	simm.s32 $0x108;
	s8 =	sld [smem:$0x3FB0]  }
0x2e: {  	s3 =	simm.s32 @!p0 $0x1082;
	s9 =	sld [smem:$0x3FB1]  }
0x2f: {  	lr =	sadd.s32 s0, s3;
	s0 =	sld [smem:$0x3FA8]  }
0x30: {  	s3 =	sld [smem:$0x3FAB]  }
0x31: {  	[smem:$0x3FB4] =	sst s10  }
0x32: {  	s10 =	sld [smem:$0x3FB2];
	_ =	sdelay $0x3  }
0x33: {  	p0 =	seq.s32 s10, $0x1;
	s10 =	sld [smem:$0x3FB4];
	_ =	sdelay $0x3  }
0x34: {  	[smem:$0x3FB4] =	sst s10  }
0x35: {  	s10 =	sld [smem:$0x3FB3];
	_ =	sdelay $0x3  }
0x36: {  	p1 =	seq.s32 s10, $0x1;
	s10 =	sld [smem:$0x3FB4];
	_ =	sdelay $0x3  }
0x37: {  	[smem:$0x3FB4] =	sst s10  }
0x38: {  	s10 =	sld [smem:$0x3FB5]  }
0x39: {  	_ = 	snop;
	(pc) =	sbr.ind lr, $3  }
0x3a: {  	_ = 	snop  }
0x3b: {  	_ = 	snop  }
0x3c: {  	p2 =	seq.s32 s10, $0x1;
	s10 =	sld [smem:$0x3FB4]  }
0x3d: {  	_ =	shalt  }
0x3e: {  	_ =	shalt  }
0x3f: {  	_ =	shalt  }
0x40: {  	_ =	shalt  }
0x41: {  	_ =	shalt  }
0x42: {  	_ =	shalt  }
0x43: {  	_ =	shalt  }
0x44: {  	_ =	shalt  }
0x45: {  	_ =	shalt  }
0x46: {  	_ =	shalt  }
0x47: {  	_ =	shalt  }
0x48: {  	_ =	shalt  }
0x49: {  	_ =	shalt  }
0x4a: {  	_ =	shalt  }
0x4b: {  	_ =	shalt  }
0x4c: {  	_ =	shalt  }
0x4d: {  	_ =	shalt  }
0x4e: {  	_ =	shalt  }
0x4f: {  	_ =	shalt  }
0x50: {  	_ =	shalt  }
0x51: {  	_ =	shalt  }
0x52: {  	_ =	shalt  }
0x53: {  	_ =	shalt  }
0x54: {  	_ =	shalt  }
0x55: {  	_ =	shalt  }
0x56: {  	_ =	shalt  }
0x57: {  	_ =	shalt  }
0x58: {  	_ =	shalt  }
0x59: {  	_ =	shalt  }
0x5a: {  	_ =	shalt  }
0x5b: {  	_ =	shalt  }
0x5c: {  	_ =	shalt  }
0x5d: {  	_ =	shalt  }
0x5e: {  	_ =	shalt  }
0x5f: {  	_ =	shalt  }
0x60: {  	_ =	shalt  }
0x61: {  	_ =	shalt  }
0x62: {  	_ =	shalt  }
0x63: {  	_ =	shalt  }
0x64: {  	_ =	shalt  }
0x65: {  	_ =	shalt  }
0x66: {  	_ =	shalt  }
0x67: {  	_ =	shalt  }
0x68: {  	_ =	shalt  }
0x69: {  	_ =	shalt  }
0x6a: {  	_ =	shalt  }
0x6b: {  	_ =	shalt  }
0x6c: {  	_ =	shalt  }
0x6d: {  	_ =	shalt  }
0x6e: {  	_ =	shalt  }
0x6f: {  	_ =	shalt  }
0x70: {  	_ =	shalt  }
0x71: {  	_ =	shalt  }
0x72: {  	_ =	shalt  }
0x73: {  	_ =	shalt  }
0x74: {  	_ =	shalt  }
0x75: {  	_ =	shalt  }
0x76: {  	_ =	shalt  }
0x77: {  	_ =	shalt  }
0x78: {  	_ =	shalt  }
0x79: {  	_ =	shalt  }
0x7a: {  	_ =	shalt  }
0x7b: {  	_ =	shalt  }
0x7c: {  	_ =	shalt  }
0x7d: {  	_ =	shalt  }
0x7e: {  	_ =	shalt  }
0x7f: {  	_ =	shalt  }
0x80: {  	_ =	shalt  }
0x81: {  	_ =	shalt  }
0x82: {  	_ =	shalt  }
0x83: {  	_ =	shalt  }
0x84: {  	_ =	shalt  }
0x85: {  	_ =	shalt  }
0x86: {  	_ =	shalt  }
0x87: {  	_ =	shalt  }
.Lfunc_end0:
.L_simem_size_0:
called_computation_lowered:
.L_overlay_start_0:
0x88: {  	s2 =	sld [smem:$0x3FD9]  }
0x89: {  	s3 =	sld [smem:$0x3FFE];
	_ =	sdelay $0x1  }
0x8a: {  	s1 =	srdreg.scid  }
0x8b: {  	s0 =	sand.u32 $0x1, s1  }
0x8c: {  	s17 =	sshll.u32 s0, $0xA;
	s2 =	sadd.s32 s3, s2  }
0x8d: {  	s2 =	sadd.s32 s2, s17  }
0x8e: {  	[smem:$0x3FC0] =	sst s2  }
0x8f: {  	_ = 	snop  }
0x90: {  	s2 =	sld [smem:$0x3FC9]  }
0x91: {  	s18 =	sld [smem:$0x3FD0];
	(tm) =	ssettm $0x1  }
0x92: {  	s4 =	sld [smem:$0x3FFB];
	_ =	sdelay $0x3  }
0x93: {  	_ =	strace s4  }
0x94: {  	s4 =	sld [smem:$0x3FFC];
	_ =	sdelay $0x3  }
0x95: {  	_ =	strace s4  }
0x96: {  	s4 =	sld [smem:$0x3FFD];
	_ =	sdelay $0x3  }
0x97: {  	_ =	strace s4  }
0x98: {  	_ =	strace $0x8FFFFFFF  }
0x99: {  	s19 =	sld [smem:$0x3FDB];
	_ =	sdelay $0x1  }
0x9a: {  	s5 =	simm.s32 $_scs_section_size  }
0x9b: {  	s6 =	simm.s32 $_size__tile_overlayer_lowered;
	s7 =	simm.s32 $_tile_overlayer_lowered  }
0x9c: {  	s22 =	simm.s32 $0x1BFF;
	s21 =	sshll.u32 s7, $0x1;
	s4 =	sadd.s32 s5, s19  }
0x9d: {  	s8 =	simm.s32 $0x0;
	s20 =	sshll.u32 s6, $0x1;
	s6 =	sadd.s32 s21, s4  }
0x9e: {  	[timem:s8], [sflag:s22] =	dma.local [hbm:s6], s20  }
0x9f: {  	_ =	swait.ge [sflag:s22], s20  }
0xa0: {  	s5 =	ssub.s32 $0x0, s20;
	[sflag:s22] =	ssyncset.done $0x0  }
0xa1: {  	[sflag:s22] =	ssyncadd.s32 s5;
	_ =	sdelay $0x1  }
0xa2: {  	s23 =	simm.s32 $0x1B8B  }
0xa3: {  	_ =	swait.ge [sflag:s23], $0x1  }
0xa4: {  	[sflag:s23] =	ssyncset.done $0x0  }
0xa5: {  	s25 =	simm.s32 $0x1B8E;
	s24 =	sld [smem:$0x3FFE];
	[sflag:s23] =	ssyncadd.s32 $0xFFFFFFFF  }
0xa6: {  	s26 =	simm.s32 $execute0_lowered;
	[smem:$0x3FD2] =	sst s25  }
0xa7: {  	s6 =	sshll.u32 s26, $0x1;
	_ =	strace $0x80000046;
	[dreg:$0x1] =	wrdreg $0xFFFFFFFF  }
0xa8: {  	s28 =	simm.s32 $_size_execute0_lowered;
	s4 =	sadd.s32 s4, s6;
	[dreg:$0x0] =	wrdreg $0x0  }
0xa9: {  	s6 =	sshll.u32 s28, $0x1;
	[dreg:$0x2] =	wrdreg s4  }
0xaa: {  	[dreg:$0x3] =	wrdreg s6  }
0xab: {  	[dreg:$0x4] =	wrdreg $0xC0  }
0xac: {  	_ =	task [dreg:s8], $0x5FFFF  }
0xad: {  	[dreg:$0x1] =	wrdreg $0xFFFFFFFF  }
0xae: {  	[dreg:$0x0] =	wrdreg $0x60  }
0xaf: {  	[dreg:$0x2] =	wrdreg s2  }
0xb0: {  	[dreg:$0x3] =	wrdreg s18  }
0xb1: {  	[dreg:$0x4] =	wrdreg s24  }
0xb2: {  	[dreg:$0x5] =	wrdreg $0x9  }
0xb3: {  	_ =	task.clear_ibuf [dreg:s8], $0x6FFFF;
	_ =	strace $0x90000046  }
0xb4: {  	s29 =	simm.s32 $0x9;
	_ =	strace $0x80000048  }
0xb5: {  	_ =	swait.ge [sflag:s29], $0x1  }
0xb6: {  	[sflag:s29] =	ssyncadd.s32 $0xFFFFFFFF  }
0xb7: {  	_ =	strace $0x90000048  }
0xb8: {  	_ =	sfence  }
0xb9: {  	s30 =	sld [smem:$0x0];
	_ =	sdelay $0x2  }
0xba: {  	s31 =	sshll.u32 s1, $0xD;
	s1 =	sshrl.u32 s1, $0x2  }
0xbb: {  	s3 =	sand.u32 $0x4000, s31;
	s1 =	sadd.s32 s1, s30  }
0xbc: {  	s0 =	sor.u32 s3, s0;
	s1 =	sshll.u32 s1, $0x11  }
0xbd: {  	s0 =	sor.u32 s1, s0  }
0xbe: {  	s0 =	sadd.s32 $0x8F2B, s0  }
0xbf: {  	[sflag:s0] =	ssyncadd.remote.s32 $0x1  }
0xc0: {  	_ =	sfence.sel $0xFFFF  }
0xc1: {  	[dreg:$0x0] =	wrdreg $0xFFFFFFFF;
	(pc) =	sbr.abs _section_cstart, $3  }
0xc2: {  	[dreg:$0x1] =	wrdreg $0xFFFFFFFF  }
0xc3: {  	_ =	task.clear_ibuf [dreg:s8], $0x2FFFF;
	_ =	strace $0x9FFFFFFF  }
0xc4: {  	(tm) =	ssettm $0x7FFFFFFF  }
0xc5: {  	_ =	shalt  }
tec
execute0_lowered:
.L_overlay_start_1:
0x0: {  	(tag) =	ssettag $0x1  }
0x1: {  	s0 =	rddreg [dreg:$0x0];
	s1 =	srdreg.scid  }
0x2: {  	s5 =	rddreg [dreg:$0x1];
	s10 =	stileid.u32  }
0x3: {  	s6 =	rddreg [dreg:$0x2];
	s2 =	simm.s32 $0x0;
	s13 =	simm.s32 $0x1  }
0x4: {  	s15 =	simm.s32 $0x2;
	s28 =	simm.s32 $0x2900;
	s29 =	simm.s32 $0x3100  }
0x5: {  	s30 =	simm.s32 $0x3900;
	s31 =	simm.s32 $0x4100;
	s12 =	simm.s32 $0x6900  }
0x6: {  	s16 =	simm.s32 $0x7100;
	s17 =	simm.s32 $0x7900;
	s18 =	simm.s32 $0x8100  }
0x7: {  	s19 =	simm.s32 $0x8900;
	s22 =	simm.s32 $0xA100;
	s23 =	simm.s32 $0xA900  }
0x8: {  	s14 =	simm.s32 $0xB100;
	s1 =	sand.u32 $0x1, s1;
	s3 =	sshll.u32 s10, $0x8  }
0x9: {  	[smem:$0x7FF] =	sst s2;
	s9 =	sshll.u32 s10, $0x7;
	s4 =	sadd.s32 $0x2A00, s6  }
0xa: {  	s10 =	sshll.u32 s10, $0x9;
	s7 =	sshll.u32 s1, $0x6;
	_ =	strace $0x80000047  }
0xb: {  	[dreg:$0x9] =	wrdreg s4;
	s1 =	ssub.s32 $0x2, s1;
	s3 =	sor.u32 s7, s3  }
0xc: {  	s9 =	sor.u32 s7, s9;
	s7 =	sor.u32 s7, s10;
	s24 =	sshrl.u32 s1, $0x1  }
0xd: {  	s10 =	simm.s32 $0x6100;
	s3 =	sshrl.u32 s3, $0x3;
	s9 =	sshrl.u32 s9, $0x3  }
0xe: {  	s7 =	sshrl.u32 s7, $0x3;
	s1 =	ssub.s32 s1, s24;
	s24 =	simm.s32 $0x1100  }
0xf: {  	s8 =	sadd.s32 s3, s6;
	s3 =	sadd.s32 $0x2E00, s6;
	s9 =	smul.u32 $0x300, s9  }
0x10: {  	s5 =	sadd.s32 s7, s5;
	s7 =	smax.u32 s1, $0x1;
	s11 =	sadd.s32 $0x2800, s8  }
0x11: {  	s8 =	sadd.s32 $0x2810, s8;
	s25 =	sadd.s32 $0x20, s5;
	[dreg:$0x4] =	wrdreg s11  }
0x12: {  	s26 =	sadd.s32 $0x30, s5;
	s5 =	sadd.s32 $0x2F00, s6;
	[dreg:$0x5] =	wrdreg s8  }
0x13: {  	v2 =	vlaneseq.u32;
	s6 =	sadd.s32 $0x3000, s6;
	s0 =	sadd.s32 s0, s9;
	[dreg:$0x7] =	wrdreg s25  }
0x14: {  	vm0 =	vmmov $0xffff;
	v1 =	vshrl.u32 v2, $0x3;
	[dreg:$0x8] =	wrdreg s26;
	s25 =	simm.s32 $0x1900;
	s26 =	simm.s32 $0x2100  }
0x15: {  	v0 =	vand.u32 $0x7, v2;
	v2 =	vor.u32 $0x8, v2;
	v1 =	vmul.u32 $0x8, v1;
	s9 =	simm.s32 $0x9100;
	s11 =	simm.s32 $0x9900;
	[dreg:$0x6] =	wrdreg s0  }
.LBB2_1:
0x16: {  	s20 =	rddreg [dreg:$0x4]  }
0x17: {  	[tilespmem:s2], [sflag:$0x1] =	stream.linear.gather [hbm4b:s20+s2], $0x40, $0x38;
	[tilespmem:$0xC200] =	vst v63  }
0x18: {  	s21 =	rddreg [dreg:$0x5];
	s0 =	simm.s32 $0x80  }
0x19: {  	[tilespmem:s0], [sflag:$0x2] =	stream.linear.gather [hbm4b:s21+s2], $0x40, $0x38;
	[tilespmem:$0xC200] =	vst v63  }
0x1a: {  	s8 =	rddreg [dreg:$0x6];
	s4 =	simm.s32 $0x100  }
0x1b: {  	[tilespmem:s4], [sflag:$0x3] =	stream.linear.gather [hbm4b:s8+s2], $0xC000, $0x38;
	[tilespmem:$0xC200] =	vst v63  }
0x1c: {  	s1 =	simm.s32 $0xC100;
	s0 =	rddreg [dreg:$0x7];
	s8 =	simm.s32 $0x4  }
0x1d: {  	[tilespmem:s1], [sflag:$0x4] =	stream.linear.gather [hbm4b:s0+s2], $0x40, $0x38;
	[tilespmem:$0xC200] =	vst v63  }
0x1e: {  	_ =	swait.ge [sflag:s8], $0x40  }
0x1f: {  	[sflag:s8] =	ssyncset.done $0x0  }
0x20: {  	s1 =	simm.s32 $0xC180;
	s21 =	rddreg [dreg:$0x8];
	[sflag:s8] =	ssyncadd.s32 $0xFFFFFFC0  }
0x21: {  	[tilespmem:s1], [sflag:$0x4] =	stream.linear.gather [hbm4b:s21+s2], $0x40, $0x38;
	[tilespmem:$0xC200] =	vst v63  }
0x22: {  	_ =	swait.ge [sflag:s8], $0x40  }
0x23: {  	[sflag:s8] =	ssyncset.done $0x0  }
0x24: {  	[sflag:s8] =	ssyncadd.s32 $0xFFFFFFC0  }
0x25: {  	_ =	swait.ge [sflag:s13], $0x40  }
0x26: {  	[sflag:s13] =	ssyncset.done $0x0  }
0x27: {  	[sflag:s13] =	ssyncadd.s32 $0xFFFFFFC0  }
0x28: {  	_ =	swait.ge [sflag:s15], $0x40  }
0x29: {  	[sflag:s15] =	ssyncset.done $0x0  }
0x2a: {  	s1 =	simm.s32 $0x3;
	[sflag:s15] =	ssyncadd.s32 $0xFFFFFFC0  }
0x2b: {  	_ =	swait.ge [sflag:s1], $0xC000  }
0x2c: {  	[sflag:s1] =	ssyncset.done $0x0  }
0x2d: {  	[sflag:s1] =	ssyncadd.s32 $0xFFFF4000  }
0x2e: {  	v3 =	vld [tilespmem:$0x0];
	_ =	sdelay $0x4  }
0x2f: {  	v4 =	vshrl.u32 v3, $0x3  }
0x30: {  	v4 =	vmul.u32 $0x30, v4  }
0x31: {  	v3 =	vand.u32 $0x7, v3  }
0x32: {  	v3 =	vor.u32 v3, v4  }
0x33: {  	v4 =	vperm.xlane v3, v0;
	_ =	sdelay $0x1  }
0x34: {  	v4 =	vadd.s32 v1, v4;
	_ =	sdelay $0x3  }
0x35: {  	v3 =	vperm.xlane v3, v2  }
0x36: {  	[hbm4b:s3+s2] =	stream.indirect_vreg.scatter [tilespmem:s4], [sflag:$0x1], $0x80, v4, vm0, $0xb8;
	[tilespmem:$0xC200] =	vst v63  }
0x37: {  	s20 =	simm.s32 $0x900;
	v3 =	vadd.s32 v1, v3  }
0x38: {  	[hbm4b:s5+s2] =	stream.indirect_vreg.scatter [tilespmem:s20], [sflag:$0x1], $0x80, v4, vm0, $0xb8;
	[tilespmem:$0xC200] =	vst v63  }
0x39: {  	_ = 	snop  }
0x3a: {  	[hbm4b:s6+s2] =	stream.indirect_vreg.scatter [tilespmem:s24], [sflag:$0x1], $0x80, v4, vm0, $0xb8;
	[tilespmem:$0xC200] =	vst v63  }
0x3b: {  	_ = 	snop  }
0x3c: {  	[hbm4b:s3+s2] =	stream.indirect_vreg.scatter [tilespmem:s25], [sflag:$0x1], $0x80, v3, vm0, $0xb8;
	[tilespmem:$0xC200] =	vst v63  }
0x3d: {  	_ = 	snop  }
0x3e: {  	[hbm4b:s5+s2] =	stream.indirect_vreg.scatter [tilespmem:s26], [sflag:$0x1], $0x80, v3, vm0, $0xb8;
	[tilespmem:$0xC200] =	vst v63  }
0x3f: {  	_ = 	snop  }
0x40: {  	[hbm4b:s6+s2] =	stream.indirect_vreg.scatter [tilespmem:s28], [sflag:$0x1], $0x80, v3, vm0, $0xb8;
	[tilespmem:$0xC200] =	vst v63  }
0x41: {  	v3 =	vld [tilespmem:$0x10];
	_ =	sdelay $0x4  }
0x42: {  	v57 =	vshrl.u32 v3, $0x3  }
0x43: {  	v4 =	vmul.u32 $0x30, v57  }
0x44: {  	v3 =	vand.u32 $0x7, v3  }
0x45: {  	v3 =	vor.u32 v3, v4  }
0x46: {  	v4 =	vperm.xlane v3, v0;
	_ =	sdelay $0x1  }
0x47: {  	v4 =	vadd.s32 v1, v4;
	_ =	sdelay $0x3  }
0x48: {  	v3 =	vperm.xlane v3, v2  }
0x49: {  	[hbm4b:s3+s2] =	stream.indirect_vreg.scatter [tilespmem:s29], [sflag:$0x1], $0x80, v4, vm0, $0xb8;
	[tilespmem:$0xC200] =	vst v63  }
0x4a: {  	v3 =	vadd.s32 v1, v3  }
0x4b: {  	[hbm4b:s5+s2] =	stream.indirect_vreg.scatter [tilespmem:s30], [sflag:$0x1], $0x80, v4, vm0, $0xb8;
	[tilespmem:$0xC200] =	vst v63  }
0x4c: {  	_ = 	snop  }
0x4d: {  	[hbm4b:s6+s2] =	stream.indirect_vreg.scatter [tilespmem:s31], [sflag:$0x1], $0x80, v4, vm0, $0xb8;
	[tilespmem:$0xC200] =	vst v63  }
0x4e: {  	s21 =	simm.s32 $0x4900  }
0x4f: {  	[hbm4b:s3+s2] =	stream.indirect_vreg.scatter [tilespmem:s21], [sflag:$0x1], $0x80, v3, vm0, $0xb8;
	[tilespmem:$0xC200] =	vst v63  }
0x50: {  	s8 =	simm.s32 $0x5100  }
0x51: {  	[hbm4b:s5+s2] =	stream.indirect_vreg.scatter [tilespmem:s8], [sflag:$0x1], $0x80, v3, vm0, $0xb8;
	[tilespmem:$0xC200] =	vst v63  }
0x52: {  	s8 =	simm.s32 $0x5900  }
0x53: {  	[hbm4b:s6+s2] =	stream.indirect_vreg.scatter [tilespmem:s8], [sflag:$0x1], $0x80, v3, vm0, $0xb8;
	[tilespmem:$0xC200] =	vst v63  }
0x54: {  	v3 =	vld [tilespmem:$0x20];
	_ =	sdelay $0x4  }
0x55: {  	v58 =	vshrl.u32 v3, $0x3  }
0x56: {  	v4 =	vmul.u32 $0x30, v58  }
0x57: {  	v3 =	vand.u32 $0x7, v3  }
0x58: {  	v3 =	vor.u32 v3, v4  }
0x59: {  	v4 =	vperm.xlane v3, v0;
	_ =	sdelay $0x1  }
0x5a: {  	v4 =	vadd.s32 v1, v4;
	_ =	sdelay $0x3  }
0x5b: {  	v3 =	vperm.xlane v3, v2  }
0x5c: {  	[hbm4b:s3+s2] =	stream.indirect_vreg.scatter [tilespmem:s10], [sflag:$0x1], $0x80, v4, vm0, $0xb8;
	[tilespmem:$0xC200] =	vst v63  }
0x5d: {  	v3 =	vadd.s32 v1, v3  }
0x5e: {  	[hbm4b:s5+s2] =	stream.indirect_vreg.scatter [tilespmem:s12], [sflag:$0x1], $0x80, v4, vm0, $0xb8;
	[tilespmem:$0xC200] =	vst v63  }
0x5f: {  	_ = 	snop  }
0x60: {  	[hbm4b:s6+s2] =	stream.indirect_vreg.scatter [tilespmem:s16], [sflag:$0x1], $0x80, v4, vm0, $0xb8;
	[tilespmem:$0xC200] =	vst v63  }
0x61: {  	_ = 	snop  }
0x62: {  	[hbm4b:s3+s2] =	stream.indirect_vreg.scatter [tilespmem:s17], [sflag:$0x1], $0x80, v3, vm0, $0xb8;
	[tilespmem:$0xC200] =	vst v63  }
0x63: {  	_ = 	snop  }
0x64: {  	[hbm4b:s5+s2] =	stream.indirect_vreg.scatter [tilespmem:s18], [sflag:$0x1], $0x80, v3, vm0, $0xb8;
	[tilespmem:$0xC200] =	vst v63  }
0x65: {  	_ = 	snop  }
0x66: {  	[hbm4b:s6+s2] =	stream.indirect_vreg.scatter [tilespmem:s19], [sflag:$0x1], $0x80, v3, vm0, $0xb8;
	[tilespmem:$0xC200] =	vst v63  }
0x67: {  	v3 =	vld [tilespmem:$0x30];
	_ =	sdelay $0x4  }
0x68: {  	v59 =	vshrl.u32 v3, $0x3  }
0x69: {  	v4 =	vmul.u32 $0x30, v59  }
0x6a: {  	v3 =	vand.u32 $0x7, v3  }
0x6b: {  	v3 =	vor.u32 v3, v4  }
0x6c: {  	v4 =	vperm.xlane v3, v0;
	_ =	sdelay $0x1  }
0x6d: {  	v4 =	vadd.s32 v1, v4;
	_ =	sdelay $0x3  }
0x6e: {  	v3 =	vperm.xlane v3, v2  }
0x6f: {  	[hbm4b:s3+s2] =	stream.indirect_vreg.scatter [tilespmem:s9], [sflag:$0x1], $0x80, v4, vm0, $0xb8;
	[tilespmem:$0xC200] =	vst v63  }
0x70: {  	v3 =	vadd.s32 v1, v3  }
0x71: {  	[hbm4b:s5+s2] =	stream.indirect_vreg.scatter [tilespmem:s11], [sflag:$0x1], $0x80, v4, vm0, $0xb8;
	[tilespmem:$0xC200] =	vst v63  }
0x72: {  	_ = 	snop  }
0x73: {  	[hbm4b:s6+s2] =	stream.indirect_vreg.scatter [tilespmem:s22], [sflag:$0x1], $0x80, v4, vm0, $0xb8;
	[tilespmem:$0xC200] =	vst v63  }
0x74: {  	_ = 	snop  }
0x75: {  	[hbm4b:s3+s2] =	stream.indirect_vreg.scatter [tilespmem:s23], [sflag:$0x1], $0x80, v3, vm0, $0xb8;
	[tilespmem:$0xC200] =	vst v63  }
0x76: {  	_ = 	snop  }
0x77: {  	[hbm4b:s5+s2] =	stream.indirect_vreg.scatter [tilespmem:s14], [sflag:$0x1], $0x80, v3, vm0, $0xb8;
	[tilespmem:$0xC200] =	vst v63  }
0x78: {  	s0 =	simm.s32 $0xB900  }
0x79: {  	[hbm4b:s6+s2] =	stream.indirect_vreg.scatter [tilespmem:s0], [sflag:$0x1], $0x80, v3, vm0, $0xb8;
	[tilespmem:$0xC200] =	vst v63  }
0x7a: {  	v3 =	vld [tilespmem:$0x80];
	_ =	sdelay $0x4  }
0x7b: {  	v60 =	vshrl.u32 v3, $0x3  }
0x7c: {  	v4 =	vmul.u32 $0x30, v60  }
0x7d: {  	v3 =	vand.u32 $0x7, v3  }
0x7e: {  	v3 =	vor.u32 v3, v4  }
0x7f: {  	v4 =	vperm.xlane v3, v0;
	_ =	sdelay $0x1  }
0x80: {  	v4 =	vadd.s32 v1, v4;
	_ =	sdelay $0x3  }
0x81: {  	v3 =	vperm.xlane v3, v2  }
0x82: {  	[hbm4b:s3+s2] =	stream.indirect_vreg.scatter [tilespmem:s4], [sflag:$0x2], $0x80, v4, vm0, $0xb8;
	[tilespmem:$0xC200] =	vst v63  }
0x83: {  	v3 =	vadd.s32 v1, v3  }
0x84: {  	[hbm4b:s5+s2] =	stream.indirect_vreg.scatter [tilespmem:s20], [sflag:$0x2], $0x80, v4, vm0, $0xb8;
	[tilespmem:$0xC200] =	vst v63  }
0x85: {  	_ = 	snop  }
0x86: {  	[hbm4b:s6+s2] =	stream.indirect_vreg.scatter [tilespmem:s24], [sflag:$0x2], $0x80, v4, vm0, $0xb8;
	[tilespmem:$0xC200] =	vst v63  }
0x87: {  	_ = 	snop  }
0x88: {  	[hbm4b:s3+s2] =	stream.indirect_vreg.scatter [tilespmem:s25], [sflag:$0x2], $0x80, v3, vm0, $0xb8;
	[tilespmem:$0xC200] =	vst v63  }
0x89: {  	_ = 	snop  }
0x8a: {  	[hbm4b:s5+s2] =	stream.indirect_vreg.scatter [tilespmem:s26], [sflag:$0x2], $0x80, v3, vm0, $0xb8;
	[tilespmem:$0xC200] =	vst v63  }
0x8b: {  	_ = 	snop  }
0x8c: {  	[hbm4b:s6+s2] =	stream.indirect_vreg.scatter [tilespmem:s28], [sflag:$0x2], $0x80, v3, vm0, $0xb8;
	[tilespmem:$0xC200] =	vst v63  }
0x8d: {  	v3 =	vld [tilespmem:$0x90];
	_ =	sdelay $0x4  }
0x8e: {  	v61 =	vshrl.u32 v3, $0x3  }
0x8f: {  	v4 =	vmul.u32 $0x30, v61  }
0x90: {  	v3 =	vand.u32 $0x7, v3  }
0x91: {  	v3 =	vor.u32 v3, v4  }
0x92: {  	v4 =	vperm.xlane v3, v0;
	_ =	sdelay $0x1  }
0x93: {  	v4 =	vadd.s32 v1, v4;
	_ =	sdelay $0x3  }
0x94: {  	v3 =	vperm.xlane v3, v2  }
0x95: {  	[hbm4b:s3+s2] =	stream.indirect_vreg.scatter [tilespmem:s29], [sflag:$0x2], $0x80, v4, vm0, $0xb8;
	[tilespmem:$0xC200] =	vst v63  }
0x96: {  	v3 =	vadd.s32 v1, v3  }
0x97: {  	[hbm4b:s5+s2] =	stream.indirect_vreg.scatter [tilespmem:s30], [sflag:$0x2], $0x80, v4, vm0, $0xb8;
	[tilespmem:$0xC200] =	vst v63  }
0x98: {  	_ = 	snop  }
0x99: {  	[hbm4b:s6+s2] =	stream.indirect_vreg.scatter [tilespmem:s31], [sflag:$0x2], $0x80, v4, vm0, $0xb8;
	[tilespmem:$0xC200] =	vst v63  }
0x9a: {  	_ = 	snop  }
0x9b: {  	[hbm4b:s3+s2] =	stream.indirect_vreg.scatter [tilespmem:s21], [sflag:$0x2], $0x80, v3, vm0, $0xb8;
	[tilespmem:$0xC200] =	vst v63  }
0x9c: {  	s20 =	simm.s32 $0x5100  }
0x9d: {  	[hbm4b:s5+s2] =	stream.indirect_vreg.scatter [tilespmem:s20], [sflag:$0x2], $0x80, v3, vm0, $0xb8;
	[tilespmem:$0xC200] =	vst v63  }
0x9e: {  	_ = 	snop  }
0x9f: {  	[hbm4b:s6+s2] =	stream.indirect_vreg.scatter [tilespmem:s8], [sflag:$0x2], $0x80, v3, vm0, $0xb8;
	[tilespmem:$0xC200] =	vst v63  }
0xa0: {  	v3 =	vld [tilespmem:$0xA0];
	_ =	sdelay $0x4  }
0xa1: {  	v62 =	vshrl.u32 v3, $0x3  }
0xa2: {  	v4 =	vmul.u32 $0x30, v62  }
0xa3: {  	v3 =	vand.u32 $0x7, v3  }
0xa4: {  	v3 =	vor.u32 v3, v4  }
0xa5: {  	v4 =	vperm.xlane v3, v0;
	_ =	sdelay $0x1  }
0xa6: {  	v4 =	vadd.s32 v1, v4;
	_ =	sdelay $0x3  }
0xa7: {  	v3 =	vperm.xlane v3, v2  }
0xa8: {  	[hbm4b:s3+s2] =	stream.indirect_vreg.scatter [tilespmem:s10], [sflag:$0x2], $0x80, v4, vm0, $0xb8;
	[tilespmem:$0xC200] =	vst v63  }
0xa9: {  	v3 =	vadd.s32 v1, v3  }
0xaa: {  	[hbm4b:s5+s2] =	stream.indirect_vreg.scatter [tilespmem:s12], [sflag:$0x2], $0x80, v4, vm0, $0xb8;
	[tilespmem:$0xC200] =	vst v63  }
0xab: {  	_ = 	snop  }
0xac: {  	[hbm4b:s6+s2] =	stream.indirect_vreg.scatter [tilespmem:s16], [sflag:$0x2], $0x80, v4, vm0, $0xb8;
	[tilespmem:$0xC200] =	vst v63  }
0xad: {  	_ = 	snop  }
0xae: {  	[hbm4b:s3+s2] =	stream.indirect_vreg.scatter [tilespmem:s17], [sflag:$0x2], $0x80, v3, vm0, $0xb8;
	[tilespmem:$0xC200] =	vst v63  }
0xaf: {  	_ = 	snop  }
0xb0: {  	[hbm4b:s5+s2] =	stream.indirect_vreg.scatter [tilespmem:s18], [sflag:$0x2], $0x80, v3, vm0, $0xb8;
	[tilespmem:$0xC200] =	vst v63  }
0xb1: {  	_ = 	snop  }
0xb2: {  	[hbm4b:s6+s2] =	stream.indirect_vreg.scatter [tilespmem:s19], [sflag:$0x2], $0x80, v3, vm0, $0xb8;
	[tilespmem:$0xC200] =	vst v63  }
0xb3: {  	v3 =	vld [tilespmem:$0xB0];
	_ =	sdelay $0x4  }
0xb4: {  	v63 =	vshrl.u32 v3, $0x3  }
0xb5: {  	v4 =	vmul.u32 $0x30, v63  }
0xb6: {  	v3 =	vand.u32 $0x7, v3  }
0xb7: {  	v3 =	vor.u32 v3, v4  }
0xb8: {  	v4 =	vperm.xlane v3, v0;
	_ =	sdelay $0x1  }
0xb9: {  	v4 =	vadd.s32 v1, v4;
	_ =	sdelay $0x3  }
0xba: {  	v3 =	vperm.xlane v3, v2  }
0xbb: {  	[hbm4b:s3+s2] =	stream.indirect_vreg.scatter [tilespmem:s9], [sflag:$0x2], $0x80, v4, vm0, $0xb8;
	[tilespmem:$0xC200] =	vst v63  }
0xbc: {  	v3 =	vadd.s32 v1, v3  }
0xbd: {  	[hbm4b:s5+s2] =	stream.indirect_vreg.scatter [tilespmem:s11], [sflag:$0x2], $0x80, v4, vm0, $0xb8;
	[tilespmem:$0xC200] =	vst v63  }
0xbe: {  	_ = 	snop  }
0xbf: {  	[hbm4b:s6+s2] =	stream.indirect_vreg.scatter [tilespmem:s22], [sflag:$0x2], $0x80, v4, vm0, $0xb8;
	[tilespmem:$0xC200] =	vst v63  }
0xc0: {  	_ = 	snop  }
0xc1: {  	[hbm4b:s3+s2] =	stream.indirect_vreg.scatter [tilespmem:s23], [sflag:$0x2], $0x80, v3, vm0, $0xb8;
	[tilespmem:$0xC200] =	vst v63  }
0xc2: {  	_ = 	snop  }
0xc3: {  	[hbm4b:s5+s2] =	stream.indirect_vreg.scatter [tilespmem:s14], [sflag:$0x2], $0x80, v3, vm0, $0xb8;
	[tilespmem:$0xC200] =	vst v63  }
0xc4: {  	s0 =	simm.s32 $0xB900  }
0xc5: {  	[hbm4b:s6+s2] =	stream.indirect_vreg.scatter [tilespmem:s0], [sflag:$0x2], $0x80, v3, vm0, $0xb8;
	[tilespmem:$0xC200] =	vst v63  }
0xc6: {  	s4 =	simm.s32 $0x40;
	s21 =	simm.s32 $0xC100;
	s0 =	rddreg [dreg:$0x9]  }
0xc7: {  	[hbm4b:s0+s4] =	stream.indirect.scatter [tilespmem:s21], [sflag:$0x3], $0x1, s2, s4, $0xb8;
	[tilespmem:$0xC200] =	vst v63  }
0xc8: {  	_ =	swait.ge [sflag:s13], $0xC000  }
0xc9: {  	[sflag:s13] =	ssyncset.done $0x0  }
0xca: {  	[sflag:s13] =	ssyncadd.s32 $0xFFFF4000  }
0xcb: {  	_ =	swait.ge [sflag:s15], $0xC000  }
0xcc: {  	[sflag:s15] =	ssyncset.done $0x0  }
0xcd: {  	[sflag:s15] =	ssyncadd.s32 $0xFFFF4000  }
0xce: {  	_ =	swait.ge [sflag:s1], $0x40  }
0xcf: {  	p0 =	sne.s32 s7, $0x1;
	s20 =	simm.s32 $0x80;
	[sflag:s1] =	ssyncset.done $0x0  }
.Ltmp0:
0xd0: {  	s21 =	simm.s32 $0xC180;
	[sflag:s1] =	ssyncadd.s32 $0xFFFFFFC0;
	(pc) =	sbr.rel @p0 .LBB2_1-.Ltmp0, $4  }
0xd1: {  	[hbm4b:s0+s4] =	stream.indirect.scatter [tilespmem:s21], [sflag:$0x1], $0x1, s20, s4, $0xb8;
	[tilespmem:$0xC200] =	vst v63  }
0xd2: {  	_ =	swait.ge [sflag:s13], $0x40  }
0xd3: {  	[sflag:s13] =	ssyncset.done $0x0  }
0xd4: {  	s7 =	sadd.s32 $0xFFFFFFFF, s7;
	[sflag:s13] =	ssyncadd.s32 $0xFFFFFFC0  }
0xd5: {  	_ =	sfence.sel $0x180000  }
0xd6: {  	[bflag:$0x0] =	sbarrier.arrive $0xFFFF  }
0xd7: {  	_ =	strace $0x90000047  }
0xd8: {  	s0 =	stileid.u32;
	[bflag:$0x2] =	sbarrier.arrive $0xFFFF  }
0xd9: {  	p0 =	sne.s32 s0, $0x0;
	s0 =	rddreg [dreg:$0x3]  }
0xda: {  	s0 =	sadd.s32 @!p0 $0x100000, s0  }
0xdb: {  	[sflag:s0] =	ssyncadd.tile.s32 @!p0 $0x1;
	_ =	shalt  }
.Lfunc_end2:
_tile_overlayer_lowered:
.L_overlay_start_2:
0xdc: {  	(tag) =	ssettag $0x2  }
0xdd: {  	s0 =	rddreg [dreg:$0x0];
	s2 =	stileid.u32  }
0xde: {  	s1 =	rddreg [dreg:$0x1];
	p0 =	sne.s32 s2, $0x0  }
0xdf: {  	s3 =	rddreg [dreg:$0x2];
	[bflag:$0x3] =	sbarrier.arrive $0xFFFF;
	s2 =	simm.s32 @!p0 $0x1C04  }
0xe0: {  	[timem:s3], [sflag:s2] =	dma.local @!p0 [hbm:s0], s1  }
0xe1: {  	s0 =	simm.s32 @!p0 $0x4  }
0xe2: {  	_ =	swait.ge @!p0 [sflag:s0], s1  }
0xe3: {  	s1 =	ssub.s32 @!p0 $0x0, s1;
	[sflag:s0] =	ssyncset.done @!p0 $0x0  }
0xe4: {  	[sflag:s0] =	ssyncadd.s32 @!p0 s1  }
0xe5: {  	[bflag:$0x3] =	sbarrier.arrive $0xFFFF  }
0xe6: {  	_ =	shalt  }

</sc_bundles>
